<compile_context>
chip_gen: v7x
topology: tpu7x:2x2x1
jax: 0.10.2.dev20260603
libtpu: 0.0.44.dev20260713+nightly
codegen_flags: <defaults>
</compile_context>

<pallas_src>
import functools

import jax
import jax.numpy as jnp
import numpy as np
from jax import lax
from jax.experimental import pallas as pl
from jax.experimental.pallas import tpu as pltpu
from jax.experimental.pallas import tpu_sc as plsc

_N_PATCH = 256
_GNN_DIM = 32
_GNN_HID = 128
_NODES = 4096
_N_GRAPH = 32
_OUT_PAD16 = 16
_OUT_PAD8 = 8

_K_SC = 2
_ROWS_SC = _K_SC * _NODES
_N_SUBCORES = 32
_RPS = _ROWS_SC // _N_SUBCORES
_N_TCQ = 4

_BLK = 256
_HALO = 64
_LOAD = _BLK + 2 * _HALO

_C3 = np.float32(1.0 / np.sqrt(3.0))
_C4 = np.float32(1.0 / np.sqrt(4.0))
_C5 = np.float32(1.0 / np.sqrt(5.0))



def _mlp_body(x_ref, w1_ref, b1_ref, w2_ref, b2_ref, o_ref):
    x = x_ref[...]
    h = jnp.dot(x, w1_ref[...], preferred_element_type=jnp.float32) + b1_ref[...]
    h = jnp.maximum(h, 0.0) + jnp.log1p(jnp.exp(-jnp.abs(h)))
    o_ref[...] = jnp.dot(h, w2_ref[...], preferred_element_type=jnp.float32) + b2_ref[...]


def _mm_body(x_ref, w_ref, o_ref):
    o_ref[...] = jnp.dot(x_ref[...], w_ref[...], preferred_element_type=jnp.float32)


def _relu_mm_body(x_ref, b_ref, w_ref, o_ref):
    x = jnp.maximum(x_ref[...] + b_ref[...], 0.0)
    o_ref[...] = jnp.dot(x, w_ref[...], preferred_element_type=jnp.float32)


def _tc_matmul(x, w, body, extra=None):
    rows, _ = x.shape
    cols = w.shape[1]
    args = [x] + ([] if extra is None else [extra]) + [w]
    in_specs = [pl.BlockSpec((rows, x.shape[1]), lambda: (0, 0))]
    if extra is not None:
        in_specs.append(pl.BlockSpec((1, extra.shape[1]), lambda: (0, 0)))
    in_specs.append(pl.BlockSpec(w.shape, lambda: (0, 0)))
    return pl.pallas_call(
        body,
        in_specs=in_specs,
        out_specs=pl.BlockSpec((rows, cols), lambda: (0, 0)),
        out_shape=jax.ShapeDtypeStruct((rows, cols), jnp.float32),
    )(*args)


def _gnn_body(node_ref, w0_ref, b0_ref, w1_ref, b1_ref, w2_ref, b2_ref,
              w3_ref, b3_ref, o_ref, pad_ref):
    v = lax.broadcasted_iota(jnp.int32, (_NODES, 1), 0)
    yy = v % 64
    xx = v // 64
    deg = (1
           + (yy > 0).astype(jnp.float32) + (yy < 63).astype(jnp.float32)
           + (xx > 0).astype(jnp.float32) + (xx < 63).astype(jnp.float32))
    dinv = lax.rsqrt(deg)
    m_up1 = (yy < 63).astype(jnp.float32)
    m_dn1 = (yy > 0).astype(jnp.float32)

    pad_ref[0:64] = jnp.zeros((64, _GNN_HID), jnp.float32)
    pad_ref[_NODES + 64:_NODES + 128] = jnp.zeros((64, _GNN_HID), jnp.float32)

    def agg(h):
        f = h.shape[1]
        g = h * dinv
        pad_ref[64:_NODES + 64, :f] = g
        s = g + pad_ref[128:_NODES + 128, :f] + pad_ref[0:_NODES, :f]
        s = (s + pad_ref[65:_NODES + 65, :f] * m_up1
               + pad_ref[63:_NODES + 63, :f] * m_dn1)
        return s * dinv

    x = node_ref[0]
    x = jnp.maximum(agg(jnp.dot(x, w0_ref[...], preferred_element_type=jnp.float32)) + b0_ref[...], 0.0)
    x = jnp.maximum(agg(jnp.dot(x, w1_ref[...], preferred_element_type=jnp.float32)) + b1_ref[...], 0.0)
    x = jnp.maximum(agg(jnp.dot(x, w2_ref[...], preferred_element_type=jnp.float32)) + b2_ref[...], 0.0)
    x = agg(jnp.dot(x, w3_ref[...], preferred_element_type=jnp.float32)) + b3_ref[...]
    o_ref[0] = x


def _tc_gnn(node_slice, W0, b0, W1, b1, W2, b2, w3p, b3p):
    n_g = node_slice.shape[0]
    return pl.pallas_call(
        _gnn_body,
        grid=(n_g,),
        in_specs=[
            pl.BlockSpec((1, _NODES, _GNN_DIM), lambda g: (g, 0, 0)),
            pl.BlockSpec((_GNN_DIM, _GNN_HID), lambda g: (0, 0)),
            pl.BlockSpec((1, _GNN_HID), lambda g: (0, 0)),
            pl.BlockSpec((_GNN_HID, _GNN_HID), lambda g: (0, 0)),
            pl.BlockSpec((1, _GNN_HID), lambda g: (0, 0)),
            pl.BlockSpec((_GNN_HID, _GNN_HID), lambda g: (0, 0)),
            pl.BlockSpec((1, _GNN_HID), lambda g: (0, 0)),
            pl.BlockSpec((_GNN_HID, _OUT_PAD8), lambda g: (0, 0)),
            pl.BlockSpec((1, _OUT_PAD8), lambda g: (0, 0)),
        ],
        out_specs=pl.BlockSpec((1, _NODES, _OUT_PAD8), lambda g: (g, 0, 0)),
        out_shape=jax.ShapeDtypeStruct((n_g, _NODES, _OUT_PAD8), jnp.float32),
        scratch_shapes=[pltpu.VMEM((_NODES + 128, _GNN_HID), jnp.float32)],
    )(node_slice, W0, b0.reshape(1, -1), W1, b1.reshape(1, -1),
      W2, b2.reshape(1, -1), w3p, b3p)



def _dinv_of(x, y):
    deg = (1 + (y > 0).astype(jnp.int32) + (y < 63).astype(jnp.int32)
           + (x > 0).astype(jnp.int32) + (x < 63).astype(jnp.int32))
    return jnp.where(deg == 5, _C5, jnp.where(deg == 4, _C4, _C3))


def _make_sc_agg(F, with_bias):
    info = plsc.get_sparse_core_info()
    mesh = plsc.VectorSubcoreMesh(
        core_axis_name="c", subcore_axis_name="s",
        num_cores=info.num_cores, num_subcores=info.num_subcores)
    nlg = F // 16

    scratch = [
        pltpu.VMEM((_LOAD, F), jnp.float32),
        pltpu.VMEM((_BLK, F), jnp.float32),
    ]
    if with_bias:
        scratch.append(pltpu.VMEM((F,), jnp.float32))

    @functools.partial(
        pl.kernel,
        out_type=jax.ShapeDtypeStruct((_ROWS_SC, F), jnp.float32),
        mesh=mesh,
        scratch_types=scratch,
    )
    def sc_agg(*refs):
        if with_bias:
            h_hbm, b_hbm, out_hbm, in_v, out_v, b_v = refs
            pltpu.sync_copy(b_hbm, b_v)
        else:
            h_hbm, out_hbm, in_v, out_v = refs
        g = lax.axis_index("s") * info.num_cores + lax.axis_index("c")
        in_off = (g % (_NODES // _RPS)) * _RPS

        def chunk_body(c, _):
            r0 = pl.multiple_of(g * _RPS + c * _BLK, _BLK)
            start = pl.multiple_of(
                jnp.clip(r0 - _HALO, 0, _ROWS_SC - _LOAD), _HALO)
            coff = r0 - start
            pltpu.sync_copy(h_hbm.at[pl.ds(start, _LOAD)], in_v)

            def row_body(i, _):
                rr = in_off + c * _BLK + i
                x = rr // 64
                y = rr % 64
                di = _dinv_of(x, y)
                cs = di * di
                m_xm, m_xp = x > 0, x < 63
                m_ym, m_yp = y > 0, y < 63
                c_xm = jnp.where(m_xm, di * _dinv_of(x - 1, y), 0.0)
                c_xp = jnp.where(m_xp, di * _dinv_of(x + 1, y), 0.0)
                c_ym = jnp.where(m_ym, di * _dinv_of(x, y - 1), 0.0)
                c_yp = jnp.where(m_yp, di * _dinv_of(x, y + 1), 0.0)
                o_xm = jnp.where(m_xm, -64, 0)
                o_xp = jnp.where(m_xp, 64, 0)
                o_ym = jnp.where(m_ym, -1, 0)
                o_yp = jnp.where(m_yp, 1, 0)
                rl = coff + i
                for j in range(nlg):
                    sl = pl.ds(j * 16, 16)
                    acc = cs * in_v[rl, sl]
                    acc = acc + c_xm * in_v[rl + o_xm, sl]
                    acc = acc + c_xp * in_v[rl + o_xp, sl]
                    acc = acc + c_ym * in_v[rl + o_ym, sl]
                    acc = acc + c_yp * in_v[rl + o_yp, sl]
                    if with_bias:
                        acc = acc + b_v[pl.ds(j * 16, 16)]
                    out_v[i, sl] = acc
                return 0

            lax.fori_loop(0, _BLK, row_body, 0)
            pltpu.sync_copy(out_v, out_hbm.at[pl.ds(r0, _BLK)])
            return 0

        lax.fori_loop(0, _RPS // _BLK, chunk_body, 0)

    return sc_agg



@jax.jit
def _run(patch_vectors, mlp_W1, mlp_b1, mlp_W2, mlp_b2,
         W0, b0, W1, b1, W2, b2, W3, b3):
    bs, tot, in_dim = patch_vectors.shape
    rows = bs * tot
    B = rows // _N_PATCH
    x = patch_vectors.reshape(rows, in_dim)

    op = np.arange(512)
    _perm = (op % 32) * 16 + (op // 128) * 4 + (op // 32) % 4
    mlp_W2 = mlp_W2[:, _perm]
    mlp_b2 = mlp_b2[_perm]

    mlp_out = pl.pallas_call(
        _mlp_body,
        grid=(8,),
        in_specs=[
            pl.BlockSpec((rows // 8, in_dim), lambda i: (i, 0)),
            pl.BlockSpec(mlp_W1.shape, lambda i: (0, 0)),
            pl.BlockSpec((1, mlp_b1.size), lambda i: (0, 0)),
            pl.BlockSpec(mlp_W2.shape, lambda i: (0, 0)),
            pl.BlockSpec((1, mlp_b2.size), lambda i: (0, 0)),
        ],
        out_specs=pl.BlockSpec((rows // 8, mlp_b2.size), lambda i: (i, 0)),
        out_shape=jax.ShapeDtypeStruct((rows, mlp_b2.size), jnp.float32),
    )(x, mlp_W1, mlp_b1.reshape(1, -1), mlp_W2, mlp_b2.reshape(1, -1))

    m = mlp_out.reshape(B, 16, 16, 4, 4, _GNN_DIM)
    node = m.transpose(0, 1, 3, 2, 4, 5).reshape(B, _NODES, _GNN_DIM)

    node_sc = node[:_K_SC].reshape(_ROWS_SC, _GNN_DIM)
    node_tc = node[_K_SC:]
    n_tc = _N_GRAPH - _K_SC

    w3p16 = jnp.zeros((_GNN_HID, _OUT_PAD16), jnp.float32).at[:, :3].set(W3)
    b3p16 = jnp.zeros((_OUT_PAD16,), jnp.float32).at[:3].set(b3)
    w3p8 = jnp.zeros((_GNN_HID, _OUT_PAD8), jnp.float32).at[:, :3].set(W3)
    b3p8 = jnp.zeros((1, _OUT_PAD8), jnp.float32).at[0, :3].set(b3)

    agg128 = _make_sc_agg(_GNN_HID, with_bias=False)
    agg16b = _make_sc_agg(_OUT_PAD16, with_bias=True)

    h0 = _tc_matmul(node_sc, W0, _mm_body)
    a0 = agg128(h0)
    out_tc1 = _tc_gnn(node_tc[:n_tc // 2], W0, b0, W1, b1, W2, b2, w3p8, b3p8)
    h1 = _tc_matmul(a0, W1, _relu_mm_body, extra=b0.reshape(1, -1))
    a1 = agg128(h1)
    out_tc2 = _tc_gnn(node_tc[n_tc // 2:], W0, b0, W1, b1, W2, b2, w3p8, b3p8)
    h2 = _tc_matmul(a1, W2, _relu_mm_body, extra=b1.reshape(1, -1))
    a2 = agg128(h2)
    h3 = _tc_matmul(a2, w3p16, _relu_mm_body, extra=b2.reshape(1, -1))
    a3 = agg16b(h3, b3p16)

    out_sc = a3.reshape(_K_SC, _NODES, _OUT_PAD16)[:, :, :3]
    out = jnp.concatenate(
        [out_sc, out_tc1[:, :, :3], out_tc2[:, :, :3]], axis=0)

    seq = B // bs
    return out.reshape(bs, seq, 64, 64, 3)


def kernel(patch_vectors, mlp_W1, mlp_b1, mlp_W2, mlp_b2,
           W0, b0, W1, b1, W2, b2, W3, b3, edge_index):
    del edge_index
    return _run(patch_vectors, mlp_W1, mlp_b1, mlp_W2, mlp_b2,
                W0, b0, W1, b1, W2, b2, W3, b3)

# --- scband reference (transcript-rebuilt; emitter-appended) ---
"""Pipeline reference for scband-mlpgnndecoder-88201448391208 (READ-ONLY COPY).

The authoritative reference and input builder live on the scoring server;
editing this copy changes nothing except your own understanding.
"""

import jax, jax.numpy as jnp
import numpy as np

BS = 4
SEQ = 8
N_PATCH = 256
IN_DIM = 256
MLP_HID = 512
GNN_DIM = 32
GNN_HID = 128
OUT_DIM = 3
KH, KW = 4, 4
NBH, NBW = 16, 16
NPX, NPY = 64, 64
MLP_OUT = KH * KW * GNN_DIM
NODES_PER_GRAPH = NPX * NPY
N_GRAPHS = BS * SEQ


def make_edge_idx(n, m):
    edges = []
    for j in range(m):
        for i in range(n - 1):
            idx = j * n + i
            edges.append([idx, idx + 1])
            edges.append([idx + 1, idx])
    for i in range(n):
        for j in range(m - 1):
            idx = j * n + i
            edges.append([idx, idx + n])
            edges.append([idx + n, idx])
    return np.asarray(edges, dtype=np.int64).T


def setup_inputs(seed: int = 0):
    key = jax.random.key(seed)
    ks = jax.random.split(key, 16)
    inp = {}
    inp["patch_vectors"] = jax.random.normal(ks[0], (BS, SEQ * N_PATCH, IN_DIM), dtype=jnp.float32)
    inp["mlp_W1"] = jax.random.normal(ks[1], (IN_DIM, MLP_HID), dtype=jnp.float32) * 0.05
    inp["mlp_b1"] = jnp.zeros((MLP_HID,), dtype=jnp.float32)
    inp["mlp_W2"] = jax.random.normal(ks[2], (MLP_HID, MLP_OUT), dtype=jnp.float32) * 0.05
    inp["mlp_b2"] = jnp.zeros((MLP_OUT,), dtype=jnp.float32)
    inp["W0"] = jax.random.normal(ks[3], (GNN_DIM, GNN_HID), dtype=jnp.float32) * 0.05
    inp["b0"] = jnp.zeros((GNN_HID,), dtype=jnp.float32)
    inp["W1"] = jax.random.normal(ks[4], (GNN_HID, GNN_HID), dtype=jnp.float32) * 0.05
    inp["b1"] = jnp.zeros((GNN_HID,), dtype=jnp.float32)
    inp["W2"] = jax.random.normal(ks[5], (GNN_HID, GNN_HID), dtype=jnp.float32) * 0.05
    inp["b2"] = jnp.zeros((GNN_HID,), dtype=jnp.float32)
    inp["W3"] = jax.random.normal(ks[6], (GNN_HID, OUT_DIM), dtype=jnp.float32) * 0.05
    inp["b3"] = jnp.zeros((OUT_DIM,), dtype=jnp.float32)
    mesh = make_edge_idx(NPY, NPX)
    offs = np.arange(N_GRAPHS, dtype=np.int64) * NODES_PER_GRAPH
    ei = np.concatenate([mesh + o for o in offs], axis=1)
    inp["edge_index"] = jnp.asarray(ei)
    return inp


def gcn_conv(x, src, dst, norm, W, b, n):
    h = x @ W
    msg = h[src] * norm[:, None]
    out = jax.ops.segment_sum(msg, dst, num_segments=n)
    return out + b


def reference(patch_vectors, mlp_W1, mlp_b1, mlp_W2, mlp_b2, W0, b0, W1, b1, W2, b2, W3, b3, edge_index):
    bs, tot, _ = patch_vectors.shape
    seq_len = tot // N_PATCH
    # input MLP (2 layers, softplus hidden activation)
    h = jax.nn.softplus(patch_vectors @ mlp_W1 + mlp_b1)
    h = h @ mlp_W2 + mlp_b2
    B = bs * seq_len
    h = h.reshape(B, N_PATCH, MLP_OUT).transpose(0, 2, 1)
    # F.fold with non-overlapping kernel == block reassembly
    h = h.reshape(B, GNN_DIM, KH, KW, NBH, NBW)
    h = h.transpose(0, 1, 4, 2, 5, 3).reshape(B, GNN_DIM, NPX, NPY)
    node = h.transpose(0, 2, 3, 1).reshape(B * NODES_PER_GRAPH, GNN_DIM)
    n = B * NODES_PER_GRAPH
    loop = jnp.arange(n, dtype=edge_index.dtype)
    src = jnp.concatenate([edge_index[0], loop])
    dst = jnp.concatenate([edge_index[1], loop])
    deg = jax.ops.segment_sum(jnp.ones_like(dst, dtype=jnp.float32), dst, num_segments=n)
    dinv = jnp.where(deg > 0, jax.lax.rsqrt(deg), 0.0)
    norm = dinv[src] * dinv[dst]
    x = jax.nn.relu(gcn_conv(node, src, dst, norm, W0, b0, n))
    x = jax.nn.relu(gcn_conv(x, src, dst, norm, W1, b1, n))
    x = jax.nn.relu(gcn_conv(x, src, dst, norm, W2, b2, n))
    x = gcn_conv(x, src, dst, norm, W3, b3, n)
    return x.reshape(bs, seq_len, NPX, NPY, OUT_DIM)

if __name__ == "__main__":
    import jax
    _d = setup_inputs()
    print(jax.jit(kernel)(*tuple(_d.values())))

</pallas_src>

<mosaic_0001>
#map = affine_map<(d0, d1) -> (0, 0)>
module attributes {stable_mosaic.version = 14 : i64} {
  func.func @sc_agg(%arg0: i32, %arg1: i32, %arg2: memref<8192x128xf32, #tpu.memory_space<hbm>>, %arg3: memref<8192x128xf32, #tpu.memory_space<hbm>>, %arg4: memref<384x128xf32, #tpu.memory_space<vmem>>, %arg5: memref<256x128xf32, #tpu.memory_space<vmem>>) attributes {dimension_semantics = [#tpu.dimension_semantics<core_parallel>, #tpu.dimension_semantics<subcore_parallel>], iteration_bounds = array<i64: 2, 16>, scalar_prefetch = 0 : i64, scratch_operands = 2 : i64, tpu.core_type = #tpu.core_type<sc_vector_subcore>, window_params = [{transform_indices = #map}, {transform_indices = #map}]} {
    %mul3A = arith.constant 2 : i32
    %mul3A_0 = arith.muli %arg1, %mul3A : i32
    %add3A = arith.addi %mul3A_0, %arg0 : i32
    %jit3A = arith.constant 16 : i32
    %eq3A = arith.constant 0 : i32
    %eq3A_1 = arith.cmpi eq, %jit3A, %eq3A : i32
    %jit3A_2 = arith.constant 1 : i32
    %select_n3A = arith.select %eq3A_1, %jit3A_2, %jit3A : i32
    %rem3A = arith.remsi %add3A, %select_n3A : i32
    %ne3A = arith.constant 0 : i32
    %ne3A_3 = arith.cmpi ne, %rem3A, %ne3A : i32
    %lt3A = arith.constant 0 : i32
    %lt3A_4 = arith.cmpi slt, %rem3A, %lt3A : i32
    %lt3A_5 = arith.constant 0 : i32
    %lt3A_6 = arith.cmpi slt, %select_n3A, %lt3A_5 : i32
    %ne3A_7 = arith.xori %lt3A_4, %lt3A_6 : i1
    %and3A = arith.andi %ne3A_7, %ne3A_3 : i1
    %add3A_8 = arith.addi %rem3A, %select_n3A : i32
    %select_n3A_9 = arith.select %and3A, %add3A_8, %rem3A : i32
    %mul3A_10 = arith.constant 256 : i32
    %mul3A_11 = arith.muli %select_n3A_9, %mul3A_10 : i32
    %scan3A = arith.constant 0 : i32
    %scan3A_12 = arith.constant 0 : i32
    %mul3A_13 = arith.constant 256 : i32
    %mul3A_14 = arith.muli %add3A, %mul3A_13 : i32
    %mul3A_15 = arith.constant 256 : i32
    %mul3A_16 = arith.muli %scan3A_12, %mul3A_15 : i32
    %add3A_17 = arith.addi %mul3A_14, %mul3A_16 : i32
    %multiple_of3A = tpu.assume_multiple %add3A_17, 256 : i32
    %sub3A = arith.constant 64 : i32
    %sub3A_18 = arith.subi %multiple_of3A, %sub3A : i32
    %jit3A_19 = arith.constant 0 : i32
    %jit3A_20 = arith.constant 7808 : i32
    %max3A = arith.maxsi %jit3A_19, %sub3A_18 : i32
    %min3A = arith.minsi %jit3A_20, %max3A : i32
    %multiple_of3A_21 = tpu.assume_multiple %min3A, 64 : i32
    %sub3A_22 = arith.subi %multiple_of3A, %multiple_of3A_21 : i32
    "tpu.region"() ({
      %run_scoped3A = tpu.sem_alloc : memref<!tpu.dma_semaphore, #tpu.memory_space<semaphore_mem>>
      %dma_start3A = arith.constant 0 : i32
      %dma_start3A_32 = tpu.memref_slice %arg2[%multiple_of3A_21, %dma_start3A] : memref<8192x128xf32, #tpu.memory_space<hbm>> -> memref<384x128xf32, #tpu.memory_space<hbm>>
      %dma_start3A_33 = arith.constant 0 : i32
      %dma_start3A_34 = tpu.memref_slice %arg2[%multiple_of3A_21, %dma_start3A_33] : memref<8192x128xf32, #tpu.memory_space<hbm>> -> memref<384x128xf32, #tpu.memory_space<hbm>>
      tpu.enqueue_dma source(%dma_start3A_34 : memref<384x128xf32, #tpu.memory_space<hbm>>) target(%arg4 : memref<384x128xf32, #tpu.memory_space<vmem>>) target_semaphore(%run_scoped3A : memref<!tpu.dma_semaphore, #tpu.memory_space<semaphore_mem>>)
      %dma_wait3A = arith.constant 0 : i32
      %dma_wait3A_35 = tpu.memref_slice %arg2[%multiple_of3A_21, %dma_wait3A] : memref<8192x128xf32, #tpu.memory_space<hbm>> -> memref<384x128xf32, #tpu.memory_space<hbm>>
      %dma_wait3A_36 = arith.constant 0 : i32
      %dma_wait3A_37 = tpu.memref_slice %arg2[%multiple_of3A_21, %dma_wait3A_36] : memref<8192x128xf32, #tpu.memory_space<hbm>> -> memref<384x128xf32, #tpu.memory_space<hbm>>
      tpu.wait_dma2 semaphore(%run_scoped3A : memref<!tpu.dma_semaphore, #tpu.memory_space<semaphore_mem>>) src(%dma_wait3A_37 : memref<384x128xf32, #tpu.memory_space<hbm>>) dst(%arg4 : memref<384x128xf32, #tpu.memory_space<vmem>>)
      tpu.yield
    }) : () -> ()
    %scan3A_23 = arith.constant 0 : i32
    %scan3A_24 = arith.constant 0 : i32
    %scan3A_25 = arith.constant 256 : i32
    %scan3A_26 = arith.addi %scan3A_24, %scan3A_25 : i32
    %scan3A_27 = arith.constant 1 : i32
    %scan3A_28 = scf.for %scan3A_32 = %scan3A_24 to %scan3A_26 step %scan3A_27 iter_args(%scan3A_33 = %scan3A_23) -> (i32)  : i32 {
      %mul3A_34 = arith.constant 256 : i32
      %mul3A_35 = arith.muli %scan3A_12, %mul3A_34 : i32
      %add3A_36 = arith.addi %mul3A_11, %mul3A_35 : i32
      %add3A_37 = arith.addi %add3A_36, %scan3A_32 : i32
      %jit3A_38 = arith.constant 64 : i32
      %div3A = arith.divsi %add3A_37, %jit3A_38 : i32
      %sign3A = arith.constant 0 : i32
      %sign3A_39 = arith.cmpi sgt, %add3A_37, %sign3A : i32
      %sign3A_40 = arith.extui %sign3A_39 : i1 to i32
      %sign3A_41 = arith.constant 0 : i32
      %sign3A_42 = arith.cmpi slt, %add3A_37, %sign3A_41 : i32
      %sign3A_43 = arith.extui %sign3A_42 : i1 to i32
      %sign3A_44 = arith.subi %sign3A_40, %sign3A_43 : i32
      %sign3A_45 = arith.constant 0 : i32
      %sign3A_46 = arith.cmpi sgt, %jit3A_38, %sign3A_45 : i32
      %sign3A_47 = arith.extui %sign3A_46 : i1 to i32
      %sign3A_48 = arith.constant 0 : i32
      %sign3A_49 = arith.cmpi slt, %jit3A_38, %sign3A_48 : i32
      %sign3A_50 = arith.extui %sign3A_49 : i1 to i32
      %sign3A_51 = arith.subi %sign3A_47, %sign3A_50 : i32
      %ne3A_52 = arith.cmpi ne, %sign3A_44, %sign3A_51 : i32
      %rem3A_53 = arith.remsi %add3A_37, %jit3A_38 : i32
      %ne3A_54 = arith.constant 0 : i32
      %ne3A_55 = arith.cmpi ne, %rem3A_53, %ne3A_54 : i32
      %and3A_56 = arith.andi %ne3A_52, %ne3A_55 : i1
      %sub3A_57 = arith.constant 1 : i32
      %sub3A_58 = arith.subi %div3A, %sub3A_57 : i32
      %select_n3A_59 = arith.select %and3A_56, %sub3A_58, %div3A : i32
      %jit3A_60 = arith.constant 64 : i32
      %eq3A_61 = arith.constant 0 : i32
      %eq3A_62 = arith.cmpi eq, %jit3A_60, %eq3A_61 : i32
      %jit3A_63 = arith.constant 1 : i32
      %select_n3A_64 = arith.select %eq3A_62, %jit3A_63, %jit3A_60 : i32
      %rem3A_65 = arith.remsi %add3A_37, %select_n3A_64 : i32
      %ne3A_66 = arith.constant 0 : i32
      %ne3A_67 = arith.cmpi ne, %rem3A_65, %ne3A_66 : i32
      %lt3A_68 = arith.constant 0 : i32
      %lt3A_69 = arith.cmpi slt, %rem3A_65, %lt3A_68 : i32
      %lt3A_70 = arith.constant 0 : i32
      %lt3A_71 = arith.cmpi slt, %select_n3A_64, %lt3A_70 : i32
      %ne3A_72 = arith.xori %lt3A_69, %lt3A_71 : i1
      %and3A_73 = arith.andi %ne3A_72, %ne3A_67 : i1
      %add3A_74 = arith.addi %rem3A_65, %select_n3A_64 : i32
      %select_n3A_75 = arith.select %and3A_73, %add3A_74, %rem3A_65 : i32
      %gt3A = arith.constant 0 : i32
      %gt3A_76 = arith.cmpi sgt, %select_n3A_75, %gt3A : i32
      %convert_element_type3A = arith.extui %gt3A_76 : i1 to i32
      %add3A_77 = arith.constant 1 : i32
      %add3A_78 = arith.addi %add3A_77, %convert_element_type3A : i32
      %lt3A_79 = arith.constant 63 : i32
      %lt3A_80 = arith.cmpi slt, %select_n3A_75, %lt3A_79 : i32
      %convert_element_type3A_81 = arith.extui %lt3A_80 : i1 to i32
      %add3A_82 = arith.addi %add3A_78, %convert_element_type3A_81 : i32
      %gt3A_83 = arith.constant 0 : i32
      %gt3A_84 = arith.cmpi sgt, %select_n3A_59, %gt3A_83 : i32
      %convert_element_type3A_85 = arith.extui %gt3A_84 : i1 to i32
      %add3A_86 = arith.addi %add3A_82, %convert_element_type3A_85 : i32
      %lt3A_87 = arith.constant 63 : i32
      %lt3A_88 = arith.cmpi slt, %select_n3A_59, %lt3A_87 : i32
      %convert_element_type3A_89 = arith.extui %lt3A_88 : i1 to i32
      %add3A_90 = arith.addi %add3A_86, %convert_element_type3A_89 : i32
      %eq3A_91 = arith.constant 5 : i32
      %eq3A_92 = arith.cmpi eq, %add3A_90, %eq3A_91 : i32
      %eq3A_93 = arith.constant 4 : i32
      %eq3A_94 = arith.cmpi eq, %add3A_90, %eq3A_93 : i32
      %jit3A_95 = arith.constant 5.000000e-01 : f32
      %jit3A_96 = arith.constant 0.577350259 : f32
      %select_n3A_97 = arith.select %eq3A_94, %jit3A_95, %jit3A_96 : f32
      %jit3A_98 = arith.constant 0.44721359 : f32
      %select_n3A_99 = arith.select %eq3A_92, %jit3A_98, %select_n3A_97 : f32
      %mul3A_100 = arith.mulf %select_n3A_99, %select_n3A_99 : f32
      %gt3A_101 = arith.constant 0 : i32
      %gt3A_102 = arith.cmpi sgt, %select_n3A_59, %gt3A_101 : i32
      %lt3A_103 = arith.constant 63 : i32
      %lt3A_104 = arith.cmpi slt, %select_n3A_59, %lt3A_103 : i32
      %gt3A_105 = arith.constant 0 : i32
      %gt3A_106 = arith.cmpi sgt, %select_n3A_75, %gt3A_105 : i32
      %lt3A_107 = arith.constant 63 : i32
      %lt3A_108 = arith.cmpi slt, %select_n3A_75, %lt3A_107 : i32
      %sub3A_109 = arith.constant 1 : i32
      %sub3A_110 = arith.subi %select_n3A_59, %sub3A_109 : i32
      %gt3A_111 = arith.constant 0 : i32
      %gt3A_112 = arith.cmpi sgt, %select_n3A_75, %gt3A_111 : i32
      %convert_element_type3A_113 = arith.extui %gt3A_112 : i1 to i32
      %add3A_114 = arith.constant 1 : i32
      %add3A_115 = arith.addi %add3A_114, %convert_element_type3A_113 : i32
      %lt3A_116 = arith.constant 63 : i32
      %lt3A_117 = arith.cmpi slt, %select_n3A_75, %lt3A_116 : i32
      %convert_element_type3A_118 = arith.extui %lt3A_117 : i1 to i32
      %add3A_119 = arith.addi %add3A_115, %convert_element_type3A_118 : i32
      %gt3A_120 = arith.constant 0 : i32
      %gt3A_121 = arith.cmpi sgt, %sub3A_110, %gt3A_120 : i32
      %convert_element_type3A_122 = arith.extui %gt3A_121 : i1 to i32
      %add3A_123 = arith.addi %add3A_119, %convert_element_type3A_122 : i32
      %lt3A_124 = arith.constant 63 : i32
      %lt3A_125 = arith.cmpi slt, %sub3A_110, %lt3A_124 : i32
      %convert_element_type3A_126 = arith.extui %lt3A_125 : i1 to i32
      %add3A_127 = arith.addi %add3A_123, %convert_element_type3A_126 : i32
      %eq3A_128 = arith.constant 5 : i32
      %eq3A_129 = arith.cmpi eq, %add3A_127, %eq3A_128 : i32
      %eq3A_130 = arith.constant 4 : i32
      %eq3A_131 = arith.cmpi eq, %add3A_127, %eq3A_130 : i32
      %jit3A_132 = arith.constant 5.000000e-01 : f32
      %jit3A_133 = arith.constant 0.577350259 : f32
      %select_n3A_134 = arith.select %eq3A_131, %jit3A_132, %jit3A_133 : f32
      %jit3A_135 = arith.constant 0.44721359 : f32
      %select_n3A_136 = arith.select %eq3A_129, %jit3A_135, %select_n3A_134 : f32
      %mul3A_137 = arith.mulf %select_n3A_99, %select_n3A_136 : f32
      %jit3A_138 = arith.constant 0.000000e+00 : f32
      %select_n3A_139 = arith.select %gt3A_102, %mul3A_137, %jit3A_138 : f32
      %add3A_140 = arith.constant 1 : i32
      %add3A_141 = arith.addi %select_n3A_59, %add3A_140 : i32
      %gt3A_142 = arith.constant 0 : i32
      %gt3A_143 = arith.cmpi sgt, %select_n3A_75, %gt3A_142 : i32
      %convert_element_type3A_144 = arith.extui %gt3A_143 : i1 to i32
      %add3A_145 = arith.constant 1 : i32
      %add3A_146 = arith.addi %add3A_145, %convert_element_type3A_144 : i32
      %lt3A_147 = arith.constant 63 : i32
      %lt3A_148 = arith.cmpi slt, %select_n3A_75, %lt3A_147 : i32
      %convert_element_type3A_149 = arith.extui %lt3A_148 : i1 to i32
      %add3A_150 = arith.addi %add3A_146, %convert_element_type3A_149 : i32
      %gt3A_151 = arith.constant 0 : i32
      %gt3A_152 = arith.cmpi sgt, %add3A_141, %gt3A_151 : i32
      %convert_element_type3A_153 = arith.extui %gt3A_152 : i1 to i32
      %add3A_154 = arith.addi %add3A_150, %convert_element_type3A_153 : i32
      %lt3A_155 = arith.constant 63 : i32
      %lt3A_156 = arith.cmpi slt, %add3A_141, %lt3A_155 : i32
      %convert_element_type3A_157 = arith.extui %lt3A_156 : i1 to i32
      %add3A_158 = arith.addi %add3A_154, %convert_element_type3A_157 : i32
      %eq3A_159 = arith.constant 5 : i32
      %eq3A_160 = arith.cmpi eq, %add3A_158, %eq3A_159 : i32
      %eq3A_161 = arith.constant 4 : i32
      %eq3A_162 = arith.cmpi eq, %add3A_158, %eq3A_161 : i32
      %jit3A_163 = arith.constant 5.000000e-01 : f32
      %jit3A_164 = arith.constant 0.577350259 : f32
      %select_n3A_165 = arith.select %eq3A_162, %jit3A_163, %jit3A_164 : f32
      %jit3A_166 = arith.constant 0.44721359 : f32
      %select_n3A_167 = arith.select %eq3A_160, %jit3A_166, %select_n3A_165 : f32
      %mul3A_168 = arith.mulf %select_n3A_99, %select_n3A_167 : f32
      %jit3A_169 = arith.constant 0.000000e+00 : f32
      %select_n3A_170 = arith.select %lt3A_104, %mul3A_168, %jit3A_169 : f32
      %sub3A_171 = arith.constant 1 : i32
      %sub3A_172 = arith.subi %select_n3A_75, %sub3A_171 : i32
      %gt3A_173 = arith.constant 0 : i32
      %gt3A_174 = arith.cmpi sgt, %sub3A_172, %gt3A_173 : i32
      %convert_element_type3A_175 = arith.extui %gt3A_174 : i1 to i32
      %add3A_176 = arith.constant 1 : i32
      %add3A_177 = arith.addi %add3A_176, %convert_element_type3A_175 : i32
      %lt3A_178 = arith.constant 63 : i32
      %lt3A_179 = arith.cmpi slt, %sub3A_172, %lt3A_178 : i32
      %convert_element_type3A_180 = arith.extui %lt3A_179 : i1 to i32
      %add3A_181 = arith.addi %add3A_177, %convert_element_type3A_180 : i32
      %gt3A_182 = arith.constant 0 : i32
      %gt3A_183 = arith.cmpi sgt, %select_n3A_59, %gt3A_182 : i32
      %convert_element_type3A_184 = arith.extui %gt3A_183 : i1 to i32
      %add3A_185 = arith.addi %add3A_181, %convert_element_type3A_184 : i32
      %lt3A_186 = arith.constant 63 : i32
      %lt3A_187 = arith.cmpi slt, %select_n3A_59, %lt3A_186 : i32
      %convert_element_type3A_188 = arith.extui %lt3A_187 : i1 to i32
      %add3A_189 = arith.addi %add3A_185, %convert_element_type3A_188 : i32
      %eq3A_190 = arith.constant 5 : i32
      %eq3A_191 = arith.cmpi eq, %add3A_189, %eq3A_190 : i32
      %eq3A_192 = arith.constant 4 : i32
      %eq3A_193 = arith.cmpi eq, %add3A_189, %eq3A_192 : i32
      %jit3A_194 = arith.constant 5.000000e-01 : f32
      %jit3A_195 = arith.constant 0.577350259 : f32
      %select_n3A_196 = arith.select %eq3A_193, %jit3A_194, %jit3A_195 : f32
      %jit3A_197 = arith.constant 0.44721359 : f32
      %select_n3A_198 = arith.select %eq3A_191, %jit3A_197, %select_n3A_196 : f32
      %mul3A_199 = arith.mulf %select_n3A_99, %select_n3A_198 : f32
      %jit3A_200 = arith.constant 0.000000e+00 : f32
      %select_n3A_201 = arith.select %gt3A_106, %mul3A_199, %jit3A_200 : f32
      %add3A_202 = arith.constant 1 : i32
      %add3A_203 = arith.addi %select_n3A_75, %add3A_202 : i32
      %gt3A_204 = arith.constant 0 : i32
      %gt3A_205 = arith.cmpi sgt, %add3A_203, %gt3A_204 : i32
      %convert_element_type3A_206 = arith.extui %gt3A_205 : i1 to i32
      %add3A_207 = arith.constant 1 : i32
      %add3A_208 = arith.addi %add3A_207, %convert_element_type3A_206 : i32
      %lt3A_209 = arith.constant 63 : i32
      %lt3A_210 = arith.cmpi slt, %add3A_203, %lt3A_209 : i32
      %convert_element_type3A_211 = arith.extui %lt3A_210 : i1 to i32
      %add3A_212 = arith.addi %add3A_208, %convert_element_type3A_211 : i32
      %gt3A_213 = arith.constant 0 : i32
      %gt3A_214 = arith.cmpi sgt, %select_n3A_59, %gt3A_213 : i32
      %convert_element_type3A_215 = arith.extui %gt3A_214 : i1 to i32
      %add3A_216 = arith.addi %add3A_212, %convert_element_type3A_215 : i32
      %lt3A_217 = arith.constant 63 : i32
      %lt3A_218 = arith.cmpi slt, %select_n3A_59, %lt3A_217 : i32
      %convert_element_type3A_219 = arith.extui %lt3A_218 : i1 to i32
      %add3A_220 = arith.addi %add3A_216, %convert_element_type3A_219 : i32
      %eq3A_221 = arith.constant 5 : i32
      %eq3A_222 = arith.cmpi eq, %add3A_220, %eq3A_221 : i32
      %eq3A_223 = arith.constant 4 : i32
      %eq3A_224 = arith.cmpi eq, %add3A_220, %eq3A_223 : i32
      %jit3A_225 = arith.constant 5.000000e-01 : f32
      %jit3A_226 = arith.constant 0.577350259 : f32
      %select_n3A_227 = arith.select %eq3A_224, %jit3A_225, %jit3A_226 : f32
      %jit3A_228 = arith.constant 0.44721359 : f32
      %select_n3A_229 = arith.select %eq3A_222, %jit3A_228, %select_n3A_227 : f32
      %mul3A_230 = arith.mulf %select_n3A_99, %select_n3A_229 : f32
      %jit3A_231 = arith.constant 0.000000e+00 : f32
      %select_n3A_232 = arith.select %lt3A_108, %mul3A_230, %jit3A_231 : f32
      %jit3A_233 = arith.constant -64 : i32
      %jit3A_234 = arith.constant 0 : i32
      %select_n3A_235 = arith.select %gt3A_102, %jit3A_233, %jit3A_234 : i32
      %jit3A_236 = arith.constant 64 : i32
      %jit3A_237 = arith.constant 0 : i32
      %select_n3A_238 = arith.select %lt3A_104, %jit3A_236, %jit3A_237 : i32
      %jit3A_239 = arith.constant -1 : i32
      %jit3A_240 = arith.constant 0 : i32
      %select_n3A_241 = arith.select %gt3A_106, %jit3A_239, %jit3A_240 : i32
      %jit3A_242 = arith.constant 1 : i32
      %jit3A_243 = arith.constant 0 : i32
      %select_n3A_244 = arith.select %lt3A_108, %jit3A_242, %jit3A_243 : i32
      %add3A_245 = arith.addi %sub3A_22, %scan3A_32 : i32
      %get3A = arith.index_cast %add3A_245 : i32 to index
      %get3A_246 = arith.constant 0 : index
      %get3A_247 = tpu.vector_load %arg4[%get3A, %get3A_246] {strides = array<i32>} : memref<384x128xf32, #tpu.memory_space<vmem>>, vector<1x16xf32>,
      %get3A_248 = vector.shape_cast %get3A_247 : vector<1x16xf32> to vector<16xf32>
      %mul3A_249 = vector.broadcast %mul3A_100 : f32 to vector<16xf32>
      %mul3A_250 = arith.mulf %mul3A_249, %get3A_248 : vector<16xf32>
      %add3A_251 = arith.addi %add3A_245, %select_n3A_235 : i32
      %get3A_252 = arith.index_cast %add3A_251 : i32 to index
      %get3A_253 = arith.constant 0 : index
      %get3A_254 = tpu.vector_load %arg4[%get3A_252, %get3A_253] {strides = array<i32>} : memref<384x128xf32, #tpu.memory_space<vmem>>, vector<1x16xf32>,
      %get3A_255 = vector.shape_cast %get3A_254 : vector<1x16xf32> to vector<16xf32>
      %mul3A_256 = vector.broadcast %select_n3A_139 : f32 to vector<16xf32>
      %mul3A_257 = arith.mulf %mul3A_256, %get3A_255 : vector<16xf32>
      %add3A_258 = arith.addf %mul3A_250, %mul3A_257 : vector<16xf32>
      %add3A_259 = arith.addi %add3A_245, %select_n3A_238 : i32
      %get3A_260 = arith.index_cast %add3A_259 : i32 to index
      %get3A_261 = arith.constant 0 : index
      %get3A_262 = tpu.vector_load %arg4[%get3A_260, %get3A_261] {strides = array<i32>} : memref<384x128xf32, #tpu.memory_space<vmem>>, vector<1x16xf32>,
      %get3A_263 = vector.shape_cast %get3A_262 : vector<1x16xf32> to vector<16xf32>
      %mul3A_264 = vector.broadcast %select_n3A_170 : f32 to vector<16xf32>
      %mul3A_265 = arith.mulf %mul3A_264, %get3A_263 : vector<16xf32>
      %add3A_266 = arith.addf %add3A_258, %mul3A_265 : vector<16xf32>
      %add3A_267 = arith.addi %add3A_245, %select_n3A_241 : i32
      %get3A_268 = arith.index_cast %add3A_267 : i32 to index
      %get3A_269 = arith.constant 0 : index
      %get3A_270 = tpu.vector_load %arg4[%get3A_268, %get3A_269] {strides = array<i32>} : memref<384x128xf32, #tpu.memory_space<vmem>>, vector<1x16xf32>,
      %get3A_271 = vector.shape_cast %get3A_270 : vector<1x16xf32> to vector<16xf32>
      %mul3A_272 = vector.broadcast %select_n3A_201 : f32 to vector<16xf32>
      %mul3A_273 = arith.mulf %mul3A_272, %get3A_271 : vector<16xf32>
      %add3A_274 = arith.addf %add3A_266, %mul3A_273 : vector<16xf32>
      %add3A_275 = arith.addi %add3A_245, %select_n3A_244 : i32
      %get3A_276 = arith.index_cast %add3A_275 : i32 to index
      %get3A_277 = arith.constant 0 : index
      %get3A_278 = tpu.vector_load %arg4[%get3A_276, %get3A_277] {strides = array<i32>} : memref<384x128xf32, #tpu.memory_space<vmem>>, vector<1x16xf32>,
      %get3A_279 = vector.shape_cast %get3A_278 : vector<1x16xf32> to vector<16xf32>
      %mul3A_280 = vector.broadcast %select_n3A_232 : f32 to vector<16xf32>
      %mul3A_281 = arith.mulf %mul3A_280, %get3A_279 : vector<16xf32>
      %add3A_282 = arith.addf %add3A_274, %mul3A_281 : vector<16xf32>
      %swap3A = arith.index_cast %scan3A_32 : i32 to index
      %swap3A_283 = arith.constant 0 : index
      %swap3A_284 = tpu.vector_load %arg5[%swap3A, %swap3A_283] {strides = array<i32>} : memref<256x128xf32, #tpu.memory_space<vmem>>, vector<1x16xf32>,
      %swap3A_285 = vector.shape_cast %swap3A_284 : vector<1x16xf32> to vector<16xf32>
      %swap3A_286 = vector.shape_cast %add3A_282 : vector<16xf32> to vector<1x16xf32>
      tpu.vector_store %arg5[%swap3A, %swap3A_283], %swap3A_286 {strides = array<i32>} : memref<256x128xf32, #tpu.memory_space<vmem>>, vector<1x16xf32>,
      %get3A_287 = arith.index_cast %add3A_245 : i32 to index
      %get3A_288 = arith.constant 16 : index
      %get3A_289 = tpu.vector_load %arg4[%get3A_287, %get3A_288] {strides = array<i32>} : memref<384x128xf32, #tpu.memory_space<vmem>>, vector<1x16xf32>,
      %get3A_290 = vector.shape_cast %get3A_289 : vector<1x16xf32> to vector<16xf32>
      %mul3A_291 = vector.broadcast %mul3A_100 : f32 to vector<16xf32>
      %mul3A_292 = arith.mulf %mul3A_291, %get3A_290 : vector<16xf32>
      %add3A_293 = arith.addi %add3A_245, %select_n3A_235 : i32
      %get3A_294 = arith.index_cast %add3A_293 : i32 to index
      %get3A_295 = arith.constant 16 : index
      %get3A_296 = tpu.vector_load %arg4[%get3A_294, %get3A_295] {strides = array<i32>} : memref<384x128xf32, #tpu.memory_space<vmem>>, vector<1x16xf32>,
      %get3A_297 = vector.shape_cast %get3A_296 : vector<1x16xf32> to vector<16xf32>
      %mul3A_298 = vector.broadcast %select_n3A_139 : f32 to vector<16xf32>
      %mul3A_299 = arith.mulf %mul3A_298, %get3A_297 : vector<16xf32>
      %add3A_300 = arith.addf %mul3A_292, %mul3A_299 : vector<16xf32>
      %add3A_301 = arith.addi %add3A_245, %select_n3A_238 : i32
      %get3A_302 = arith.index_cast %add3A_301 : i32 to index
      %get3A_303 = arith.constant 16 : index
      %get3A_304 = tpu.vector_load %arg4[%get3A_302, %get3A_303] {strides = array<i32>} : memref<384x128xf32, #tpu.memory_space<vmem>>, vector<1x16xf32>,
      %get3A_305 = vector.shape_cast %get3A_304 : vector<1x16xf32> to vector<16xf32>
      %mul3A_306 = vector.broadcast %select_n3A_170 : f32 to vector<16xf32>
      %mul3A_307 = arith.mulf %mul3A_306, %get3A_305 : vector<16xf32>
      %add3A_308 = arith.addf %add3A_300, %mul3A_307 : vector<16xf32>
      %add3A_309 = arith.addi %add3A_245, %select_n3A_241 : i32
      %get3A_310 = arith.index_cast %add3A_309 : i32 to index
      %get3A_311 = arith.constant 16 : index
      %get3A_312 = tpu.vector_load %arg4[%get3A_310, %get3A_311] {strides = array<i32>} : memref<384x128xf32, #tpu.memory_space<vmem>>, vector<1x16xf32>,
      %get3A_313 = vector.shape_cast %get3A_312 : vector<1x16xf32> to vector<16xf32>
      %mul3A_314 = vector.broadcast %select_n3A_201 : f32 to vector<16xf32>
      %mul3A_315 = arith.mulf %mul3A_314, %get3A_313 : vector<16xf32>
      %add3A_316 = arith.addf %add3A_308, %mul3A_315 : vector<16xf32>
      %add3A_317 = arith.addi %add3A_245, %select_n3A_244 : i32
      %get3A_318 = arith.index_cast %add3A_317 : i32 to index
      %get3A_319 = arith.constant 16 : index
      %get3A_320 = tpu.vector_load %arg4[%get3A_318, %get3A_319] {strides = array<i32>} : memref<384x128xf32, #tpu.memory_space<vmem>>, vector<1x16xf32>,
      %get3A_321 = vector.shape_cast %get3A_320 : vector<1x16xf32> to vector<16xf32>
      %mul3A_322 = vector.broadcast %select_n3A_232 : f32 to vector<16xf32>
      %mul3A_323 = arith.mulf %mul3A_322, %get3A_321 : vector<16xf32>
      %add3A_324 = arith.addf %add3A_316, %mul3A_323 : vector<16xf32>
      %swap3A_325 = arith.index_cast %scan3A_32 : i32 to index
      %swap3A_326 = arith.constant 16 : index
      %swap3A_327 = tpu.vector_load %arg5[%swap3A_325, %swap3A_326] {strides = array<i32>} : memref<256x128xf32, #tpu.memory_space<vmem>>, vector<1x16xf32>,
      %swap3A_328 = vector.shape_cast %swap3A_327 : vector<1x16xf32> to vector<16xf32>
      %swap3A_329 = vector.shape_cast %add3A_324 : vector<16xf32> to vector<1x16xf32>
      tpu.vector_store %arg5[%swap3A_325, %swap3A_326], %swap3A_329 {strides = array<i32>} : memref<256x128xf32, #tpu.memory_space<vmem>>, vector<1x16xf32>,
      %get3A_330 = arith.index_cast %add3A_245 : i32 to index
      %get3A_331 = arith.constant 32 : index
      %get3A_332 = tpu.vector_load %arg4[%get3A_330, %get3A_331] {strides = array<i32>} : memref<384x128xf32, #tpu.memory_space<vmem>>, vector<1x16xf32>,
      %get3A_333 = vector.shape_cast %get3A_332 : vector<1x16xf32> to vector<16xf32>
      %mul3A_334 = vector.broadcast %mul3A_100 : f32 to vector<16xf32>
      %mul3A_335 = arith.mulf %mul3A_334, %get3A_333 : vector<16xf32>
      %add3A_336 = arith.addi %add3A_245, %select_n3A_235 : i32
      %get3A_337 = arith.index_cast %add3A_336 : i32 to index
      %get3A_338 = arith.constant 32 : index
      %get3A_339 = tpu.vector_load %arg4[%get3A_337, %get3A_338] {strides = array<i32>} : memref<384x128xf32, #tpu.memory_space<vmem>>, vector<1x16xf32>,
      %get3A_340 = vector.shape_cast %get3A_339 : vector<1x16xf32> to vector<16xf32>
      %mul3A_341 = vector.broadcast %select_n3A_139 : f32 to vector<16xf32>
      %mul3A_342 = arith.mulf %mul3A_341, %get3A_340 : vector<16xf32>
      %add3A_343 = arith.addf %mul3A_335, %mul3A_342 : vector<16xf32>
      %add3A_344 = arith.addi %add3A_245, %select_n3A_238 : i32
      %get3A_345 = arith.index_cast %add3A_344 : i32 to index
      %get3A_346 = arith.constant 32 : index
      %get3A_347 = tpu.vector_load %arg4[%get3A_345, %get3A_346] {strides = array<i32>} : memref<384x128xf32, #tpu.memory_space<vmem>>, vector<1x16xf32>,
      %get3A_348 = vector.shape_cast %get3A_347 : vector<1x16xf32> to vector<16xf32>
      %mul3A_349 = vector.broadcast %select_n3A_170 : f32 to vector<16xf32>
      %mul3A_350 = arith.mulf %mul3A_349, %get3A_348 : vector<16xf32>
      %add3A_351 = arith.addf %add3A_343, %mul3A_350 : vector<16xf32>
      %add3A_352 = arith.addi %add3A_245, %select_n3A_241 : i32
      %get3A_353 = arith.index_cast %add3A_352 : i32 to index
      %get3A_354 = arith.constant 32 : index
      %get3A_355 = tpu.vector_load %arg4[%get3A_353, %get3A_354] {strides = array<i32>} : memref<384x128xf32, #tpu.memory_space<vmem>>, vector<1x16xf32>,
      %get3A_356 = vector.shape_cast %get3A_355 : vector<1x16xf32> to vector<16xf32>
      %mul3A_357 = vector.broadcast %select_n3A_201 : f32 to vector<16xf32>
      %mul3A_358 = arith.mulf %mul3A_357, %get3A_356 : vector<16xf32>
      %add3A_359 = arith.addf %add3A_351, %mul3A_358 : vector<16xf32>
      %add3A_360 = arith.addi %add3A_245, %select_n3A_244 : i32
      %get3A_361 = arith.index_cast %add3A_360 : i32 to index
      %get3A_362 = arith.constant 32 : index
      %get3A_363 = tpu.vector_load %arg4[%get3A_361, %get3A_362] {strides = array<i32>} : memref<384x128xf32, #tpu.memory_space<vmem>>, vector<1x16xf32>,
      %get3A_364 = vector.shape_cast %get3A_363 : vector<1x16xf32> to vector<16xf32>
      %mul3A_365 = vector.broadcast %select_n3A_232 : f32 to vector<16xf32>
      %mul3A_366 = arith.mulf %mul3A_365, %get3A_364 : vector<16xf32>
      %add3A_367 = arith.addf %add3A_359, %mul3A_366 : vector<16xf32>
      %swap3A_368 = arith.index_cast %scan3A_32 : i32 to index
      %swap3A_369 = arith.constant 32 : index
      %swap3A_370 = tpu.vector_load %arg5[%swap3A_368, %swap3A_369] {strides = array<i32>} : memref<256x128xf32, #tpu.memory_space<vmem>>, vector<1x16xf32>,
      %swap3A_371 = vector.shape_cast %swap3A_370 : vector<1x16xf32> to vector<16xf32>
      %swap3A_372 = vector.shape_cast %add3A_367 : vector<16xf32> to vector<1x16xf32>
      tpu.vector_store %arg5[%swap3A_368, %swap3A_369], %swap3A_372 {strides = array<i32>} : memref<256x128xf32, #tpu.memory_space<vmem>>, vector<1x16xf32>,
      %get3A_373 = arith.index_cast %add3A_245 : i32 to index
      %get3A_374 = arith.constant 48 : index
      %get3A_375 = tpu.vector_load %arg4[%get3A_373, %get3A_374] {strides = array<i32>} : memref<384x128xf32, #tpu.memory_space<vmem>>, vector<1x16xf32>,
      %get3A_376 = vector.shape_cast %get3A_375 : vector<1x16xf32> to vector<16xf32>
      %mul3A_377 = vector.broadcast %mul3A_100 : f32 to vector<16xf32>
      %mul3A_378 = arith.mulf %mul3A_377, %get3A_376 : vector<16xf32>
      %add3A_379 = arith.addi %add3A_245, %select_n3A_235 : i32
      %get3A_380 = arith.index_cast %add3A_379 : i32 to index
      %get3A_381 = arith.constant 48 : index
      %get3A_382 = tpu.vector_load %arg4[%get3A_380, %get3A_381] {strides = array<i32>} : memref<384x128xf32, #tpu.memory_space<vmem>>, vector<1x16xf32>,
      %get3A_383 = vector.shape_cast %get3A_382 : vector<1x16xf32> to vector<16xf32>
      %mul3A_384 = vector.broadcast %select_n3A_139 : f32 to vector<16xf32>
      %mul3A_385 = arith.mulf %mul3A_384, %get3A_383 : vector<16xf32>
      %add3A_386 = arith.addf %mul3A_378, %mul3A_385 : vector<16xf32>
      %add3A_387 = arith.addi %add3A_245, %select_n3A_238 : i32
      %get3A_388 = arith.index_cast %add3A_387 : i32 to index
      %get3A_389 = arith.constant 48 : index
      %get3A_390 = tpu.vector_load %arg4[%get3A_388, %get3A_389] {strides = array<i32>} : memref<384x128xf32, #tpu.memory_space<vmem>>, vector<1x16xf32>,
      %get3A_391 = vector.shape_cast %get3A_390 : vector<1x16xf32> to vector<16xf32>
      %mul3A_392 = vector.broadcast %select_n3A_170 : f32 to vector<16xf32>
      %mul3A_393 = arith.mulf %mul3A_392, %get3A_391 : vector<16xf32>
      %add3A_394 = arith.addf %add3A_386, %mul3A_393 : vector<16xf32>
      %add3A_395 = arith.addi %add3A_245, %select_n3A_241 : i32
      %get3A_396 = arith.index_cast %add3A_395 : i32 to index
      %get3A_397 = arith.constant 48 : index
      %get3A_398 = tpu.vector_load %arg4[%get3A_396, %get3A_397] {strides = array<i32>} : memref<384x128xf32, #tpu.memory_space<vmem>>, vector<1x16xf32>,
      %get3A_399 = vector.shape_cast %get3A_398 : vector<1x16xf32> to vector<16xf32>
      %mul3A_400 = vector.broadcast %select_n3A_201 : f32 to vector<16xf32>
      %mul3A_401 = arith.mulf %mul3A_400, %get3A_399 : vector<16xf32>
      %add3A_402 = arith.addf %add3A_394, %mul3A_401 : vector<16xf32>
      %add3A_403 = arith.addi %add3A_245, %select_n3A_244 : i32
      %get3A_404 = arith.index_cast %add3A_403 : i32 to index
      %get3A_405 = arith.constant 48 : index
      %get3A_406 = tpu.vector_load %arg4[%get3A_404, %get3A_405] {strides = array<i32>} : memref<384x128xf32, #tpu.memory_space<vmem>>, vector<1x16xf32>,
      %get3A_407 = vector.shape_cast %get3A_406 : vector<1x16xf32> to vector<16xf32>
      %mul3A_408 = vector.broadcast %select_n3A_232 : f32 to vector<16xf32>
      %mul3A_409 = arith.mulf %mul3A_408, %get3A_407 : vector<16xf32>
      %add3A_410 = arith.addf %add3A_402, %mul3A_409 : vector<16xf32>
      %swap3A_411 = arith.index_cast %scan3A_32 : i32 to index
      %swap3A_412 = arith.constant 48 : index
      %swap3A_413 = tpu.vector_load %arg5[%swap3A_411, %swap3A_412] {strides = array<i32>} : memref<256x128xf32, #tpu.memory_space<vmem>>, vector<1x16xf32>,
      %swap3A_414 = vector.shape_cast %swap3A_413 : vector<1x16xf32> to vector<16xf32>
      %swap3A_415 = vector.shape_cast %add3A_410 : vector<16xf32> to vector<1x16xf32>
      tpu.vector_store %arg5[%swap3A_411, %swap3A_412], %swap3A_415 {strides = array<i32>} : memref<256x128xf32, #tpu.memory_space<vmem>>, vector<1x16xf32>,
      %get3A_416 = arith.index_cast %add3A_245 : i32 to index
      %get3A_417 = arith.constant 64 : index
      %get3A_418 = tpu.vector_load %arg4[%get3A_416, %get3A_417] {strides = array<i32>} : memref<384x128xf32, #tpu.memory_space<vmem>>, vector<1x16xf32>,
      %get3A_419 = vector.shape_cast %get3A_418 : vector<1x16xf32> to vector<16xf32>
      %mul3A_420 = vector.broadcast %mul3A_100 : f32 to vector<16xf32>
      %mul3A_421 = arith.mulf %mul3A_420, %get3A_419 : vector<16xf32>
      %add3A_422 = arith.addi %add3A_245, %select_n3A_235 : i32
      %get3A_423 = arith.index_cast %add3A_422 : i32 to index
      %get3A_424 = arith.constant 64 : index
      %get3A_425 = tpu.vector_load %arg4[%get3A_423, %get3A_424] {strides = array<i32>} : memref<384x128xf32, #tpu.memory_space<vmem>>, vector<1x16xf32>,
      %get3A_426 = vector.shape_cast %get3A_425 : vector<1x16xf32> to vector<16xf32>
      %mul3A_427 = vector.broadcast %select_n3A_139 : f32 to vector<16xf32>
      %mul3A_428 = arith.mulf %mul3A_427, %get3A_426 : vector<16xf32>
      %add3A_429 = arith.addf %mul3A_421, %mul3A_428 : vector<16xf32>
      %add3A_430 = arith.addi %add3A_245, %select_n3A_238 : i32
      %get3A_431 = arith.index_cast %add3A_430 : i32 to index
      %get3A_432 = arith.constant 64 : index
      %get3A_433 = tpu.vector_load %arg4[%get3A_431, %get3A_432] {strides = array<i32>} : memref<384x128xf32, #tpu.memory_space<vmem>>, vector<1x16xf32>,
      %get3A_434 = vector.shape_cast %get3A_433 : vector<1x16xf32> to vector<16xf32>
      %mul3A_435 = vector.broadcast %select_n3A_170 : f32 to vector<16xf32>
      %mul3A_436 = arith.mulf %mul3A_435, %get3A_434 : vector<16xf32>
      %add3A_437 = arith.addf %add3A_429, %mul3A_436 : vector<16xf32>
      %add3A_438 = arith.addi %add3A_245, %select_n3A_241 : i32
      %get3A_439 = arith.index_cast %add3A_438 : i32 to index
      %get3A_440 = arith.constant 64 : index
      %get3A_441 = tpu.vector_load %arg4[%get3A_439, %get3A_440] {strides = array<i32>} : memref<384x128xf32, #tpu.memory_space<vmem>>, vector<1x16xf32>,
      %get3A_442 = vector.shape_cast %get3A_441 : vector<1x16xf32> to vector<16xf32>
      %mul3A_443 = vector.broadcast %select_n3A_201 : f32 to vector<16xf32>
      %mul3A_444 = arith.mulf %mul3A_443, %get3A_442 : vector<16xf32>
      %add3A_445 = arith.addf %add3A_437, %mul3A_444 : vector<16xf32>
      %add3A_446 = arith.addi %add3A_245, %select_n3A_244 : i32
      %get3A_447 = arith.index_cast %add3A_446 : i32 to index
      %get3A_448 = arith.constant 64 : index
      %get3A_449 = tpu.vector_load %arg4[%get3A_447, %get3A_448] {strides = array<i32>} : memref<384x128xf32, #tpu.memory_space<vmem>>, vector<1x16xf32>,
      %get3A_450 = vector.shape_cast %get3A_449 : vector<1x16xf32> to vector<16xf32>
      %mul3A_451 = vector.broadcast %select_n3A_232 : f32 to vector<16xf32>
      %mul3A_452 = arith.mulf %mul3A_451, %get3A_450 : vector<16xf32>
      %add3A_453 = arith.addf %add3A_445, %mul3A_452 : vector<16xf32>
      %swap3A_454 = arith.index_cast %scan3A_32 : i32 to index
      %swap3A_455 = arith.constant 64 : index
      %swap3A_456 = tpu.vector_load %arg5[%swap3A_454, %swap3A_455] {strides = array<i32>} : memref<256x128xf32, #tpu.memory_space<vmem>>, vector<1x16xf32>,
      %swap3A_457 = vector.shape_cast %swap3A_456 : vector<1x16xf32> to vector<16xf32>
      %swap3A_458 = vector.shape_cast %add3A_453 : vector<16xf32> to vector<1x16xf32>
      tpu.vector_store %arg5[%swap3A_454, %swap3A_455], %swap3A_458 {strides = array<i32>} : memref<256x128xf32, #tpu.memory_space<vmem>>, vector<1x16xf32>,
      %get3A_459 = arith.index_cast %add3A_245 : i32 to index
      %get3A_460 = arith.constant 80 : index
      %get3A_461 = tpu.vector_load %arg4[%get3A_459, %get3A_460] {strides = array<i32>} : memref<384x128xf32, #tpu.memory_space<vmem>>, vector<1x16xf32>,
      %get3A_462 = vector.shape_cast %get3A_461 : vector<1x16xf32> to vector<16xf32>
      %mul3A_463 = vector.broadcast %mul3A_100 : f32 to vector<16xf32>
      %mul3A_464 = arith.mulf %mul3A_463, %get3A_462 : vector<16xf32>
      %add3A_465 = arith.addi %add3A_245, %select_n3A_235 : i32
      %get3A_466 = arith.index_cast %add3A_465 : i32 to index
      %get3A_467 = arith.constant 80 : index
      %get3A_468 = tpu.vector_load %arg4[%get3A_466, %get3A_467] {strides = array<i32>} : memref<384x128xf32, #tpu.memory_space<vmem>>, vector<1x16xf32>,
      %get3A_469 = vector.shape_cast %get3A_468 : vector<1x16xf32> to vector<16xf32>
      %mul3A_470 = vector.broadcast %select_n3A_139 : f32 to vector<16xf32>
      %mul3A_471 = arith.mulf %mul3A_470, %get3A_469 : vector<16xf32>
      %add3A_472 = arith.addf %mul3A_464, %mul3A_471 : vector<16xf32>
      %add3A_473 = arith.addi %add3A_245, %select_n3A_238 : i32
      %get3A_474 = arith.index_cast %add3A_473 : i32 to index
      %get3A_475 = arith.constant 80 : index
      %get3A_476 = tpu.vector_load %arg4[%get3A_474, %get3A_475] {strides = array<i32>} : memref<384x128xf32, #tpu.memory_space<vmem>>, vector<1x16xf32>,
      %get3A_477 = vector.shape_cast %get3A_476 : vector<1x16xf32> to vector<16xf32>
      %mul3A_478 = vector.broadcast %select_n3A_170 : f32 to vector<16xf32>
      %mul3A_479 = arith.mulf %mul3A_478, %get3A_477 : vector<16xf32>
      %add3A_480 = arith.addf %add3A_472, %mul3A_479 : vector<16xf32>
      %add3A_481 = arith.addi %add3A_245, %select_n3A_241 : i32
      %get3A_482 = arith.index_cast %add3A_481 : i32 to index
      %get3A_483 = arith.constant 80 : index
      %get3A_484 = tpu.vector_load %arg4[%get3A_482, %get3A_483] {strides = array<i32>} : memref<384x128xf32, #tpu.memory_space<vmem>>, vector<1x16xf32>,
      %get3A_485 = vector.shape_cast %get3A_484 : vector<1x16xf32> to vector<16xf32>
      %mul3A_486 = vector.broadcast %select_n3A_201 : f32 to vector<16xf32>
      %mul3A_487 = arith.mulf %mul3A_486, %get3A_485 : vector<16xf32>
      %add3A_488 = arith.addf %add3A_480, %mul3A_487 : vector<16xf32>
      %add3A_489 = arith.addi %add3A_245, %select_n3A_244 : i32
      %get3A_490 = arith.index_cast %add3A_489 : i32 to index
      %get3A_491 = arith.constant 80 : index
      %get3A_492 = tpu.vector_load %arg4[%get3A_490, %get3A_491] {strides = array<i32>} : memref<384x128xf32, #tpu.memory_space<vmem>>, vector<1x16xf32>,
      %get3A_493 = vector.shape_cast %get3A_492 : vector<1x16xf32> to vector<16xf32>
      %mul3A_494 = vector.broadcast %select_n3A_232 : f32 to vector<16xf32>
      %mul3A_495 = arith.mulf %mul3A_494, %get3A_493 : vector<16xf32>
      %add3A_496 = arith.addf %add3A_488, %mul3A_495 : vector<16xf32>
      %swap3A_497 = arith.index_cast %scan3A_32 : i32 to index
      %swap3A_498 = arith.constant 80 : index
      %swap3A_499 = tpu.vector_load %arg5[%swap3A_497, %swap3A_498] {strides = array<i32>} : memref<256x128xf32, #tpu.memory_space<vmem>>, vector<1x16xf32>,
      %swap3A_500 = vector.shape_cast %swap3A_499 : vector<1x16xf32> to vector<16xf32>
      %swap3A_501 = vector.shape_cast %add3A_496 : vector<16xf32> to vector<1x16xf32>
      tpu.vector_store %arg5[%swap3A_497, %swap3A_498], %swap3A_501 {strides = array<i32>} : memref<256x128xf32, #tpu.memory_space<vmem>>, vector<1x16xf32>,
      %get3A_502 = arith.index_cast %add3A_245 : i32 to index
      %get3A_503 = arith.constant 96 : index
      %get3A_504 = tpu.vector_load %arg4[%get3A_502, %get3A_503] {strides = array<i32>} : memref<384x128xf32, #tpu.memory_space<vmem>>, vector<1x16xf32>,
      %get3A_505 = vector.shape_cast %get3A_504 : vector<1x16xf32> to vector<16xf32>
      %mul3A_506 = vector.broadcast %mul3A_100 : f32 to vector<16xf32>
      %mul3A_507 = arith.mulf %mul3A_506, %get3A_505 : vector<16xf32>
      %add3A_508 = arith.addi %add3A_245, %select_n3A_235 : i32
      %get3A_509 = arith.index_cast %add3A_508 : i32 to index
      %get3A_510 = arith.constant 96 : index
      %get3A_511 = tpu.vector_load %arg4[%get3A_509, %get3A_510] {strides = array<i32>} : memref<384x128xf32, #tpu.memory_space<vmem>>, vector<1x16xf32>,
      %get3A_512 = vector.shape_cast %get3A_511 : vector<1x16xf32> to vector<16xf32>
      %mul3A_513 = vector.broadcast %select_n3A_139 : f32 to vector<16xf32>
      %mul3A_514 = arith.mulf %mul3A_513, %get3A_512 : vector<16xf32>
      %add3A_515 = arith.addf %mul3A_507, %mul3A_514 : vector<16xf32>
      %add3A_516 = arith.addi %add3A_245, %select_n3A_238 : i32
      %get3A_517 = arith.index_cast %add3A_516 : i32 to index
      %get3A_518 = arith.constant 96 : index
      %get3A_519 = tpu.vector_load %arg4[%get3A_517, %get3A_518] {strides = array<i32>} : memref<384x128xf32, #tpu.memory_space<vmem>>, vector<1x16xf32>,
      %get3A_520 = vector.shape_cast %get3A_519 : vector<1x16xf32> to vector<16xf32>
      %mul3A_521 = vector.broadcast %select_n3A_170 : f32 to vector<16xf32>
      %mul3A_522 = arith.mulf %mul3A_521, %get3A_520 : vector<16xf32>
      %add3A_523 = arith.addf %add3A_515, %mul3A_522 : vector<16xf32>
      %add3A_524 = arith.addi %add3A_245, %select_n3A_241 : i32
      %get3A_525 = arith.index_cast %add3A_524 : i32 to index
      %get3A_526 = arith.constant 96 : index
      %get3A_527 = tpu.vector_load %arg4[%get3A_525, %get3A_526] {strides = array<i32>} : memref<384x128xf32, #tpu.memory_space<vmem>>, vector<1x16xf32>,
      %get3A_528 = vector.shape_cast %get3A_527 : vector<1x16xf32> to vector<16xf32>
      %mul3A_529 = vector.broadcast %select_n3A_201 : f32 to vector<16xf32>
      %mul3A_530 = arith.mulf %mul3A_529, %get3A_528 : vector<16xf32>
      %add3A_531 = arith.addf %add3A_523, %mul3A_530 : vector<16xf32>
      %add3A_532 = arith.addi %add3A_245, %select_n3A_244 : i32
      %get3A_533 = arith.index_cast %add3A_532 : i32 to index
      %get3A_534 = arith.constant 96 : index
      %get3A_535 = tpu.vector_load %arg4[%get3A_533, %get3A_534] {strides = array<i32>} : memref<384x128xf32, #tpu.memory_space<vmem>>, vector<1x16xf32>,
      %get3A_536 = vector.shape_cast %get3A_535 : vector<1x16xf32> to vector<16xf32>
      %mul3A_537 = vector.broadcast %select_n3A_232 : f32 to vector<16xf32>
      %mul3A_538 = arith.mulf %mul3A_537, %get3A_536 : vector<16xf32>
      %add3A_539 = arith.addf %add3A_531, %mul3A_538 : vector<16xf32>
      %swap3A_540 = arith.index_cast %scan3A_32 : i32 to index
      %swap3A_541 = arith.constant 96 : index
      %swap3A_542 = tpu.vector_load %arg5[%swap3A_540, %swap3A_541] {strides = array<i32>} : memref<256x128xf32, #tpu.memory_space<vmem>>, vector<1x16xf32>,
      %swap3A_543 = vector.shape_cast %swap3A_542 : vector<1x16xf32> to vector<16xf32>
      %swap3A_544 = vector.shape_cast %add3A_539 : vector<16xf32> to vector<1x16xf32>
      tpu.vector_store %arg5[%swap3A_540, %swap3A_541], %swap3A_544 {strides = array<i32>} : memref<256x128xf32, #tpu.memory_space<vmem>>, vector<1x16xf32>,
      %get3A_545 = arith.index_cast %add3A_245 : i32 to index
      %get3A_546 = arith.constant 112 : index
      %get3A_547 = tpu.vector_load %arg4[%get3A_545, %get3A_546] {strides = array<i32>} : memref<384x128xf32, #tpu.memory_space<vmem>>, vector<1x16xf32>,
      %get3A_548 = vector.shape_cast %get3A_547 : vector<1x16xf32> to vector<16xf32>
      %mul3A_549 = vector.broadcast %mul3A_100 : f32 to vector<16xf32>
      %mul3A_550 = arith.mulf %mul3A_549, %get3A_548 : vector<16xf32>
      %add3A_551 = arith.addi %add3A_245, %select_n3A_235 : i32
      %get3A_552 = arith.index_cast %add3A_551 : i32 to index
      %get3A_553 = arith.constant 112 : index
      %get3A_554 = tpu.vector_load %arg4[%get3A_552, %get3A_553] {strides = array<i32>} : memref<384x128xf32, #tpu.memory_space<vmem>>, vector<1x16xf32>,
      %get3A_555 = vector.shape_cast %get3A_554 : vector<1x16xf32> to vector<16xf32>
      %mul3A_556 = vector.broadcast %select_n3A_139 : f32 to vector<16xf32>
      %mul3A_557 = arith.mulf %mul3A_556, %get3A_555 : vector<16xf32>
      %add3A_558 = arith.addf %mul3A_550, %mul3A_557 : vector<16xf32>
      %add3A_559 = arith.addi %add3A_245, %select_n3A_238 : i32
      %get3A_560 = arith.index_cast %add3A_559 : i32 to index
      %get3A_561 = arith.constant 112 : index
      %get3A_562 = tpu.vector_load %arg4[%get3A_560, %get3A_561] {strides = array<i32>} : memref<384x128xf32, #tpu.memory_space<vmem>>, vector<1x16xf32>,
      %get3A_563 = vector.shape_cast %get3A_562 : vector<1x16xf32> to vector<16xf32>
      %mul3A_564 = vector.broadcast %select_n3A_170 : f32 to vector<16xf32>
      %mul3A_565 = arith.mulf %mul3A_564, %get3A_563 : vector<16xf32>
      %add3A_566 = arith.addf %add3A_558, %mul3A_565 : vector<16xf32>
      %add3A_567 = arith.addi %add3A_245, %select_n3A_241 : i32
      %get3A_568 = arith.index_cast %add3A_567 : i32 to index
      %get3A_569 = arith.constant 112 : index
      %get3A_570 = tpu.vector_load %arg4[%get3A_568, %get3A_569] {strides = array<i32>} : memref<384x128xf32, #tpu.memory_space<vmem>>, vector<1x16xf32>,
      %get3A_571 = vector.shape_cast %get3A_570 : vector<1x16xf32> to vector<16xf32>
      %mul3A_572 = vector.broadcast %select_n3A_201 : f32 to vector<16xf32>
      %mul3A_573 = arith.mulf %mul3A_572, %get3A_571 : vector<16xf32>
      %add3A_574 = arith.addf %add3A_566, %mul3A_573 : vector<16xf32>
      %add3A_575 = arith.addi %add3A_245, %select_n3A_244 : i32
      %get3A_576 = arith.index_cast %add3A_575 : i32 to index
      %get3A_577 = arith.constant 112 : index
      %get3A_578 = tpu.vector_load %arg4[%get3A_576, %get3A_577] {strides = array<i32>} : memref<384x128xf32, #tpu.memory_space<vmem>>, vector<1x16xf32>,
      %get3A_579 = vector.shape_cast %get3A_578 : vector<1x16xf32> to vector<16xf32>
      %mul3A_580 = vector.broadcast %select_n3A_232 : f32 to vector<16xf32>
      %mul3A_581 = arith.mulf %mul3A_580, %get3A_579 : vector<16xf32>
      %add3A_582 = arith.addf %add3A_574, %mul3A_581 : vector<16xf32>
      %swap3A_583 = arith.index_cast %scan3A_32 : i32 to index
      %swap3A_584 = arith.constant 112 : index
      %swap3A_585 = tpu.vector_load %arg5[%swap3A_583, %swap3A_584] {strides = array<i32>} : memref<256x128xf32, #tpu.memory_space<vmem>>, vector<1x16xf32>,
      %swap3A_586 = vector.shape_cast %swap3A_585 : vector<1x16xf32> to vector<16xf32>
      %swap3A_587 = vector.shape_cast %add3A_582 : vector<16xf32> to vector<1x16xf32>
      tpu.vector_store %arg5[%swap3A_583, %swap3A_584], %swap3A_587 {strides = array<i32>} : memref<256x128xf32, #tpu.memory_space<vmem>>, vector<1x16xf32>,
      %scan3A_588 = arith.constant 0 : i32
      scf.yield %scan3A_588 : i32
    }
    %scan3A_29 = arith.constant 256 : i32
    "tpu.region"() ({
      %run_scoped3A = tpu.sem_alloc : memref<!tpu.dma_semaphore, #tpu.memory_space<semaphore_mem>>
      %dma_start3A = arith.constant 0 : i32
      %dma_start3A_32 = tpu.memref_slice %arg3[%multiple_of3A, %dma_start3A] : memref<8192x128xf32, #tpu.memory_space<hbm>> -> memref<256x128xf32, #tpu.memory_space<hbm>>
      %dma_start3A_33 = arith.constant 0 : i32
      %dma_start3A_34 = tpu.memref_slice %arg3[%multiple_of3A, %dma_start3A_33] : memref<8192x128xf32, #tpu.memory_space<hbm>> -> memref<256x128xf32, #tpu.memory_space<hbm>>
      tpu.enqueue_dma source(%arg5 : memref<256x128xf32, #tpu.memory_space<vmem>>) target(%dma_start3A_34 : memref<256x128xf32, #tpu.memory_space<hbm>>) target_semaphore(%run_scoped3A : memref<!tpu.dma_semaphore, #tpu.memory_space<semaphore_mem>>)
      %dma_wait3A = arith.constant 0 : i32
      %dma_wait3A_35 = tpu.memref_slice %arg3[%multiple_of3A, %dma_wait3A] : memref<8192x128xf32, #tpu.memory_space<hbm>> -> memref<256x128xf32, #tpu.memory_space<hbm>>
      %dma_wait3A_36 = arith.constant 0 : i32
      %dma_wait3A_37 = tpu.memref_slice %arg3[%multiple_of3A, %dma_wait3A_36] : memref<8192x128xf32, #tpu.memory_space<hbm>> -> memref<256x128xf32, #tpu.memory_space<hbm>>
      tpu.wait_dma2 semaphore(%run_scoped3A : memref<!tpu.dma_semaphore, #tpu.memory_space<semaphore_mem>>) src(%arg5 : memref<256x128xf32, #tpu.memory_space<vmem>>) dst(%dma_wait3A_37 : memref<256x128xf32, #tpu.memory_space<hbm>>)
      tpu.yield
    }) : () -> ()
    %scan3A_30 = arith.constant 0 : i32
    %scan3A_31 = arith.constant 1 : i32
    return
  }
}

#map = affine_map<(d0, d1) -> (0, 0)>
#map1 = affine_map<(d0, d1) -> (0)>
module attributes {stable_mosaic.version = 14 : i64} {
  func.func @sc_agg(%arg0: i32, %arg1: i32, %arg2: memref<8192x16xf32, #tpu.memory_space<hbm>>, %arg3: memref<16xf32, #tpu.memory_space<hbm>>, %arg4: memref<8192x16xf32, #tpu.memory_space<hbm>>, %arg5: memref<384x16xf32, #tpu.memory_space<vmem>>, %arg6: memref<256x16xf32, #tpu.memory_space<vmem>>, %arg7: memref<16xf32, #tpu.memory_space<vmem>>) attributes {dimension_semantics = [#tpu.dimension_semantics<core_parallel>, #tpu.dimension_semantics<subcore_parallel>], iteration_bounds = array<i64: 2, 16>, scalar_prefetch = 0 : i64, scratch_operands = 3 : i64, tpu.core_type = #tpu.core_type<sc_vector_subcore>, window_params = [{transform_indices = #map}, {transform_indices = #map1}, {transform_indices = #map}]} {
    "tpu.region"() ({
      %run_scoped3A = tpu.sem_alloc : memref<!tpu.dma_semaphore, #tpu.memory_space<semaphore_mem>>
      tpu.enqueue_dma source(%arg3 : memref<16xf32, #tpu.memory_space<hbm>>) target(%arg7 : memref<16xf32, #tpu.memory_space<vmem>>) target_semaphore(%run_scoped3A : memref<!tpu.dma_semaphore, #tpu.memory_space<semaphore_mem>>)
      tpu.wait_dma2 semaphore(%run_scoped3A : memref<!tpu.dma_semaphore, #tpu.memory_space<semaphore_mem>>) src(%arg3 : memref<16xf32, #tpu.memory_space<hbm>>) dst(%arg7 : memref<16xf32, #tpu.memory_space<vmem>>)
      tpu.yield
    }) : () -> ()
    %mul3A = arith.constant 2 : i32
    %mul3A_0 = arith.muli %arg1, %mul3A : i32
    %add3A = arith.addi %mul3A_0, %arg0 : i32
    %jit3A = arith.constant 16 : i32
    %eq3A = arith.constant 0 : i32
    %eq3A_1 = arith.cmpi eq, %jit3A, %eq3A : i32
    %jit3A_2 = arith.constant 1 : i32
    %select_n3A = arith.select %eq3A_1, %jit3A_2, %jit3A : i32
    %rem3A = arith.remsi %add3A, %select_n3A : i32
    %ne3A = arith.constant 0 : i32
    %ne3A_3 = arith.cmpi ne, %rem3A, %ne3A : i32
    %lt3A = arith.constant 0 : i32
    %lt3A_4 = arith.cmpi slt, %rem3A, %lt3A : i32
    %lt3A_5 = arith.constant 0 : i32
    %lt3A_6 = arith.cmpi slt, %select_n3A, %lt3A_5 : i32
    %ne3A_7 = arith.xori %lt3A_4, %lt3A_6 : i1
    %and3A = arith.andi %ne3A_7, %ne3A_3 : i1
    %add3A_8 = arith.addi %rem3A, %select_n3A : i32
    %select_n3A_9 = arith.select %and3A, %add3A_8, %rem3A : i32
    %mul3A_10 = arith.constant 256 : i32
    %mul3A_11 = arith.muli %select_n3A_9, %mul3A_10 : i32
    %scan3A = arith.constant 0 : i32
    %scan3A_12 = arith.constant 0 : i32
    %mul3A_13 = arith.constant 256 : i32
    %mul3A_14 = arith.muli %add3A, %mul3A_13 : i32
    %mul3A_15 = arith.constant 256 : i32
    %mul3A_16 = arith.muli %scan3A_12, %mul3A_15 : i32
    %add3A_17 = arith.addi %mul3A_14, %mul3A_16 : i32
    %multiple_of3A = tpu.assume_multiple %add3A_17, 256 : i32
    %sub3A = arith.constant 64 : i32
    %sub3A_18 = arith.subi %multiple_of3A, %sub3A : i32
    %jit3A_19 = arith.constant 0 : i32
    %jit3A_20 = arith.constant 7808 : i32
    %max3A = arith.maxsi %jit3A_19, %sub3A_18 : i32
    %min3A = arith.minsi %jit3A_20, %max3A : i32
    %multiple_of3A_21 = tpu.assume_multiple %min3A, 64 : i32
    %sub3A_22 = arith.subi %multiple_of3A, %multiple_of3A_21 : i32
    "tpu.region"() ({
      %run_scoped3A = tpu.sem_alloc : memref<!tpu.dma_semaphore, #tpu.memory_space<semaphore_mem>>
      %dma_start3A = arith.constant 0 : i32
      %dma_start3A_32 = tpu.memref_slice %arg2[%multiple_of3A_21, %dma_start3A] : memref<8192x16xf32, #tpu.memory_space<hbm>> -> memref<384x16xf32, #tpu.memory_space<hbm>>
      %dma_start3A_33 = arith.constant 0 : i32
      %dma_start3A_34 = tpu.memref_slice %arg2[%multiple_of3A_21, %dma_start3A_33] : memref<8192x16xf32, #tpu.memory_space<hbm>> -> memref<384x16xf32, #tpu.memory_space<hbm>>
      tpu.enqueue_dma source(%dma_start3A_34 : memref<384x16xf32, #tpu.memory_space<hbm>>) target(%arg5 : memref<384x16xf32, #tpu.memory_space<vmem>>) target_semaphore(%run_scoped3A : memref<!tpu.dma_semaphore, #tpu.memory_space<semaphore_mem>>)
      %dma_wait3A = arith.constant 0 : i32
      %dma_wait3A_35 = tpu.memref_slice %arg2[%multiple_of3A_21, %dma_wait3A] : memref<8192x16xf32, #tpu.memory_space<hbm>> -> memref<384x16xf32, #tpu.memory_space<hbm>>
      %dma_wait3A_36 = arith.constant 0 : i32
      %dma_wait3A_37 = tpu.memref_slice %arg2[%multiple_of3A_21, %dma_wait3A_36] : memref<8192x16xf32, #tpu.memory_space<hbm>> -> memref<384x16xf32, #tpu.memory_space<hbm>>
      tpu.wait_dma2 semaphore(%run_scoped3A : memref<!tpu.dma_semaphore, #tpu.memory_space<semaphore_mem>>) src(%dma_wait3A_37 : memref<384x16xf32, #tpu.memory_space<hbm>>) dst(%arg5 : memref<384x16xf32, #tpu.memory_space<vmem>>)
      tpu.yield
    }) : () -> ()
    %scan3A_23 = arith.constant 0 : i32
    %scan3A_24 = arith.constant 0 : i32
    %scan3A_25 = arith.constant 256 : i32
    %scan3A_26 = arith.addi %scan3A_24, %scan3A_25 : i32
    %scan3A_27 = arith.constant 1 : i32
    %scan3A_28 = scf.for %scan3A_32 = %scan3A_24 to %scan3A_26 step %scan3A_27 iter_args(%scan3A_33 = %scan3A_23) -> (i32)  : i32 {
      %mul3A_34 = arith.constant 256 : i32
      %mul3A_35 = arith.muli %scan3A_12, %mul3A_34 : i32
      %add3A_36 = arith.addi %mul3A_11, %mul3A_35 : i32
      %add3A_37 = arith.addi %add3A_36, %scan3A_32 : i32
      %jit3A_38 = arith.constant 64 : i32
      %div3A = arith.divsi %add3A_37, %jit3A_38 : i32
      %sign3A = arith.constant 0 : i32
      %sign3A_39 = arith.cmpi sgt, %add3A_37, %sign3A : i32
      %sign3A_40 = arith.extui %sign3A_39 : i1 to i32
      %sign3A_41 = arith.constant 0 : i32
      %sign3A_42 = arith.cmpi slt, %add3A_37, %sign3A_41 : i32
      %sign3A_43 = arith.extui %sign3A_42 : i1 to i32
      %sign3A_44 = arith.subi %sign3A_40, %sign3A_43 : i32
      %sign3A_45 = arith.constant 0 : i32
      %sign3A_46 = arith.cmpi sgt, %jit3A_38, %sign3A_45 : i32
      %sign3A_47 = arith.extui %sign3A_46 : i1 to i32
      %sign3A_48 = arith.constant 0 : i32
      %sign3A_49 = arith.cmpi slt, %jit3A_38, %sign3A_48 : i32
      %sign3A_50 = arith.extui %sign3A_49 : i1 to i32
      %sign3A_51 = arith.subi %sign3A_47, %sign3A_50 : i32
      %ne3A_52 = arith.cmpi ne, %sign3A_44, %sign3A_51 : i32
      %rem3A_53 = arith.remsi %add3A_37, %jit3A_38 : i32
      %ne3A_54 = arith.constant 0 : i32
      %ne3A_55 = arith.cmpi ne, %rem3A_53, %ne3A_54 : i32
      %and3A_56 = arith.andi %ne3A_52, %ne3A_55 : i1
      %sub3A_57 = arith.constant 1 : i32
      %sub3A_58 = arith.subi %div3A, %sub3A_57 : i32
      %select_n3A_59 = arith.select %and3A_56, %sub3A_58, %div3A : i32
      %jit3A_60 = arith.constant 64 : i32
      %eq3A_61 = arith.constant 0 : i32
      %eq3A_62 = arith.cmpi eq, %jit3A_60, %eq3A_61 : i32
      %jit3A_63 = arith.constant 1 : i32
      %select_n3A_64 = arith.select %eq3A_62, %jit3A_63, %jit3A_60 : i32
      %rem3A_65 = arith.remsi %add3A_37, %select_n3A_64 : i32
      %ne3A_66 = arith.constant 0 : i32
      %ne3A_67 = arith.cmpi ne, %rem3A_65, %ne3A_66 : i32
      %lt3A_68 = arith.constant 0 : i32
      %lt3A_69 = arith.cmpi slt, %rem3A_65, %lt3A_68 : i32
      %lt3A_70 = arith.constant 0 : i32
      %lt3A_71 = arith.cmpi slt, %select_n3A_64, %lt3A_70 : i32
      %ne3A_72 = arith.xori %lt3A_69, %lt3A_71 : i1
      %and3A_73 = arith.andi %ne3A_72, %ne3A_67 : i1
      %add3A_74 = arith.addi %rem3A_65, %select_n3A_64 : i32
      %select_n3A_75 = arith.select %and3A_73, %add3A_74, %rem3A_65 : i32
      %gt3A = arith.constant 0 : i32
      %gt3A_76 = arith.cmpi sgt, %select_n3A_75, %gt3A : i32
      %convert_element_type3A = arith.extui %gt3A_76 : i1 to i32
      %add3A_77 = arith.constant 1 : i32
      %add3A_78 = arith.addi %add3A_77, %convert_element_type3A : i32
      %lt3A_79 = arith.constant 63 : i32
      %lt3A_80 = arith.cmpi slt, %select_n3A_75, %lt3A_79 : i32
      %convert_element_type3A_81 = arith.extui %lt3A_80 : i1 to i32
      %add3A_82 = arith.addi %add3A_78, %convert_element_type3A_81 : i32
      %gt3A_83 = arith.constant 0 : i32
      %gt3A_84 = arith.cmpi sgt, %select_n3A_59, %gt3A_83 : i32
      %convert_element_type3A_85 = arith.extui %gt3A_84 : i1 to i32
      %add3A_86 = arith.addi %add3A_82, %convert_element_type3A_85 : i32
      %lt3A_87 = arith.constant 63 : i32
      %lt3A_88 = arith.cmpi slt, %select_n3A_59, %lt3A_87 : i32
      %convert_element_type3A_89 = arith.extui %lt3A_88 : i1 to i32
      %add3A_90 = arith.addi %add3A_86, %convert_element_type3A_89 : i32
      %eq3A_91 = arith.constant 5 : i32
      %eq3A_92 = arith.cmpi eq, %add3A_90, %eq3A_91 : i32
      %eq3A_93 = arith.constant 4 : i32
      %eq3A_94 = arith.cmpi eq, %add3A_90, %eq3A_93 : i32
      %jit3A_95 = arith.constant 5.000000e-01 : f32
      %jit3A_96 = arith.constant 0.577350259 : f32
      %select_n3A_97 = arith.select %eq3A_94, %jit3A_95, %jit3A_96 : f32
      %jit3A_98 = arith.constant 0.44721359 : f32
      %select_n3A_99 = arith.select %eq3A_92, %jit3A_98, %select_n3A_97 : f32
      %mul3A_100 = arith.mulf %select_n3A_99, %select_n3A_99 : f32
      %gt3A_101 = arith.constant 0 : i32
      %gt3A_102 = arith.cmpi sgt, %select_n3A_59, %gt3A_101 : i32
      %lt3A_103 = arith.constant 63 : i32
      %lt3A_104 = arith.cmpi slt, %select_n3A_59, %lt3A_103 : i32
      %gt3A_105 = arith.constant 0 : i32
      %gt3A_106 = arith.cmpi sgt, %select_n3A_75, %gt3A_105 : i32
      %lt3A_107 = arith.constant 63 : i32
      %lt3A_108 = arith.cmpi slt, %select_n3A_75, %lt3A_107 : i32
      %sub3A_109 = arith.constant 1 : i32
      %sub3A_110 = arith.subi %select_n3A_59, %sub3A_109 : i32
      %gt3A_111 = arith.constant 0 : i32
      %gt3A_112 = arith.cmpi sgt, %select_n3A_75, %gt3A_111 : i32
      %convert_element_type3A_113 = arith.extui %gt3A_112 : i1 to i32
      %add3A_114 = arith.constant 1 : i32
      %add3A_115 = arith.addi %add3A_114, %convert_element_type3A_113 : i32
      %lt3A_116 = arith.constant 63 : i32
      %lt3A_117 = arith.cmpi slt, %select_n3A_75, %lt3A_116 : i32
      %convert_element_type3A_118 = arith.extui %lt3A_117 : i1 to i32
      %add3A_119 = arith.addi %add3A_115, %convert_element_type3A_118 : i32
      %gt3A_120 = arith.constant 0 : i32
      %gt3A_121 = arith.cmpi sgt, %sub3A_110, %gt3A_120 : i32
      %convert_element_type3A_122 = arith.extui %gt3A_121 : i1 to i32
      %add3A_123 = arith.addi %add3A_119, %convert_element_type3A_122 : i32
      %lt3A_124 = arith.constant 63 : i32
      %lt3A_125 = arith.cmpi slt, %sub3A_110, %lt3A_124 : i32
      %convert_element_type3A_126 = arith.extui %lt3A_125 : i1 to i32
      %add3A_127 = arith.addi %add3A_123, %convert_element_type3A_126 : i32
      %eq3A_128 = arith.constant 5 : i32
      %eq3A_129 = arith.cmpi eq, %add3A_127, %eq3A_128 : i32
      %eq3A_130 = arith.constant 4 : i32
      %eq3A_131 = arith.cmpi eq, %add3A_127, %eq3A_130 : i32
      %jit3A_132 = arith.constant 5.000000e-01 : f32
      %jit3A_133 = arith.constant 0.577350259 : f32
      %select_n3A_134 = arith.select %eq3A_131, %jit3A_132, %jit3A_133 : f32
      %jit3A_135 = arith.constant 0.44721359 : f32
      %select_n3A_136 = arith.select %eq3A_129, %jit3A_135, %select_n3A_134 : f32
      %mul3A_137 = arith.mulf %select_n3A_99, %select_n3A_136 : f32
      %jit3A_138 = arith.constant 0.000000e+00 : f32
      %select_n3A_139 = arith.select %gt3A_102, %mul3A_137, %jit3A_138 : f32
      %add3A_140 = arith.constant 1 : i32
      %add3A_141 = arith.addi %select_n3A_59, %add3A_140 : i32
      %gt3A_142 = arith.constant 0 : i32
      %gt3A_143 = arith.cmpi sgt, %select_n3A_75, %gt3A_142 : i32
      %convert_element_type3A_144 = arith.extui %gt3A_143 : i1 to i32
      %add3A_145 = arith.constant 1 : i32
      %add3A_146 = arith.addi %add3A_145, %convert_element_type3A_144 : i32
      %lt3A_147 = arith.constant 63 : i32
      %lt3A_148 = arith.cmpi slt, %select_n3A_75, %lt3A_147 : i32
      %convert_element_type3A_149 = arith.extui %lt3A_148 : i1 to i32
      %add3A_150 = arith.addi %add3A_146, %convert_element_type3A_149 : i32
      %gt3A_151 = arith.constant 0 : i32
      %gt3A_152 = arith.cmpi sgt, %add3A_141, %gt3A_151 : i32
      %convert_element_type3A_153 = arith.extui %gt3A_152 : i1 to i32
      %add3A_154 = arith.addi %add3A_150, %convert_element_type3A_153 : i32
      %lt3A_155 = arith.constant 63 : i32
      %lt3A_156 = arith.cmpi slt, %add3A_141, %lt3A_155 : i32
      %convert_element_type3A_157 = arith.extui %lt3A_156 : i1 to i32
      %add3A_158 = arith.addi %add3A_154, %convert_element_type3A_157 : i32
      %eq3A_159 = arith.constant 5 : i32
      %eq3A_160 = arith.cmpi eq, %add3A_158, %eq3A_159 : i32
      %eq3A_161 = arith.constant 4 : i32
      %eq3A_162 = arith.cmpi eq, %add3A_158, %eq3A_161 : i32
      %jit3A_163 = arith.constant 5.000000e-01 : f32
      %jit3A_164 = arith.constant 0.577350259 : f32
      %select_n3A_165 = arith.select %eq3A_162, %jit3A_163, %jit3A_164 : f32
      %jit3A_166 = arith.constant 0.44721359 : f32
      %select_n3A_167 = arith.select %eq3A_160, %jit3A_166, %select_n3A_165 : f32
      %mul3A_168 = arith.mulf %select_n3A_99, %select_n3A_167 : f32
      %jit3A_169 = arith.constant 0.000000e+00 : f32
      %select_n3A_170 = arith.select %lt3A_104, %mul3A_168, %jit3A_169 : f32
      %sub3A_171 = arith.constant 1 : i32
      %sub3A_172 = arith.subi %select_n3A_75, %sub3A_171 : i32
      %gt3A_173 = arith.constant 0 : i32
      %gt3A_174 = arith.cmpi sgt, %sub3A_172, %gt3A_173 : i32
      %convert_element_type3A_175 = arith.extui %gt3A_174 : i1 to i32
      %add3A_176 = arith.constant 1 : i32
      %add3A_177 = arith.addi %add3A_176, %convert_element_type3A_175 : i32
      %lt3A_178 = arith.constant 63 : i32
      %lt3A_179 = arith.cmpi slt, %sub3A_172, %lt3A_178 : i32
      %convert_element_type3A_180 = arith.extui %lt3A_179 : i1 to i32
      %add3A_181 = arith.addi %add3A_177, %convert_element_type3A_180 : i32
      %gt3A_182 = arith.constant 0 : i32
      %gt3A_183 = arith.cmpi sgt, %select_n3A_59, %gt3A_182 : i32
      %convert_element_type3A_184 = arith.extui %gt3A_183 : i1 to i32
      %add3A_185 = arith.addi %add3A_181, %convert_element_type3A_184 : i32
      %lt3A_186 = arith.constant 63 : i32
      %lt3A_187 = arith.cmpi slt, %select_n3A_59, %lt3A_186 : i32
      %convert_element_type3A_188 = arith.extui %lt3A_187 : i1 to i32
      %add3A_189 = arith.addi %add3A_185, %convert_element_type3A_188 : i32
      %eq3A_190 = arith.constant 5 : i32
      %eq3A_191 = arith.cmpi eq, %add3A_189, %eq3A_190 : i32
      %eq3A_192 = arith.constant 4 : i32
      %eq3A_193 = arith.cmpi eq, %add3A_189, %eq3A_192 : i32
      %jit3A_194 = arith.constant 5.000000e-01 : f32
      %jit3A_195 = arith.constant 0.577350259 : f32
      %select_n3A_196 = arith.select %eq3A_193, %jit3A_194, %jit3A_195 : f32
      %jit3A_197 = arith.constant 0.44721359 : f32
      %select_n3A_198 = arith.select %eq3A_191, %jit3A_197, %select_n3A_196 : f32
      %mul3A_199 = arith.mulf %select_n3A_99, %select_n3A_198 : f32
      %jit3A_200 = arith.constant 0.000000e+00 : f32
      %select_n3A_201 = arith.select %gt3A_106, %mul3A_199, %jit3A_200 : f32
      %add3A_202 = arith.constant 1 : i32
      %add3A_203 = arith.addi %select_n3A_75, %add3A_202 : i32
      %gt3A_204 = arith.constant 0 : i32
      %gt3A_205 = arith.cmpi sgt, %add3A_203, %gt3A_204 : i32
      %convert_element_type3A_206 = arith.extui %gt3A_205 : i1 to i32
      %add3A_207 = arith.constant 1 : i32
      %add3A_208 = arith.addi %add3A_207, %convert_element_type3A_206 : i32
      %lt3A_209 = arith.constant 63 : i32
      %lt3A_210 = arith.cmpi slt, %add3A_203, %lt3A_209 : i32
      %convert_element_type3A_211 = arith.extui %lt3A_210 : i1 to i32
      %add3A_212 = arith.addi %add3A_208, %convert_element_type3A_211 : i32
      %gt3A_213 = arith.constant 0 : i32
      %gt3A_214 = arith.cmpi sgt, %select_n3A_59, %gt3A_213 : i32
      %convert_element_type3A_215 = arith.extui %gt3A_214 : i1 to i32
      %add3A_216 = arith.addi %add3A_212, %convert_element_type3A_215 : i32
      %lt3A_217 = arith.constant 63 : i32
      %lt3A_218 = arith.cmpi slt, %select_n3A_59, %lt3A_217 : i32
      %convert_element_type3A_219 = arith.extui %lt3A_218 : i1 to i32
      %add3A_220 = arith.addi %add3A_216, %convert_element_type3A_219 : i32
      %eq3A_221 = arith.constant 5 : i32
      %eq3A_222 = arith.cmpi eq, %add3A_220, %eq3A_221 : i32
      %eq3A_223 = arith.constant 4 : i32
      %eq3A_224 = arith.cmpi eq, %add3A_220, %eq3A_223 : i32
      %jit3A_225 = arith.constant 5.000000e-01 : f32
      %jit3A_226 = arith.constant 0.577350259 : f32
      %select_n3A_227 = arith.select %eq3A_224, %jit3A_225, %jit3A_226 : f32
      %jit3A_228 = arith.constant 0.44721359 : f32
      %select_n3A_229 = arith.select %eq3A_222, %jit3A_228, %select_n3A_227 : f32
      %mul3A_230 = arith.mulf %select_n3A_99, %select_n3A_229 : f32
      %jit3A_231 = arith.constant 0.000000e+00 : f32
      %select_n3A_232 = arith.select %lt3A_108, %mul3A_230, %jit3A_231 : f32
      %jit3A_233 = arith.constant -64 : i32
      %jit3A_234 = arith.constant 0 : i32
      %select_n3A_235 = arith.select %gt3A_102, %jit3A_233, %jit3A_234 : i32
      %jit3A_236 = arith.constant 64 : i32
      %jit3A_237 = arith.constant 0 : i32
      %select_n3A_238 = arith.select %lt3A_104, %jit3A_236, %jit3A_237 : i32
      %jit3A_239 = arith.constant -1 : i32
      %jit3A_240 = arith.constant 0 : i32
      %select_n3A_241 = arith.select %gt3A_106, %jit3A_239, %jit3A_240 : i32
      %jit3A_242 = arith.constant 1 : i32
      %jit3A_243 = arith.constant 0 : i32
      %select_n3A_244 = arith.select %lt3A_108, %jit3A_242, %jit3A_243 : i32
      %add3A_245 = arith.addi %sub3A_22, %scan3A_32 : i32
      %get3A = arith.index_cast %add3A_245 : i32 to index
      %get3A_246 = arith.constant 0 : index
      %get3A_247 = tpu.vector_load %arg5[%get3A, %get3A_246] {strides = array<i32>} : memref<384x16xf32, #tpu.memory_space<vmem>>, vector<1x16xf32>,
      %get3A_248 = vector.shape_cast %get3A_247 : vector<1x16xf32> to vector<16xf32>
      %mul3A_249 = vector.broadcast %mul3A_100 : f32 to vector<16xf32>
      %mul3A_250 = arith.mulf %mul3A_249, %get3A_248 : vector<16xf32>
      %add3A_251 = arith.addi %add3A_245, %select_n3A_235 : i32
      %get3A_252 = arith.index_cast %add3A_251 : i32 to index
      %get3A_253 = arith.constant 0 : index
      %get3A_254 = tpu.vector_load %arg5[%get3A_252, %get3A_253] {strides = array<i32>} : memref<384x16xf32, #tpu.memory_space<vmem>>, vector<1x16xf32>,
      %get3A_255 = vector.shape_cast %get3A_254 : vector<1x16xf32> to vector<16xf32>
      %mul3A_256 = vector.broadcast %select_n3A_139 : f32 to vector<16xf32>
      %mul3A_257 = arith.mulf %mul3A_256, %get3A_255 : vector<16xf32>
      %add3A_258 = arith.addf %mul3A_250, %mul3A_257 : vector<16xf32>
      %add3A_259 = arith.addi %add3A_245, %select_n3A_238 : i32
      %get3A_260 = arith.index_cast %add3A_259 : i32 to index
      %get3A_261 = arith.constant 0 : index
      %get3A_262 = tpu.vector_load %arg5[%get3A_260, %get3A_261] {strides = array<i32>} : memref<384x16xf32, #tpu.memory_space<vmem>>, vector<1x16xf32>,
      %get3A_263 = vector.shape_cast %get3A_262 : vector<1x16xf32> to vector<16xf32>
      %mul3A_264 = vector.broadcast %select_n3A_170 : f32 to vector<16xf32>
      %mul3A_265 = arith.mulf %mul3A_264, %get3A_263 : vector<16xf32>
      %add3A_266 = arith.addf %add3A_258, %mul3A_265 : vector<16xf32>
      %add3A_267 = arith.addi %add3A_245, %select_n3A_241 : i32
      %get3A_268 = arith.index_cast %add3A_267 : i32 to index
      %get3A_269 = arith.constant 0 : index
      %get3A_270 = tpu.vector_load %arg5[%get3A_268, %get3A_269] {strides = array<i32>} : memref<384x16xf32, #tpu.memory_space<vmem>>, vector<1x16xf32>,
      %get3A_271 = vector.shape_cast %get3A_270 : vector<1x16xf32> to vector<16xf32>
      %mul3A_272 = vector.broadcast %select_n3A_201 : f32 to vector<16xf32>
      %mul3A_273 = arith.mulf %mul3A_272, %get3A_271 : vector<16xf32>
      %add3A_274 = arith.addf %add3A_266, %mul3A_273 : vector<16xf32>
      %add3A_275 = arith.addi %add3A_245, %select_n3A_244 : i32
      %get3A_276 = arith.index_cast %add3A_275 : i32 to index
      %get3A_277 = arith.constant 0 : index
      %get3A_278 = tpu.vector_load %arg5[%get3A_276, %get3A_277] {strides = array<i32>} : memref<384x16xf32, #tpu.memory_space<vmem>>, vector<1x16xf32>,
      %get3A_279 = vector.shape_cast %get3A_278 : vector<1x16xf32> to vector<16xf32>
      %mul3A_280 = vector.broadcast %select_n3A_232 : f32 to vector<16xf32>
      %mul3A_281 = arith.mulf %mul3A_280, %get3A_279 : vector<16xf32>
      %add3A_282 = arith.addf %add3A_274, %mul3A_281 : vector<16xf32>
      %get3A_283 = arith.constant 0 : index
      %get3A_284 = tpu.vector_load %arg7[%get3A_283] {strides = array<i32>} : memref<16xf32, #tpu.memory_space<vmem>>, vector<16xf32>,
      %get3A_285 = vector.shape_cast %get3A_284 : vector<16xf32> to vector<16xf32>
      %add3A_286 = arith.addf %add3A_282, %get3A_285 : vector<16xf32>
      %swap3A = arith.index_cast %scan3A_32 : i32 to index
      %swap3A_287 = arith.constant 0 : index
      %swap3A_288 = tpu.vector_load %arg6[%swap3A, %swap3A_287] {strides = array<i32>} : memref<256x16xf32, #tpu.memory_space<vmem>>, vector<1x16xf32>,
      %swap3A_289 = vector.shape_cast %swap3A_288 : vector<1x16xf32> to vector<16xf32>
      %swap3A_290 = vector.shape_cast %add3A_286 : vector<16xf32> to vector<1x16xf32>
      tpu.vector_store %arg6[%swap3A, %swap3A_287], %swap3A_290 {strides = array<i32>} : memref<256x16xf32, #tpu.memory_space<vmem>>, vector<1x16xf32>,
      %scan3A_291 = arith.constant 0 : i32
      scf.yield %scan3A_291 : i32
    }
    %scan3A_29 = arith.constant 256 : i32
    "tpu.region"() ({
      %run_scoped3A = tpu.sem_alloc : memref<!tpu.dma_semaphore, #tpu.memory_space<semaphore_mem>>
      %dma_start3A = arith.constant 0 : i32
      %dma_start3A_32 = tpu.memref_slice %arg4[%multiple_of3A, %dma_start3A] : memref<8192x16xf32, #tpu.memory_space<hbm>> -> memref<256x16xf32, #tpu.memory_space<hbm>>
      %dma_start3A_33 = arith.constant 0 : i32
      %dma_start3A_34 = tpu.memref_slice %arg4[%multiple_of3A, %dma_start3A_33] : memref<8192x16xf32, #tpu.memory_space<hbm>> -> memref<256x16xf32, #tpu.memory_space<hbm>>
      tpu.enqueue_dma source(%arg6 : memref<256x16xf32, #tpu.memory_space<vmem>>) target(%dma_start3A_34 : memref<256x16xf32, #tpu.memory_space<hbm>>) target_semaphore(%run_scoped3A : memref<!tpu.dma_semaphore, #tpu.memory_space<semaphore_mem>>)
      %dma_wait3A = arith.constant 0 : i32
      %dma_wait3A_35 = tpu.memref_slice %arg4[%multiple_of3A, %dma_wait3A] : memref<8192x16xf32, #tpu.memory_space<hbm>> -> memref<256x16xf32, #tpu.memory_space<hbm>>
      %dma_wait3A_36 = arith.constant 0 : i32
      %dma_wait3A_37 = tpu.memref_slice %arg4[%multiple_of3A, %dma_wait3A_36] : memref<8192x16xf32, #tpu.memory_space<hbm>> -> memref<256x16xf32, #tpu.memory_space<hbm>>
      tpu.wait_dma2 semaphore(%run_scoped3A : memref<!tpu.dma_semaphore, #tpu.memory_space<semaphore_mem>>) src(%arg6 : memref<256x16xf32, #tpu.memory_space<vmem>>) dst(%dma_wait3A_37 : memref<256x16xf32, #tpu.memory_space<hbm>>)
      tpu.yield
    }) : () -> ()
    %scan3A_30 = arith.constant 0 : i32
    %scan3A_31 = arith.constant 1 : i32
    return
  }
}

#map = affine_map<(d0, d1) -> (0, 0)>
module attributes {stable_mosaic.version = 14 : i64} {
  func.func @sc_agg(%arg0: i32, %arg1: i32, %arg2: memref<8192x128xf32, #tpu.memory_space<hbm>>, %arg3: memref<8192x128xf32, #tpu.memory_space<hbm>>, %arg4: memref<384x128xf32, #tpu.memory_space<vmem>>, %arg5: memref<256x128xf32, #tpu.memory_space<vmem>>) attributes {dimension_semantics = [#tpu.dimension_semantics<core_parallel>, #tpu.dimension_semantics<subcore_parallel>], iteration_bounds = array<i64: 2, 16>, scalar_prefetch = 0 : i64, scratch_operands = 2 : i64, tpu.core_type = #tpu.core_type<sc_vector_subcore>, window_params = [{transform_indices = #map}, {transform_indices = #map}]} {
    %mul3A = arith.constant 2 : i32
    %mul3A_0 = arith.muli %arg1, %mul3A : i32
    %add3A = arith.addi %mul3A_0, %arg0 : i32
    %jit3A = arith.constant 16 : i32
    %eq3A = arith.constant 0 : i32
    %eq3A_1 = arith.cmpi eq, %jit3A, %eq3A : i32
    %jit3A_2 = arith.constant 1 : i32
    %select_n3A = arith.select %eq3A_1, %jit3A_2, %jit3A : i32
    %rem3A = arith.remsi %add3A, %select_n3A : i32
    %ne3A = arith.constant 0 : i32
    %ne3A_3 = arith.cmpi ne, %rem3A, %ne3A : i32
    %lt3A = arith.constant 0 : i32
    %lt3A_4 = arith.cmpi slt, %rem3A, %lt3A : i32
    %lt3A_5 = arith.constant 0 : i32
    %lt3A_6 = arith.cmpi slt, %select_n3A, %lt3A_5 : i32
    %ne3A_7 = arith.xori %lt3A_4, %lt3A_6 : i1
    %and3A = arith.andi %ne3A_7, %ne3A_3 : i1
    %add3A_8 = arith.addi %rem3A, %select_n3A : i32
    %select_n3A_9 = arith.select %and3A, %add3A_8, %rem3A : i32
    %mul3A_10 = arith.constant 256 : i32
    %mul3A_11 = arith.muli %select_n3A_9, %mul3A_10 : i32
    %scan3A = arith.constant 0 : i32
    %scan3A_12 = arith.constant 0 : i32
    %mul3A_13 = arith.constant 256 : i32
    %mul3A_14 = arith.muli %add3A, %mul3A_13 : i32
    %mul3A_15 = arith.constant 256 : i32
    %mul3A_16 = arith.muli %scan3A_12, %mul3A_15 : i32
    %add3A_17 = arith.addi %mul3A_14, %mul3A_16 : i32
    %multiple_of3A = tpu.assume_multiple %add3A_17, 256 : i32
    %sub3A = arith.constant 64 : i32
    %sub3A_18 = arith.subi %multiple_of3A, %sub3A : i32
    %jit3A_19 = arith.constant 0 : i32
    %jit3A_20 = arith.constant 7808 : i32
    %max3A = arith.maxsi %jit3A_19, %sub3A_18 : i32
    %min3A = arith.minsi %jit3A_20, %max3A : i32
    %multiple_of3A_21 = tpu.assume_multiple %min3A, 64 : i32
    %sub3A_22 = arith.subi %multiple_of3A, %multiple_of3A_21 : i32
    "tpu.region"() ({
      %run_scoped3A = tpu.sem_alloc : memref<!tpu.dma_semaphore, #tpu.memory_space<semaphore_mem>>
      %dma_start3A = arith.constant 0 : i32
      %dma_start3A_32 = tpu.memref_slice %arg2[%multiple_of3A_21, %dma_start3A] : memref<8192x128xf32, #tpu.memory_space<hbm>> -> memref<384x128xf32, #tpu.memory_space<hbm>>
      %dma_start3A_33 = arith.constant 0 : i32
      %dma_start3A_34 = tpu.memref_slice %arg2[%multiple_of3A_21, %dma_start3A_33] : memref<8192x128xf32, #tpu.memory_space<hbm>> -> memref<384x128xf32, #tpu.memory_space<hbm>>
      tpu.enqueue_dma source(%dma_start3A_34 : memref<384x128xf32, #tpu.memory_space<hbm>>) target(%arg4 : memref<384x128xf32, #tpu.memory_space<vmem>>) target_semaphore(%run_scoped3A : memref<!tpu.dma_semaphore, #tpu.memory_space<semaphore_mem>>)
      %dma_wait3A = arith.constant 0 : i32
      %dma_wait3A_35 = tpu.memref_slice %arg2[%multiple_of3A_21, %dma_wait3A] : memref<8192x128xf32, #tpu.memory_space<hbm>> -> memref<384x128xf32, #tpu.memory_space<hbm>>
      %dma_wait3A_36 = arith.constant 0 : i32
      %dma_wait3A_37 = tpu.memref_slice %arg2[%multiple_of3A_21, %dma_wait3A_36] : memref<8192x128xf32, #tpu.memory_space<hbm>> -> memref<384x128xf32, #tpu.memory_space<hbm>>
      tpu.wait_dma2 semaphore(%run_scoped3A : memref<!tpu.dma_semaphore, #tpu.memory_space<semaphore_mem>>) src(%dma_wait3A_37 : memref<384x128xf32, #tpu.memory_space<hbm>>) dst(%arg4 : memref<384x128xf32, #tpu.memory_space<vmem>>)
      tpu.yield
    }) : () -> ()
    %scan3A_23 = arith.constant 0 : i32
    %scan3A_24 = arith.constant 0 : i32
    %scan3A_25 = arith.constant 256 : i32
    %scan3A_26 = arith.addi %scan3A_24, %scan3A_25 : i32
    %scan3A_27 = arith.constant 1 : i32
    %scan3A_28 = scf.for %scan3A_32 = %scan3A_24 to %scan3A_26 step %scan3A_27 iter_args(%scan3A_33 = %scan3A_23) -> (i32)  : i32 {
      %mul3A_34 = arith.constant 256 : i32
      %mul3A_35 = arith.muli %scan3A_12, %mul3A_34 : i32
      %add3A_36 = arith.addi %mul3A_11, %mul3A_35 : i32
      %add3A_37 = arith.addi %add3A_36, %scan3A_32 : i32
      %jit3A_38 = arith.constant 64 : i32
      %div3A = arith.divsi %add3A_37, %jit3A_38 : i32
      %sign3A = arith.constant 0 : i32
      %sign3A_39 = arith.cmpi sgt, %add3A_37, %sign3A : i32
      %sign3A_40 = arith.extui %sign3A_39 : i1 to i32
      %sign3A_41 = arith.constant 0 : i32
      %sign3A_42 = arith.cmpi slt, %add3A_37, %sign3A_41 : i32
      %sign3A_43 = arith.extui %sign3A_42 : i1 to i32
      %sign3A_44 = arith.subi %sign3A_40, %sign3A_43 : i32
      %sign3A_45 = arith.constant 0 : i32
      %sign3A_46 = arith.cmpi sgt, %jit3A_38, %sign3A_45 : i32
      %sign3A_47 = arith.extui %sign3A_46 : i1 to i32
      %sign3A_48 = arith.constant 0 : i32
      %sign3A_49 = arith.cmpi slt, %jit3A_38, %sign3A_48 : i32
      %sign3A_50 = arith.extui %sign3A_49 : i1 to i32
      %sign3A_51 = arith.subi %sign3A_47, %sign3A_50 : i32
      %ne3A_52 = arith.cmpi ne, %sign3A_44, %sign3A_51 : i32
      %rem3A_53 = arith.remsi %add3A_37, %jit3A_38 : i32
      %ne3A_54 = arith.constant 0 : i32
      %ne3A_55 = arith.cmpi ne, %rem3A_53, %ne3A_54 : i32
      %and3A_56 = arith.andi %ne3A_52, %ne3A_55 : i1
      %sub3A_57 = arith.constant 1 : i32
      %sub3A_58 = arith.subi %div3A, %sub3A_57 : i32
      %select_n3A_59 = arith.select %and3A_56, %sub3A_58, %div3A : i32
      %jit3A_60 = arith.constant 64 : i32
      %eq3A_61 = arith.constant 0 : i32
      %eq3A_62 = arith.cmpi eq, %jit3A_60, %eq3A_61 : i32
      %jit3A_63 = arith.constant 1 : i32
      %select_n3A_64 = arith.select %eq3A_62, %jit3A_63, %jit3A_60 : i32
      %rem3A_65 = arith.remsi %add3A_37, %select_n3A_64 : i32
      %ne3A_66 = arith.constant 0 : i32
      %ne3A_67 = arith.cmpi ne, %rem3A_65, %ne3A_66 : i32
      %lt3A_68 = arith.constant 0 : i32
      %lt3A_69 = arith.cmpi slt, %rem3A_65, %lt3A_68 : i32
      %lt3A_70 = arith.constant 0 : i32
      %lt3A_71 = arith.cmpi slt, %select_n3A_64, %lt3A_70 : i32
      %ne3A_72 = arith.xori %lt3A_69, %lt3A_71 : i1
      %and3A_73 = arith.andi %ne3A_72, %ne3A_67 : i1
      %add3A_74 = arith.addi %rem3A_65, %select_n3A_64 : i32
      %select_n3A_75 = arith.select %and3A_73, %add3A_74, %rem3A_65 : i32
      %gt3A = arith.constant 0 : i32
      %gt3A_76 = arith.cmpi sgt, %select_n3A_75, %gt3A : i32
      %convert_element_type3A = arith.extui %gt3A_76 : i1 to i32
      %add3A_77 = arith.constant 1 : i32
      %add3A_78 = arith.addi %add3A_77, %convert_element_type3A : i32
      %lt3A_79 = arith.constant 63 : i32
      %lt3A_80 = arith.cmpi slt, %select_n3A_75, %lt3A_79 : i32
      %convert_element_type3A_81 = arith.extui %lt3A_80 : i1 to i32
      %add3A_82 = arith.addi %add3A_78, %convert_element_type3A_81 : i32
      %gt3A_83 = arith.constant 0 : i32
      %gt3A_84 = arith.cmpi sgt, %select_n3A_59, %gt3A_83 : i32
      %convert_element_type3A_85 = arith.extui %gt3A_84 : i1 to i32
      %add3A_86 = arith.addi %add3A_82, %convert_element_type3A_85 : i32
      %lt3A_87 = arith.constant 63 : i32
      %lt3A_88 = arith.cmpi slt, %select_n3A_59, %lt3A_87 : i32
      %convert_element_type3A_89 = arith.extui %lt3A_88 : i1 to i32
      %add3A_90 = arith.addi %add3A_86, %convert_element_type3A_89 : i32
      %eq3A_91 = arith.constant 5 : i32
      %eq3A_92 = arith.cmpi eq, %add3A_90, %eq3A_91 : i32
      %eq3A_93 = arith.constant 4 : i32
      %eq3A_94 = arith.cmpi eq, %add3A_90, %eq3A_93 : i32
      %jit3A_95 = arith.constant 5.000000e-01 : f32
      %jit3A_96 = arith.constant 0.577350259 : f32
      %select_n3A_97 = arith.select %eq3A_94, %jit3A_95, %jit3A_96 : f32
      %jit3A_98 = arith.constant 0.44721359 : f32
      %select_n3A_99 = arith.select %eq3A_92, %jit3A_98, %select_n3A_97 : f32
      %mul3A_100 = arith.mulf %select_n3A_99, %select_n3A_99 : f32
      %gt3A_101 = arith.constant 0 : i32
      %gt3A_102 = arith.cmpi sgt, %select_n3A_59, %gt3A_101 : i32
      %lt3A_103 = arith.constant 63 : i32
      %lt3A_104 = arith.cmpi slt, %select_n3A_59, %lt3A_103 : i32
      %gt3A_105 = arith.constant 0 : i32
      %gt3A_106 = arith.cmpi sgt, %select_n3A_75, %gt3A_105 : i32
      %lt3A_107 = arith.constant 63 : i32
      %lt3A_108 = arith.cmpi slt, %select_n3A_75, %lt3A_107 : i32
      %sub3A_109 = arith.constant 1 : i32
      %sub3A_110 = arith.subi %select_n3A_59, %sub3A_109 : i32
      %gt3A_111 = arith.constant 0 : i32
      %gt3A_112 = arith.cmpi sgt, %select_n3A_75, %gt3A_111 : i32
      %convert_element_type3A_113 = arith.extui %gt3A_112 : i1 to i32
      %add3A_114 = arith.constant 1 : i32
      %add3A_115 = arith.addi %add3A_114, %convert_element_type3A_113 : i32
      %lt3A_116 = arith.constant 63 : i32
      %lt3A_117 = arith.cmpi slt, %select_n3A_75, %lt3A_116 : i32
      %convert_element_type3A_118 = arith.extui %lt3A_117 : i1 to i32
      %add3A_119 = arith.addi %add3A_115, %convert_element_type3A_118 : i32
      %gt3A_120 = arith.constant 0 : i32
      %gt3A_121 = arith.cmpi sgt, %sub3A_110, %gt3A_120 : i32
      %convert_element_type3A_122 = arith.extui %gt3A_121 : i1 to i32
      %add3A_123 = arith.addi %add3A_119, %convert_element_type3A_122 : i32
      %lt3A_124 = arith.constant 63 : i32
      %lt3A_125 = arith.cmpi slt, %sub3A_110, %lt3A_124 : i32
      %convert_element_type3A_126 = arith.extui %lt3A_125 : i1 to i32
      %add3A_127 = arith.addi %add3A_123, %convert_element_type3A_126 : i32
      %eq3A_128 = arith.constant 5 : i32
      %eq3A_129 = arith.cmpi eq, %add3A_127, %eq3A_128 : i32
      %eq3A_130 = arith.constant 4 : i32
      %eq3A_131 = arith.cmpi eq, %add3A_127, %eq3A_130 : i32
      %jit3A_132 = arith.constant 5.000000e-01 : f32
      %jit3A_133 = arith.constant 0.577350259 : f32
      %select_n3A_134 = arith.select %eq3A_131, %jit3A_132, %jit3A_133 : f32
      %jit3A_135 = arith.constant 0.44721359 : f32
      %select_n3A_136 = arith.select %eq3A_129, %jit3A_135, %select_n3A_134 : f32
      %mul3A_137 = arith.mulf %select_n3A_99, %select_n3A_136 : f32
      %jit3A_138 = arith.constant 0.000000e+00 : f32
      %select_n3A_139 = arith.select %gt3A_102, %mul3A_137, %jit3A_138 : f32
      %add3A_140 = arith.constant 1 : i32
      %add3A_141 = arith.addi %select_n3A_59, %add3A_140 : i32
      %gt3A_142 = arith.constant 0 : i32
      %gt3A_143 = arith.cmpi sgt, %select_n3A_75, %gt3A_142 : i32
      %convert_element_type3A_144 = arith.extui %gt3A_143 : i1 to i32
      %add3A_145 = arith.constant 1 : i32
      %add3A_146 = arith.addi %add3A_145, %convert_element_type3A_144 : i32
      %lt3A_147 = arith.constant 63 : i32
      %lt3A_148 = arith.cmpi slt, %select_n3A_75, %lt3A_147 : i32
      %convert_element_type3A_149 = arith.extui %lt3A_148 : i1 to i32
      %add3A_150 = arith.addi %add3A_146, %convert_element_type3A_149 : i32
      %gt3A_151 = arith.constant 0 : i32
      %gt3A_152 = arith.cmpi sgt, %add3A_141, %gt3A_151 : i32
      %convert_element_type3A_153 = arith.extui %gt3A_152 : i1 to i32
      %add3A_154 = arith.addi %add3A_150, %convert_element_type3A_153 : i32
      %lt3A_155 = arith.constant 63 : i32
      %lt3A_156 = arith.cmpi slt, %add3A_141, %lt3A_155 : i32
      %convert_element_type3A_157 = arith.extui %lt3A_156 : i1 to i32
      %add3A_158 = arith.addi %add3A_154, %convert_element_type3A_157 : i32
      %eq3A_159 = arith.constant 5 : i32
      %eq3A_160 = arith.cmpi eq, %add3A_158, %eq3A_159 : i32
      %eq3A_161 = arith.constant 4 : i32
      %eq3A_162 = arith.cmpi eq, %add3A_158, %eq3A_161 : i32
      %jit3A_163 = arith.constant 5.000000e-01 : f32
      %jit3A_164 = arith.constant 0.577350259 : f32
      %select_n3A_165 = arith.select %eq3A_162, %jit3A_163, %jit3A_164 : f32
      %jit3A_166 = arith.constant 0.44721359 : f32
      %select_n3A_167 = arith.select %eq3A_160, %jit3A_166, %select_n3A_165 : f32
      %mul3A_168 = arith.mulf %select_n3A_99, %select_n3A_167 : f32
      %jit3A_169 = arith.constant 0.000000e+00 : f32
      %select_n3A_170 = arith.select %lt3A_104, %mul3A_168, %jit3A_169 : f32
      %sub3A_171 = arith.constant 1 : i32
      %sub3A_172 = arith.subi %select_n3A_75, %sub3A_171 : i32
      %gt3A_173 = arith.constant 0 : i32
      %gt3A_174 = arith.cmpi sgt, %sub3A_172, %gt3A_173 : i32
      %convert_element_type3A_175 = arith.extui %gt3A_174 : i1 to i32
      %add3A_176 = arith.constant 1 : i32
      %add3A_177 = arith.addi %add3A_176, %convert_element_type3A_175 : i32
      %lt3A_178 = arith.constant 63 : i32
      %lt3A_179 = arith.cmpi slt, %sub3A_172, %lt3A_178 : i32
      %convert_element_type3A_180 = arith.extui %lt3A_179 : i1 to i32
      %add3A_181 = arith.addi %add3A_177, %convert_element_type3A_180 : i32
      %gt3A_182 = arith.constant 0 : i32
      %gt3A_183 = arith.cmpi sgt, %select_n3A_59, %gt3A_182 : i32
      %convert_element_type3A_184 = arith.extui %gt3A_183 : i1 to i32
      %add3A_185 = arith.addi %add3A_181, %convert_element_type3A_184 : i32
      %lt3A_186 = arith.constant 63 : i32
      %lt3A_187 = arith.cmpi slt, %select_n3A_59, %lt3A_186 : i32
      %convert_element_type3A_188 = arith.extui %lt3A_187 : i1 to i32
      %add3A_189 = arith.addi %add3A_185, %convert_element_type3A_188 : i32
      %eq3A_190 = arith.constant 5 : i32
      %eq3A_191 = arith.cmpi eq, %add3A_189, %eq3A_190 : i32
      %eq3A_192 = arith.constant 4 : i32
      %eq3A_193 = arith.cmpi eq, %add3A_189, %eq3A_192 : i32
      %jit3A_194 = arith.constant 5.000000e-01 : f32
      %jit3A_195 = arith.constant 0.577350259 : f32
      %select_n3A_196 = arith.select %eq3A_193, %jit3A_194, %jit3A_195 : f32
      %jit3A_197 = arith.constant 0.44721359 : f32
      %select_n3A_198 = arith.select %eq3A_191, %jit3A_197, %select_n3A_196 : f32
      %mul3A_199 = arith.mulf %select_n3A_99, %select_n3A_198 : f32
      %jit3A_200 = arith.constant 0.000000e+00 : f32
      %select_n3A_201 = arith.select %gt3A_106, %mul3A_199, %jit3A_200 : f32
      %add3A_202 = arith.constant 1 : i32
      %add3A_203 = arith.addi %select_n3A_75, %add3A_202 : i32
      %gt3A_204 = arith.constant 0 : i32
      %gt3A_205 = arith.cmpi sgt, %add3A_203, %gt3A_204 : i32
      %convert_element_type3A_206 = arith.extui %gt3A_205 : i1 to i32
      %add3A_207 = arith.constant 1 : i32
      %add3A_208 = arith.addi %add3A_207, %convert_element_type3A_206 : i32
      %lt3A_209 = arith.constant 63 : i32
      %lt3A_210 = arith.cmpi slt, %add3A_203, %lt3A_209 : i32
      %convert_element_type3A_211 = arith.extui %lt3A_210 : i1 to i32
      %add3A_212 = arith.addi %add3A_208, %convert_element_type3A_211 : i32
      %gt3A_213 = arith.constant 0 : i32
      %gt3A_214 = arith.cmpi sgt, %select_n3A_59, %gt3A_213 : i32
      %convert_element_type3A_215 = arith.extui %gt3A_214 : i1 to i32
      %add3A_216 = arith.addi %add3A_212, %convert_element_type3A_215 : i32
      %lt3A_217 = arith.constant 63 : i32
      %lt3A_218 = arith.cmpi slt, %select_n3A_59, %lt3A_217 : i32
      %convert_element_type3A_219 = arith.extui %lt3A_218 : i1 to i32
      %add3A_220 = arith.addi %add3A_216, %convert_element_type3A_219 : i32
      %eq3A_221 = arith.constant 5 : i32
      %eq3A_222 = arith.cmpi eq, %add3A_220, %eq3A_221 : i32
      %eq3A_223 = arith.constant 4 : i32
      %eq3A_224 = arith.cmpi eq, %add3A_220, %eq3A_223 : i32
      %jit3A_225 = arith.constant 5.000000e-01 : f32
      %jit3A_226 = arith.constant 0.577350259 : f32
      %select_n3A_227 = arith.select %eq3A_224, %jit3A_225, %jit3A_226 : f32
      %jit3A_228 = arith.constant 0.44721359 : f32
      %select_n3A_229 = arith.select %eq3A_222, %jit3A_228, %select_n3A_227 : f32
      %mul3A_230 = arith.mulf %select_n3A_99, %select_n3A_229 : f32
      %jit3A_231 = arith.constant 0.000000e+00 : f32
      %select_n3A_232 = arith.select %lt3A_108, %mul3A_230, %jit3A_231 : f32
      %jit3A_233 = arith.constant -64 : i32
      %jit3A_234 = arith.constant 0 : i32
      %select_n3A_235 = arith.select %gt3A_102, %jit3A_233, %jit3A_234 : i32
      %jit3A_236 = arith.constant 64 : i32
      %jit3A_237 = arith.constant 0 : i32
      %select_n3A_238 = arith.select %lt3A_104, %jit3A_236, %jit3A_237 : i32
      %jit3A_239 = arith.constant -1 : i32
      %jit3A_240 = arith.constant 0 : i32
      %select_n3A_241 = arith.select %gt3A_106, %jit3A_239, %jit3A_240 : i32
      %jit3A_242 = arith.constant 1 : i32
      %jit3A_243 = arith.constant 0 : i32
      %select_n3A_244 = arith.select %lt3A_108, %jit3A_242, %jit3A_243 : i32
      %add3A_245 = arith.addi %sub3A_22, %scan3A_32 : i32
      %get3A = arith.index_cast %add3A_245 : i32 to index
      %get3A_246 = arith.constant 0 : index
      %get3A_247 = tpu.vector_load %arg4[%get3A, %get3A_246] {strides = array<i32>} : memref<384x128xf32, #tpu.memory_space<vmem>>, vector<1x16xf32>,
      %get3A_248 = vector.shape_cast %get3A_247 : vector<1x16xf32> to vector<16xf32>
      %mul3A_249 = vector.broadcast %mul3A_100 : f32 to vector<16xf32>
      %mul3A_250 = arith.mulf %mul3A_249, %get3A_248 : vector<16xf32>
      %add3A_251 = arith.addi %add3A_245, %select_n3A_235 : i32
      %get3A_252 = arith.index_cast %add3A_251 : i32 to index
      %get3A_253 = arith.constant 0 : index
      %get3A_254 = tpu.vector_load %arg4[%get3A_252, %get3A_253] {strides = array<i32>} : memref<384x128xf32, #tpu.memory_space<vmem>>, vector<1x16xf32>,
      %get3A_255 = vector.shape_cast %get3A_254 : vector<1x16xf32> to vector<16xf32>
      %mul3A_256 = vector.broadcast %select_n3A_139 : f32 to vector<16xf32>
      %mul3A_257 = arith.mulf %mul3A_256, %get3A_255 : vector<16xf32>
      %add3A_258 = arith.addf %mul3A_250, %mul3A_257 : vector<16xf32>
      %add3A_259 = arith.addi %add3A_245, %select_n3A_238 : i32
      %get3A_260 = arith.index_cast %add3A_259 : i32 to index
      %get3A_261 = arith.constant 0 : index
      %get3A_262 = tpu.vector_load %arg4[%get3A_260, %get3A_261] {strides = array<i32>} : memref<384x128xf32, #tpu.memory_space<vmem>>, vector<1x16xf32>,
      %get3A_263 = vector.shape_cast %get3A_262 : vector<1x16xf32> to vector<16xf32>
      %mul3A_264 = vector.broadcast %select_n3A_170 : f32 to vector<16xf32>
      %mul3A_265 = arith.mulf %mul3A_264, %get3A_263 : vector<16xf32>
      %add3A_266 = arith.addf %add3A_258, %mul3A_265 : vector<16xf32>
      %add3A_267 = arith.addi %add3A_245, %select_n3A_241 : i32
      %get3A_268 = arith.index_cast %add3A_267 : i32 to index
      %get3A_269 = arith.constant 0 : index
      %get3A_270 = tpu.vector_load %arg4[%get3A_268, %get3A_269] {strides = array<i32>} : memref<384x128xf32, #tpu.memory_space<vmem>>, vector<1x16xf32>,
      %get3A_271 = vector.shape_cast %get3A_270 : vector<1x16xf32> to vector<16xf32>
      %mul3A_272 = vector.broadcast %select_n3A_201 : f32 to vector<16xf32>
      %mul3A_273 = arith.mulf %mul3A_272, %get3A_271 : vector<16xf32>
      %add3A_274 = arith.addf %add3A_266, %mul3A_273 : vector<16xf32>
      %add3A_275 = arith.addi %add3A_245, %select_n3A_244 : i32
      %get3A_276 = arith.index_cast %add3A_275 : i32 to index
      %get3A_277 = arith.constant 0 : index
      %get3A_278 = tpu.vector_load %arg4[%get3A_276, %get3A_277] {strides = array<i32>} : memref<384x128xf32, #tpu.memory_space<vmem>>, vector<1x16xf32>,
      %get3A_279 = vector.shape_cast %get3A_278 : vector<1x16xf32> to vector<16xf32>
      %mul3A_280 = vector.broadcast %select_n3A_232 : f32 to vector<16xf32>
      %mul3A_281 = arith.mulf %mul3A_280, %get3A_279 : vector<16xf32>
      %add3A_282 = arith.addf %add3A_274, %mul3A_281 : vector<16xf32>
      %swap3A = arith.index_cast %scan3A_32 : i32 to index
      %swap3A_283 = arith.constant 0 : index
      %swap3A_284 = tpu.vector_load %arg5[%swap3A, %swap3A_283] {strides = array<i32>} : memref<256x128xf32, #tpu.memory_space<vmem>>, vector<1x16xf32>,
      %swap3A_285 = vector.shape_cast %swap3A_284 : vector<1x16xf32> to vector<16xf32>
      %swap3A_286 = vector.shape_cast %add3A_282 : vector<16xf32> to vector<1x16xf32>
      tpu.vector_store %arg5[%swap3A, %swap3A_283], %swap3A_286 {strides = array<i32>} : memref<256x128xf32, #tpu.memory_space<vmem>>, vector<1x16xf32>,
      %get3A_287 = arith.index_cast %add3A_245 : i32 to index
      %get3A_288 = arith.constant 16 : index
      %get3A_289 = tpu.vector_load %arg4[%get3A_287, %get3A_288] {strides = array<i32>} : memref<384x128xf32, #tpu.memory_space<vmem>>, vector<1x16xf32>,
      %get3A_290 = vector.shape_cast %get3A_289 : vector<1x16xf32> to vector<16xf32>
      %mul3A_291 = vector.broadcast %mul3A_100 : f32 to vector<16xf32>
      %mul3A_292 = arith.mulf %mul3A_291, %get3A_290 : vector<16xf32>
      %add3A_293 = arith.addi %add3A_245, %select_n3A_235 : i32
      %get3A_294 = arith.index_cast %add3A_293 : i32 to index
      %get3A_295 = arith.constant 16 : index
      %get3A_296 = tpu.vector_load %arg4[%get3A_294, %get3A_295] {strides = array<i32>} : memref<384x128xf32, #tpu.memory_space<vmem>>, vector<1x16xf32>,
      %get3A_297 = vector.shape_cast %get3A_296 : vector<1x16xf32> to vector<16xf32>
      %mul3A_298 = vector.broadcast %select_n3A_139 : f32 to vector<16xf32>
      %mul3A_299 = arith.mulf %mul3A_298, %get3A_297 : vector<16xf32>
      %add3A_300 = arith.addf %mul3A_292, %mul3A_299 : vector<16xf32>
      %add3A_301 = arith.addi %add3A_245, %select_n3A_238 : i32
      %get3A_302 = arith.index_cast %add3A_301 : i32 to index
      %get3A_303 = arith.constant 16 : index
      %get3A_304 = tpu.vector_load %arg4[%get3A_302, %get3A_303] {strides = array<i32>} : memref<384x128xf32, #tpu.memory_space<vmem>>, vector<1x16xf32>,
      %get3A_305 = vector.shape_cast %get3A_304 : vector<1x16xf32> to vector<16xf32>
      %mul3A_306 = vector.broadcast %select_n3A_170 : f32 to vector<16xf32>
      %mul3A_307 = arith.mulf %mul3A_306, %get3A_305 : vector<16xf32>
      %add3A_308 = arith.addf %add3A_300, %mul3A_307 : vector<16xf32>
      %add3A_309 = arith.addi %add3A_245, %select_n3A_241 : i32
      %get3A_310 = arith.index_cast %add3A_309 : i32 to index
      %get3A_311 = arith.constant 16 : index
      %get3A_312 = tpu.vector_load %arg4[%get3A_310, %get3A_311] {strides = array<i32>} : memref<384x128xf32, #tpu.memory_space<vmem>>, vector<1x16xf32>,
      %get3A_313 = vector.shape_cast %get3A_312 : vector<1x16xf32> to vector<16xf32>
      %mul3A_314 = vector.broadcast %select_n3A_201 : f32 to vector<16xf32>
      %mul3A_315 = arith.mulf %mul3A_314, %get3A_313 : vector<16xf32>
      %add3A_316 = arith.addf %add3A_308, %mul3A_315 : vector<16xf32>
      %add3A_317 = arith.addi %add3A_245, %select_n3A_244 : i32
      %get3A_318 = arith.index_cast %add3A_317 : i32 to index
      %get3A_319 = arith.constant 16 : index
      %get3A_320 = tpu.vector_load %arg4[%get3A_318, %get3A_319] {strides = array<i32>} : memref<384x128xf32, #tpu.memory_space<vmem>>, vector<1x16xf32>,
      %get3A_321 = vector.shape_cast %get3A_320 : vector<1x16xf32> to vector<16xf32>
      %mul3A_322 = vector.broadcast %select_n3A_232 : f32 to vector<16xf32>
      %mul3A_323 = arith.mulf %mul3A_322, %get3A_321 : vector<16xf32>
      %add3A_324 = arith.addf %add3A_316, %mul3A_323 : vector<16xf32>
      %swap3A_325 = arith.index_cast %scan3A_32 : i32 to index
      %swap3A_326 = arith.constant 16 : index
      %swap3A_327 = tpu.vector_load %arg5[%swap3A_325, %swap3A_326] {strides = array<i32>} : memref<256x128xf32, #tpu.memory_space<vmem>>, vector<1x16xf32>,
      %swap3A_328 = vector.shape_cast %swap3A_327 : vector<1x16xf32> to vector<16xf32>
      %swap3A_329 = vector.shape_cast %add3A_324 : vector<16xf32> to vector<1x16xf32>
      tpu.vector_store %arg5[%swap3A_325, %swap3A_326], %swap3A_329 {strides = array<i32>} : memref<256x128xf32, #tpu.memory_space<vmem>>, vector<1x16xf32>,
      %get3A_330 = arith.index_cast %add3A_245 : i32 to index
      %get3A_331 = arith.constant 32 : index
      %get3A_332 = tpu.vector_load %arg4[%get3A_330, %get3A_331] {strides = array<i32>} : memref<384x128xf32, #tpu.memory_space<vmem>>, vector<1x16xf32>,
      %get3A_333 = vector.shape_cast %get3A_332 : vector<1x16xf32> to vector<16xf32>
      %mul3A_334 = vector.broadcast %mul3A_100 : f32 to vector<16xf32>
      %mul3A_335 = arith.mulf %mul3A_334, %get3A_333 : vector<16xf32>
      %add3A_336 = arith.addi %add3A_245, %select_n3A_235 : i32
      %get3A_337 = arith.index_cast %add3A_336 : i32 to index
      %get3A_338 = arith.constant 32 : index
      %get3A_339 = tpu.vector_load %arg4[%get3A_337, %get3A_338] {strides = array<i32>} : memref<384x128xf32, #tpu.memory_space<vmem>>, vector<1x16xf32>,
      %get3A_340 = vector.shape_cast %get3A_339 : vector<1x16xf32> to vector<16xf32>
      %mul3A_341 = vector.broadcast %select_n3A_139 : f32 to vector<16xf32>
      %mul3A_342 = arith.mulf %mul3A_341, %get3A_340 : vector<16xf32>
      %add3A_343 = arith.addf %mul3A_335, %mul3A_342 : vector<16xf32>
      %add3A_344 = arith.addi %add3A_245, %select_n3A_238 : i32
      %get3A_345 = arith.index_cast %add3A_344 : i32 to index
      %get3A_346 = arith.constant 32 : index
      %get3A_347 = tpu.vector_load %arg4[%get3A_345, %get3A_346] {strides = array<i32>} : memref<384x128xf32, #tpu.memory_space<vmem>>, vector<1x16xf32>,
      %get3A_348 = vector.shape_cast %get3A_347 : vector<1x16xf32> to vector<16xf32>
      %mul3A_349 = vector.broadcast %select_n3A_170 : f32 to vector<16xf32>
      %mul3A_350 = arith.mulf %mul3A_349, %get3A_348 : vector<16xf32>
      %add3A_351 = arith.addf %add3A_343, %mul3A_350 : vector<16xf32>
      %add3A_352 = arith.addi %add3A_245, %select_n3A_241 : i32
      %get3A_353 = arith.index_cast %add3A_352 : i32 to index
      %get3A_354 = arith.constant 32 : index
      %get3A_355 = tpu.vector_load %arg4[%get3A_353, %get3A_354] {strides = array<i32>} : memref<384x128xf32, #tpu.memory_space<vmem>>, vector<1x16xf32>,
      %get3A_356 = vector.shape_cast %get3A_355 : vector<1x16xf32> to vector<16xf32>
      %mul3A_357 = vector.broadcast %select_n3A_201 : f32 to vector<16xf32>
      %mul3A_358 = arith.mulf %mul3A_357, %get3A_356 : vector<16xf32>
      %add3A_359 = arith.addf %add3A_351, %mul3A_358 : vector<16xf32>
      %add3A_360 = arith.addi %add3A_245, %select_n3A_244 : i32
      %get3A_361 = arith.index_cast %add3A_360 : i32 to index
      %get3A_362 = arith.constant 32 : index
      %get3A_363 = tpu.vector_load %arg4[%get3A_361, %get3A_362] {strides = array<i32>} : memref<384x128xf32, #tpu.memory_space<vmem>>, vector<1x16xf32>,
      %get3A_364 = vector.shape_cast %get3A_363 : vector<1x16xf32> to vector<16xf32>
      %mul3A_365 = vector.broadcast %select_n3A_232 : f32 to vector<16xf32>
      %mul3A_366 = arith.mulf %mul3A_365, %get3A_364 : vector<16xf32>
      %add3A_367 = arith.addf %add3A_359, %mul3A_366 : vector<16xf32>
      %swap3A_368 = arith.index_cast %scan3A_32 : i32 to index
      %swap3A_369 = arith.constant 32 : index
      %swap3A_370 = tpu.vector_load %arg5[%swap3A_368, %swap3A_369] {strides = array<i32>} : memref<256x128xf32, #tpu.memory_space<vmem>>, vector<1x16xf32>,
      %swap3A_371 = vector.shape_cast %swap3A_370 : vector<1x16xf32> to vector<16xf32>
      %swap3A_372 = vector.shape_cast %add3A_367 : vector<16xf32> to vector<1x16xf32>
      tpu.vector_store %arg5[%swap3A_368, %swap3A_369], %swap3A_372 {strides = array<i32>} : memref<256x128xf32, #tpu.memory_space<vmem>>, vector<1x16xf32>,
      %get3A_373 = arith.index_cast %add3A_245 : i32 to index
      %get3A_374 = arith.constant 48 : index
      %get3A_375 = tpu.vector_load %arg4[%get3A_373, %get3A_374] {strides = array<i32>} : memref<384x128xf32, #tpu.memory_space<vmem>>, vector<1x16xf32>,
      %get3A_376 = vector.shape_cast %get3A_375 : vector<1x16xf32> to vector<16xf32>
      %mul3A_377 = vector.broadcast %mul3A_100 : f32 to vector<16xf32>
      %mul3A_378 = arith.mulf %mul3A_377, %get3A_376 : vector<16xf32>
      %add3A_379 = arith.addi %add3A_245, %select_n3A_235 : i32
      %get3A_380 = arith.index_cast %add3A_379 : i32 to index
      %get3A_381 = arith.constant 48 : index
      %get3A_382 = tpu.vector_load %arg4[%get3A_380, %get3A_381] {strides = array<i32>} : memref<384x128xf32, #tpu.memory_space<vmem>>, vector<1x16xf32>,
      %get3A_383 = vector.shape_cast %get3A_382 : vector<1x16xf32> to vector<16xf32>
      %mul3A_384 = vector.broadcast %select_n3A_139 : f32 to vector<16xf32>
      %mul3A_385 = arith.mulf %mul3A_384, %get3A_383 : vector<16xf32>
      %add3A_386 = arith.addf %mul3A_378, %mul3A_385 : vector<16xf32>
      %add3A_387 = arith.addi %add3A_245, %select_n3A_238 : i32
      %get3A_388 = arith.index_cast %add3A_387 : i32 to index
      %get3A_389 = arith.constant 48 : index
      %get3A_390 = tpu.vector_load %arg4[%get3A_388, %get3A_389] {strides = array<i32>} : memref<384x128xf32, #tpu.memory_space<vmem>>, vector<1x16xf32>,
      %get3A_391 = vector.shape_cast %get3A_390 : vector<1x16xf32> to vector<16xf32>
      %mul3A_392 = vector.broadcast %select_n3A_170 : f32 to vector<16xf32>
      %mul3A_393 = arith.mulf %mul3A_392, %get3A_391 : vector<16xf32>
      %add3A_394 = arith.addf %add3A_386, %mul3A_393 : vector<16xf32>
      %add3A_395 = arith.addi %add3A_245, %select_n3A_241 : i32
      %get3A_396 = arith.index_cast %add3A_395 : i32 to index
      %get3A_397 = arith.constant 48 : index
      %get3A_398 = tpu.vector_load %arg4[%get3A_396, %get3A_397] {strides = array<i32>} : memref<384x128xf32, #tpu.memory_space<vmem>>, vector<1x16xf32>,
      %get3A_399 = vector.shape_cast %get3A_398 : vector<1x16xf32> to vector<16xf32>
      %mul3A_400 = vector.broadcast %select_n3A_201 : f32 to vector<16xf32>
      %mul3A_401 = arith.mulf %mul3A_400, %get3A_399 : vector<16xf32>
      %add3A_402 = arith.addf %add3A_394, %mul3A_401 : vector<16xf32>
      %add3A_403 = arith.addi %add3A_245, %select_n3A_244 : i32
      %get3A_404 = arith.index_cast %add3A_403 : i32 to index
      %get3A_405 = arith.constant 48 : index
      %get3A_406 = tpu.vector_load %arg4[%get3A_404, %get3A_405] {strides = array<i32>} : memref<384x128xf32, #tpu.memory_space<vmem>>, vector<1x16xf32>,
      %get3A_407 = vector.shape_cast %get3A_406 : vector<1x16xf32> to vector<16xf32>
      %mul3A_408 = vector.broadcast %select_n3A_232 : f32 to vector<16xf32>
      %mul3A_409 = arith.mulf %mul3A_408, %get3A_407 : vector<16xf32>
      %add3A_410 = arith.addf %add3A_402, %mul3A_409 : vector<16xf32>
      %swap3A_411 = arith.index_cast %scan3A_32 : i32 to index
      %swap3A_412 = arith.constant 48 : index
      %swap3A_413 = tpu.vector_load %arg5[%swap3A_411, %swap3A_412] {strides = array<i32>} : memref<256x128xf32, #tpu.memory_space<vmem>>, vector<1x16xf32>,
      %swap3A_414 = vector.shape_cast %swap3A_413 : vector<1x16xf32> to vector<16xf32>
      %swap3A_415 = vector.shape_cast %add3A_410 : vector<16xf32> to vector<1x16xf32>
      tpu.vector_store %arg5[%swap3A_411, %swap3A_412], %swap3A_415 {strides = array<i32>} : memref<256x128xf32, #tpu.memory_space<vmem>>, vector<1x16xf32>,
      %get3A_416 = arith.index_cast %add3A_245 : i32 to index
      %get3A_417 = arith.constant 64 : index
      %get3A_418 = tpu.vector_load %arg4[%get3A_416, %get3A_417] {strides = array<i32>} : memref<384x128xf32, #tpu.memory_space<vmem>>, vector<1x16xf32>,
      %get3A_419 = vector.shape_cast %get3A_418 : vector<1x16xf32> to vector<16xf32>
      %mul3A_420 = vector.broadcast %mul3A_100 : f32 to vector<16xf32>
      %mul3A_421 = arith.mulf %mul3A_420, %get3A_419 : vector<16xf32>
      %add3A_422 = arith.addi %add3A_245, %select_n3A_235 : i32
      %get3A_423 = arith.index_cast %add3A_422 : i32 to index
      %get3A_424 = arith.constant 64 : index
      %get3A_425 = tpu.vector_load %arg4[%get3A_423, %get3A_424] {strides = array<i32>} : memref<384x128xf32, #tpu.memory_space<vmem>>, vector<1x16xf32>,
      %get3A_426 = vector.shape_cast %get3A_425 : vector<1x16xf32> to vector<16xf32>
      %mul3A_427 = vector.broadcast %select_n3A_139 : f32 to vector<16xf32>
      %mul3A_428 = arith.mulf %mul3A_427, %get3A_426 : vector<16xf32>
      %add3A_429 = arith.addf %mul3A_421, %mul3A_428 : vector<16xf32>
      %add3A_430 = arith.addi %add3A_245, %select_n3A_238 : i32
      %get3A_431 = arith.index_cast %add3A_430 : i32 to index
      %get3A_432 = arith.constant 64 : index
      %get3A_433 = tpu.vector_load %arg4[%get3A_431, %get3A_432] {strides = array<i32>} : memref<384x128xf32, #tpu.memory_space<vmem>>, vector<1x16xf32>,
      %get3A_434 = vector.shape_cast %get3A_433 : vector<1x16xf32> to vector<16xf32>
      %mul3A_435 = vector.broadcast %select_n3A_170 : f32 to vector<16xf32>
      %mul3A_436 = arith.mulf %mul3A_435, %get3A_434 : vector<16xf32>
      %add3A_437 = arith.addf %add3A_429, %mul3A_436 : vector<16xf32>
      %add3A_438 = arith.addi %add3A_245, %select_n3A_241 : i32
      %get3A_439 = arith.index_cast %add3A_438 : i32 to index
      %get3A_440 = arith.constant 64 : index
      %get3A_441 = tpu.vector_load %arg4[%get3A_439, %get3A_440] {strides = array<i32>} : memref<384x128xf32, #tpu.memory_space<vmem>>, vector<1x16xf32>,
      %get3A_442 = vector.shape_cast %get3A_441 : vector<1x16xf32> to vector<16xf32>
      %mul3A_443 = vector.broadcast %select_n3A_201 : f32 to vector<16xf32>
      %mul3A_444 = arith.mulf %mul3A_443, %get3A_442 : vector<16xf32>
      %add3A_445 = arith.addf %add3A_437, %mul3A_444 : vector<16xf32>
      %add3A_446 = arith.addi %add3A_245, %select_n3A_244 : i32
      %get3A_447 = arith.index_cast %add3A_446 : i32 to index
      %get3A_448 = arith.constant 64 : index
      %get3A_449 = tpu.vector_load %arg4[%get3A_447, %get3A_448] {strides = array<i32>} : memref<384x128xf32, #tpu.memory_space<vmem>>, vector<1x16xf32>,
      %get3A_450 = vector.shape_cast %get3A_449 : vector<1x16xf32> to vector<16xf32>
      %mul3A_451 = vector.broadcast %select_n3A_232 : f32 to vector<16xf32>
      %mul3A_452 = arith.mulf %mul3A_451, %get3A_450 : vector<16xf32>
      %add3A_453 = arith.addf %add3A_445, %mul3A_452 : vector<16xf32>
      %swap3A_454 = arith.index_cast %scan3A_32 : i32 to index
      %swap3A_455 = arith.constant 64 : index
      %swap3A_456 = tpu.vector_load %arg5[%swap3A_454, %swap3A_455] {strides = array<i32>} : memref<256x128xf32, #tpu.memory_space<vmem>>, vector<1x16xf32>,
      %swap3A_457 = vector.shape_cast %swap3A_456 : vector<1x16xf32> to vector<16xf32>
      %swap3A_458 = vector.shape_cast %add3A_453 : vector<16xf32> to vector<1x16xf32>
      tpu.vector_store %arg5[%swap3A_454, %swap3A_455], %swap3A_458 {strides = array<i32>} : memref<256x128xf32, #tpu.memory_space<vmem>>, vector<1x16xf32>,
      %get3A_459 = arith.index_cast %add3A_245 : i32 to index
      %get3A_460 = arith.constant 80 : index
      %get3A_461 = tpu.vector_load %arg4[%get3A_459, %get3A_460] {strides = array<i32>} : memref<384x128xf32, #tpu.memory_space<vmem>>, vector<1x16xf32>,
      %get3A_462 = vector.shape_cast %get3A_461 : vector<1x16xf32> to vector<16xf32>
      %mul3A_463 = vector.broadcast %mul3A_100 : f32 to vector<16xf32>
      %mul3A_464 = arith.mulf %mul3A_463, %get3A_462 : vector<16xf32>
      %add3A_465 = arith.addi %add3A_245, %select_n3A_235 : i32
      %get3A_466 = arith.index_cast %add3A_465 : i32 to index
      %get3A_467 = arith.constant 80 : index
      %get3A_468 = tpu.vector_load %arg4[%get3A_466, %get3A_467] {strides = array<i32>} : memref<384x128xf32, #tpu.memory_space<vmem>>, vector<1x16xf32>,
      %get3A_469 = vector.shape_cast %get3A_468 : vector<1x16xf32> to vector<16xf32>
      %mul3A_470 = vector.broadcast %select_n3A_139 : f32 to vector<16xf32>
      %mul3A_471 = arith.mulf %mul3A_470, %get3A_469 : vector<16xf32>
      %add3A_472 = arith.addf %mul3A_464, %mul3A_471 : vector<16xf32>
      %add3A_473 = arith.addi %add3A_245, %select_n3A_238 : i32
      %get3A_474 = arith.index_cast %add3A_473 : i32 to index
      %get3A_475 = arith.constant 80 : index
      %get3A_476 = tpu.vector_load %arg4[%get3A_474, %get3A_475] {strides = array<i32>} : memref<384x128xf32, #tpu.memory_space<vmem>>, vector<1x16xf32>,
      %get3A_477 = vector.shape_cast %get3A_476 : vector<1x16xf32> to vector<16xf32>
      %mul3A_478 = vector.broadcast %select_n3A_170 : f32 to vector<16xf32>
      %mul3A_479 = arith.mulf %mul3A_478, %get3A_477 : vector<16xf32>
      %add3A_480 = arith.addf %add3A_472, %mul3A_479 : vector<16xf32>
      %add3A_481 = arith.addi %add3A_245, %select_n3A_241 : i32
      %get3A_482 = arith.index_cast %add3A_481 : i32 to index
      %get3A_483 = arith.constant 80 : index
      %get3A_484 = tpu.vector_load %arg4[%get3A_482, %get3A_483] {strides = array<i32>} : memref<384x128xf32, #tpu.memory_space<vmem>>, vector<1x16xf32>,
      %get3A_485 = vector.shape_cast %get3A_484 : vector<1x16xf32> to vector<16xf32>
      %mul3A_486 = vector.broadcast %select_n3A_201 : f32 to vector<16xf32>
      %mul3A_487 = arith.mulf %mul3A_486, %get3A_485 : vector<16xf32>
      %add3A_488 = arith.addf %add3A_480, %mul3A_487 : vector<16xf32>
      %add3A_489 = arith.addi %add3A_245, %select_n3A_244 : i32
      %get3A_490 = arith.index_cast %add3A_489 : i32 to index
      %get3A_491 = arith.constant 80 : index
      %get3A_492 = tpu.vector_load %arg4[%get3A_490, %get3A_491] {strides = array<i32>} : memref<384x128xf32, #tpu.memory_space<vmem>>, vector<1x16xf32>,
      %get3A_493 = vector.shape_cast %get3A_492 : vector<1x16xf32> to vector<16xf32>
      %mul3A_494 = vector.broadcast %select_n3A_232 : f32 to vector<16xf32>
      %mul3A_495 = arith.mulf %mul3A_494, %get3A_493 : vector<16xf32>
      %add3A_496 = arith.addf %add3A_488, %mul3A_495 : vector<16xf32>
      %swap3A_497 = arith.index_cast %scan3A_32 : i32 to index
      %swap3A_498 = arith.constant 80 : index
      %swap3A_499 = tpu.vector_load %arg5[%swap3A_497, %swap3A_498] {strides = array<i32>} : memref<256x128xf32, #tpu.memory_space<vmem>>, vector<1x16xf32>,
      %swap3A_500 = vector.shape_cast %swap3A_499 : vector<1x16xf32> to vector<16xf32>
      %swap3A_501 = vector.shape_cast %add3A_496 : vector<16xf32> to vector<1x16xf32>
      tpu.vector_store %arg5[%swap3A_497, %swap3A_498], %swap3A_501 {strides = array<i32>} : memref<256x128xf32, #tpu.memory_space<vmem>>, vector<1x16xf32>,
      %get3A_502 = arith.index_cast %add3A_245 : i32 to index
      %get3A_503 = arith.constant 96 : index
      %get3A_504 = tpu.vector_load %arg4[%get3A_502, %get3A_503] {strides = array<i32>} : memref<384x128xf32, #tpu.memory_space<vmem>>, vector<1x16xf32>,
      %get3A_505 = vector.shape_cast %get3A_504 : vector<1x16xf32> to vector<16xf32>
      %mul3A_506 = vector.broadcast %mul3A_100 : f32 to vector<16xf32>
      %mul3A_507 = arith.mulf %mul3A_506, %get3A_505 : vector<16xf32>
      %add3A_508 = arith.addi %add3A_245, %select_n3A_235 : i32
      %get3A_509 = arith.index_cast %add3A_508 : i32 to index
      %get3A_510 = arith.constant 96 : index
      %get3A_511 = tpu.vector_load %arg4[%get3A_509, %get3A_510] {strides = array<i32>} : memref<384x128xf32, #tpu.memory_space<vmem>>, vector<1x16xf32>,
      %get3A_512 = vector.shape_cast %get3A_511 : vector<1x16xf32> to vector<16xf32>
      %mul3A_513 = vector.broadcast %select_n3A_139 : f32 to vector<16xf32>
      %mul3A_514 = arith.mulf %mul3A_513, %get3A_512 : vector<16xf32>
      %add3A_515 = arith.addf %mul3A_507, %mul3A_514 : vector<16xf32>
      %add3A_516 = arith.addi %add3A_245, %select_n3A_238 : i32
      %get3A_517 = arith.index_cast %add3A_516 : i32 to index
      %get3A_518 = arith.constant 96 : index
      %get3A_519 = tpu.vector_load %arg4[%get3A_517, %get3A_518] {strides = array<i32>} : memref<384x128xf32, #tpu.memory_space<vmem>>, vector<1x16xf32>,
      %get3A_520 = vector.shape_cast %get3A_519 : vector<1x16xf32> to vector<16xf32>
      %mul3A_521 = vector.broadcast %select_n3A_170 : f32 to vector<16xf32>
      %mul3A_522 = arith.mulf %mul3A_521, %get3A_520 : vector<16xf32>
      %add3A_523 = arith.addf %add3A_515, %mul3A_522 : vector<16xf32>
      %add3A_524 = arith.addi %add3A_245, %select_n3A_241 : i32
      %get3A_525 = arith.index_cast %add3A_524 : i32 to index
      %get3A_526 = arith.constant 96 : index
      %get3A_527 = tpu.vector_load %arg4[%get3A_525, %get3A_526] {strides = array<i32>} : memref<384x128xf32, #tpu.memory_space<vmem>>, vector<1x16xf32>,
      %get3A_528 = vector.shape_cast %get3A_527 : vector<1x16xf32> to vector<16xf32>
      %mul3A_529 = vector.broadcast %select_n3A_201 : f32 to vector<16xf32>
      %mul3A_530 = arith.mulf %mul3A_529, %get3A_528 : vector<16xf32>
      %add3A_531 = arith.addf %add3A_523, %mul3A_530 : vector<16xf32>
      %add3A_532 = arith.addi %add3A_245, %select_n3A_244 : i32
      %get3A_533 = arith.index_cast %add3A_532 : i32 to index
      %get3A_534 = arith.constant 96 : index
      %get3A_535 = tpu.vector_load %arg4[%get3A_533, %get3A_534] {strides = array<i32>} : memref<384x128xf32, #tpu.memory_space<vmem>>, vector<1x16xf32>,
      %get3A_536 = vector.shape_cast %get3A_535 : vector<1x16xf32> to vector<16xf32>
      %mul3A_537 = vector.broadcast %select_n3A_232 : f32 to vector<16xf32>
      %mul3A_538 = arith.mulf %mul3A_537, %get3A_536 : vector<16xf32>
      %add3A_539 = arith.addf %add3A_531, %mul3A_538 : vector<16xf32>
      %swap3A_540 = arith.index_cast %scan3A_32 : i32 to index
      %swap3A_541 = arith.constant 96 : index
      %swap3A_542 = tpu.vector_load %arg5[%swap3A_540, %swap3A_541] {strides = array<i32>} : memref<256x128xf32, #tpu.memory_space<vmem>>, vector<1x16xf32>,
      %swap3A_543 = vector.shape_cast %swap3A_542 : vector<1x16xf32> to vector<16xf32>
      %swap3A_544 = vector.shape_cast %add3A_539 : vector<16xf32> to vector<1x16xf32>
      tpu.vector_store %arg5[%swap3A_540, %swap3A_541], %swap3A_544 {strides = array<i32>} : memref<256x128xf32, #tpu.memory_space<vmem>>, vector<1x16xf32>,
      %get3A_545 = arith.index_cast %add3A_245 : i32 to index
      %get3A_546 = arith.constant 112 : index
      %get3A_547 = tpu.vector_load %arg4[%get3A_545, %get3A_546] {strides = array<i32>} : memref<384x128xf32, #tpu.memory_space<vmem>>, vector<1x16xf32>,
      %get3A_548 = vector.shape_cast %get3A_547 : vector<1x16xf32> to vector<16xf32>
      %mul3A_549 = vector.broadcast %mul3A_100 : f32 to vector<16xf32>
      %mul3A_550 = arith.mulf %mul3A_549, %get3A_548 : vector<16xf32>
      %add3A_551 = arith.addi %add3A_245, %select_n3A_235 : i32
      %get3A_552 = arith.index_cast %add3A_551 : i32 to index
      %get3A_553 = arith.constant 112 : index
      %get3A_554 = tpu.vector_load %arg4[%get3A_552, %get3A_553] {strides = array<i32>} : memref<384x128xf32, #tpu.memory_space<vmem>>, vector<1x16xf32>,
      %get3A_555 = vector.shape_cast %get3A_554 : vector<1x16xf32> to vector<16xf32>
      %mul3A_556 = vector.broadcast %select_n3A_139 : f32 to vector<16xf32>
      %mul3A_557 = arith.mulf %mul3A_556, %get3A_555 : vector<16xf32>
      %add3A_558 = arith.addf %mul3A_550, %mul3A_557 : vector<16xf32>
      %add3A_559 = arith.addi %add3A_245, %select_n3A_238 : i32
      %get3A_560 = arith.index_cast %add3A_559 : i32 to index
      %get3A_561 = arith.constant 112 : index
      %get3A_562 = tpu.vector_load %arg4[%get3A_560, %get3A_561] {strides = array<i32>} : memref<384x128xf32, #tpu.memory_space<vmem>>, vector<1x16xf32>,
      %get3A_563 = vector.shape_cast %get3A_562 : vector<1x16xf32> to vector<16xf32>
      %mul3A_564 = vector.broadcast %select_n3A_170 : f32 to vector<16xf32>
      %mul3A_565 = arith.mulf %mul3A_564, %get3A_563 : vector<16xf32>
      %add3A_566 = arith.addf %add3A_558, %mul3A_565 : vector<16xf32>
      %add3A_567 = arith.addi %add3A_245, %select_n3A_241 : i32
      %get3A_568 = arith.index_cast %add3A_567 : i32 to index
      %get3A_569 = arith.constant 112 : index
      %get3A_570 = tpu.vector_load %arg4[%get3A_568, %get3A_569] {strides = array<i32>} : memref<384x128xf32, #tpu.memory_space<vmem>>, vector<1x16xf32>,
      %get3A_571 = vector.shape_cast %get3A_570 : vector<1x16xf32> to vector<16xf32>
      %mul3A_572 = vector.broadcast %select_n3A_201 : f32 to vector<16xf32>
      %mul3A_573 = arith.mulf %mul3A_572, %get3A_571 : vector<16xf32>
      %add3A_574 = arith.addf %add3A_566, %mul3A_573 : vector<16xf32>
      %add3A_575 = arith.addi %add3A_245, %select_n3A_244 : i32
      %get3A_576 = arith.index_cast %add3A_575 : i32 to index
      %get3A_577 = arith.constant 112 : index
      %get3A_578 = tpu.vector_load %arg4[%get3A_576, %get3A_577] {strides = array<i32>} : memref<384x128xf32, #tpu.memory_space<vmem>>, vector<1x16xf32>,
      %get3A_579 = vector.shape_cast %get3A_578 : vector<1x16xf32> to vector<16xf32>
      %mul3A_580 = vector.broadcast %select_n3A_232 : f32 to vector<16xf32>
      %mul3A_581 = arith.mulf %mul3A_580, %get3A_579 : vector<16xf32>
      %add3A_582 = arith.addf %add3A_574, %mul3A_581 : vector<16xf32>
      %swap3A_583 = arith.index_cast %scan3A_32 : i32 to index
      %swap3A_584 = arith.constant 112 : index
      %swap3A_585 = tpu.vector_load %arg5[%swap3A_583, %swap3A_584] {strides = array<i32>} : memref<256x128xf32, #tpu.memory_space<vmem>>, vector<1x16xf32>,
      %swap3A_586 = vector.shape_cast %swap3A_585 : vector<1x16xf32> to vector<16xf32>
      %swap3A_587 = vector.shape_cast %add3A_582 : vector<16xf32> to vector<1x16xf32>
      tpu.vector_store %arg5[%swap3A_583, %swap3A_584], %swap3A_587 {strides = array<i32>} : memref<256x128xf32, #tpu.memory_space<vmem>>, vector<1x16xf32>,
      %scan3A_588 = arith.constant 0 : i32
      scf.yield %scan3A_588 : i32
    }
    %scan3A_29 = arith.constant 256 : i32
    "tpu.region"() ({
      %run_scoped3A = tpu.sem_alloc : memref<!tpu.dma_semaphore, #tpu.memory_space<semaphore_mem>>
      %dma_start3A = arith.constant 0 : i32
      %dma_start3A_32 = tpu.memref_slice %arg3[%multiple_of3A, %dma_start3A] : memref<8192x128xf32, #tpu.memory_space<hbm>> -> memref<256x128xf32, #tpu.memory_space<hbm>>
      %dma_start3A_33 = arith.constant 0 : i32
      %dma_start3A_34 = tpu.memref_slice %arg3[%multiple_of3A, %dma_start3A_33] : memref<8192x128xf32, #tpu.memory_space<hbm>> -> memref<256x128xf32, #tpu.memory_space<hbm>>
      tpu.enqueue_dma source(%arg5 : memref<256x128xf32, #tpu.memory_space<vmem>>) target(%dma_start3A_34 : memref<256x128xf32, #tpu.memory_space<hbm>>) target_semaphore(%run_scoped3A : memref<!tpu.dma_semaphore, #tpu.memory_space<semaphore_mem>>)
      %dma_wait3A = arith.constant 0 : i32
      %dma_wait3A_35 = tpu.memref_slice %arg3[%multiple_of3A, %dma_wait3A] : memref<8192x128xf32, #tpu.memory_space<hbm>> -> memref<256x128xf32, #tpu.memory_space<hbm>>
      %dma_wait3A_36 = arith.constant 0 : i32
      %dma_wait3A_37 = tpu.memref_slice %arg3[%multiple_of3A, %dma_wait3A_36] : memref<8192x128xf32, #tpu.memory_space<hbm>> -> memref<256x128xf32, #tpu.memory_space<hbm>>
      tpu.wait_dma2 semaphore(%run_scoped3A : memref<!tpu.dma_semaphore, #tpu.memory_space<semaphore_mem>>) src(%arg5 : memref<256x128xf32, #tpu.memory_space<vmem>>) dst(%dma_wait3A_37 : memref<256x128xf32, #tpu.memory_space<hbm>>)
      tpu.yield
    }) : () -> ()
    %scan3A_30 = arith.constant 0 : i32
    %scan3A_31 = arith.constant 1 : i32
    return
  }
}

#map = affine_map<(d0, d1) -> (0, 0)>
module attributes {stable_mosaic.version = 14 : i64} {
  func.func @sc_agg(%arg0: i32, %arg1: i32, %arg2: memref<8192x128xf32, #tpu.memory_space<hbm>>, %arg3: memref<8192x128xf32, #tpu.memory_space<hbm>>, %arg4: memref<384x128xf32, #tpu.memory_space<vmem>>, %arg5: memref<256x128xf32, #tpu.memory_space<vmem>>) attributes {dimension_semantics = [#tpu.dimension_semantics<core_parallel>, #tpu.dimension_semantics<subcore_parallel>], iteration_bounds = array<i64: 2, 16>, scalar_prefetch = 0 : i64, scratch_operands = 2 : i64, tpu.core_type = #tpu.core_type<sc_vector_subcore>, window_params = [{transform_indices = #map}, {transform_indices = #map}]} {
    %mul3A = arith.constant 2 : i32
    %mul3A_0 = arith.muli %arg1, %mul3A : i32
    %add3A = arith.addi %mul3A_0, %arg0 : i32
    %jit3A = arith.constant 16 : i32
    %eq3A = arith.constant 0 : i32
    %eq3A_1 = arith.cmpi eq, %jit3A, %eq3A : i32
    %jit3A_2 = arith.constant 1 : i32
    %select_n3A = arith.select %eq3A_1, %jit3A_2, %jit3A : i32
    %rem3A = arith.remsi %add3A, %select_n3A : i32
    %ne3A = arith.constant 0 : i32
    %ne3A_3 = arith.cmpi ne, %rem3A, %ne3A : i32
    %lt3A = arith.constant 0 : i32
    %lt3A_4 = arith.cmpi slt, %rem3A, %lt3A : i32
    %lt3A_5 = arith.constant 0 : i32
    %lt3A_6 = arith.cmpi slt, %select_n3A, %lt3A_5 : i32
    %ne3A_7 = arith.xori %lt3A_4, %lt3A_6 : i1
    %and3A = arith.andi %ne3A_7, %ne3A_3 : i1
    %add3A_8 = arith.addi %rem3A, %select_n3A : i32
    %select_n3A_9 = arith.select %and3A, %add3A_8, %rem3A : i32
    %mul3A_10 = arith.constant 256 : i32
    %mul3A_11 = arith.muli %select_n3A_9, %mul3A_10 : i32
    %scan3A = arith.constant 0 : i32
    %scan3A_12 = arith.constant 0 : i32
    %mul3A_13 = arith.constant 256 : i32
    %mul3A_14 = arith.muli %add3A, %mul3A_13 : i32
    %mul3A_15 = arith.constant 256 : i32
    %mul3A_16 = arith.muli %scan3A_12, %mul3A_15 : i32
    %add3A_17 = arith.addi %mul3A_14, %mul3A_16 : i32
    %multiple_of3A = tpu.assume_multiple %add3A_17, 256 : i32
    %sub3A = arith.constant 64 : i32
    %sub3A_18 = arith.subi %multiple_of3A, %sub3A : i32
    %jit3A_19 = arith.constant 0 : i32
    %jit3A_20 = arith.constant 7808 : i32
    %max3A = arith.maxsi %jit3A_19, %sub3A_18 : i32
    %min3A = arith.minsi %jit3A_20, %max3A : i32
    %multiple_of3A_21 = tpu.assume_multiple %min3A, 64 : i32
    %sub3A_22 = arith.subi %multiple_of3A, %multiple_of3A_21 : i32
    "tpu.region"() ({
      %run_scoped3A = tpu.sem_alloc : memref<!tpu.dma_semaphore, #tpu.memory_space<semaphore_mem>>
      %dma_start3A = arith.constant 0 : i32
      %dma_start3A_32 = tpu.memref_slice %arg2[%multiple_of3A_21, %dma_start3A] : memref<8192x128xf32, #tpu.memory_space<hbm>> -> memref<384x128xf32, #tpu.memory_space<hbm>>
      %dma_start3A_33 = arith.constant 0 : i32
      %dma_start3A_34 = tpu.memref_slice %arg2[%multiple_of3A_21, %dma_start3A_33] : memref<8192x128xf32, #tpu.memory_space<hbm>> -> memref<384x128xf32, #tpu.memory_space<hbm>>
      tpu.enqueue_dma source(%dma_start3A_34 : memref<384x128xf32, #tpu.memory_space<hbm>>) target(%arg4 : memref<384x128xf32, #tpu.memory_space<vmem>>) target_semaphore(%run_scoped3A : memref<!tpu.dma_semaphore, #tpu.memory_space<semaphore_mem>>)
      %dma_wait3A = arith.constant 0 : i32
      %dma_wait3A_35 = tpu.memref_slice %arg2[%multiple_of3A_21, %dma_wait3A] : memref<8192x128xf32, #tpu.memory_space<hbm>> -> memref<384x128xf32, #tpu.memory_space<hbm>>
      %dma_wait3A_36 = arith.constant 0 : i32
      %dma_wait3A_37 = tpu.memref_slice %arg2[%multiple_of3A_21, %dma_wait3A_36] : memref<8192x128xf32, #tpu.memory_space<hbm>> -> memref<384x128xf32, #tpu.memory_space<hbm>>
      tpu.wait_dma2 semaphore(%run_scoped3A : memref<!tpu.dma_semaphore, #tpu.memory_space<semaphore_mem>>) src(%dma_wait3A_37 : memref<384x128xf32, #tpu.memory_space<hbm>>) dst(%arg4 : memref<384x128xf32, #tpu.memory_space<vmem>>)
      tpu.yield
    }) : () -> ()
    %scan3A_23 = arith.constant 0 : i32
    %scan3A_24 = arith.constant 0 : i32
    %scan3A_25 = arith.constant 256 : i32
    %scan3A_26 = arith.addi %scan3A_24, %scan3A_25 : i32
    %scan3A_27 = arith.constant 1 : i32
    %scan3A_28 = scf.for %scan3A_32 = %scan3A_24 to %scan3A_26 step %scan3A_27 iter_args(%scan3A_33 = %scan3A_23) -> (i32)  : i32 {
      %mul3A_34 = arith.constant 256 : i32
      %mul3A_35 = arith.muli %scan3A_12, %mul3A_34 : i32
      %add3A_36 = arith.addi %mul3A_11, %mul3A_35 : i32
      %add3A_37 = arith.addi %add3A_36, %scan3A_32 : i32
      %jit3A_38 = arith.constant 64 : i32
      %div3A = arith.divsi %add3A_37, %jit3A_38 : i32
      %sign3A = arith.constant 0 : i32
      %sign3A_39 = arith.cmpi sgt, %add3A_37, %sign3A : i32
      %sign3A_40 = arith.extui %sign3A_39 : i1 to i32
      %sign3A_41 = arith.constant 0 : i32
      %sign3A_42 = arith.cmpi slt, %add3A_37, %sign3A_41 : i32
      %sign3A_43 = arith.extui %sign3A_42 : i1 to i32
      %sign3A_44 = arith.subi %sign3A_40, %sign3A_43 : i32
      %sign3A_45 = arith.constant 0 : i32
      %sign3A_46 = arith.cmpi sgt, %jit3A_38, %sign3A_45 : i32
      %sign3A_47 = arith.extui %sign3A_46 : i1 to i32
      %sign3A_48 = arith.constant 0 : i32
      %sign3A_49 = arith.cmpi slt, %jit3A_38, %sign3A_48 : i32
      %sign3A_50 = arith.extui %sign3A_49 : i1 to i32
      %sign3A_51 = arith.subi %sign3A_47, %sign3A_50 : i32
      %ne3A_52 = arith.cmpi ne, %sign3A_44, %sign3A_51 : i32
      %rem3A_53 = arith.remsi %add3A_37, %jit3A_38 : i32
      %ne3A_54 = arith.constant 0 : i32
      %ne3A_55 = arith.cmpi ne, %rem3A_53, %ne3A_54 : i32
      %and3A_56 = arith.andi %ne3A_52, %ne3A_55 : i1
      %sub3A_57 = arith.constant 1 : i32
      %sub3A_58 = arith.subi %div3A, %sub3A_57 : i32
      %select_n3A_59 = arith.select %and3A_56, %sub3A_58, %div3A : i32
      %jit3A_60 = arith.constant 64 : i32
      %eq3A_61 = arith.constant 0 : i32
      %eq3A_62 = arith.cmpi eq, %jit3A_60, %eq3A_61 : i32
      %jit3A_63 = arith.constant 1 : i32
      %select_n3A_64 = arith.select %eq3A_62, %jit3A_63, %jit3A_60 : i32
      %rem3A_65 = arith.remsi %add3A_37, %select_n3A_64 : i32
      %ne3A_66 = arith.constant 0 : i32
      %ne3A_67 = arith.cmpi ne, %rem3A_65, %ne3A_66 : i32
      %lt3A_68 = arith.constant 0 : i32
      %lt3A_69 = arith.cmpi slt, %rem3A_65, %lt3A_68 : i32
      %lt3A_70 = arith.constant 0 : i32
      %lt3A_71 = arith.cmpi slt, %select_n3A_64, %lt3A_70 : i32
      %ne3A_72 = arith.xori %lt3A_69, %lt3A_71 : i1
      %and3A_73 = arith.andi %ne3A_72, %ne3A_67 : i1
      %add3A_74 = arith.addi %rem3A_65, %select_n3A_64 : i32
      %select_n3A_75 = arith.select %and3A_73, %add3A_74, %rem3A_65 : i32
      %gt3A = arith.constant 0 : i32
      %gt3A_76 = arith.cmpi sgt, %select_n3A_75, %gt3A : i32
      %convert_element_type3A = arith.extui %gt3A_76 : i1 to i32
      %add3A_77 = arith.constant 1 : i32
      %add3A_78 = arith.addi %add3A_77, %convert_element_type3A : i32
      %lt3A_79 = arith.constant 63 : i32
      %lt3A_80 = arith.cmpi slt, %select_n3A_75, %lt3A_79 : i32
      %convert_element_type3A_81 = arith.extui %lt3A_80 : i1 to i32
      %add3A_82 = arith.addi %add3A_78, %convert_element_type3A_81 : i32
      %gt3A_83 = arith.constant 0 : i32
      %gt3A_84 = arith.cmpi sgt, %select_n3A_59, %gt3A_83 : i32
      %convert_element_type3A_85 = arith.extui %gt3A_84 : i1 to i32
      %add3A_86 = arith.addi %add3A_82, %convert_element_type3A_85 : i32
      %lt3A_87 = arith.constant 63 : i32
      %lt3A_88 = arith.cmpi slt, %select_n3A_59, %lt3A_87 : i32
      %convert_element_type3A_89 = arith.extui %lt3A_88 : i1 to i32
      %add3A_90 = arith.addi %add3A_86, %convert_element_type3A_89 : i32
      %eq3A_91 = arith.constant 5 : i32
      %eq3A_92 = arith.cmpi eq, %add3A_90, %eq3A_91 : i32
      %eq3A_93 = arith.constant 4 : i32
      %eq3A_94 = arith.cmpi eq, %add3A_90, %eq3A_93 : i32
      %jit3A_95 = arith.constant 5.000000e-01 : f32
      %jit3A_96 = arith.constant 0.577350259 : f32
      %select_n3A_97 = arith.select %eq3A_94, %jit3A_95, %jit3A_96 : f32
      %jit3A_98 = arith.constant 0.44721359 : f32
      %select_n3A_99 = arith.select %eq3A_92, %jit3A_98, %select_n3A_97 : f32
      %mul3A_100 = arith.mulf %select_n3A_99, %select_n3A_99 : f32
      %gt3A_101 = arith.constant 0 : i32
      %gt3A_102 = arith.cmpi sgt, %select_n3A_59, %gt3A_101 : i32
      %lt3A_103 = arith.constant 63 : i32
      %lt3A_104 = arith.cmpi slt, %select_n3A_59, %lt3A_103 : i32
      %gt3A_105 = arith.constant 0 : i32
      %gt3A_106 = arith.cmpi sgt, %select_n3A_75, %gt3A_105 : i32
      %lt3A_107 = arith.constant 63 : i32
      %lt3A_108 = arith.cmpi slt, %select_n3A_75, %lt3A_107 : i32
      %sub3A_109 = arith.constant 1 : i32
      %sub3A_110 = arith.subi %select_n3A_59, %sub3A_109 : i32
      %gt3A_111 = arith.constant 0 : i32
      %gt3A_112 = arith.cmpi sgt, %select_n3A_75, %gt3A_111 : i32
      %convert_element_type3A_113 = arith.extui %gt3A_112 : i1 to i32
      %add3A_114 = arith.constant 1 : i32
      %add3A_115 = arith.addi %add3A_114, %convert_element_type3A_113 : i32
      %lt3A_116 = arith.constant 63 : i32
      %lt3A_117 = arith.cmpi slt, %select_n3A_75, %lt3A_116 : i32
      %convert_element_type3A_118 = arith.extui %lt3A_117 : i1 to i32
      %add3A_119 = arith.addi %add3A_115, %convert_element_type3A_118 : i32
      %gt3A_120 = arith.constant 0 : i32
      %gt3A_121 = arith.cmpi sgt, %sub3A_110, %gt3A_120 : i32
      %convert_element_type3A_122 = arith.extui %gt3A_121 : i1 to i32
      %add3A_123 = arith.addi %add3A_119, %convert_element_type3A_122 : i32
      %lt3A_124 = arith.constant 63 : i32
      %lt3A_125 = arith.cmpi slt, %sub3A_110, %lt3A_124 : i32
      %convert_element_type3A_126 = arith.extui %lt3A_125 : i1 to i32
      %add3A_127 = arith.addi %add3A_123, %convert_element_type3A_126 : i32
      %eq3A_128 = arith.constant 5 : i32
      %eq3A_129 = arith.cmpi eq, %add3A_127, %eq3A_128 : i32
      %eq3A_130 = arith.constant 4 : i32
      %eq3A_131 = arith.cmpi eq, %add3A_127, %eq3A_130 : i32
      %jit3A_132 = arith.constant 5.000000e-01 : f32
      %jit3A_133 = arith.constant 0.577350259 : f32
      %select_n3A_134 = arith.select %eq3A_131, %jit3A_132, %jit3A_133 : f32
      %jit3A_135 = arith.constant 0.44721359 : f32
      %select_n3A_136 = arith.select %eq3A_129, %jit3A_135, %select_n3A_134 : f32
      %mul3A_137 = arith.mulf %select_n3A_99, %select_n3A_136 : f32
      %jit3A_138 = arith.constant 0.000000e+00 : f32
      %select_n3A_139 = arith.select %gt3A_102, %mul3A_137, %jit3A_138 : f32
      %add3A_140 = arith.constant 1 : i32
      %add3A_141 = arith.addi %select_n3A_59, %add3A_140 : i32
      %gt3A_142 = arith.constant 0 : i32
      %gt3A_143 = arith.cmpi sgt, %select_n3A_75, %gt3A_142 : i32
      %convert_element_type3A_144 = arith.extui %gt3A_143 : i1 to i32
      %add3A_145 = arith.constant 1 : i32
      %add3A_146 = arith.addi %add3A_145, %convert_element_type3A_144 : i32
      %lt3A_147 = arith.constant 63 : i32
      %lt3A_148 = arith.cmpi slt, %select_n3A_75, %lt3A_147 : i32
      %convert_element_type3A_149 = arith.extui %lt3A_148 : i1 to i32
      %add3A_150 = arith.addi %add3A_146, %convert_element_type3A_149 : i32
      %gt3A_151 = arith.constant 0 : i32
      %gt3A_152 = arith.cmpi sgt, %add3A_141, %gt3A_151 : i32
      %convert_element_type3A_153 = arith.extui %gt3A_152 : i1 to i32
      %add3A_154 = arith.addi %add3A_150, %convert_element_type3A_153 : i32
      %lt3A_155 = arith.constant 63 : i32
      %lt3A_156 = arith.cmpi slt, %add3A_141, %lt3A_155 : i32
      %convert_element_type3A_157 = arith.extui %lt3A_156 : i1 to i32
      %add3A_158 = arith.addi %add3A_154, %convert_element_type3A_157 : i32
      %eq3A_159 = arith.constant 5 : i32
      %eq3A_160 = arith.cmpi eq, %add3A_158, %eq3A_159 : i32
      %eq3A_161 = arith.constant 4 : i32
      %eq3A_162 = arith.cmpi eq, %add3A_158, %eq3A_161 : i32
      %jit3A_163 = arith.constant 5.000000e-01 : f32
      %jit3A_164 = arith.constant 0.577350259 : f32
      %select_n3A_165 = arith.select %eq3A_162, %jit3A_163, %jit3A_164 : f32
      %jit3A_166 = arith.constant 0.44721359 : f32
      %select_n3A_167 = arith.select %eq3A_160, %jit3A_166, %select_n3A_165 : f32
      %mul3A_168 = arith.mulf %select_n3A_99, %select_n3A_167 : f32
      %jit3A_169 = arith.constant 0.000000e+00 : f32
      %select_n3A_170 = arith.select %lt3A_104, %mul3A_168, %jit3A_169 : f32
      %sub3A_171 = arith.constant 1 : i32
      %sub3A_172 = arith.subi %select_n3A_75, %sub3A_171 : i32
      %gt3A_173 = arith.constant 0 : i32
      %gt3A_174 = arith.cmpi sgt, %sub3A_172, %gt3A_173 : i32
      %convert_element_type3A_175 = arith.extui %gt3A_174 : i1 to i32
      %add3A_176 = arith.constant 1 : i32
      %add3A_177 = arith.addi %add3A_176, %convert_element_type3A_175 : i32
      %lt3A_178 = arith.constant 63 : i32
      %lt3A_179 = arith.cmpi slt, %sub3A_172, %lt3A_178 : i32
      %convert_element_type3A_180 = arith.extui %lt3A_179 : i1 to i32
      %add3A_181 = arith.addi %add3A_177, %convert_element_type3A_180 : i32
      %gt3A_182 = arith.constant 0 : i32
      %gt3A_183 = arith.cmpi sgt, %select_n3A_59, %gt3A_182 : i32
      %convert_element_type3A_184 = arith.extui %gt3A_183 : i1 to i32
      %add3A_185 = arith.addi %add3A_181, %convert_element_type3A_184 : i32
      %lt3A_186 = arith.constant 63 : i32
      %lt3A_187 = arith.cmpi slt, %select_n3A_59, %lt3A_186 : i32
      %convert_element_type3A_188 = arith.extui %lt3A_187 : i1 to i32
      %add3A_189 = arith.addi %add3A_185, %convert_element_type3A_188 : i32
      %eq3A_190 = arith.constant 5 : i32
      %eq3A_191 = arith.cmpi eq, %add3A_189, %eq3A_190 : i32
      %eq3A_192 = arith.constant 4 : i32
      %eq3A_193 = arith.cmpi eq, %add3A_189, %eq3A_192 : i32
      %jit3A_194 = arith.constant 5.000000e-01 : f32
      %jit3A_195 = arith.constant 0.577350259 : f32
      %select_n3A_196 = arith.select %eq3A_193, %jit3A_194, %jit3A_195 : f32
      %jit3A_197 = arith.constant 0.44721359 : f32
      %select_n3A_198 = arith.select %eq3A_191, %jit3A_197, %select_n3A_196 : f32
      %mul3A_199 = arith.mulf %select_n3A_99, %select_n3A_198 : f32
      %jit3A_200 = arith.constant 0.000000e+00 : f32
      %select_n3A_201 = arith.select %gt3A_106, %mul3A_199, %jit3A_200 : f32
      %add3A_202 = arith.constant 1 : i32
      %add3A_203 = arith.addi %select_n3A_75, %add3A_202 : i32
      %gt3A_204 = arith.constant 0 : i32
      %gt3A_205 = arith.cmpi sgt, %add3A_203, %gt3A_204 : i32
      %convert_element_type3A_206 = arith.extui %gt3A_205 : i1 to i32
      %add3A_207 = arith.constant 1 : i32
      %add3A_208 = arith.addi %add3A_207, %convert_element_type3A_206 : i32
      %lt3A_209 = arith.constant 63 : i32
      %lt3A_210 = arith.cmpi slt, %add3A_203, %lt3A_209 : i32
      %convert_element_type3A_211 = arith.extui %lt3A_210 : i1 to i32
      %add3A_212 = arith.addi %add3A_208, %convert_element_type3A_211 : i32
      %gt3A_213 = arith.constant 0 : i32
      %gt3A_214 = arith.cmpi sgt, %select_n3A_59, %gt3A_213 : i32
      %convert_element_type3A_215 = arith.extui %gt3A_214 : i1 to i32
      %add3A_216 = arith.addi %add3A_212, %convert_element_type3A_215 : i32
      %lt3A_217 = arith.constant 63 : i32
      %lt3A_218 = arith.cmpi slt, %select_n3A_59, %lt3A_217 : i32
      %convert_element_type3A_219 = arith.extui %lt3A_218 : i1 to i32
      %add3A_220 = arith.addi %add3A_216, %convert_element_type3A_219 : i32
      %eq3A_221 = arith.constant 5 : i32
      %eq3A_222 = arith.cmpi eq, %add3A_220, %eq3A_221 : i32
      %eq3A_223 = arith.constant 4 : i32
      %eq3A_224 = arith.cmpi eq, %add3A_220, %eq3A_223 : i32
      %jit3A_225 = arith.constant 5.000000e-01 : f32
      %jit3A_226 = arith.constant 0.577350259 : f32
      %select_n3A_227 = arith.select %eq3A_224, %jit3A_225, %jit3A_226 : f32
      %jit3A_228 = arith.constant 0.44721359 : f32
      %select_n3A_229 = arith.select %eq3A_222, %jit3A_228, %select_n3A_227 : f32
      %mul3A_230 = arith.mulf %select_n3A_99, %select_n3A_229 : f32
      %jit3A_231 = arith.constant 0.000000e+00 : f32
      %select_n3A_232 = arith.select %lt3A_108, %mul3A_230, %jit3A_231 : f32
      %jit3A_233 = arith.constant -64 : i32
      %jit3A_234 = arith.constant 0 : i32
      %select_n3A_235 = arith.select %gt3A_102, %jit3A_233, %jit3A_234 : i32
      %jit3A_236 = arith.constant 64 : i32
      %jit3A_237 = arith.constant 0 : i32
      %select_n3A_238 = arith.select %lt3A_104, %jit3A_236, %jit3A_237 : i32
      %jit3A_239 = arith.constant -1 : i32
      %jit3A_240 = arith.constant 0 : i32
      %select_n3A_241 = arith.select %gt3A_106, %jit3A_239, %jit3A_240 : i32
      %jit3A_242 = arith.constant 1 : i32
      %jit3A_243 = arith.constant 0 : i32
      %select_n3A_244 = arith.select %lt3A_108, %jit3A_242, %jit3A_243 : i32
      %add3A_245 = arith.addi %sub3A_22, %scan3A_32 : i32
      %get3A = arith.index_cast %add3A_245 : i32 to index
      %get3A_246 = arith.constant 0 : index
      %get3A_247 = tpu.vector_load %arg4[%get3A, %get3A_246] {strides = array<i32>} : memref<384x128xf32, #tpu.memory_space<vmem>>, vector<1x16xf32>,
      %get3A_248 = vector.shape_cast %get3A_247 : vector<1x16xf32> to vector<16xf32>
      %mul3A_249 = vector.broadcast %mul3A_100 : f32 to vector<16xf32>
      %mul3A_250 = arith.mulf %mul3A_249, %get3A_248 : vector<16xf32>
      %add3A_251 = arith.addi %add3A_245, %select_n3A_235 : i32
      %get3A_252 = arith.index_cast %add3A_251 : i32 to index
      %get3A_253 = arith.constant 0 : index
      %get3A_254 = tpu.vector_load %arg4[%get3A_252, %get3A_253] {strides = array<i32>} : memref<384x128xf32, #tpu.memory_space<vmem>>, vector<1x16xf32>,
      %get3A_255 = vector.shape_cast %get3A_254 : vector<1x16xf32> to vector<16xf32>
      %mul3A_256 = vector.broadcast %select_n3A_139 : f32 to vector<16xf32>
      %mul3A_257 = arith.mulf %mul3A_256, %get3A_255 : vector<16xf32>
      %add3A_258 = arith.addf %mul3A_250, %mul3A_257 : vector<16xf32>
      %add3A_259 = arith.addi %add3A_245, %select_n3A_238 : i32
      %get3A_260 = arith.index_cast %add3A_259 : i32 to index
      %get3A_261 = arith.constant 0 : index
      %get3A_262 = tpu.vector_load %arg4[%get3A_260, %get3A_261] {strides = array<i32>} : memref<384x128xf32, #tpu.memory_space<vmem>>, vector<1x16xf32>,
      %get3A_263 = vector.shape_cast %get3A_262 : vector<1x16xf32> to vector<16xf32>
      %mul3A_264 = vector.broadcast %select_n3A_170 : f32 to vector<16xf32>
      %mul3A_265 = arith.mulf %mul3A_264, %get3A_263 : vector<16xf32>
      %add3A_266 = arith.addf %add3A_258, %mul3A_265 : vector<16xf32>
      %add3A_267 = arith.addi %add3A_245, %select_n3A_241 : i32
      %get3A_268 = arith.index_cast %add3A_267 : i32 to index
      %get3A_269 = arith.constant 0 : index
      %get3A_270 = tpu.vector_load %arg4[%get3A_268, %get3A_269] {strides = array<i32>} : memref<384x128xf32, #tpu.memory_space<vmem>>, vector<1x16xf32>,
      %get3A_271 = vector.shape_cast %get3A_270 : vector<1x16xf32> to vector<16xf32>
      %mul3A_272 = vector.broadcast %select_n3A_201 : f32 to vector<16xf32>
      %mul3A_273 = arith.mulf %mul3A_272, %get3A_271 : vector<16xf32>
      %add3A_274 = arith.addf %add3A_266, %mul3A_273 : vector<16xf32>
      %add3A_275 = arith.addi %add3A_245, %select_n3A_244 : i32
      %get3A_276 = arith.index_cast %add3A_275 : i32 to index
      %get3A_277 = arith.constant 0 : index
      %get3A_278 = tpu.vector_load %arg4[%get3A_276, %get3A_277] {strides = array<i32>} : memref<384x128xf32, #tpu.memory_space<vmem>>, vector<1x16xf32>,
      %get3A_279 = vector.shape_cast %get3A_278 : vector<1x16xf32> to vector<16xf32>
      %mul3A_280 = vector.broadcast %select_n3A_232 : f32 to vector<16xf32>
      %mul3A_281 = arith.mulf %mul3A_280, %get3A_279 : vector<16xf32>
      %add3A_282 = arith.addf %add3A_274, %mul3A_281 : vector<16xf32>
      %swap3A = arith.index_cast %scan3A_32 : i32 to index
      %swap3A_283 = arith.constant 0 : index
      %swap3A_284 = tpu.vector_load %arg5[%swap3A, %swap3A_283] {strides = array<i32>} : memref<256x128xf32, #tpu.memory_space<vmem>>, vector<1x16xf32>,
      %swap3A_285 = vector.shape_cast %swap3A_284 : vector<1x16xf32> to vector<16xf32>
      %swap3A_286 = vector.shape_cast %add3A_282 : vector<16xf32> to vector<1x16xf32>
      tpu.vector_store %arg5[%swap3A, %swap3A_283], %swap3A_286 {strides = array<i32>} : memref<256x128xf32, #tpu.memory_space<vmem>>, vector<1x16xf32>,
      %get3A_287 = arith.index_cast %add3A_245 : i32 to index
      %get3A_288 = arith.constant 16 : index
      %get3A_289 = tpu.vector_load %arg4[%get3A_287, %get3A_288] {strides = array<i32>} : memref<384x128xf32, #tpu.memory_space<vmem>>, vector<1x16xf32>,
      %get3A_290 = vector.shape_cast %get3A_289 : vector<1x16xf32> to vector<16xf32>
      %mul3A_291 = vector.broadcast %mul3A_100 : f32 to vector<16xf32>
      %mul3A_292 = arith.mulf %mul3A_291, %get3A_290 : vector<16xf32>
      %add3A_293 = arith.addi %add3A_245, %select_n3A_235 : i32
      %get3A_294 = arith.index_cast %add3A_293 : i32 to index
      %get3A_295 = arith.constant 16 : index
      %get3A_296 = tpu.vector_load %arg4[%get3A_294, %get3A_295] {strides = array<i32>} : memref<384x128xf32, #tpu.memory_space<vmem>>, vector<1x16xf32>,
      %get3A_297 = vector.shape_cast %get3A_296 : vector<1x16xf32> to vector<16xf32>
      %mul3A_298 = vector.broadcast %select_n3A_139 : f32 to vector<16xf32>
      %mul3A_299 = arith.mulf %mul3A_298, %get3A_297 : vector<16xf32>
      %add3A_300 = arith.addf %mul3A_292, %mul3A_299 : vector<16xf32>
      %add3A_301 = arith.addi %add3A_245, %select_n3A_238 : i32
      %get3A_302 = arith.index_cast %add3A_301 : i32 to index
      %get3A_303 = arith.constant 16 : index
      %get3A_304 = tpu.vector_load %arg4[%get3A_302, %get3A_303] {strides = array<i32>} : memref<384x128xf32, #tpu.memory_space<vmem>>, vector<1x16xf32>,
      %get3A_305 = vector.shape_cast %get3A_304 : vector<1x16xf32> to vector<16xf32>
      %mul3A_306 = vector.broadcast %select_n3A_170 : f32 to vector<16xf32>
      %mul3A_307 = arith.mulf %mul3A_306, %get3A_305 : vector<16xf32>
      %add3A_308 = arith.addf %add3A_300, %mul3A_307 : vector<16xf32>
      %add3A_309 = arith.addi %add3A_245, %select_n3A_241 : i32
      %get3A_310 = arith.index_cast %add3A_309 : i32 to index
      %get3A_311 = arith.constant 16 : index
      %get3A_312 = tpu.vector_load %arg4[%get3A_310, %get3A_311] {strides = array<i32>} : memref<384x128xf32, #tpu.memory_space<vmem>>, vector<1x16xf32>,
      %get3A_313 = vector.shape_cast %get3A_312 : vector<1x16xf32> to vector<16xf32>
      %mul3A_314 = vector.broadcast %select_n3A_201 : f32 to vector<16xf32>
      %mul3A_315 = arith.mulf %mul3A_314, %get3A_313 : vector<16xf32>
      %add3A_316 = arith.addf %add3A_308, %mul3A_315 : vector<16xf32>
      %add3A_317 = arith.addi %add3A_245, %select_n3A_244 : i32
      %get3A_318 = arith.index_cast %add3A_317 : i32 to index
      %get3A_319 = arith.constant 16 : index
      %get3A_320 = tpu.vector_load %arg4[%get3A_318, %get3A_319] {strides = array<i32>} : memref<384x128xf32, #tpu.memory_space<vmem>>, vector<1x16xf32>,
      %get3A_321 = vector.shape_cast %get3A_320 : vector<1x16xf32> to vector<16xf32>
      %mul3A_322 = vector.broadcast %select_n3A_232 : f32 to vector<16xf32>
      %mul3A_323 = arith.mulf %mul3A_322, %get3A_321 : vector<16xf32>
      %add3A_324 = arith.addf %add3A_316, %mul3A_323 : vector<16xf32>
      %swap3A_325 = arith.index_cast %scan3A_32 : i32 to index
      %swap3A_326 = arith.constant 16 : index
      %swap3A_327 = tpu.vector_load %arg5[%swap3A_325, %swap3A_326] {strides = array<i32>} : memref<256x128xf32, #tpu.memory_space<vmem>>, vector<1x16xf32>,
      %swap3A_328 = vector.shape_cast %swap3A_327 : vector<1x16xf32> to vector<16xf32>
      %swap3A_329 = vector.shape_cast %add3A_324 : vector<16xf32> to vector<1x16xf32>
      tpu.vector_store %arg5[%swap3A_325, %swap3A_326], %swap3A_329 {strides = array<i32>} : memref<256x128xf32, #tpu.memory_space<vmem>>, vector<1x16xf32>,
      %get3A_330 = arith.index_cast %add3A_245 : i32 to index
      %get3A_331 = arith.constant 32 : index
      %get3A_332 = tpu.vector_load %arg4[%get3A_330, %get3A_331] {strides = array<i32>} : memref<384x128xf32, #tpu.memory_space<vmem>>, vector<1x16xf32>,
      %get3A_333 = vector.shape_cast %get3A_332 : vector<1x16xf32> to vector<16xf32>
      %mul3A_334 = vector.broadcast %mul3A_100 : f32 to vector<16xf32>
      %mul3A_335 = arith.mulf %mul3A_334, %get3A_333 : vector<16xf32>
      %add3A_336 = arith.addi %add3A_245, %select_n3A_235 : i32
      %get3A_337 = arith.index_cast %add3A_336 : i32 to index
      %get3A_338 = arith.constant 32 : index
      %get3A_339 = tpu.vector_load %arg4[%get3A_337, %get3A_338] {strides = array<i32>} : memref<384x128xf32, #tpu.memory_space<vmem>>, vector<1x16xf32>,
      %get3A_340 = vector.shape_cast %get3A_339 : vector<1x16xf32> to vector<16xf32>
      %mul3A_341 = vector.broadcast %select_n3A_139 : f32 to vector<16xf32>
      %mul3A_342 = arith.mulf %mul3A_341, %get3A_340 : vector<16xf32>
      %add3A_343 = arith.addf %mul3A_335, %mul3A_342 : vector<16xf32>
      %add3A_344 = arith.addi %add3A_245, %select_n3A_238 : i32
      %get3A_345 = arith.index_cast %add3A_344 : i32 to index
      %get3A_346 = arith.constant 32 : index
      %get3A_347 = tpu.vector_load %arg4[%get3A_345, %get3A_346] {strides = array<i32>} : memref<384x128xf32, #tpu.memory_space<vmem>>, vector<1x16xf32>,
      %get3A_348 = vector.shape_cast %get3A_347 : vector<1x16xf32> to vector<16xf32>
      %mul3A_349 = vector.broadcast %select_n3A_170 : f32 to vector<16xf32>
      %mul3A_350 = arith.mulf %mul3A_349, %get3A_348 : vector<16xf32>
      %add3A_351 = arith.addf %add3A_343, %mul3A_350 : vector<16xf32>
      %add3A_352 = arith.addi %add3A_245, %select_n3A_241 : i32
      %get3A_353 = arith.index_cast %add3A_352 : i32 to index
      %get3A_354 = arith.constant 32 : index
      %get3A_355 = tpu.vector_load %arg4[%get3A_353, %get3A_354] {strides = array<i32>} : memref<384x128xf32, #tpu.memory_space<vmem>>, vector<1x16xf32>,
      %get3A_356 = vector.shape_cast %get3A_355 : vector<1x16xf32> to vector<16xf32>
      %mul3A_357 = vector.broadcast %select_n3A_201 : f32 to vector<16xf32>
      %mul3A_358 = arith.mulf %mul3A_357, %get3A_356 : vector<16xf32>
      %add3A_359 = arith.addf %add3A_351, %mul3A_358 : vector<16xf32>
      %add3A_360 = arith.addi %add3A_245, %select_n3A_244 : i32
      %get3A_361 = arith.index_cast %add3A_360 : i32 to index
      %get3A_362 = arith.constant 32 : index
      %get3A_363 = tpu.vector_load %arg4[%get3A_361, %get3A_362] {strides = array<i32>} : memref<384x128xf32, #tpu.memory_space<vmem>>, vector<1x16xf32>,
      %get3A_364 = vector.shape_cast %get3A_363 : vector<1x16xf32> to vector<16xf32>
      %mul3A_365 = vector.broadcast %select_n3A_232 : f32 to vector<16xf32>
      %mul3A_366 = arith.mulf %mul3A_365, %get3A_364 : vector<16xf32>
      %add3A_367 = arith.addf %add3A_359, %mul3A_366 : vector<16xf32>
      %swap3A_368 = arith.index_cast %scan3A_32 : i32 to index
      %swap3A_369 = arith.constant 32 : index
      %swap3A_370 = tpu.vector_load %arg5[%swap3A_368, %swap3A_369] {strides = array<i32>} : memref<256x128xf32, #tpu.memory_space<vmem>>, vector<1x16xf32>,
      %swap3A_371 = vector.shape_cast %swap3A_370 : vector<1x16xf32> to vector<16xf32>
      %swap3A_372 = vector.shape_cast %add3A_367 : vector<16xf32> to vector<1x16xf32>
      tpu.vector_store %arg5[%swap3A_368, %swap3A_369], %swap3A_372 {strides = array<i32>} : memref<256x128xf32, #tpu.memory_space<vmem>>, vector<1x16xf32>,
      %get3A_373 = arith.index_cast %add3A_245 : i32 to index
      %get3A_374 = arith.constant 48 : index
      %get3A_375 = tpu.vector_load %arg4[%get3A_373, %get3A_374] {strides = array<i32>} : memref<384x128xf32, #tpu.memory_space<vmem>>, vector<1x16xf32>,
      %get3A_376 = vector.shape_cast %get3A_375 : vector<1x16xf32> to vector<16xf32>
      %mul3A_377 = vector.broadcast %mul3A_100 : f32 to vector<16xf32>
      %mul3A_378 = arith.mulf %mul3A_377, %get3A_376 : vector<16xf32>
      %add3A_379 = arith.addi %add3A_245, %select_n3A_235 : i32
      %get3A_380 = arith.index_cast %add3A_379 : i32 to index
      %get3A_381 = arith.constant 48 : index
      %get3A_382 = tpu.vector_load %arg4[%get3A_380, %get3A_381] {strides = array<i32>} : memref<384x128xf32, #tpu.memory_space<vmem>>, vector<1x16xf32>,
      %get3A_383 = vector.shape_cast %get3A_382 : vector<1x16xf32> to vector<16xf32>
      %mul3A_384 = vector.broadcast %select_n3A_139 : f32 to vector<16xf32>
      %mul3A_385 = arith.mulf %mul3A_384, %get3A_383 : vector<16xf32>
      %add3A_386 = arith.addf %mul3A_378, %mul3A_385 : vector<16xf32>
      %add3A_387 = arith.addi %add3A_245, %select_n3A_238 : i32
      %get3A_388 = arith.index_cast %add3A_387 : i32 to index
      %get3A_389 = arith.constant 48 : index
      %get3A_390 = tpu.vector_load %arg4[%get3A_388, %get3A_389] {strides = array<i32>} : memref<384x128xf32, #tpu.memory_space<vmem>>, vector<1x16xf32>,
      %get3A_391 = vector.shape_cast %get3A_390 : vector<1x16xf32> to vector<16xf32>
      %mul3A_392 = vector.broadcast %select_n3A_170 : f32 to vector<16xf32>
      %mul3A_393 = arith.mulf %mul3A_392, %get3A_391 : vector<16xf32>
      %add3A_394 = arith.addf %add3A_386, %mul3A_393 : vector<16xf32>
      %add3A_395 = arith.addi %add3A_245, %select_n3A_241 : i32
      %get3A_396 = arith.index_cast %add3A_395 : i32 to index
      %get3A_397 = arith.constant 48 : index
      %get3A_398 = tpu.vector_load %arg4[%get3A_396, %get3A_397] {strides = array<i32>} : memref<384x128xf32, #tpu.memory_space<vmem>>, vector<1x16xf32>,
      %get3A_399 = vector.shape_cast %get3A_398 : vector<1x16xf32> to vector<16xf32>
      %mul3A_400 = vector.broadcast %select_n3A_201 : f32 to vector<16xf32>
      %mul3A_401 = arith.mulf %mul3A_400, %get3A_399 : vector<16xf32>
      %add3A_402 = arith.addf %add3A_394, %mul3A_401 : vector<16xf32>
      %add3A_403 = arith.addi %add3A_245, %select_n3A_244 : i32
      %get3A_404 = arith.index_cast %add3A_403 : i32 to index
      %get3A_405 = arith.constant 48 : index
      %get3A_406 = tpu.vector_load %arg4[%get3A_404, %get3A_405] {strides = array<i32>} : memref<384x128xf32, #tpu.memory_space<vmem>>, vector<1x16xf32>,
      %get3A_407 = vector.shape_cast %get3A_406 : vector<1x16xf32> to vector<16xf32>
      %mul3A_408 = vector.broadcast %select_n3A_232 : f32 to vector<16xf32>
      %mul3A_409 = arith.mulf %mul3A_408, %get3A_407 : vector<16xf32>
      %add3A_410 = arith.addf %add3A_402, %mul3A_409 : vector<16xf32>
      %swap3A_411 = arith.index_cast %scan3A_32 : i32 to index
      %swap3A_412 = arith.constant 48 : index
      %swap3A_413 = tpu.vector_load %arg5[%swap3A_411, %swap3A_412] {strides = array<i32>} : memref<256x128xf32, #tpu.memory_space<vmem>>, vector<1x16xf32>,
      %swap3A_414 = vector.shape_cast %swap3A_413 : vector<1x16xf32> to vector<16xf32>
      %swap3A_415 = vector.shape_cast %add3A_410 : vector<16xf32> to vector<1x16xf32>
      tpu.vector_store %arg5[%swap3A_411, %swap3A_412], %swap3A_415 {strides = array<i32>} : memref<256x128xf32, #tpu.memory_space<vmem>>, vector<1x16xf32>,
      %get3A_416 = arith.index_cast %add3A_245 : i32 to index
      %get3A_417 = arith.constant 64 : index
      %get3A_418 = tpu.vector_load %arg4[%get3A_416, %get3A_417] {strides = array<i32>} : memref<384x128xf32, #tpu.memory_space<vmem>>, vector<1x16xf32>,
      %get3A_419 = vector.shape_cast %get3A_418 : vector<1x16xf32> to vector<16xf32>
      %mul3A_420 = vector.broadcast %mul3A_100 : f32 to vector<16xf32>
      %mul3A_421 = arith.mulf %mul3A_420, %get3A_419 : vector<16xf32>
      %add3A_422 = arith.addi %add3A_245, %select_n3A_235 : i32
      %get3A_423 = arith.index_cast %add3A_422 : i32 to index
      %get3A_424 = arith.constant 64 : index
      %get3A_425 = tpu.vector_load %arg4[%get3A_423, %get3A_424] {strides = array<i32>} : memref<384x128xf32, #tpu.memory_space<vmem>>, vector<1x16xf32>,
      %get3A_426 = vector.shape_cast %get3A_425 : vector<1x16xf32> to vector<16xf32>
      %mul3A_427 = vector.broadcast %select_n3A_139 : f32 to vector<16xf32>
      %mul3A_428 = arith.mulf %mul3A_427, %get3A_426 : vector<16xf32>
      %add3A_429 = arith.addf %mul3A_421, %mul3A_428 : vector<16xf32>
      %add3A_430 = arith.addi %add3A_245, %select_n3A_238 : i32
      %get3A_431 = arith.index_cast %add3A_430 : i32 to index
      %get3A_432 = arith.constant 64 : index
      %get3A_433 = tpu.vector_load %arg4[%get3A_431, %get3A_432] {strides = array<i32>} : memref<384x128xf32, #tpu.memory_space<vmem>>, vector<1x16xf32>,
      %get3A_434 = vector.shape_cast %get3A_433 : vector<1x16xf32> to vector<16xf32>
      %mul3A_435 = vector.broadcast %select_n3A_170 : f32 to vector<16xf32>
      %mul3A_436 = arith.mulf %mul3A_435, %get3A_434 : vector<16xf32>
      %add3A_437 = arith.addf %add3A_429, %mul3A_436 : vector<16xf32>
      %add3A_438 = arith.addi %add3A_245, %select_n3A_241 : i32
      %get3A_439 = arith.index_cast %add3A_438 : i32 to index
      %get3A_440 = arith.constant 64 : index
      %get3A_441 = tpu.vector_load %arg4[%get3A_439, %get3A_440] {strides = array<i32>} : memref<384x128xf32, #tpu.memory_space<vmem>>, vector<1x16xf32>,
      %get3A_442 = vector.shape_cast %get3A_441 : vector<1x16xf32> to vector<16xf32>
      %mul3A_443 = vector.broadcast %select_n3A_201 : f32 to vector<16xf32>
      %mul3A_444 = arith.mulf %mul3A_443, %get3A_442 : vector<16xf32>
      %add3A_445 = arith.addf %add3A_437, %mul3A_444 : vector<16xf32>
      %add3A_446 = arith.addi %add3A_245, %select_n3A_244 : i32
      %get3A_447 = arith.index_cast %add3A_446 : i32 to index
      %get3A_448 = arith.constant 64 : index
      %get3A_449 = tpu.vector_load %arg4[%get3A_447, %get3A_448] {strides = array<i32>} : memref<384x128xf32, #tpu.memory_space<vmem>>, vector<1x16xf32>,
      %get3A_450 = vector.shape_cast %get3A_449 : vector<1x16xf32> to vector<16xf32>
      %mul3A_451 = vector.broadcast %select_n3A_232 : f32 to vector<16xf32>
      %mul3A_452 = arith.mulf %mul3A_451, %get3A_450 : vector<16xf32>
      %add3A_453 = arith.addf %add3A_445, %mul3A_452 : vector<16xf32>
      %swap3A_454 = arith.index_cast %scan3A_32 : i32 to index
      %swap3A_455 = arith.constant 64 : index
      %swap3A_456 = tpu.vector_load %arg5[%swap3A_454, %swap3A_455] {strides = array<i32>} : memref<256x128xf32, #tpu.memory_space<vmem>>, vector<1x16xf32>,
      %swap3A_457 = vector.shape_cast %swap3A_456 : vector<1x16xf32> to vector<16xf32>
      %swap3A_458 = vector.shape_cast %add3A_453 : vector<16xf32> to vector<1x16xf32>
      tpu.vector_store %arg5[%swap3A_454, %swap3A_455], %swap3A_458 {strides = array<i32>} : memref<256x128xf32, #tpu.memory_space<vmem>>, vector<1x16xf32>,
      %get3A_459 = arith.index_cast %add3A_245 : i32 to index
      %get3A_460 = arith.constant 80 : index
      %get3A_461 = tpu.vector_load %arg4[%get3A_459, %get3A_460] {strides = array<i32>} : memref<384x128xf32, #tpu.memory_space<vmem>>, vector<1x16xf32>,
      %get3A_462 = vector.shape_cast %get3A_461 : vector<1x16xf32> to vector<16xf32>
      %mul3A_463 = vector.broadcast %mul3A_100 : f32 to vector<16xf32>
      %mul3A_464 = arith.mulf %mul3A_463, %get3A_462 : vector<16xf32>
      %add3A_465 = arith.addi %add3A_245, %select_n3A_235 : i32
      %get3A_466 = arith.index_cast %add3A_465 : i32 to index
      %get3A_467 = arith.constant 80 : index
      %get3A_468 = tpu.vector_load %arg4[%get3A_466, %get3A_467] {strides = array<i32>} : memref<384x128xf32, #tpu.memory_space<vmem>>, vector<1x16xf32>,
      %get3A_469 = vector.shape_cast %get3A_468 : vector<1x16xf32> to vector<16xf32>
      %mul3A_470 = vector.broadcast %select_n3A_139 : f32 to vector<16xf32>
      %mul3A_471 = arith.mulf %mul3A_470, %get3A_469 : vector<16xf32>
      %add3A_472 = arith.addf %mul3A_464, %mul3A_471 : vector<16xf32>
      %add3A_473 = arith.addi %add3A_245, %select_n3A_238 : i32
      %get3A_474 = arith.index_cast %add3A_473 : i32 to index
      %get3A_475 = arith.constant 80 : index
      %get3A_476 = tpu.vector_load %arg4[%get3A_474, %get3A_475] {strides = array<i32>} : memref<384x128xf32, #tpu.memory_space<vmem>>, vector<1x16xf32>,
      %get3A_477 = vector.shape_cast %get3A_476 : vector<1x16xf32> to vector<16xf32>
      %mul3A_478 = vector.broadcast %select_n3A_170 : f32 to vector<16xf32>
      %mul3A_479 = arith.mulf %mul3A_478, %get3A_477 : vector<16xf32>
      %add3A_480 = arith.addf %add3A_472, %mul3A_479 : vector<16xf32>
      %add3A_481 = arith.addi %add3A_245, %select_n3A_241 : i32
      %get3A_482 = arith.index_cast %add3A_481 : i32 to index
      %get3A_483 = arith.constant 80 : index
      %get3A_484 = tpu.vector_load %arg4[%get3A_482, %get3A_483] {strides = array<i32>} : memref<384x128xf32, #tpu.memory_space<vmem>>, vector<1x16xf32>,
      %get3A_485 = vector.shape_cast %get3A_484 : vector<1x16xf32> to vector<16xf32>
      %mul3A_486 = vector.broadcast %select_n3A_201 : f32 to vector<16xf32>
      %mul3A_487 = arith.mulf %mul3A_486, %get3A_485 : vector<16xf32>
      %add3A_488 = arith.addf %add3A_480, %mul3A_487 : vector<16xf32>
      %add3A_489 = arith.addi %add3A_245, %select_n3A_244 : i32
      %get3A_490 = arith.index_cast %add3A_489 : i32 to index
      %get3A_491 = arith.constant 80 : index
      %get3A_492 = tpu.vector_load %arg4[%get3A_490, %get3A_491] {strides = array<i32>} : memref<384x128xf32, #tpu.memory_space<vmem>>, vector<1x16xf32>,
      %get3A_493 = vector.shape_cast %get3A_492 : vector<1x16xf32> to vector<16xf32>
      %mul3A_494 = vector.broadcast %select_n3A_232 : f32 to vector<16xf32>
      %mul3A_495 = arith.mulf %mul3A_494, %get3A_493 : vector<16xf32>
      %add3A_496 = arith.addf %add3A_488, %mul3A_495 : vector<16xf32>
      %swap3A_497 = arith.index_cast %scan3A_32 : i32 to index
      %swap3A_498 = arith.constant 80 : index
      %swap3A_499 = tpu.vector_load %arg5[%swap3A_497, %swap3A_498] {strides = array<i32>} : memref<256x128xf32, #tpu.memory_space<vmem>>, vector<1x16xf32>,
      %swap3A_500 = vector.shape_cast %swap3A_499 : vector<1x16xf32> to vector<16xf32>
      %swap3A_501 = vector.shape_cast %add3A_496 : vector<16xf32> to vector<1x16xf32>
      tpu.vector_store %arg5[%swap3A_497, %swap3A_498], %swap3A_501 {strides = array<i32>} : memref<256x128xf32, #tpu.memory_space<vmem>>, vector<1x16xf32>,
      %get3A_502 = arith.index_cast %add3A_245 : i32 to index
      %get3A_503 = arith.constant 96 : index
      %get3A_504 = tpu.vector_load %arg4[%get3A_502, %get3A_503] {strides = array<i32>} : memref<384x128xf32, #tpu.memory_space<vmem>>, vector<1x16xf32>,
      %get3A_505 = vector.shape_cast %get3A_504 : vector<1x16xf32> to vector<16xf32>
      %mul3A_506 = vector.broadcast %mul3A_100 : f32 to vector<16xf32>
      %mul3A_507 = arith.mulf %mul3A_506, %get3A_505 : vector<16xf32>
      %add3A_508 = arith.addi %add3A_245, %select_n3A_235 : i32
      %get3A_509 = arith.index_cast %add3A_508 : i32 to index
      %get3A_510 = arith.constant 96 : index
      %get3A_511 = tpu.vector_load %arg4[%get3A_509, %get3A_510] {strides = array<i32>} : memref<384x128xf32, #tpu.memory_space<vmem>>, vector<1x16xf32>,
      %get3A_512 = vector.shape_cast %get3A_511 : vector<1x16xf32> to vector<16xf32>
      %mul3A_513 = vector.broadcast %select_n3A_139 : f32 to vector<16xf32>
      %mul3A_514 = arith.mulf %mul3A_513, %get3A_512 : vector<16xf32>
      %add3A_515 = arith.addf %mul3A_507, %mul3A_514 : vector<16xf32>
      %add3A_516 = arith.addi %add3A_245, %select_n3A_238 : i32
      %get3A_517 = arith.index_cast %add3A_516 : i32 to index
      %get3A_518 = arith.constant 96 : index
      %get3A_519 = tpu.vector_load %arg4[%get3A_517, %get3A_518] {strides = array<i32>} : memref<384x128xf32, #tpu.memory_space<vmem>>, vector<1x16xf32>,
      %get3A_520 = vector.shape_cast %get3A_519 : vector<1x16xf32> to vector<16xf32>
      %mul3A_521 = vector.broadcast %select_n3A_170 : f32 to vector<16xf32>
      %mul3A_522 = arith.mulf %mul3A_521, %get3A_520 : vector<16xf32>
      %add3A_523 = arith.addf %add3A_515, %mul3A_522 : vector<16xf32>
      %add3A_524 = arith.addi %add3A_245, %select_n3A_241 : i32
      %get3A_525 = arith.index_cast %add3A_524 : i32 to index
      %get3A_526 = arith.constant 96 : index
      %get3A_527 = tpu.vector_load %arg4[%get3A_525, %get3A_526] {strides = array<i32>} : memref<384x128xf32, #tpu.memory_space<vmem>>, vector<1x16xf32>,
      %get3A_528 = vector.shape_cast %get3A_527 : vector<1x16xf32> to vector<16xf32>
      %mul3A_529 = vector.broadcast %select_n3A_201 : f32 to vector<16xf32>
      %mul3A_530 = arith.mulf %mul3A_529, %get3A_528 : vector<16xf32>
      %add3A_531 = arith.addf %add3A_523, %mul3A_530 : vector<16xf32>
      %add3A_532 = arith.addi %add3A_245, %select_n3A_244 : i32
      %get3A_533 = arith.index_cast %add3A_532 : i32 to index
      %get3A_534 = arith.constant 96 : index
      %get3A_535 = tpu.vector_load %arg4[%get3A_533, %get3A_534] {strides = array<i32>} : memref<384x128xf32, #tpu.memory_space<vmem>>, vector<1x16xf32>,
      %get3A_536 = vector.shape_cast %get3A_535 : vector<1x16xf32> to vector<16xf32>
      %mul3A_537 = vector.broadcast %select_n3A_232 : f32 to vector<16xf32>
      %mul3A_538 = arith.mulf %mul3A_537, %get3A_536 : vector<16xf32>
      %add3A_539 = arith.addf %add3A_531, %mul3A_538 : vector<16xf32>
      %swap3A_540 = arith.index_cast %scan3A_32 : i32 to index
      %swap3A_541 = arith.constant 96 : index
      %swap3A_542 = tpu.vector_load %arg5[%swap3A_540, %swap3A_541] {strides = array<i32>} : memref<256x128xf32, #tpu.memory_space<vmem>>, vector<1x16xf32>,
      %swap3A_543 = vector.shape_cast %swap3A_542 : vector<1x16xf32> to vector<16xf32>
      %swap3A_544 = vector.shape_cast %add3A_539 : vector<16xf32> to vector<1x16xf32>
      tpu.vector_store %arg5[%swap3A_540, %swap3A_541], %swap3A_544 {strides = array<i32>} : memref<256x128xf32, #tpu.memory_space<vmem>>, vector<1x16xf32>,
      %get3A_545 = arith.index_cast %add3A_245 : i32 to index
      %get3A_546 = arith.constant 112 : index
      %get3A_547 = tpu.vector_load %arg4[%get3A_545, %get3A_546] {strides = array<i32>} : memref<384x128xf32, #tpu.memory_space<vmem>>, vector<1x16xf32>,
      %get3A_548 = vector.shape_cast %get3A_547 : vector<1x16xf32> to vector<16xf32>
      %mul3A_549 = vector.broadcast %mul3A_100 : f32 to vector<16xf32>
      %mul3A_550 = arith.mulf %mul3A_549, %get3A_548 : vector<16xf32>
      %add3A_551 = arith.addi %add3A_245, %select_n3A_235 : i32
      %get3A_552 = arith.index_cast %add3A_551 : i32 to index
      %get3A_553 = arith.constant 112 : index
      %get3A_554 = tpu.vector_load %arg4[%get3A_552, %get3A_553] {strides = array<i32>} : memref<384x128xf32, #tpu.memory_space<vmem>>, vector<1x16xf32>,
      %get3A_555 = vector.shape_cast %get3A_554 : vector<1x16xf32> to vector<16xf32>
      %mul3A_556 = vector.broadcast %select_n3A_139 : f32 to vector<16xf32>
      %mul3A_557 = arith.mulf %mul3A_556, %get3A_555 : vector<16xf32>
      %add3A_558 = arith.addf %mul3A_550, %mul3A_557 : vector<16xf32>
      %add3A_559 = arith.addi %add3A_245, %select_n3A_238 : i32
      %get3A_560 = arith.index_cast %add3A_559 : i32 to index
      %get3A_561 = arith.constant 112 : index
      %get3A_562 = tpu.vector_load %arg4[%get3A_560, %get3A_561] {strides = array<i32>} : memref<384x128xf32, #tpu.memory_space<vmem>>, vector<1x16xf32>,
      %get3A_563 = vector.shape_cast %get3A_562 : vector<1x16xf32> to vector<16xf32>
      %mul3A_564 = vector.broadcast %select_n3A_170 : f32 to vector<16xf32>
      %mul3A_565 = arith.mulf %mul3A_564, %get3A_563 : vector<16xf32>
      %add3A_566 = arith.addf %add3A_558, %mul3A_565 : vector<16xf32>
      %add3A_567 = arith.addi %add3A_245, %select_n3A_241 : i32
      %get3A_568 = arith.index_cast %add3A_567 : i32 to index
      %get3A_569 = arith.constant 112 : index
      %get3A_570 = tpu.vector_load %arg4[%get3A_568, %get3A_569] {strides = array<i32>} : memref<384x128xf32, #tpu.memory_space<vmem>>, vector<1x16xf32>,
      %get3A_571 = vector.shape_cast %get3A_570 : vector<1x16xf32> to vector<16xf32>
      %mul3A_572 = vector.broadcast %select_n3A_201 : f32 to vector<16xf32>
      %mul3A_573 = arith.mulf %mul3A_572, %get3A_571 : vector<16xf32>
      %add3A_574 = arith.addf %add3A_566, %mul3A_573 : vector<16xf32>
      %add3A_575 = arith.addi %add3A_245, %select_n3A_244 : i32
      %get3A_576 = arith.index_cast %add3A_575 : i32 to index
      %get3A_577 = arith.constant 112 : index
      %get3A_578 = tpu.vector_load %arg4[%get3A_576, %get3A_577] {strides = array<i32>} : memref<384x128xf32, #tpu.memory_space<vmem>>, vector<1x16xf32>,
      %get3A_579 = vector.shape_cast %get3A_578 : vector<1x16xf32> to vector<16xf32>
      %mul3A_580 = vector.broadcast %select_n3A_232 : f32 to vector<16xf32>
      %mul3A_581 = arith.mulf %mul3A_580, %get3A_579 : vector<16xf32>
      %add3A_582 = arith.addf %add3A_574, %mul3A_581 : vector<16xf32>
      %swap3A_583 = arith.index_cast %scan3A_32 : i32 to index
      %swap3A_584 = arith.constant 112 : index
      %swap3A_585 = tpu.vector_load %arg5[%swap3A_583, %swap3A_584] {strides = array<i32>} : memref<256x128xf32, #tpu.memory_space<vmem>>, vector<1x16xf32>,
      %swap3A_586 = vector.shape_cast %swap3A_585 : vector<1x16xf32> to vector<16xf32>
      %swap3A_587 = vector.shape_cast %add3A_582 : vector<16xf32> to vector<1x16xf32>
      tpu.vector_store %arg5[%swap3A_583, %swap3A_584], %swap3A_587 {strides = array<i32>} : memref<256x128xf32, #tpu.memory_space<vmem>>, vector<1x16xf32>,
      %scan3A_588 = arith.constant 0 : i32
      scf.yield %scan3A_588 : i32
    }
    %scan3A_29 = arith.constant 256 : i32
    "tpu.region"() ({
      %run_scoped3A = tpu.sem_alloc : memref<!tpu.dma_semaphore, #tpu.memory_space<semaphore_mem>>
      %dma_start3A = arith.constant 0 : i32
      %dma_start3A_32 = tpu.memref_slice %arg3[%multiple_of3A, %dma_start3A] : memref<8192x128xf32, #tpu.memory_space<hbm>> -> memref<256x128xf32, #tpu.memory_space<hbm>>
      %dma_start3A_33 = arith.constant 0 : i32
      %dma_start3A_34 = tpu.memref_slice %arg3[%multiple_of3A, %dma_start3A_33] : memref<8192x128xf32, #tpu.memory_space<hbm>> -> memref<256x128xf32, #tpu.memory_space<hbm>>
      tpu.enqueue_dma source(%arg5 : memref<256x128xf32, #tpu.memory_space<vmem>>) target(%dma_start3A_34 : memref<256x128xf32, #tpu.memory_space<hbm>>) target_semaphore(%run_scoped3A : memref<!tpu.dma_semaphore, #tpu.memory_space<semaphore_mem>>)
      %dma_wait3A = arith.constant 0 : i32
      %dma_wait3A_35 = tpu.memref_slice %arg3[%multiple_of3A, %dma_wait3A] : memref<8192x128xf32, #tpu.memory_space<hbm>> -> memref<256x128xf32, #tpu.memory_space<hbm>>
      %dma_wait3A_36 = arith.constant 0 : i32
      %dma_wait3A_37 = tpu.memref_slice %arg3[%multiple_of3A, %dma_wait3A_36] : memref<8192x128xf32, #tpu.memory_space<hbm>> -> memref<256x128xf32, #tpu.memory_space<hbm>>
      tpu.wait_dma2 semaphore(%run_scoped3A : memref<!tpu.dma_semaphore, #tpu.memory_space<semaphore_mem>>) src(%arg5 : memref<256x128xf32, #tpu.memory_space<vmem>>) dst(%dma_wait3A_37 : memref<256x128xf32, #tpu.memory_space<hbm>>)
      tpu.yield
    }) : () -> ()
    %scan3A_30 = arith.constant 0 : i32
    %scan3A_31 = arith.constant 1 : i32
    return
  }
}

module attributes {stable_mosaic.version = 14 : i64} {
  func.func @_mlp_body(%arg0: i32, %arg1: memref<1024x256xf32, #tpu.memory_space<vmem>>, %arg2: memref<256x512xf32, #tpu.memory_space<vmem>>, %arg3: memref<1x512xf32, #tpu.memory_space<vmem>>, %arg4: memref<512x512xf32, #tpu.memory_space<vmem>>, %arg5: memref<1x512xf32, #tpu.memory_space<vmem>>, %arg6: memref<1024x512xf32, #tpu.memory_space<vmem>>) attributes {dimension_semantics = [#tpu.dimension_semantics<arbitrary>], iteration_bounds = array<i64: 8>, scalar_prefetch = 0 : i64, scratch_operands = 0 : i64, tpu.core_type = #tpu.core_type<tc>, window_params = [{transform_indices = @transform_0, window_bounds = array<i64: 1024, 256>}, {pipeline_mode = #tpu.pipeline_mode<synchronous>, transform_indices = @transform_1, window_bounds = array<i64: 256, 512>}, {pipeline_mode = #tpu.pipeline_mode<synchronous>, transform_indices = @transform_2, window_bounds = array<i64: 1, 512>}, {pipeline_mode = #tpu.pipeline_mode<synchronous>, transform_indices = @transform_3, window_bounds = array<i64: 512, 512>}, {pipeline_mode = #tpu.pipeline_mode<synchronous>, transform_indices = @transform_4, window_bounds = array<i64: 1, 512>}, {transform_indices = @transform_5, window_bounds = array<i64: 1024, 512>}]} {
    %get3A = arith.constant 0 : index
    %get3A_0 = arith.constant 0 : index
    %get3A_1 = vector.load %arg1[%get3A, %get3A_0] : memref<1024x256xf32, #tpu.memory_space<vmem>>, vector<1024x256xf32>
    %get3A_2 = arith.constant 0 : index
    %get3A_3 = arith.constant 0 : index
    %get3A_4 = vector.load %arg2[%get3A_2, %get3A_3] : memref<256x512xf32, #tpu.memory_space<vmem>>, vector<256x512xf32>
    %dot_general3A = arith.constant dense<0.000000e+00> : vector<1024x512xf32>
    %dot_general3A_5 = tpu.matmul %get3A_1, %get3A_4, %dot_general3A {dimension_numbers = #tpu.dot_dimension_numbers<[1], [0], [0], [1], [0, 0, 1, 1], [], []>, transpose_lhs_hint = false} : vector<1024x256xf32>, vector<256x512xf32>, vector<1024x512xf32> -> vector<1024x512xf32>
    %get3A_6 = arith.constant 0 : index
    %get3A_7 = arith.constant 0 : index
    %get3A_8 = vector.load %arg3[%get3A_6, %get3A_7] : memref<1x512xf32, #tpu.memory_space<vmem>>, vector<1x512xf32>
    %add3A = vector.broadcast %get3A_8 : vector<1x512xf32> to vector<1024x512xf32>
    %add3A_9 = arith.addf %dot_general3A_5, %add3A : vector<1024x512xf32>
    %max3A = arith.constant 0.000000e+00 : f32
    %max3A_10 = vector.broadcast %max3A : f32 to vector<1024x512xf32>
    %max3A_11 = arith.maximumf %add3A_9, %max3A_10 : vector<1024x512xf32>
    %abs3A = math.absf %add3A_9 : vector<1024x512xf32>
    %neg3A = arith.constant 0.000000e+00 : f32
    %neg3A_12 = vector.broadcast %neg3A : f32 to vector<1024x512xf32>
    %neg3A_13 = arith.subf %neg3A_12, %abs3A : vector<1024x512xf32>
    %exp3A = math.exp %neg3A_13 : vector<1024x512xf32>
    %log1p3A = math.log1p %exp3A : vector<1024x512xf32>
    %add3A_14 = arith.addf %max3A_11, %log1p3A : vector<1024x512xf32>
    %get3A_15 = arith.constant 0 : index
    %get3A_16 = arith.constant 0 : index
    %get3A_17 = vector.load %arg4[%get3A_15, %get3A_16] : memref<512x512xf32, #tpu.memory_space<vmem>>, vector<512x512xf32>
    %dot_general3A_18 = arith.constant dense<0.000000e+00> : vector<1024x512xf32>
    %dot_general3A_19 = tpu.matmul %add3A_14, %get3A_17, %dot_general3A_18 {dimension_numbers = #tpu.dot_dimension_numbers<[1], [0], [0], [1], [0, 0, 1, 1], [], []>, transpose_lhs_hint = false} : vector<1024x512xf32>, vector<512x512xf32>, vector<1024x512xf32> -> vector<1024x512xf32>
    %get3A_20 = arith.constant 0 : index
    %get3A_21 = arith.constant 0 : index
    %get3A_22 = vector.load %arg5[%get3A_20, %get3A_21] : memref<1x512xf32, #tpu.memory_space<vmem>>, vector<1x512xf32>
    %add3A_23 = vector.broadcast %get3A_22 : vector<1x512xf32> to vector<1024x512xf32>
    %add3A_24 = arith.addf %dot_general3A_19, %add3A_23 : vector<1024x512xf32>
    %swap3A = arith.constant 0 : index
    %swap3A_25 = arith.constant 0 : index
    %swap3A_26 = vector.load %arg6[%swap3A, %swap3A_25] : memref<1024x512xf32, #tpu.memory_space<vmem>>, vector<1024x512xf32>
    tpu.vector_store %arg6[%swap3A, %swap3A_25], %add3A_24 {strides = array<i32>} : memref<1024x512xf32, #tpu.memory_space<vmem>>, vector<1024x512xf32>,
    return
  }
  func.func @transform_0(%arg0: i32) -> (i32, i32) {
    %c0_i32 = arith.constant 0 : i32
    %c0_i32_0 = arith.constant 0 : i32
    return %arg0, %c0_i32 : i32, i32
  }
  func.func @transform_1(%arg0: i32) -> (i32, i32) {
    %c0_i32 = arith.constant 0 : i32
    %c0_i32_0 = arith.constant 0 : i32
    %c0_i32_1 = arith.constant 0 : i32
    return %c0_i32, %c0_i32_0 : i32, i32
  }
  func.func @transform_2(%arg0: i32) -> (i32, i32) {
    %c0_i32 = arith.constant 0 : i32
    %c0_i32_0 = arith.constant 0 : i32
    %c0_i32_1 = arith.constant 0 : i32
    return %c0_i32, %c0_i32_0 : i32, i32
  }
  func.func @transform_3(%arg0: i32) -> (i32, i32) {
    %c0_i32 = arith.constant 0 : i32
    %c0_i32_0 = arith.constant 0 : i32
    %c0_i32_1 = arith.constant 0 : i32
    return %c0_i32, %c0_i32_0 : i32, i32
  }
  func.func @transform_4(%arg0: i32) -> (i32, i32) {
    %c0_i32 = arith.constant 0 : i32
    %c0_i32_0 = arith.constant 0 : i32
    %c0_i32_1 = arith.constant 0 : i32
    return %c0_i32, %c0_i32_0 : i32, i32
  }
  func.func @transform_5(%arg0: i32) -> (i32, i32) {
    %c0_i32 = arith.constant 0 : i32
    %c0_i32_0 = arith.constant 0 : i32
    return %arg0, %c0_i32 : i32, i32
  }
}

module attributes {stable_mosaic.version = 14 : i64} {
  func.func @_mm_body(%arg0: memref<8192x32xf32, #tpu.memory_space<vmem>>, %arg1: memref<32x128xf32, #tpu.memory_space<vmem>>, %arg2: memref<8192x128xf32, #tpu.memory_space<vmem>>) attributes {dimension_semantics = [], scalar_prefetch = 0 : i64, scratch_operands = 0 : i64, tpu.core_type = #tpu.core_type<tc>} {
    %get3A = arith.constant 0 : index
    %get3A_0 = arith.constant 0 : index
    %get3A_1 = vector.load %arg0[%get3A, %get3A_0] : memref<8192x32xf32, #tpu.memory_space<vmem>>, vector<8192x32xf32>
    %get3A_2 = arith.constant 0 : index
    %get3A_3 = arith.constant 0 : index
    %get3A_4 = vector.load %arg1[%get3A_2, %get3A_3] : memref<32x128xf32, #tpu.memory_space<vmem>>, vector<32x128xf32>
    %dot_general3A = arith.constant dense<0.000000e+00> : vector<8192x128xf32>
    %dot_general3A_5 = tpu.matmul %get3A_1, %get3A_4, %dot_general3A {dimension_numbers = #tpu.dot_dimension_numbers<[1], [0], [0], [1], [0, 0, 1, 1], [], []>, transpose_lhs_hint = false} : vector<8192x32xf32>, vector<32x128xf32>, vector<8192x128xf32> -> vector<8192x128xf32>
    %swap3A = arith.constant 0 : index
    %swap3A_6 = arith.constant 0 : index
    %swap3A_7 = vector.load %arg2[%swap3A, %swap3A_6] : memref<8192x128xf32, #tpu.memory_space<vmem>>, vector<8192x128xf32>
    tpu.vector_store %arg2[%swap3A, %swap3A_6], %dot_general3A_5 {strides = array<i32>} : memref<8192x128xf32, #tpu.memory_space<vmem>>, vector<8192x128xf32>,
    return
  }
}

module attributes {stable_mosaic.version = 14 : i64} {
  func.func @_relu_mm_body(%arg0: memref<8192x128xf32, #tpu.memory_space<vmem>>, %arg1: memref<1x128xf32, #tpu.memory_space<vmem>>, %arg2: memref<128x128xf32, #tpu.memory_space<vmem>>, %arg3: memref<8192x128xf32, #tpu.memory_space<vmem>>) attributes {dimension_semantics = [], scalar_prefetch = 0 : i64, scratch_operands = 0 : i64, tpu.core_type = #tpu.core_type<tc>} {
    %get3A = arith.constant 0 : index
    %get3A_0 = arith.constant 0 : index
    %get3A_1 = vector.load %arg0[%get3A, %get3A_0] : memref<8192x128xf32, #tpu.memory_space<vmem>>, vector<8192x128xf32>
    %get3A_2 = arith.constant 0 : index
    %get3A_3 = arith.constant 0 : index
    %get3A_4 = vector.load %arg1[%get3A_2, %get3A_3] : memref<1x128xf32, #tpu.memory_space<vmem>>, vector<1x128xf32>
    %add3A = vector.broadcast %get3A_4 : vector<1x128xf32> to vector<8192x128xf32>
    %add3A_5 = arith.addf %get3A_1, %add3A : vector<8192x128xf32>
    %max3A = arith.constant 0.000000e+00 : f32
    %max3A_6 = vector.broadcast %max3A : f32 to vector<8192x128xf32>
    %max3A_7 = arith.maximumf %add3A_5, %max3A_6 : vector<8192x128xf32>
    %get3A_8 = arith.constant 0 : index
    %get3A_9 = arith.constant 0 : index
    %get3A_10 = vector.load %arg2[%get3A_8, %get3A_9] : memref<128x128xf32, #tpu.memory_space<vmem>>, vector<128x128xf32>
    %dot_general3A = arith.constant dense<0.000000e+00> : vector<8192x128xf32>
    %dot_general3A_11 = tpu.matmul %max3A_7, %get3A_10, %dot_general3A {dimension_numbers = #tpu.dot_dimension_numbers<[1], [0], [0], [1], [0, 0, 1, 1], [], []>, transpose_lhs_hint = false} : vector<8192x128xf32>, vector<128x128xf32>, vector<8192x128xf32> -> vector<8192x128xf32>
    %swap3A = arith.constant 0 : index
    %swap3A_12 = arith.constant 0 : index
    %swap3A_13 = vector.load %arg3[%swap3A, %swap3A_12] : memref<8192x128xf32, #tpu.memory_space<vmem>>, vector<8192x128xf32>
    tpu.vector_store %arg3[%swap3A, %swap3A_12], %dot_general3A_11 {strides = array<i32>} : memref<8192x128xf32, #tpu.memory_space<vmem>>, vector<8192x128xf32>,
    return
  }
}

module attributes {stable_mosaic.version = 14 : i64} {
  func.func @_relu_mm_body(%arg0: memref<8192x128xf32, #tpu.memory_space<vmem>>, %arg1: memref<1x128xf32, #tpu.memory_space<vmem>>, %arg2: memref<128x16xf32, #tpu.memory_space<vmem>>, %arg3: memref<8192x16xf32, #tpu.memory_space<vmem>>) attributes {dimension_semantics = [], scalar_prefetch = 0 : i64, scratch_operands = 0 : i64, tpu.core_type = #tpu.core_type<tc>} {
    %get3A = arith.constant 0 : index
    %get3A_0 = arith.constant 0 : index
    %get3A_1 = vector.load %arg0[%get3A, %get3A_0] : memref<8192x128xf32, #tpu.memory_space<vmem>>, vector<8192x128xf32>
    %get3A_2 = arith.constant 0 : index
    %get3A_3 = arith.constant 0 : index
    %get3A_4 = vector.load %arg1[%get3A_2, %get3A_3] : memref<1x128xf32, #tpu.memory_space<vmem>>, vector<1x128xf32>
    %add3A = vector.broadcast %get3A_4 : vector<1x128xf32> to vector<8192x128xf32>
    %add3A_5 = arith.addf %get3A_1, %add3A : vector<8192x128xf32>
    %max3A = arith.constant 0.000000e+00 : f32
    %max3A_6 = vector.broadcast %max3A : f32 to vector<8192x128xf32>
    %max3A_7 = arith.maximumf %add3A_5, %max3A_6 : vector<8192x128xf32>
    %get3A_8 = arith.constant 0 : index
    %get3A_9 = arith.constant 0 : index
    %get3A_10 = vector.load %arg2[%get3A_8, %get3A_9] : memref<128x16xf32, #tpu.memory_space<vmem>>, vector<128x16xf32>
    %dot_general3A = arith.constant dense<0.000000e+00> : vector<8192x16xf32>
    %dot_general3A_11 = tpu.matmul %max3A_7, %get3A_10, %dot_general3A {dimension_numbers = #tpu.dot_dimension_numbers<[1], [0], [0], [1], [0, 0, 1, 1], [], []>, transpose_lhs_hint = false} : vector<8192x128xf32>, vector<128x16xf32>, vector<8192x16xf32> -> vector<8192x16xf32>
    %swap3A = arith.constant 0 : index
    %swap3A_12 = arith.constant 0 : index
    %swap3A_13 = vector.load %arg3[%swap3A, %swap3A_12] : memref<8192x16xf32, #tpu.memory_space<vmem>>, vector<8192x16xf32>
    tpu.vector_store %arg3[%swap3A, %swap3A_12], %dot_general3A_11 {strides = array<i32>} : memref<8192x16xf32, #tpu.memory_space<vmem>>, vector<8192x16xf32>,
    return
  }
}

module attributes {stable_mosaic.version = 14 : i64} {
  func.func @_gnn_body(%arg0: i32, %arg1: memref<1x4096x32xf32, #tpu.memory_space<vmem>>, %arg2: memref<32x128xf32, #tpu.memory_space<vmem>>, %arg3: memref<1x128xf32, #tpu.memory_space<vmem>>, %arg4: memref<128x128xf32, #tpu.memory_space<vmem>>, %arg5: memref<1x128xf32, #tpu.memory_space<vmem>>, %arg6: memref<128x128xf32, #tpu.memory_space<vmem>>, %arg7: memref<1x128xf32, #tpu.memory_space<vmem>>, %arg8: memref<128x8xf32, #tpu.memory_space<vmem>>, %arg9: memref<1x8xf32, #tpu.memory_space<vmem>>, %arg10: memref<1x4096x8xf32, #tpu.memory_space<vmem>>, %arg11: memref<4224x128xf32, #tpu.memory_space<vmem>>) attributes {dimension_semantics = [#tpu.dimension_semantics<arbitrary>], iteration_bounds = array<i64: 15>, scalar_prefetch = 0 : i64, scratch_operands = 1 : i64, tpu.core_type = #tpu.core_type<tc>, window_params = [{transform_indices = @transform_0, window_bounds = array<i64: 1, 4096, 32>}, {pipeline_mode = #tpu.pipeline_mode<synchronous>, transform_indices = @transform_1, window_bounds = array<i64: 32, 128>}, {pipeline_mode = #tpu.pipeline_mode<synchronous>, transform_indices = @transform_2, window_bounds = array<i64: 1, 128>}, {pipeline_mode = #tpu.pipeline_mode<synchronous>, transform_indices = @transform_3, window_bounds = array<i64: 128, 128>}, {pipeline_mode = #tpu.pipeline_mode<synchronous>, transform_indices = @transform_4, window_bounds = array<i64: 1, 128>}, {pipeline_mode = #tpu.pipeline_mode<synchronous>, transform_indices = @transform_5, window_bounds = array<i64: 128, 128>}, {pipeline_mode = #tpu.pipeline_mode<synchronous>, transform_indices = @transform_6, window_bounds = array<i64: 1, 128>}, {pipeline_mode = #tpu.pipeline_mode<synchronous>, transform_indices = @transform_7, window_bounds = array<i64: 128, 8>}, {pipeline_mode = #tpu.pipeline_mode<synchronous>, transform_indices = @transform_8, window_bounds = array<i64: 1, 8>}, {transform_indices = @transform_9, window_bounds = array<i64: 1, 4096, 8>}]} {
    %iota3A = tpu.iota {dimensions = array<i32: 0>} : vector<4096x1xi32>
    %jit3A = arith.constant 64 : i32
    %eq3A = arith.constant 0 : i32
    %eq3A_0 = arith.cmpi eq, %jit3A, %eq3A : i32
    %jit3A_1 = arith.constant 1 : i32
    %select_n3A = arith.select %eq3A_0, %jit3A_1, %jit3A : i32
    %rem3A = vector.broadcast %select_n3A : i32 to vector<4096x1xi32>
    %rem3A_2 = arith.remsi %iota3A, %rem3A : vector<4096x1xi32>
    %ne3A = arith.constant 0 : i32
    %ne3A_3 = vector.broadcast %ne3A : i32 to vector<4096x1xi32>
    %ne3A_4 = arith.cmpi ne, %rem3A_2, %ne3A_3 : vector<4096x1xi32>
    %lt3A = arith.constant 0 : i32
    %lt3A_5 = vector.broadcast %lt3A : i32 to vector<4096x1xi32>
    %lt3A_6 = arith.cmpi slt, %rem3A_2, %lt3A_5 : vector<4096x1xi32>
    %lt3A_7 = arith.constant 0 : i32
    %lt3A_8 = arith.cmpi slt, %select_n3A, %lt3A_7 : i32
    %ne3A_9 = vector.broadcast %lt3A_8 : i1 to vector<4096x1xi1>
    %ne3A_10 = vector.broadcast %ne3A_9 : vector<4096x1xi1> to vector<4096x1xi1>
    %ne3A_11 = arith.xori %lt3A_6, %ne3A_10 : vector<4096x1xi1>
    %and3A = arith.andi %ne3A_11, %ne3A_4 : vector<4096x1xi1>
    %add3A = vector.broadcast %select_n3A : i32 to vector<4096x1xi32>
    %add3A_12 = arith.addi %rem3A_2, %add3A : vector<4096x1xi32>
    %select_n3A_13 = arith.select %and3A, %add3A_12, %rem3A_2 : vector<4096x1xi1>, vector<4096x1xi32>
    %jit3A_14 = arith.constant 64 : i32
    %div3A = vector.broadcast %jit3A_14 : i32 to vector<4096x1xi32>
    %div3A_15 = arith.divsi %iota3A, %div3A : vector<4096x1xi32>
    %sign3A = arith.constant 0 : i32
    %sign3A_16 = vector.broadcast %sign3A : i32 to vector<4096x1xi32>
    %sign3A_17 = arith.cmpi sgt, %iota3A, %sign3A_16 : vector<4096x1xi32>
    %sign3A_18 = arith.extui %sign3A_17 : vector<4096x1xi1> to vector<4096x1xi32>
    %sign3A_19 = arith.constant 0 : i32
    %sign3A_20 = vector.broadcast %sign3A_19 : i32 to vector<4096x1xi32>
    %sign3A_21 = arith.cmpi slt, %iota3A, %sign3A_20 : vector<4096x1xi32>
    %sign3A_22 = arith.extui %sign3A_21 : vector<4096x1xi1> to vector<4096x1xi32>
    %sign3A_23 = arith.subi %sign3A_18, %sign3A_22 : vector<4096x1xi32>
    %sign3A_24 = arith.constant 0 : i32
    %sign3A_25 = arith.cmpi sgt, %jit3A_14, %sign3A_24 : i32
    %sign3A_26 = arith.extui %sign3A_25 : i1 to i32
    %sign3A_27 = arith.constant 0 : i32
    %sign3A_28 = arith.cmpi slt, %jit3A_14, %sign3A_27 : i32
    %sign3A_29 = arith.extui %sign3A_28 : i1 to i32
    %sign3A_30 = arith.subi %sign3A_26, %sign3A_29 : i32
    %ne3A_31 = vector.broadcast %sign3A_30 : i32 to vector<4096x1xi32>
    %ne3A_32 = arith.cmpi ne, %sign3A_23, %ne3A_31 : vector<4096x1xi32>
    %rem3A_33 = vector.broadcast %jit3A_14 : i32 to vector<4096x1xi32>
    %rem3A_34 = arith.remsi %iota3A, %rem3A_33 : vector<4096x1xi32>
    %ne3A_35 = arith.constant 0 : i32
    %ne3A_36 = vector.broadcast %ne3A_35 : i32 to vector<4096x1xi32>
    %ne3A_37 = arith.cmpi ne, %rem3A_34, %ne3A_36 : vector<4096x1xi32>
    %and3A_38 = arith.andi %ne3A_32, %ne3A_37 : vector<4096x1xi1>
    %sub3A = arith.constant 1 : i32
    %sub3A_39 = vector.broadcast %sub3A : i32 to vector<4096x1xi32>
    %sub3A_40 = arith.subi %div3A_15, %sub3A_39 : vector<4096x1xi32>
    %select_n3A_41 = arith.select %and3A_38, %sub3A_40, %div3A_15 : vector<4096x1xi1>, vector<4096x1xi32>
    %gt3A = arith.constant 0 : i32
    %gt3A_42 = vector.broadcast %gt3A : i32 to vector<4096x1xi32>
    %gt3A_43 = arith.cmpi sgt, %select_n3A_13, %gt3A_42 : vector<4096x1xi32>
    %convert_element_type3A = arith.extui %gt3A_43 : vector<4096x1xi1> to vector<4096x1xi32>
    %convert_element_type3A_44 = arith.sitofp %convert_element_type3A : vector<4096x1xi32> to vector<4096x1xf32>
    %add3A_45 = arith.constant 1.000000e+00 : f32
    %add3A_46 = vector.broadcast %add3A_45 : f32 to vector<4096x1xf32>
    %add3A_47 = arith.addf %add3A_46, %convert_element_type3A_44 : vector<4096x1xf32>
    %lt3A_48 = arith.constant 63 : i32
    %lt3A_49 = vector.broadcast %lt3A_48 : i32 to vector<4096x1xi32>
    %lt3A_50 = arith.cmpi slt, %select_n3A_13, %lt3A_49 : vector<4096x1xi32>
    %convert_element_type3A_51 = arith.extui %lt3A_50 : vector<4096x1xi1> to vector<4096x1xi32>
    %convert_element_type3A_52 = arith.sitofp %convert_element_type3A_51 : vector<4096x1xi32> to vector<4096x1xf32>
    %add3A_53 = arith.addf %add3A_47, %convert_element_type3A_52 : vector<4096x1xf32>
    %gt3A_54 = arith.constant 0 : i32
    %gt3A_55 = vector.broadcast %gt3A_54 : i32 to vector<4096x1xi32>
    %gt3A_56 = arith.cmpi sgt, %select_n3A_41, %gt3A_55 : vector<4096x1xi32>
    %convert_element_type3A_57 = arith.extui %gt3A_56 : vector<4096x1xi1> to vector<4096x1xi32>
    %convert_element_type3A_58 = arith.sitofp %convert_element_type3A_57 : vector<4096x1xi32> to vector<4096x1xf32>
    %add3A_59 = arith.addf %add3A_53, %convert_element_type3A_58 : vector<4096x1xf32>
    %lt3A_60 = arith.constant 63 : i32
    %lt3A_61 = vector.broadcast %lt3A_60 : i32 to vector<4096x1xi32>
    %lt3A_62 = arith.cmpi slt, %select_n3A_41, %lt3A_61 : vector<4096x1xi32>
    %convert_element_type3A_63 = arith.extui %lt3A_62 : vector<4096x1xi1> to vector<4096x1xi32>
    %convert_element_type3A_64 = arith.sitofp %convert_element_type3A_63 : vector<4096x1xi32> to vector<4096x1xf32>
    %add3A_65 = arith.addf %add3A_59, %convert_element_type3A_64 : vector<4096x1xf32>
    %rsqrt3A = math.rsqrt %add3A_65 : vector<4096x1xf32>
    %lt3A_66 = arith.constant 63 : i32
    %lt3A_67 = vector.broadcast %lt3A_66 : i32 to vector<4096x1xi32>
    %lt3A_68 = arith.cmpi slt, %select_n3A_13, %lt3A_67 : vector<4096x1xi32>
    %convert_element_type3A_69 = arith.extui %lt3A_68 : vector<4096x1xi1> to vector<4096x1xi32>
    %convert_element_type3A_70 = arith.sitofp %convert_element_type3A_69 : vector<4096x1xi32> to vector<4096x1xf32>
    %gt3A_71 = arith.constant 0 : i32
    %gt3A_72 = vector.broadcast %gt3A_71 : i32 to vector<4096x1xi32>
    %gt3A_73 = arith.cmpi sgt, %select_n3A_13, %gt3A_72 : vector<4096x1xi32>
    %convert_element_type3A_74 = arith.extui %gt3A_73 : vector<4096x1xi1> to vector<4096x1xi32>
    %convert_element_type3A_75 = arith.sitofp %convert_element_type3A_74 : vector<4096x1xi32> to vector<4096x1xf32>
    %broadcast_in_dim3A = arith.constant 0.000000e+00 : f32
    %broadcast_in_dim3A_76 = vector.broadcast %broadcast_in_dim3A : f32 to vector<64x128xf32>
    %swap3A = arith.constant 0 : index
    %swap3A_77 = arith.constant 0 : index
    %swap3A_78 = vector.load %arg11[%swap3A, %swap3A_77] : memref<4224x128xf32, #tpu.memory_space<vmem>>, vector<64x128xf32>
    tpu.vector_store %arg11[%swap3A, %swap3A_77], %broadcast_in_dim3A_76 {strides = array<i32>} : memref<4224x128xf32, #tpu.memory_space<vmem>>, vector<64x128xf32>,
    %broadcast_in_dim3A_79 = arith.constant 0.000000e+00 : f32
    %broadcast_in_dim3A_80 = vector.broadcast %broadcast_in_dim3A_79 : f32 to vector<64x128xf32>
    %swap3A_81 = arith.constant 4160 : index
    %swap3A_82 = arith.constant 0 : index
    %swap3A_83 = vector.load %arg11[%swap3A_81, %swap3A_82] : memref<4224x128xf32, #tpu.memory_space<vmem>>, vector<64x128xf32>
    tpu.vector_store %arg11[%swap3A_81, %swap3A_82], %broadcast_in_dim3A_80 {strides = array<i32>} : memref<4224x128xf32, #tpu.memory_space<vmem>>, vector<64x128xf32>,
    %get3A = arith.constant 0 : index
    %get3A_84 = arith.constant 0 : index
    %get3A_85 = arith.constant 0 : index
    %get3A_86 = vector.load %arg1[%get3A, %get3A_84, %get3A_85] : memref<1x4096x32xf32, #tpu.memory_space<vmem>>, vector<1x4096x32xf32>
    %get3A_87 = vector.shape_cast %get3A_86 : vector<1x4096x32xf32> to vector<4096x32xf32>
    %get3A_88 = arith.constant 0 : index
    %get3A_89 = arith.constant 0 : index
    %get3A_90 = vector.load %arg2[%get3A_88, %get3A_89] : memref<32x128xf32, #tpu.memory_space<vmem>>, vector<32x128xf32>
    %dot_general3A = arith.constant dense<0.000000e+00> : vector<4096x128xf32>
    %dot_general3A_91 = tpu.matmul %get3A_87, %get3A_90, %dot_general3A {dimension_numbers = #tpu.dot_dimension_numbers<[1], [0], [0], [1], [0, 0, 1, 1], [], []>, transpose_lhs_hint = false} : vector<4096x32xf32>, vector<32x128xf32>, vector<4096x128xf32> -> vector<4096x128xf32>
    %mul3A = vector.broadcast %rsqrt3A : vector<4096x1xf32> to vector<4096x128xf32>
    %mul3A_92 = arith.mulf %dot_general3A_91, %mul3A : vector<4096x128xf32>
    %swap3A_93 = arith.constant 64 : index
    %swap3A_94 = arith.constant 0 : index
    %swap3A_95 = vector.load %arg11[%swap3A_93, %swap3A_94] : memref<4224x128xf32, #tpu.memory_space<vmem>>, vector<4096x128xf32>
    tpu.vector_store %arg11[%swap3A_93, %swap3A_94], %mul3A_92 {strides = array<i32>} : memref<4224x128xf32, #tpu.memory_space<vmem>>, vector<4096x128xf32>,
    %get3A_96 = arith.constant 128 : index
    %get3A_97 = arith.constant 0 : index
    %get3A_98 = vector.load %arg11[%get3A_96, %get3A_97] : memref<4224x128xf32, #tpu.memory_space<vmem>>, vector<4096x128xf32>
    %add3A_99 = arith.addf %mul3A_92, %get3A_98 : vector<4096x128xf32>
    %get3A_100 = arith.constant 0 : index
    %get3A_101 = arith.constant 0 : index
    %get3A_102 = vector.load %arg11[%get3A_100, %get3A_101] : memref<4224x128xf32, #tpu.memory_space<vmem>>, vector<4096x128xf32>
    %add3A_103 = arith.addf %add3A_99, %get3A_102 : vector<4096x128xf32>
    %get3A_104 = arith.constant 65 : index
    %get3A_105 = arith.constant 0 : index
    %get3A_106 = vector.load %arg11[%get3A_104, %get3A_105] : memref<4224x128xf32, #tpu.memory_space<vmem>>, vector<4096x128xf32>
    %mul3A_107 = vector.broadcast %convert_element_type3A_70 : vector<4096x1xf32> to vector<4096x128xf32>
    %mul3A_108 = arith.mulf %get3A_106, %mul3A_107 : vector<4096x128xf32>
    %add3A_109 = arith.addf %add3A_103, %mul3A_108 : vector<4096x128xf32>
    %get3A_110 = arith.constant 63 : index
    %get3A_111 = arith.constant 0 : index
    %get3A_112 = vector.load %arg11[%get3A_110, %get3A_111] : memref<4224x128xf32, #tpu.memory_space<vmem>>, vector<4096x128xf32>
    %mul3A_113 = vector.broadcast %convert_element_type3A_75 : vector<4096x1xf32> to vector<4096x128xf32>
    %mul3A_114 = arith.mulf %get3A_112, %mul3A_113 : vector<4096x128xf32>
    %add3A_115 = arith.addf %add3A_109, %mul3A_114 : vector<4096x128xf32>
    %mul3A_116 = vector.broadcast %rsqrt3A : vector<4096x1xf32> to vector<4096x128xf32>
    %mul3A_117 = arith.mulf %add3A_115, %mul3A_116 : vector<4096x128xf32>
    %get3A_118 = arith.constant 0 : index
    %get3A_119 = arith.constant 0 : index
    %get3A_120 = vector.load %arg3[%get3A_118, %get3A_119] : memref<1x128xf32, #tpu.memory_space<vmem>>, vector<1x128xf32>
    %add3A_121 = vector.broadcast %get3A_120 : vector<1x128xf32> to vector<4096x128xf32>
    %add3A_122 = arith.addf %mul3A_117, %add3A_121 : vector<4096x128xf32>
    %max3A = arith.constant 0.000000e+00 : f32
    %max3A_123 = vector.broadcast %max3A : f32 to vector<4096x128xf32>
    %max3A_124 = arith.maximumf %add3A_122, %max3A_123 : vector<4096x128xf32>
    %get3A_125 = arith.constant 0 : index
    %get3A_126 = arith.constant 0 : index
    %get3A_127 = vector.load %arg4[%get3A_125, %get3A_126] : memref<128x128xf32, #tpu.memory_space<vmem>>, vector<128x128xf32>
    %dot_general3A_128 = arith.constant dense<0.000000e+00> : vector<4096x128xf32>
    %dot_general3A_129 = tpu.matmul %max3A_124, %get3A_127, %dot_general3A_128 {dimension_numbers = #tpu.dot_dimension_numbers<[1], [0], [0], [1], [0, 0, 1, 1], [], []>, transpose_lhs_hint = false} : vector<4096x128xf32>, vector<128x128xf32>, vector<4096x128xf32> -> vector<4096x128xf32>
    %mul3A_130 = vector.broadcast %rsqrt3A : vector<4096x1xf32> to vector<4096x128xf32>
    %mul3A_131 = arith.mulf %dot_general3A_129, %mul3A_130 : vector<4096x128xf32>
    %swap3A_132 = arith.constant 64 : index
    %swap3A_133 = arith.constant 0 : index
    %swap3A_134 = vector.load %arg11[%swap3A_132, %swap3A_133] : memref<4224x128xf32, #tpu.memory_space<vmem>>, vector<4096x128xf32>
    tpu.vector_store %arg11[%swap3A_132, %swap3A_133], %mul3A_131 {strides = array<i32>} : memref<4224x128xf32, #tpu.memory_space<vmem>>, vector<4096x128xf32>,
    %get3A_135 = arith.constant 128 : index
    %get3A_136 = arith.constant 0 : index
    %get3A_137 = vector.load %arg11[%get3A_135, %get3A_136] : memref<4224x128xf32, #tpu.memory_space<vmem>>, vector<4096x128xf32>
    %add3A_138 = arith.addf %mul3A_131, %get3A_137 : vector<4096x128xf32>
    %get3A_139 = arith.constant 0 : index
    %get3A_140 = arith.constant 0 : index
    %get3A_141 = vector.load %arg11[%get3A_139, %get3A_140] : memref<4224x128xf32, #tpu.memory_space<vmem>>, vector<4096x128xf32>
    %add3A_142 = arith.addf %add3A_138, %get3A_141 : vector<4096x128xf32>
    %get3A_143 = arith.constant 65 : index
    %get3A_144 = arith.constant 0 : index
    %get3A_145 = vector.load %arg11[%get3A_143, %get3A_144] : memref<4224x128xf32, #tpu.memory_space<vmem>>, vector<4096x128xf32>
    %mul3A_146 = vector.broadcast %convert_element_type3A_70 : vector<4096x1xf32> to vector<4096x128xf32>
    %mul3A_147 = arith.mulf %get3A_145, %mul3A_146 : vector<4096x128xf32>
    %add3A_148 = arith.addf %add3A_142, %mul3A_147 : vector<4096x128xf32>
    %get3A_149 = arith.constant 63 : index
    %get3A_150 = arith.constant 0 : index
    %get3A_151 = vector.load %arg11[%get3A_149, %get3A_150] : memref<4224x128xf32, #tpu.memory_space<vmem>>, vector<4096x128xf32>
    %mul3A_152 = vector.broadcast %convert_element_type3A_75 : vector<4096x1xf32> to vector<4096x128xf32>
    %mul3A_153 = arith.mulf %get3A_151, %mul3A_152 : vector<4096x128xf32>
    %add3A_154 = arith.addf %add3A_148, %mul3A_153 : vector<4096x128xf32>
    %mul3A_155 = vector.broadcast %rsqrt3A : vector<4096x1xf32> to vector<4096x128xf32>
    %mul3A_156 = arith.mulf %add3A_154, %mul3A_155 : vector<4096x128xf32>
    %get3A_157 = arith.constant 0 : index
    %get3A_158 = arith.constant 0 : index
    %get3A_159 = vector.load %arg5[%get3A_157, %get3A_158] : memref<1x128xf32, #tpu.memory_space<vmem>>, vector<1x128xf32>
    %add3A_160 = vector.broadcast %get3A_159 : vector<1x128xf32> to vector<4096x128xf32>
    %add3A_161 = arith.addf %mul3A_156, %add3A_160 : vector<4096x128xf32>
    %max3A_162 = arith.constant 0.000000e+00 : f32
    %max3A_163 = vector.broadcast %max3A_162 : f32 to vector<4096x128xf32>
    %max3A_164 = arith.maximumf %add3A_161, %max3A_163 : vector<4096x128xf32>
    %get3A_165 = arith.constant 0 : index
    %get3A_166 = arith.constant 0 : index
    %get3A_167 = vector.load %arg6[%get3A_165, %get3A_166] : memref<128x128xf32, #tpu.memory_space<vmem>>, vector<128x128xf32>
    %dot_general3A_168 = arith.constant dense<0.000000e+00> : vector<4096x128xf32>
    %dot_general3A_169 = tpu.matmul %max3A_164, %get3A_167, %dot_general3A_168 {dimension_numbers = #tpu.dot_dimension_numbers<[1], [0], [0], [1], [0, 0, 1, 1], [], []>, transpose_lhs_hint = false} : vector<4096x128xf32>, vector<128x128xf32>, vector<4096x128xf32> -> vector<4096x128xf32>
    %mul3A_170 = vector.broadcast %rsqrt3A : vector<4096x1xf32> to vector<4096x128xf32>
    %mul3A_171 = arith.mulf %dot_general3A_169, %mul3A_170 : vector<4096x128xf32>
    %swap3A_172 = arith.constant 64 : index
    %swap3A_173 = arith.constant 0 : index
    %swap3A_174 = vector.load %arg11[%swap3A_172, %swap3A_173] : memref<4224x128xf32, #tpu.memory_space<vmem>>, vector<4096x128xf32>
    tpu.vector_store %arg11[%swap3A_172, %swap3A_173], %mul3A_171 {strides = array<i32>} : memref<4224x128xf32, #tpu.memory_space<vmem>>, vector<4096x128xf32>,
    %get3A_175 = arith.constant 128 : index
    %get3A_176 = arith.constant 0 : index
    %get3A_177 = vector.load %arg11[%get3A_175, %get3A_176] : memref<4224x128xf32, #tpu.memory_space<vmem>>, vector<4096x128xf32>
    %add3A_178 = arith.addf %mul3A_171, %get3A_177 : vector<4096x128xf32>
    %get3A_179 = arith.constant 0 : index
    %get3A_180 = arith.constant 0 : index
    %get3A_181 = vector.load %arg11[%get3A_179, %get3A_180] : memref<4224x128xf32, #tpu.memory_space<vmem>>, vector<4096x128xf32>
    %add3A_182 = arith.addf %add3A_178, %get3A_181 : vector<4096x128xf32>
    %get3A_183 = arith.constant 65 : index
    %get3A_184 = arith.constant 0 : index
    %get3A_185 = vector.load %arg11[%get3A_183, %get3A_184] : memref<4224x128xf32, #tpu.memory_space<vmem>>, vector<4096x128xf32>
    %mul3A_186 = vector.broadcast %convert_element_type3A_70 : vector<4096x1xf32> to vector<4096x128xf32>
    %mul3A_187 = arith.mulf %get3A_185, %mul3A_186 : vector<4096x128xf32>
    %add3A_188 = arith.addf %add3A_182, %mul3A_187 : vector<4096x128xf32>
    %get3A_189 = arith.constant 63 : index
    %get3A_190 = arith.constant 0 : index
    %get3A_191 = vector.load %arg11[%get3A_189, %get3A_190] : memref<4224x128xf32, #tpu.memory_space<vmem>>, vector<4096x128xf32>
    %mul3A_192 = vector.broadcast %convert_element_type3A_75 : vector<4096x1xf32> to vector<4096x128xf32>
    %mul3A_193 = arith.mulf %get3A_191, %mul3A_192 : vector<4096x128xf32>
    %add3A_194 = arith.addf %add3A_188, %mul3A_193 : vector<4096x128xf32>
    %mul3A_195 = vector.broadcast %rsqrt3A : vector<4096x1xf32> to vector<4096x128xf32>
    %mul3A_196 = arith.mulf %add3A_194, %mul3A_195 : vector<4096x128xf32>
    %get3A_197 = arith.constant 0 : index
    %get3A_198 = arith.constant 0 : index
    %get3A_199 = vector.load %arg7[%get3A_197, %get3A_198] : memref<1x128xf32, #tpu.memory_space<vmem>>, vector<1x128xf32>
    %add3A_200 = vector.broadcast %get3A_199 : vector<1x128xf32> to vector<4096x128xf32>
    %add3A_201 = arith.addf %mul3A_196, %add3A_200 : vector<4096x128xf32>
    %max3A_202 = arith.constant 0.000000e+00 : f32
    %max3A_203 = vector.broadcast %max3A_202 : f32 to vector<4096x128xf32>
    %max3A_204 = arith.maximumf %add3A_201, %max3A_203 : vector<4096x128xf32>
    %get3A_205 = arith.constant 0 : index
    %get3A_206 = arith.constant 0 : index
    %get3A_207 = vector.load %arg8[%get3A_205, %get3A_206] : memref<128x8xf32, #tpu.memory_space<vmem>>, vector<128x8xf32>
    %dot_general3A_208 = arith.constant dense<0.000000e+00> : vector<4096x8xf32>
    %dot_general3A_209 = tpu.matmul %max3A_204, %get3A_207, %dot_general3A_208 {dimension_numbers = #tpu.dot_dimension_numbers<[1], [0], [0], [1], [0, 0, 1, 1], [], []>, transpose_lhs_hint = false} : vector<4096x128xf32>, vector<128x8xf32>, vector<4096x8xf32> -> vector<4096x8xf32>
    %mul3A_210 = vector.broadcast %rsqrt3A : vector<4096x1xf32> to vector<4096x8xf32>
    %mul3A_211 = arith.mulf %dot_general3A_209, %mul3A_210 : vector<4096x8xf32>
    %swap3A_212 = arith.constant 64 : index
    %swap3A_213 = arith.constant 0 : index
    %swap3A_214 = vector.load %arg11[%swap3A_212, %swap3A_213] : memref<4224x128xf32, #tpu.memory_space<vmem>>, vector<4096x8xf32>
    tpu.vector_store %arg11[%swap3A_212, %swap3A_213], %mul3A_211 {strides = array<i32>} : memref<4224x128xf32, #tpu.memory_space<vmem>>, vector<4096x8xf32>,
    %get3A_215 = arith.constant 128 : index
    %get3A_216 = arith.constant 0 : index
    %get3A_217 = vector.load %arg11[%get3A_215, %get3A_216] : memref<4224x128xf32, #tpu.memory_space<vmem>>, vector<4096x8xf32>
    %add3A_218 = arith.addf %mul3A_211, %get3A_217 : vector<4096x8xf32>
    %get3A_219 = arith.constant 0 : index
    %get3A_220 = arith.constant 0 : index
    %get3A_221 = vector.load %arg11[%get3A_219, %get3A_220] : memref<4224x128xf32, #tpu.memory_space<vmem>>, vector<4096x8xf32>
    %add3A_222 = arith.addf %add3A_218, %get3A_221 : vector<4096x8xf32>
    %get3A_223 = arith.constant 65 : index
    %get3A_224 = arith.constant 0 : index
    %get3A_225 = vector.load %arg11[%get3A_223, %get3A_224] : memref<4224x128xf32, #tpu.memory_space<vmem>>, vector<4096x8xf32>
    %mul3A_226 = vector.broadcast %convert_element_type3A_70 : vector<4096x1xf32> to vector<4096x8xf32>
    %mul3A_227 = arith.mulf %get3A_225, %mul3A_226 : vector<4096x8xf32>
    %add3A_228 = arith.addf %add3A_222, %mul3A_227 : vector<4096x8xf32>
    %get3A_229 = arith.constant 63 : index
    %get3A_230 = arith.constant 0 : index
    %get3A_231 = vector.load %arg11[%get3A_229, %get3A_230] : memref<4224x128xf32, #tpu.memory_space<vmem>>, vector<4096x8xf32>
    %mul3A_232 = vector.broadcast %convert_element_type3A_75 : vector<4096x1xf32> to vector<4096x8xf32>
    %mul3A_233 = arith.mulf %get3A_231, %mul3A_232 : vector<4096x8xf32>
    %add3A_234 = arith.addf %add3A_228, %mul3A_233 : vector<4096x8xf32>
    %mul3A_235 = vector.broadcast %rsqrt3A : vector<4096x1xf32> to vector<4096x8xf32>
    %mul3A_236 = arith.mulf %add3A_234, %mul3A_235 : vector<4096x8xf32>
    %get3A_237 = arith.constant 0 : index
    %get3A_238 = arith.constant 0 : index
    %get3A_239 = vector.load %arg9[%get3A_237, %get3A_238] : memref<1x8xf32, #tpu.memory_space<vmem>>, vector<1x8xf32>
    %add3A_240 = vector.broadcast %get3A_239 : vector<1x8xf32> to vector<4096x8xf32>
    %add3A_241 = arith.addf %mul3A_236, %add3A_240 : vector<4096x8xf32>
    %swap3A_242 = arith.constant 0 : index
    %swap3A_243 = arith.constant 0 : index
    %swap3A_244 = arith.constant 0 : index
    %swap3A_245 = vector.load %arg10[%swap3A_242, %swap3A_243, %swap3A_244] : memref<1x4096x8xf32, #tpu.memory_space<vmem>>, vector<1x4096x8xf32>
    %swap3A_246 = vector.shape_cast %swap3A_245 : vector<1x4096x8xf32> to vector<4096x8xf32>
    %swap3A_247 = vector.shape_cast %add3A_241 : vector<4096x8xf32> to vector<1x4096x8xf32>
    tpu.vector_store %arg10[%swap3A_242, %swap3A_243, %swap3A_244], %swap3A_247 {strides = array<i32>} : memref<1x4096x8xf32, #tpu.memory_space<vmem>>, vector<1x4096x8xf32>,
    return
  }
  func.func @transform_0(%arg0: i32) -> (i32, i32, i32) {
    %c0_i32 = arith.constant 0 : i32
    %c0_i32_0 = arith.constant 0 : i32
    %c0_i32_1 = arith.constant 0 : i32
    return %arg0, %c0_i32, %c0_i32_0 : i32, i32, i32
  }
  func.func @transform_1(%arg0: i32) -> (i32, i32) {
    %c0_i32 = arith.constant 0 : i32
    %c0_i32_0 = arith.constant 0 : i32
    %c0_i32_1 = arith.constant 0 : i32
    return %c0_i32, %c0_i32_0 : i32, i32
  }
  func.func @transform_2(%arg0: i32) -> (i32, i32) {
    %c0_i32 = arith.constant 0 : i32
    %c0_i32_0 = arith.constant 0 : i32
    %c0_i32_1 = arith.constant 0 : i32
    return %c0_i32, %c0_i32_0 : i32, i32
  }
  func.func @transform_3(%arg0: i32) -> (i32, i32) {
    %c0_i32 = arith.constant 0 : i32
    %c0_i32_0 = arith.constant 0 : i32
    %c0_i32_1 = arith.constant 0 : i32
    return %c0_i32, %c0_i32_0 : i32, i32
  }
  func.func @transform_4(%arg0: i32) -> (i32, i32) {
    %c0_i32 = arith.constant 0 : i32
    %c0_i32_0 = arith.constant 0 : i32
    %c0_i32_1 = arith.constant 0 : i32
    return %c0_i32, %c0_i32_0 : i32, i32
  }
  func.func @transform_5(%arg0: i32) -> (i32, i32) {
    %c0_i32 = arith.constant 0 : i32
    %c0_i32_0 = arith.constant 0 : i32
    %c0_i32_1 = arith.constant 0 : i32
    return %c0_i32, %c0_i32_0 : i32, i32
  }
  func.func @transform_6(%arg0: i32) -> (i32, i32) {
    %c0_i32 = arith.constant 0 : i32
    %c0_i32_0 = arith.constant 0 : i32
    %c0_i32_1 = arith.constant 0 : i32
    return %c0_i32, %c0_i32_0 : i32, i32
  }
  func.func @transform_7(%arg0: i32) -> (i32, i32) {
    %c0_i32 = arith.constant 0 : i32
    %c0_i32_0 = arith.constant 0 : i32
    %c0_i32_1 = arith.constant 0 : i32
    return %c0_i32, %c0_i32_0 : i32, i32
  }
  func.func @transform_8(%arg0: i32) -> (i32, i32) {
    %c0_i32 = arith.constant 0 : i32
    %c0_i32_0 = arith.constant 0 : i32
    %c0_i32_1 = arith.constant 0 : i32
    return %c0_i32, %c0_i32_0 : i32, i32
  }
  func.func @transform_9(%arg0: i32) -> (i32, i32, i32) {
    %c0_i32 = arith.constant 0 : i32
    %c0_i32_0 = arith.constant 0 : i32
    %c0_i32_1 = arith.constant 0 : i32
    return %arg0, %c0_i32, %c0_i32_0 : i32, i32, i32
  }
}

</mosaic_0001>

<sc_bundles>
// kernel: _run.13.cloned.1.call-start
scs
__scs_entry_jumppad:
0x0: {  	(pc) =	sbr.rel $0x88, $3  }
0x1: {  	(tag) =	ssettag $0x0;
	lr =	simm.s32 $0x1  }
0x2: {  	[smem:$0x3F94] =	sst lr;
	_ =	strace $0xD0000000  }
0x3: {  	_ = 	snop  }
0x4: {  	_ = 	snop  }
0x5: {  	_ = 	snop  }
0x6: {  	_ = 	snop  }
0x7: {  	_ = 	snop  }
__scs_overlays_trampoline_lowered:
0x8: {  	[smem:$0x3FA3] =	sst s0  }
0x9: {  	[smem:$0x3FA4] =	sst s1  }
0xa: {  	[smem:$0x3FA5] =	sst s2  }
0xb: {  	[smem:$0x3FA6] =	sst s3  }
0xc: {  	[smem:$0x3FA7] =	sst s4  }
0xd: {  	[smem:$0x3FA8] =	sst s5  }
0xe: {  	[smem:$0x3FA9] =	sst s6  }
0xf: {  	[smem:$0x3FAA] =	sst s7  }
0x10: {  	[smem:$0x3FAB] =	sst s8  }
0x11: {  	[smem:$0x3FAC] =	sst s9;
	s0 =	simm.s32 @!p0 $0x0  }
0x12: {  	s1 =	sld [smem:$0x3F92];
	s0 =	simm.s32 @p0 $0x1  }
0x13: {  	[smem:$0x3FAD] =	sst s0;
	s0 =	simm.s32 @!p1 $0x0  }
0x14: {  	s2 =	sld [smem:$0x3F91];
	s0 =	simm.s32 @p1 $0x1  }
0x15: {  	[smem:$0x3FAE] =	sst s0;
	s0 =	simm.s32 @!p2 $0x0  }
0x16: {  	s3 =	sld [smem:$0x3FDB];
	s0 =	simm.s32 @p2 $0x1  }
0x17: {  	s4 =	simm.s32 $0x1BF5;
	[smem:$0x3FB0] =	sst s0  }
0x18: {  	s0 =	sld [smem:$0x3F93];
	_ =	swait.ge [sflag:s4], $0x0  }
0x19: {  	s7 =	sld [smem:$0x3F94]  }
0x1a: {  	s8 =	sadd.s32 $0xFFFFE003, lr  }
0x1b: {  	s9 =	sadd.s32 $0xFFFFFEF7, lr;
	s5 =	simm.s32 $0xFFFFFFFF;
	p2 =	slt.u32 s8, $0xFFFFF086  }
0x1c: {  	p1 =	slt.u32 s9, $0xF7A;
	s5 =	simm.s32 @!p2 $0x0  }
0x1d: {  	s5 =	simm.s32 @p1 $0x1;
	p0 =	seq.s32 s7, s2  }
0x1e: {  	s7 =	smul.u32 @!p0 $0xF7A, s2;
	p2 =	seq.s32 @!p0 s5, $0x0  }
0x1f: {  	s9 =	smul.u32 $0xF7A, s1;
	s8 =	simm.s32 @!p0 $0x1BF5;
	p2 =	por !p2, p0  }
0x20: {  	[sflag:s8] =	ssyncset.s32 @!p0 $0xFFFFF086;
	s6 =	sadd.s32 @!p0 s3, s7;
	s7 =	simm.s32 @!p0 $0x108  }
0x21: {  	s3 =	sadd.s32 s3, s9;
	s6 =	sadd.s32 @!p0 $0x88, s6;
	s7 =	simm.s32 @p2 $0x1082  }
0x22: {  	[simem:s7], [sflag:s8] =	dma.local @!p0 [hbm:s6], $0xF7A  }
0x23: {  	s9 =	sor.u32 $0xD0000000, s2;
	s6 =	simm.s32 $0x108;
	_ =	swait.ge @!p0 [sflag:s8], $0x0  }
0x24: {  	s3 =	sadd.s32 $0x88, s3;
	s6 =	simm.s32 @!p1 $0x1082;
	[sflag:s4] =	ssyncset.s32 $0xFFFFF086  }
0x25: {  	[simem:s6], [sflag:s4] =	dma.local [hbm:s3], $0xF7A  }
0x26: {  	[smem:$0x3F94] =	sst s1;
	(tag) =	ssettag s2;
	_ =	strace s9  }
0x27: {  	s1 =	sld [smem:$0x3FA4]  }
0x28: {  	s2 =	sld [smem:$0x3FA5]  }
0x29: {  	s4 =	sld [smem:$0x3FA7]  }
0x2a: {  	p0 =	seq.s32 s5, $0x0;
	s5 =	sld [smem:$0x3FA8]  }
0x2b: {  	s6 =	sld [smem:$0x3FA9]  }
0x2c: {  	s7 =	sld [smem:$0x3FAA]  }
0x2d: {  	s3 =	simm.s32 $0x108;
	s8 =	sld [smem:$0x3FAB]  }
0x2e: {  	s3 =	simm.s32 @!p0 $0x1082;
	s9 =	sld [smem:$0x3FAC]  }
0x2f: {  	lr =	sadd.s32 s0, s3;
	s0 =	sld [smem:$0x3FA3]  }
0x30: {  	s3 =	sld [smem:$0x3FA6]  }
0x31: {  	[smem:$0x3FAF] =	sst s10  }
0x32: {  	s10 =	sld [smem:$0x3FAD];
	_ =	sdelay $0x3  }
0x33: {  	p0 =	seq.s32 s10, $0x1;
	s10 =	sld [smem:$0x3FAF];
	_ =	sdelay $0x3  }
0x34: {  	[smem:$0x3FAF] =	sst s10  }
0x35: {  	s10 =	sld [smem:$0x3FAE];
	_ =	sdelay $0x3  }
0x36: {  	p1 =	seq.s32 s10, $0x1;
	s10 =	sld [smem:$0x3FAF];
	_ =	sdelay $0x3  }
0x37: {  	[smem:$0x3FAF] =	sst s10  }
0x38: {  	s10 =	sld [smem:$0x3FB0]  }
0x39: {  	_ = 	snop;
	(pc) =	sbr.ind lr, $3  }
0x3a: {  	_ = 	snop  }
0x3b: {  	_ = 	snop  }
0x3c: {  	p2 =	seq.s32 s10, $0x1;
	s10 =	sld [smem:$0x3FAF]  }
0x3d: {  	_ =	shalt  }
0x3e: {  	_ =	shalt  }
0x3f: {  	_ =	shalt  }
0x40: {  	_ =	shalt  }
0x41: {  	_ =	shalt  }
0x42: {  	_ =	shalt  }
0x43: {  	_ =	shalt  }
0x44: {  	_ =	shalt  }
0x45: {  	_ =	shalt  }
0x46: {  	_ =	shalt  }
0x47: {  	_ =	shalt  }
0x48: {  	_ =	shalt  }
0x49: {  	_ =	shalt  }
0x4a: {  	_ =	shalt  }
0x4b: {  	_ =	shalt  }
0x4c: {  	_ =	shalt  }
0x4d: {  	_ =	shalt  }
0x4e: {  	_ =	shalt  }
0x4f: {  	_ =	shalt  }
0x50: {  	_ =	shalt  }
0x51: {  	_ =	shalt  }
0x52: {  	_ =	shalt  }
0x53: {  	_ =	shalt  }
0x54: {  	_ =	shalt  }
0x55: {  	_ =	shalt  }
0x56: {  	_ =	shalt  }
0x57: {  	_ =	shalt  }
0x58: {  	_ =	shalt  }
0x59: {  	_ =	shalt  }
0x5a: {  	_ =	shalt  }
0x5b: {  	_ =	shalt  }
0x5c: {  	_ =	shalt  }
0x5d: {  	_ =	shalt  }
0x5e: {  	_ =	shalt  }
0x5f: {  	_ =	shalt  }
0x60: {  	_ =	shalt  }
0x61: {  	_ =	shalt  }
0x62: {  	_ =	shalt  }
0x63: {  	_ =	shalt  }
0x64: {  	_ =	shalt  }
0x65: {  	_ =	shalt  }
0x66: {  	_ =	shalt  }
0x67: {  	_ =	shalt  }
0x68: {  	_ =	shalt  }
0x69: {  	_ =	shalt  }
0x6a: {  	_ =	shalt  }
0x6b: {  	_ =	shalt  }
0x6c: {  	_ =	shalt  }
0x6d: {  	_ =	shalt  }
0x6e: {  	_ =	shalt  }
0x6f: {  	_ =	shalt  }
0x70: {  	_ =	shalt  }
0x71: {  	_ =	shalt  }
0x72: {  	_ =	shalt  }
0x73: {  	_ =	shalt  }
0x74: {  	_ =	shalt  }
0x75: {  	_ =	shalt  }
0x76: {  	_ =	shalt  }
0x77: {  	_ =	shalt  }
0x78: {  	_ =	shalt  }
0x79: {  	_ =	shalt  }
0x7a: {  	_ =	shalt  }
0x7b: {  	_ =	shalt  }
0x7c: {  	_ =	shalt  }
0x7d: {  	_ =	shalt  }
0x7e: {  	_ =	shalt  }
0x7f: {  	_ =	shalt  }
0x80: {  	_ =	shalt  }
0x81: {  	_ =	shalt  }
0x82: {  	_ =	shalt  }
0x83: {  	_ =	shalt  }
0x84: {  	_ =	shalt  }
0x85: {  	_ =	shalt  }
0x86: {  	_ =	shalt  }
0x87: {  	_ =	shalt  }
.Lfunc_end0:
.L_simem_size_0:
called_computation_lowered:
.L_overlay_start_0:
0x88: {  	s2 =	sld [smem:$0x3FD9]  }
0x89: {  	s3 =	sld [smem:$0x3FFE];
	_ =	sdelay $0x1  }
0x8a: {  	s1 =	srdreg.scid  }
0x8b: {  	s0 =	sand.u32 $0x1, s1  }
0x8c: {  	s16 =	sshll.u32 s0, $0xA;
	s2 =	sadd.s32 s3, s2  }
0x8d: {  	s2 =	sadd.s32 s2, s16  }
0x8e: {  	[smem:$0x3FBB] =	sst s2  }
0x8f: {  	_ = 	snop  }
0x90: {  	(tm) =	ssettm $0x1  }
0x91: {  	s17 =	sld [smem:$0x3FFB];
	_ =	sdelay $0x3  }
0x92: {  	_ =	strace s17  }
0x93: {  	s2 =	sld [smem:$0x3FFC];
	_ =	sdelay $0x3  }
0x94: {  	_ =	strace s2  }
0x95: {  	s2 =	sld [smem:$0x3FFD];
	_ =	sdelay $0x3  }
0x96: {  	_ =	strace s2  }
0x97: {  	_ =	strace $0x8FFFFFFF  }
0x98: {  	s18 =	sld [smem:$0x3FDB];
	_ =	sdelay $0x1  }
0x99: {  	s19 =	simm.s32 $_scs_section_size  }
0x9a: {  	s4 =	simm.s32 $_size__tile_overlayer_lowered;
	s5 =	simm.s32 $_tile_overlayer_lowered  }
0x9b: {  	s22 =	simm.s32 $0x1BFF;
	s21 =	sshll.u32 s5, $0x1;
	s2 =	sadd.s32 s19, s18  }
0x9c: {  	s6 =	simm.s32 $0x0;
	s20 =	sshll.u32 s4, $0x1;
	s4 =	sadd.s32 s21, s2  }
0x9d: {  	[timem:s6], [sflag:s22] =	dma.local [hbm:s4], s20  }
0x9e: {  	_ =	swait.ge [sflag:s22], s20  }
0x9f: {  	s3 =	ssub.s32 $0x0, s20;
	[sflag:s22] =	ssyncset.done $0x0  }
0xa0: {  	[sflag:s22] =	ssyncadd.s32 s3;
	_ =	sdelay $0x1  }
0xa1: {  	s23 =	simm.s32 $0x1B8B  }
0xa2: {  	_ =	swait.ge [sflag:s23], $0x1  }
0xa3: {  	[sflag:s23] =	ssyncset.done $0x0  }
0xa4: {  	s25 =	simm.s32 $0x1B8E;
	s24 =	sld [smem:$0x3FFE];
	[sflag:s23] =	ssyncadd.s32 $0xFFFFFFFF  }
0xa5: {  	s26 =	simm.s32 $execute0_lowered;
	[smem:$0x3FD2] =	sst s25  }
0xa6: {  	s4 =	sshll.u32 s26, $0x1;
	_ =	strace $0x80000046;
	[dreg:$0x1] =	wrdreg $0xFFFFFFFF  }
0xa7: {  	s28 =	simm.s32 $_size_execute0_lowered;
	s2 =	sadd.s32 s2, s4;
	[dreg:$0x0] =	wrdreg $0x0  }
0xa8: {  	s4 =	sshll.u32 s28, $0x1;
	[dreg:$0x2] =	wrdreg s2  }
0xa9: {  	[dreg:$0x3] =	wrdreg s4  }
0xaa: {  	[dreg:$0x4] =	wrdreg $0xC0  }
0xab: {  	_ =	task [dreg:s6], $0x5FFFF  }
0xac: {  	[dreg:$0x1] =	wrdreg $0xFFFFFFFF  }
0xad: {  	[dreg:$0x0] =	wrdreg $0x60  }
0xae: {  	[dreg:$0x2] =	wrdreg s24  }
0xaf: {  	[dreg:$0x3] =	wrdreg $0x9  }
0xb0: {  	_ =	task.clear_ibuf [dreg:s6], $0x4FFFF;
	_ =	strace $0x90000046  }
0xb1: {  	s29 =	simm.s32 $0x9;
	_ =	strace $0x80000048  }
0xb2: {  	_ =	swait.ge [sflag:s29], $0x1  }
0xb3: {  	[sflag:s29] =	ssyncadd.s32 $0xFFFFFFFF  }
0xb4: {  	_ =	strace $0x90000048  }
0xb5: {  	_ =	sfence  }
0xb6: {  	s30 =	sld [smem:$0x0];
	_ =	sdelay $0x2  }
0xb7: {  	s31 =	sshll.u32 s1, $0xD;
	s1 =	sshrl.u32 s1, $0x2  }
0xb8: {  	s3 =	sand.u32 $0x4000, s31;
	s1 =	sadd.s32 s1, s30  }
0xb9: {  	s0 =	sor.u32 s3, s0;
	s1 =	sshll.u32 s1, $0x11  }
0xba: {  	s0 =	sor.u32 s1, s0  }
0xbb: {  	s0 =	sadd.s32 $0x8F2B, s0  }
0xbc: {  	[sflag:s0] =	ssyncadd.remote.s32 $0x1  }
0xbd: {  	_ =	sfence.sel $0xFFFF  }
0xbe: {  	[dreg:$0x0] =	wrdreg $0xFFFFFFFF;
	(pc) =	sbr.abs _section_cstart, $3  }
0xbf: {  	[dreg:$0x1] =	wrdreg $0xFFFFFFFF  }
0xc0: {  	_ =	task.clear_ibuf [dreg:s6], $0x2FFFF;
	_ =	strace $0x9FFFFFFF  }
0xc1: {  	(tm) =	ssettm $0x7FFFFFFF  }
tec
execute0_lowered:
.L_overlay_start_1:
0x0: {  	(tag) =	ssettag $0x1  }
0x1: {  	s1 =	srdreg.scid  }
0x2: {  	s0 =	stileid.u32;
	s3 =	rddreg [dreg:$0x0];
	s2 =	simm.s32 $0x0  }
0x3: {  	s29 =	simm.s32 $0x3;
	s30 =	simm.s32 $0x7FFFC0;
	s31 =	simm.s32 $0x40  }
0x4: {  	s5 =	sand.u32 $0x1, s1;
	s4 =	sshll.u32 s0, $0x1;
	[smem:$0x7FF] =	sst s2  }
0x5: {  	s20 =	sshll.u32 s0, $0x9;
	s9 =	sshll.u32 s0, $0x12;
	s4 =	sor.u32 s5, s4  }
0x6: {  	_ =	strace $0x80000047;
	s7 =	ssub.s32 $0x2, s5;
	[dreg:$0x3] =	wrdreg s29  }
0x7: {  	s21 =	sshll.u32 s5, $0x8;
	[dreg:$0x4] =	wrdreg s30;
	s6 =	sshll.u32 s4, $0x8  }
0x8: {  	s10 =	sshll.u32 s5, $0x11;
	[dreg:$0x5] =	wrdreg s31;
	s6 =	smax.u32 s6, $0x40  }
0x9: {  	s4 =	sshll.u32 s4, $0xC;
	s8 =	sshrl.u32 s7, $0x1;
	s6 =	smin.u32 s6, $0x1EC0  }
0xa: {  	s25 =	sor.u32 s10, s9;
	s9 =	simm.s32 $0x0;
	s6 =	sshll.u32 s6, $0x4  }
0xb: {  	s4 =	sadd.s32 s4, s3;
	s3 =	sadd.s32 s3, s6;
	s6 =	sor.u32 s21, s20  }
0xc: {  	s7 =	ssub.s32 s7, s8;
	s23 =	sadd.s32 $0x25800, s4;
	s8 =	smax.u32 s6, $0x40  }
0xd: {  	s5 =	smax.u32 s7, $0x1;
	[dreg:$0x8] =	wrdreg s23;
	s24 =	smin.u32 s8, $0x1EC0  }
0xe: {  	s22 =	sadd.s32 $0x5400, s3;
	s26 =	sand.u32 $0xF00, s6;
	s7 =	sshll.u32 s24, $0x9  }
0xf: {  	[dreg:$0x7] =	wrdreg s22;
	s6 =	ssub.s32 s6, s24;
	s7 =	ssub.s32 s25, s7  }
0x10: {  	[dreg:$0x2] =	wrdreg s26;
	s6 =	sadd.s32 $0x40, s6;
	s28 =	sadd.s32 $0x81C0, s7  }
0x11: {  	[dreg:$0x6] =	wrdreg s6;
	s7 =	simm.s32 $0x1;
	s6 =	sshra.s32 s28, $0x2  }
.LBB2_1:
0x12: {  	s0 =	rddreg [dreg:$0x7];
	s15 =	sand.u32 $0x3F, s2;
	s16 =	simm.s32 $0x1  }
0x13: {  	s17 =	simm.s32 $0x1;
	s18 =	simm.s32 $0x2;
	s19 =	simm.s32 $0x1  }
0x14: {  	s21 =	simm.s32 $0x1;
	s23 =	simm.f32 $5.000000000e-01;
	s24 =	simm.f32 $5.000000000e-01  }
0x15: {  	[tilespmem:s2], [sflag:$0x1] =	stream.linear.gather [hbm4b:s0+s2], $0xC000, $0x38;
	[tilespmem:$0x14000] =	vst v63  }
0x16: {  	s25 =	simm.f32 $5.000000000e-01;
	p1 =	sne.s32 s15, $0x0;
	_ =	swait.ge [sflag:s7], $0xC000  }
0x17: {  	p0 =	sne.s32 s15, $0x3F;
	p3 =	slt.u32 s15, $0x3E;
	s10 =	rddreg [dreg:$0x2]  }
0x18: {  	s16 =	simm.s32 @!p0 $0x0;
	s17 =	simm.s32 @!p1 $0x0;
	s13 =	rddreg [dreg:$0x5]  }
0x19: {  	s18 =	simm.s32 @!p1 $0x1;
	[sflag:s7] =	ssyncset.done $0x0;
	s12 =	rddreg [dreg:$0x4]  }
0x1a: {  	s11 =	rddreg [dreg:$0x6];
	[sflag:s7] =	ssyncadd.s32 $0xFFFF4000;
	s14 =	sadd.s32 $0x0, s10  }
0x1b: {  	s10 =	rddreg [dreg:$0x3];
	s20 =	sadd.s32 $0x0, s11;
	p2 =	seq.s32 s14, $0x0  }
0x1c: {  	s14 =	sshrl.u32 s14, $0x6;
	s10 =	simm.s32 @!p3 $0x2;
	p2 =	por !p2, !p1  }
0x1d: {  	s11 =	sadd.s32 s16, s20;
	s16 =	sadd.s32 s16, s18;
	p2 =	por !p2, !p2  }
0x1e: {  	s18 =	simm.s32 $0x1;
	s17 =	ssub.s32 s20, s17;
	s19 =	simm.s32 @!p2 $0x0  }
0x1f: {  	s11 =	sshll.u32 s11, $0x9;
	s17 =	sshll.u32 s17, $0x9;
	s14 =	ssub.s32 s14, s19  }
0x20: {  	s19 =	simm.s32 $0x1;
	p3 =	sgt.s32 s14, $0x0;
	p2 =	slt.s32 s14, $0x3F  }
0x21: {  	p4 =	sgt.s32 s14, $0x1;
	s18 =	simm.s32 @!p3 $0x0;
	s19 =	simm.s32 @!p2 $0x0  }
0x22: {  	s21 =	simm.s32 @!p4 $0x0;
	p4 =	slt.u32 s15, $0x2;
	s15 =	simm.s32 $0x2  }
0x23: {  	s12 =	simm.s32 @!p3 $0x0;
	s13 =	simm.s32 @!p2 $0x0;
	s15 =	simm.s32 @!p4 $0x3  }
0x24: {  	p4 =	slt.s32 s14, $0x3E;
	s18 =	sadd.s32 s18, s19;
	s12 =	sadd.s32 s12, s20  }
0x25: {  	s30 =	sadd.s32 s21, s16;
	s14 =	sxor.u32 $0xFFFFFFFF, s14;
	s21 =	simm.s32 $0x1  }
0x26: {  	s13 =	sadd.s32 s13, s20;
	s12 =	sshll.u32 s12, $0x9;
	s14 =	sshrl.u32 s14, $0x1F  }
0x27: {  	s21 =	simm.s32 @!p4 $0x0;
	s22 =	sadd.s32 s16, s18;
	s15 =	sadd.s32 s15, s18  }
0x28: {  	s19 =	sadd.s32 $0x1, s30;
	s13 =	sshll.u32 s13, $0x9;
	s10 =	sadd.s32 s10, s18  }
0x29: {  	s18 =	sshra.s32 s17, $0x2;
	s12 =	sshra.s32 s12, $0x2;
	p4 =	seq.s32 s15, $0x4  }
0x2a: {  	s14 =	sadd.s32 s14, s16;
	s23 =	simm.s32 @!p4 $0x3F13CD3A;
	p4 =	seq.s32 s22, $0x4  }
0x2b: {  	s16 =	sshra.s32 s13, $0x2;
	s24 =	simm.s32 @!p4 $0x3F13CD3A;
	p4 =	seq.s32 s19, $0x4  }
0x2c: {  	v1 =	vld [tilespmem:s6+$0xFFFFFF90];
	s13 =	simm.f32 $5.000000000e-01;
	s25 =	simm.s32 @!p4 $0x3F13CD3A;
	p4 =	seq.s32 s22, $0x5  }
0x2d: {  	s14 =	sadd.s32 s21, s14;
	v0 =	vld [tilespmem:s12+$0x0];
	s24 =	simm.s32 @p4 $0x3EE4F92E;
	p4 =	seq.s32 s19, $0x5  }
0x2e: {  	s25 =	simm.s32 @p4 $0x3EE4F92E;
	p4 =	seq.s32 s14, $0x4;
	s19 =	smul.f32 s24, s24  }
0x2f: {  	v2 =	vld [tilespmem:s16+$0x0];
	s13 =	simm.s32 @!p4 $0x3F13CD3A;
	p4 =	seq.s32 s14, $0x5;
	s20 =	smul.f32 s24, s25  }
0x30: {  	s13 =	simm.s32 @p4 $0x3EE4F92E;
	p4 =	seq.s32 s15, $0x5;
	s15 =	simm.f32 $5.000000000e-01  }
0x31: {  	v3 =	vld [tilespmem:s18+$0x0];
	s20 =	simm.s32 @!p3 $0x0;
	p3 =	seq.s32 s10, $0x4;
	s17 =	smul.f32 s13, s24  }
0x32: {  	s21 =	sshra.s32 s11, $0x2;
	v1 =	vmul.f32 s19, v1;
	s23 =	simm.s32 @p4 $0x3EE4F92E;
	s15 =	simm.s32 @!p3 $0x3F13CD3A;
	v0 =	vmul.f32 s20, v0  }
0x33: {  	v4 =	vld [tilespmem:s21+$0x0];
	s14 =	smul.f32 s23, s24;
	s17 =	simm.s32 @!p2 $0x0;
	p2 =	seq.s32 s10, $0x5  }
0x34: {  	s15 =	simm.s32 @p2 $0x3EE4F92E;
	v0 =	vadd.f32 v0, v1;
	v1 =	vmul.f32 s17, v2  }
0x35: {  	s14 =	simm.s32 @!p1 $0x0;
	s15 =	smul.f32 s15, s24  }
0x36: {  	v2 =	vmul.f32 s14, v3;
	v0 =	vadd.f32 v1, v0  }
0x37: {  	s15 =	simm.s32 @!p0 $0x0  }
0x38: {  	v1 =	vmul.f32 s15, v4;
	v0 =	vadd.f32 v2, v0;
	_ =	sdelay $0x1  }
0x39: {  	v0 =	vadd.f32 v1, v0  }
0x3a: {  	s13 =	simm.s32 $0xC040  }
0x3b: {  	[tilespmem:s13+$0xFFFFFFC0] =	vst v0  }
0x3c: {  	v0 =	vld [tilespmem:s6+$0xFFFFFFA0]  }
0x3d: {  	v1 =	vld [tilespmem:s12+$0x10];
	_ =	sdelay $0x1  }
0x3e: {  	v2 =	vld [tilespmem:s16+$0x10];
	_ =	sdelay $0x1  }
0x3f: {  	v3 =	vld [tilespmem:s18+$0x10]  }
0x40: {  	v0 =	vmul.f32 s19, v0;
	v1 =	vmul.f32 s20, v1  }
0x41: {  	v58 =	vld [tilespmem:s21+$0x10]  }
0x42: {  	v2 =	vmul.f32 s17, v2;
	v0 =	vadd.f32 v1, v0;
	_ =	sdelay $0x1  }
0x43: {  	v1 =	vmul.f32 s14, v3;
	v0 =	vadd.f32 v2, v0;
	_ =	sdelay $0x1  }
0x44: {  	v0 =	vadd.f32 v1, v0;
	v1 =	vmul.f32 s15, v58;
	_ =	sdelay $0x1  }
0x45: {  	v0 =	vadd.f32 v1, v0;
	_ =	sdelay $0x1  }
0x46: {  	[tilespmem:s13+$0xFFFFFFD0] =	vst v0  }
0x47: {  	v0 =	vld [tilespmem:s6+$0xFFFFFFB0]  }
0x48: {  	v1 =	vld [tilespmem:s12+$0x20];
	_ =	sdelay $0x1  }
0x49: {  	v2 =	vld [tilespmem:s16+$0x20];
	_ =	sdelay $0x1  }
0x4a: {  	v3 =	vld [tilespmem:s18+$0x20]  }
0x4b: {  	v0 =	vmul.f32 s19, v0;
	v1 =	vmul.f32 s20, v1  }
0x4c: {  	v59 =	vld [tilespmem:s21+$0x20]  }
0x4d: {  	v2 =	vmul.f32 s17, v2;
	v0 =	vadd.f32 v1, v0;
	_ =	sdelay $0x1  }
0x4e: {  	v1 =	vmul.f32 s14, v3;
	v0 =	vadd.f32 v2, v0;
	_ =	sdelay $0x1  }
0x4f: {  	v0 =	vadd.f32 v1, v0;
	v1 =	vmul.f32 s15, v59;
	_ =	sdelay $0x1  }
0x50: {  	v0 =	vadd.f32 v1, v0;
	_ =	sdelay $0x1  }
0x51: {  	[tilespmem:s13+$0xFFFFFFE0] =	vst v0  }
0x52: {  	v0 =	vld [tilespmem:s6+$0xFFFFFFC0]  }
0x53: {  	v1 =	vld [tilespmem:s12+$0x30];
	_ =	sdelay $0x1  }
0x54: {  	v2 =	vld [tilespmem:s16+$0x30];
	_ =	sdelay $0x1  }
0x55: {  	v3 =	vld [tilespmem:s18+$0x30]  }
0x56: {  	v0 =	vmul.f32 s19, v0;
	v1 =	vmul.f32 s20, v1  }
0x57: {  	v60 =	vld [tilespmem:s21+$0x30]  }
0x58: {  	v0 =	vadd.f32 v1, v0;
	v1 =	vmul.f32 s17, v2;
	_ =	sdelay $0x1  }
0x59: {  	v0 =	vadd.f32 v1, v0;
	v1 =	vmul.f32 s14, v3;
	_ =	sdelay $0x1  }
0x5a: {  	v0 =	vadd.f32 v1, v0;
	v1 =	vmul.f32 s15, v60;
	_ =	sdelay $0x1  }
0x5b: {  	v0 =	vadd.f32 v1, v0;
	_ =	sdelay $0x1  }
0x5c: {  	[tilespmem:s13+$0xFFFFFFF0] =	vst v0  }
0x5d: {  	v0 =	vld [tilespmem:s6+$0xFFFFFFD0]  }
0x5e: {  	v1 =	vld [tilespmem:s12+$0x40];
	_ =	sdelay $0x1  }
0x5f: {  	v2 =	vld [tilespmem:s16+$0x40];
	_ =	sdelay $0x1  }
0x60: {  	v3 =	vld [tilespmem:s18+$0x40]  }
0x61: {  	v0 =	vmul.f32 s19, v0;
	v1 =	vmul.f32 s20, v1  }
0x62: {  	v61 =	vld [tilespmem:s21+$0x40]  }
0x63: {  	v2 =	vmul.f32 s17, v2;
	v0 =	vadd.f32 v1, v0;
	_ =	sdelay $0x1  }
0x64: {  	v1 =	vmul.f32 s14, v3;
	v0 =	vadd.f32 v2, v0;
	_ =	sdelay $0x1  }
0x65: {  	v0 =	vadd.f32 v1, v0;
	v1 =	vmul.f32 s15, v61;
	_ =	sdelay $0x1  }
0x66: {  	v0 =	vadd.f32 v1, v0;
	_ =	sdelay $0x1  }
0x67: {  	[tilespmem:s13+$0x0] =	vst v0  }
0x68: {  	v0 =	vld [tilespmem:s6+$0xFFFFFFE0]  }
0x69: {  	v1 =	vld [tilespmem:s12+$0x50];
	_ =	sdelay $0x1  }
0x6a: {  	v2 =	vld [tilespmem:s16+$0x50];
	_ =	sdelay $0x1  }
0x6b: {  	v3 =	vld [tilespmem:s18+$0x50]  }
0x6c: {  	v0 =	vmul.f32 s19, v0;
	v1 =	vmul.f32 s20, v1  }
0x6d: {  	v62 =	vld [tilespmem:s21+$0x50]  }
0x6e: {  	v2 =	vmul.f32 s17, v2;
	v0 =	vadd.f32 v1, v0;
	_ =	sdelay $0x1  }
0x6f: {  	v1 =	vmul.f32 s14, v3;
	v0 =	vadd.f32 v2, v0;
	_ =	sdelay $0x1  }
0x70: {  	v2 =	vmul.f32 s15, v62;
	v0 =	vadd.f32 v1, v0;
	_ =	sdelay $0x1  }
0x71: {  	v0 =	vadd.f32 v2, v0;
	_ =	sdelay $0x1  }
0x72: {  	[tilespmem:s13+$0x10] =	vst v0  }
0x73: {  	v0 =	vld [tilespmem:s6+$0xFFFFFFF0]  }
0x74: {  	v1 =	vld [tilespmem:s12+$0x60];
	_ =	sdelay $0x1  }
0x75: {  	v2 =	vld [tilespmem:s16+$0x60]  }
0x76: {  	v3 =	vld [tilespmem:s18+$0x60]  }
0x77: {  	v63 =	vld [tilespmem:s21+$0x60]  }
0x78: {  	v0 =	vmul.f32 s19, v0;
	v1 =	vmul.f32 s20, v1  }
0x79: {  	s28 =	rddreg [dreg:$0x2]  }
0x7a: {  	s26 =	simm.s32 $0x2;
	s29 =	rddreg [dreg:$0x4];
	v2 =	vmul.f32 s17, v2;
	v5 =	vadd.f32 v1, v0  }
0x7b: {  	s31 =	rddreg [dreg:$0x6];
	s11 =	sadd.s32 $0x80, s6;
	s22 =	smov.u32 s6  }
0x7c: {  	s25 =	rddreg [dreg:$0x5];
	s23 =	simm.s32 $0x1;
	s10 =	simm.s32 $0xC0C0;
	v1 =	vmul.f32 s14, v3;
	v0 =	vmul.f32 s15, v63;
	v2 =	vadd.f32 v2, v5  }
.LBB2_2:
0x7d: {  	s24 =	sadd.s32 s23, s28  }
0x7e: {  	s1 =	sand.u32 $0x3F, s23;
	s30 =	rddreg [dreg:$0x3];
	s28 =	smov.u32 s26  }
0x7f: {  	s8 =	simm.s32 $0x1;
	s3 =	simm.s32 $0x2;
	s4 =	simm.s32 $0x1  }
0x80: {  	s31 =	sadd.s32 s23, s31;
	p0 =	seq.s32 s24, $0x0;
	p1 =	sne.s32 s1, $0x0  }
0x81: {  	p2 =	sne.s32 s1, $0x3F;
	s24 =	sshrl.u32 s24, $0x6;
	p5 =	slt.u32 s1, $0x2  }
0x82: {  	v1 =	vadd.f32 v1, v2;
	s0 =	simm.s32 @!p1 $0x0;
	p0 =	por !p0, !p1;
	s8 =	simm.s32 @!p1 $0x0  }
0x83: {  	s3 =	simm.s32 @!p1 $0x1;
	s0 =	simm.s32 @p1 $0x1;
	p0 =	por !p0, !p0  }
0x84: {  	p1 =	slt.u32 s1, $0x3E;
	v0 =	vadd.f32 v0, v1;
	[smem:$0x7FD] =	sst s0;
	s0 =	simm.s32 @!p2 $0x0  }
0x85: {  	s8 =	ssub.s32 s31, s8;
	s4 =	simm.s32 @!p0 $0x0;
	s0 =	simm.s32 @p2 $0x1  }
0x86: {  	s30 =	simm.s32 @!p1 $0x2;
	s4 =	ssub.s32 s24, s4;
	[tilespmem:s13+$0x20] =	vst v0;
	[smem:$0x7FB] =	sst s0  }
0x87: {  	s0 =	simm.s32 $0x1;
	p4 =	slt.s32 s4, $0x3F;
	v1 =	vld [tilespmem:s12+$0x70];
	s12 =	simm.s32 $0x1  }
0x88: {  	p1 =	sgt.s32 s4, $0x1;
	v2 =	vld [tilespmem:s16+$0x70];
	p0 =	slt.s32 s4, $0x3E;
	s16 =	simm.s32 $0x2  }
0x89: {  	s0 =	simm.s32 @!p2 $0x0;
	p2 =	sgt.s32 s4, $0x0;
	s12 =	simm.s32 @!p4 $0x0  }
0x8a: {  	s16 =	simm.s32 @!p5 $0x3;
	s4 =	sxor.u32 $0xFFFFFFFF, s4;
	s25 =	simm.s32 @!p4 $0x0  }
0x8b: {  	v0 =	vld [tilespmem:s22+$0x0];
	s23 =	sadd.s32 s0, s31;
	s0 =	sadd.s32 s0, s3;
	s3 =	simm.s32 $0x1  }
0x8c: {  	s22 =	simm.s32 @!p2 $0x0;
	s29 =	simm.s32 @!p2 $0x0;
	s4 =	sshrl.u32 s4, $0x1F  }
0x8d: {  	s23 =	sshll.u32 s23, $0x9;
	s3 =	simm.s32 @!p2 $0x0;
	s22 =	simm.s32 @p2 $0x1  }
0x8e: {  	[smem:$0x7FC] =	sst s22;
	s1 =	sadd.s32 s3, s12;
	s3 =	simm.s32 $0x1  }
0x8f: {  	s22 =	sshll.u32 s8, $0x9;
	s12 =	sadd.s32 s29, s31;
	s3 =	simm.s32 @!p1 $0x0  }
0x90: {  	v4 =	vld [tilespmem:s18+$0x70];
	s8 =	sshll.u32 s12, $0x9;
	v0 =	vmul.f32 s19, v0;
	v1 =	vmul.f32 s20, v1;
	s19 =	sadd.s32 s25, s31;
	s20 =	sadd.s32 s0, s1  }
0x91: {  	v3 =	vld [tilespmem:s21+$0x70];
	s21 =	sadd.s32 s16, s1;
	s1 =	sadd.s32 s30, s1;
	s18 =	sshra.s32 s22, $0x2  }
0x92: {  	v2 =	vmul.f32 s17, v2;
	s17 =	simm.f32 $5.000000000e-01;
	s25 =	sld [smem:$0x7FB];
	s3 =	sadd.s32 s3, s0  }
0x93: {  	s12 =	sshra.s32 s8, $0x2;
	s8 =	simm.s32 $0x1;
	s0 =	sadd.s32 s4, s0;
	v0 =	vadd.f32 v1, v0  }
0x94: {  	p5 =	seq.s32 s20, $0x5;
	p2 =	seq.s32 s20, $0x4;
	p6 =	seq.s32 s21, $0x5  }
0x95: {  	s24 =	sshll.u32 s19, $0x9;
	s4 =	simm.f32 $5.000000000e-01;
	s20 =	simm.f32 $5.000000000e-01;
	v0 =	vadd.f32 v2, v0;
	v2 =	vmul.f32 s14, v4  }
0x96: {  	s8 =	simm.s32 @!p0 $0x0;
	s3 =	sadd.s32 $0x1, s3;
	p0 =	seq.s32 s21, $0x4  }
0x97: {  	v1 =	vmul.f32 s15, v3;
	s16 =	sshra.s32 s24, $0x2;
	s24 =	sadd.s32 $0x1, s26;
	s0 =	sadd.s32 s8, s0;
	v0 =	vadd.f32 v2, v0  }
0x98: {  	p1 =	seq.s32 s3, $0x4;
	s4 =	simm.s32 @!p0 $0x3F13CD3A;
	s8 =	simm.f32 $5.000000000e-01  }
0x99: {  	p0 =	seq.s32 s1, $0x4;
	p3 =	seq.s32 s0, $0x4;
	s8 =	simm.s32 @!p2 $0x3F13CD3A;
	v0 =	vadd.f32 v1, v0  }
0x9a: {  	s20 =	simm.s32 @!p1 $0x3F13CD3A;
	s4 =	simm.s32 @p6 $0x3EE4F92E;
	s8 =	simm.s32 @p5 $0x3EE4F92E  }
0x9b: {  	p1 =	seq.s32 s0, $0x5;
	s14 =	smul.f32 s4, s8;
	s4 =	simm.f32 $5.000000000e-01;
	[tilespmem:s13+$0x30] =	vst v0  }
0x9c: {  	p2 =	seq.s32 s3, $0x5;
	s4 =	simm.s32 @!p0 $0x3F13CD3A;
	p0 =	seq.s32 s1, $0x5;
	v0 =	vld [tilespmem:s12+$0x0]  }
0x9d: {  	s4 =	simm.s32 @p0 $0x3EE4F92E;
	p0 =	sne.s32 s26, $0xFF;
	s26 =	sld [smem:$0x7FC];
	v2 =	vld [tilespmem:s11+$0xFFFFFF90]  }
0x9e: {  	s17 =	simm.s32 @!p3 $0x3F13CD3A;
	s20 =	simm.s32 @p2 $0x3EE4F92E;
	s15 =	smul.f32 s4, s8  }
0x9f: {  	s17 =	simm.s32 @p1 $0x3EE4F92E;
	s20 =	smul.f32 s8, s20;
	p1 =	seq.s32 s25, $0x1;
	v3 =	vld [tilespmem:s16+$0x0]  }
0xa0: {  	s19 =	smul.f32 s8, s8;
	s15 =	simm.s32 @!p1 $0x0;
	p1 =	seq.s32 s26, $0x1  }
0xa1: {  	s30 =	sld [smem:$0x7FD];
	s17 =	smul.f32 s17, s8;
	v57 =	vld [tilespmem:s18+$0x0];
	s20 =	simm.s32 @!p1 $0x0  }
0xa2: {  	s21 =	sshra.s32 s23, $0x2;
	v0 =	vmul.f32 s20, v0;
	v2 =	vmul.f32 s19, v2  }
0xa3: {  	s17 =	simm.s32 @!p4 $0x0;
	v1 =	vld [tilespmem:s21+$0x0]  }
0xa4: {  	p1 =	seq.s32 s30, $0x1;
	v0 =	vadd.f32 v0, v2;
	v2 =	vmul.f32 s17, v3  }
0xa5: {  	s14 =	simm.s32 @!p1 $0x0  }
0xa6: {  	v3 =	vmul.f32 s14, v57;
	v0 =	vadd.f32 v2, v0;
	_ =	sdelay $0x1  }
0xa7: {  	v1 =	vmul.f32 s15, v1;
	v0 =	vadd.f32 v3, v0;
	_ =	sdelay $0x1  }
0xa8: {  	v0 =	vadd.f32 v1, v0;
	_ =	sdelay $0x1  }
0xa9: {  	[tilespmem:s10+$0xFFFFFFC0] =	vst v0  }
0xaa: {  	v0 =	vld [tilespmem:s11+$0xFFFFFFA0]  }
0xab: {  	v1 =	vld [tilespmem:s12+$0x10];
	_ =	sdelay $0x1  }
0xac: {  	v2 =	vld [tilespmem:s16+$0x10];
	_ =	sdelay $0x1  }
0xad: {  	v3 =	vld [tilespmem:s18+$0x10]  }
0xae: {  	v0 =	vmul.f32 s19, v0;
	v1 =	vmul.f32 s20, v1  }
0xaf: {  	v58 =	vld [tilespmem:s21+$0x10]  }
0xb0: {  	v2 =	vmul.f32 s17, v2;
	v0 =	vadd.f32 v1, v0;
	_ =	sdelay $0x1  }
0xb1: {  	v1 =	vmul.f32 s14, v3;
	v0 =	vadd.f32 v2, v0;
	_ =	sdelay $0x1  }
0xb2: {  	v0 =	vadd.f32 v1, v0;
	v1 =	vmul.f32 s15, v58;
	_ =	sdelay $0x1  }
0xb3: {  	v0 =	vadd.f32 v1, v0;
	_ =	sdelay $0x1  }
0xb4: {  	[tilespmem:s10+$0xFFFFFFD0] =	vst v0  }
0xb5: {  	v1 =	vld [tilespmem:s11+$0xFFFFFFB0]  }
0xb6: {  	v2 =	vld [tilespmem:s12+$0x20];
	_ =	sdelay $0x1  }
0xb7: {  	v0 =	vld [tilespmem:s16+$0x20];
	_ =	sdelay $0x1  }
0xb8: {  	v3 =	vld [tilespmem:s18+$0x20]  }
0xb9: {  	v1 =	vmul.f32 s19, v1;
	v2 =	vmul.f32 s20, v2  }
0xba: {  	v59 =	vld [tilespmem:s21+$0x20]  }
0xbb: {  	v0 =	vmul.f32 s17, v0;
	v1 =	vadd.f32 v2, v1;
	_ =	sdelay $0x1  }
0xbc: {  	v2 =	vmul.f32 s14, v3;
	v0 =	vadd.f32 v0, v1;
	_ =	sdelay $0x1  }
0xbd: {  	v1 =	vmul.f32 s15, v59;
	v0 =	vadd.f32 v2, v0;
	_ =	sdelay $0x1  }
0xbe: {  	v0 =	vadd.f32 v1, v0;
	_ =	sdelay $0x1  }
0xbf: {  	[tilespmem:s10+$0xFFFFFFE0] =	vst v0  }
0xc0: {  	v0 =	vld [tilespmem:s11+$0xFFFFFFC0]  }
0xc1: {  	v1 =	vld [tilespmem:s12+$0x30];
	_ =	sdelay $0x1  }
0xc2: {  	v2 =	vld [tilespmem:s16+$0x30];
	_ =	sdelay $0x1  }
0xc3: {  	v3 =	vld [tilespmem:s18+$0x30]  }
0xc4: {  	v0 =	vmul.f32 s19, v0;
	v1 =	vmul.f32 s20, v1  }
0xc5: {  	v60 =	vld [tilespmem:s21+$0x30]  }
0xc6: {  	v0 =	vadd.f32 v1, v0;
	v1 =	vmul.f32 s17, v2;
	_ =	sdelay $0x1  }
0xc7: {  	v0 =	vadd.f32 v1, v0;
	v1 =	vmul.f32 s14, v3;
	_ =	sdelay $0x1  }
0xc8: {  	v0 =	vadd.f32 v1, v0;
	v1 =	vmul.f32 s15, v60;
	_ =	sdelay $0x1  }
0xc9: {  	v0 =	vadd.f32 v1, v0;
	_ =	sdelay $0x1  }
0xca: {  	[tilespmem:s10+$0xFFFFFFF0] =	vst v0  }
0xcb: {  	v0 =	vld [tilespmem:s11+$0xFFFFFFD0]  }
0xcc: {  	v1 =	vld [tilespmem:s12+$0x40];
	_ =	sdelay $0x1  }
0xcd: {  	v2 =	vld [tilespmem:s16+$0x40];
	_ =	sdelay $0x1  }
0xce: {  	v3 =	vld [tilespmem:s18+$0x40]  }
0xcf: {  	v0 =	vmul.f32 s19, v0;
	v1 =	vmul.f32 s20, v1  }
0xd0: {  	v61 =	vld [tilespmem:s21+$0x40]  }
0xd1: {  	v2 =	vmul.f32 s17, v2;
	v0 =	vadd.f32 v1, v0;
	_ =	sdelay $0x1  }
0xd2: {  	v1 =	vmul.f32 s14, v3;
	v0 =	vadd.f32 v2, v0;
	_ =	sdelay $0x1  }
0xd3: {  	v0 =	vadd.f32 v1, v0;
	v1 =	vmul.f32 s15, v61;
	_ =	sdelay $0x1  }
0xd4: {  	v0 =	vadd.f32 v1, v0;
	_ =	sdelay $0x1  }
0xd5: {  	[tilespmem:s10+$0x0] =	vst v0  }
0xd6: {  	v0 =	vld [tilespmem:s11+$0xFFFFFFE0]  }
0xd7: {  	v1 =	vld [tilespmem:s12+$0x50];
	_ =	sdelay $0x1  }
0xd8: {  	v2 =	vld [tilespmem:s16+$0x50];
	_ =	sdelay $0x1  }
0xd9: {  	v3 =	vld [tilespmem:s18+$0x50]  }
0xda: {  	v0 =	vmul.f32 s19, v0;
	v1 =	vmul.f32 s20, v1  }
0xdb: {  	v62 =	vld [tilespmem:s21+$0x50]  }
0xdc: {  	v2 =	vmul.f32 s17, v2;
	v0 =	vadd.f32 v1, v0;
	_ =	sdelay $0x1  }
0xdd: {  	v1 =	vmul.f32 s14, v3;
	v0 =	vadd.f32 v2, v0;
	_ =	sdelay $0x1  }
0xde: {  	v3 =	vmul.f32 s15, v62;
	v0 =	vadd.f32 v1, v0;
	_ =	sdelay $0x1  }
0xdf: {  	v0 =	vadd.f32 v3, v0;
	_ =	sdelay $0x1  }
0xe0: {  	[tilespmem:s10+$0x10] =	vst v0  }
0xe1: {  	v0 =	vld [tilespmem:s11+$0xFFFFFFF0]  }
0xe2: {  	v1 =	vld [tilespmem:s12+$0x60];
	_ =	sdelay $0x1  }
0xe3: {  	v2 =	vld [tilespmem:s16+$0x60]  }
0xe4: {  	v3 =	vld [tilespmem:s18+$0x60]  }
0xe5: {  	v63 =	vld [tilespmem:s21+$0x60]  }
.Ltmp0:
0xe6: {  	s29 =	rddreg [dreg:$0x4];
	v0 =	vmul.f32 s19, v0;
	v1 =	vmul.f32 s20, v1;
	(pc) =	sbr.rel @p0 .LBB2_2-.Ltmp0, $4  }
0xe7: {  	s31 =	rddreg [dreg:$0x6]  }
0xe8: {  	s23 =	smov.u32 s28;
	s28 =	rddreg [dreg:$0x2];
	v2 =	vmul.f32 s17, v2;
	v5 =	vadd.f32 v1, v0  }
0xe9: {  	s22 =	smov.u32 s11;
	s25 =	rddreg [dreg:$0x5];
	s13 =	smov.u32 s10  }
0xea: {  	s26 =	smov.u32 s24;
	s10 =	sadd.s32 $0x80, s10;
	s11 =	sadd.s32 $0x80, s11;
	v1 =	vmul.f32 s14, v3;
	v0 =	vmul.f32 s15, v63;
	v2 =	vadd.f32 v2, v5  }
0xeb: {  	s0 =	sadd.s32 s23, s28  }
0xec: {  	s1 =	sand.u32 $0x3F, s23;
	s24 =	rddreg [dreg:$0x3];
	s3 =	simm.s32 $0x1;
	v1 =	vadd.f32 v1, v2  }
0xed: {  	s4 =	sadd.s32 s23, s31;
	s8 =	simm.s32 $0x1;
	p2 =	seq.s32 s0, $0x0  }
0xee: {  	p0 =	sne.s32 s1, $0x0;
	p1 =	sne.s32 s1, $0x3F;
	s0 =	sshrl.u32 s0, $0x6;
	v0 =	vadd.f32 v0, v1  }
0xef: {  	p5 =	slt.u32 s1, $0x3E;
	p4 =	slt.u32 s1, $0x2;
	p2 =	por !p2, !p0  }
0xf0: {  	s1 =	simm.s32 $0x2;
	s8 =	simm.s32 @!p1 $0x0;
	p2 =	por !p2, !p2;
	[tilespmem:s13+$0x20] =	vst v0  }
0xf1: {  	s1 =	simm.s32 @!p0 $0x1;
	s24 =	simm.s32 @!p5 $0x2;
	s3 =	simm.s32 @!p2 $0x0;
	v0 =	vld [tilespmem:s22+$0x0]  }
0xf2: {  	s1 =	sadd.s32 s8, s1;
	s8 =	sadd.s32 s8, s4;
	s0 =	ssub.s32 s0, s3;
	v10 =	vld [tilespmem:s12+$0x70]  }
0xf3: {  	s8 =	sshll.u32 s8, $0x9;
	s3 =	simm.s32 $0x1;
	p3 =	sgt.s32 s0, $0x0  }
0xf4: {  	p2 =	slt.s32 s0, $0x3F;
	s22 =	simm.s32 $0x1;
	s12 =	simm.s32 $0x1;
	v11 =	vld [tilespmem:s16+$0x70]  }
0xf5: {  	s3 =	simm.s32 @!p0 $0x0;
	p6 =	sgt.s32 s0, $0x1;
	p5 =	slt.s32 s0, $0x3E  }
0xf6: {  	v3 =	vld [tilespmem:s18+$0x70];
	s0 =	sxor.u32 $0xFFFFFFFF, s0;
	s22 =	simm.s32 @!p3 $0x0;
	s12 =	simm.s32 @!p2 $0x0  }
0xf7: {  	s3 =	ssub.s32 s4, s3;
	s29 =	simm.s32 @!p3 $0x0;
	s25 =	simm.s32 @!p2 $0x0;
	v0 =	vmul.f32 s19, v0;
	v1 =	vmul.f32 s20, v10  }
0xf8: {  	v4 =	vld [tilespmem:s21+$0x70];
	s0 =	sshrl.u32 s0, $0x1F;
	s28 =	sadd.s32 s22, s12;
	s12 =	simm.s32 $0x1  }
0xf9: {  	s30 =	sadd.s32 s29, s4;
	s4 =	sadd.s32 s25, s4;
	s0 =	sadd.s32 s0, s1;
	v2 =	vmul.f32 s17, v11;
	v0 =	vadd.f32 v1, v0  }
0xfa: {  	s3 =	sshll.u32 s3, $0x9;
	s29 =	sshra.s32 s8, $0x2;
	s12 =	simm.s32 @!p6 $0x0  }
0xfb: {  	s18 =	sshll.u32 s30, $0x9;
	s4 =	sshll.u32 s4, $0x9;
	s25 =	sadd.s32 s24, s28;
	v12 =	vmul.f32 s14, v3;
	v0 =	vadd.f32 v2, v0  }
0xfc: {  	s31 =	sadd.s32 s12, s1;
	s12 =	sshra.s32 s18, $0x2;
	s1 =	sadd.s32 s1, s28  }
0xfd: {  	s23 =	sshra.s32 s4, $0x2;
	s20 =	simm.s32 $0x2;
	s17 =	simm.s32 $0x1;
	v13 =	vmul.f32 s15, v4;
	v0 =	vadd.f32 v12, v0  }
0xfe: {  	s21 =	sadd.s32 $0x1, s31;
	s20 =	simm.s32 @!p4 $0x3;
	s17 =	simm.s32 @!p5 $0x0  }
0xff: {  	p4 =	seq.s32 s1, $0x5;
	p5 =	seq.s32 s1, $0x4;
	s1 =	simm.f32 $5.000000000e-01;
	v0 =	vadd.f32 v13, v0  }
0x100: {  	s0 =	sadd.s32 s17, s0;
	s22 =	sadd.s32 s20, s28;
	s20 =	simm.f32 $5.000000000e-01  }
0x101: {  	s17 =	simm.f32 $5.000000000e-01;
	p6 =	seq.s32 s22, $0x4;
	s20 =	simm.s32 @!p5 $0x3F13CD3A;
	[tilespmem:s13+$0x30] =	vst v0  }
0x102: {  	p5 =	seq.s32 s21, $0x4;
	s1 =	simm.s32 @!p6 $0x3F13CD3A;
	p6 =	seq.s32 s0, $0x4;
	v0 =	vld [tilespmem:s12+$0x0]  }
0x103: {  	s17 =	simm.s32 @!p5 $0x3F13CD3A;
	s20 =	simm.s32 @p4 $0x3EE4F92E;
	p4 =	seq.s32 s21, $0x5;
	v14 =	vld [tilespmem:s11+$0xFFFFFF90]  }
0x104: {  	p5 =	seq.s32 s0, $0x5;
	s0 =	simm.f32 $5.000000000e-01;
	s17 =	simm.s32 @p4 $0x3EE4F92E  }
0x105: {  	s26 =	sshra.s32 s3, $0x2;
	s0 =	simm.s32 @!p6 $0x3F13CD3A;
	s13 =	smul.f32 s20, s17;
	v15 =	vld [tilespmem:s23+$0x0]  }
0x106: {  	p4 =	seq.s32 s22, $0x5;
	s28 =	smul.f32 s20, s20;
	s0 =	simm.s32 @p5 $0x3EE4F92E  }
0x107: {  	s1 =	simm.s32 @p4 $0x3EE4F92E;
	s17 =	smul.f32 s0, s20;
	v16 =	vld [tilespmem:s26+$0x0];
	s13 =	simm.s32 @!p3 $0x0  }
0x108: {  	s3 =	simm.f32 $5.000000000e-01;
	s19 =	smul.f32 s1, s20;
	p3 =	seq.s32 s25, $0x4;
	v0 =	vmul.f32 s13, v0;
	v1 =	vmul.f32 s28, v14  }
0x109: {  	v17 =	vld [tilespmem:s29+$0x0];
	s17 =	simm.s32 @!p2 $0x0;
	s3 =	simm.s32 @!p3 $0x3F13CD3A;
	p3 =	seq.s32 s25, $0x5  }
0x10a: {  	s3 =	simm.s32 @p3 $0x3EE4F92E;
	v18 =	vmul.f32 s17, v15;
	v0 =	vadd.f32 v0, v1  }
0x10b: {  	s19 =	simm.s32 @!p0 $0x0;
	s20 =	smul.f32 s3, s20  }
0x10c: {  	v19 =	vmul.f32 s19, v16;
	v0 =	vadd.f32 v18, v0  }
0x10d: {  	s20 =	simm.s32 @!p1 $0x0  }
0x10e: {  	v20 =	vmul.f32 s20, v17;
	v0 =	vadd.f32 v19, v0;
	_ =	sdelay $0x1  }
0x10f: {  	v0 =	vadd.f32 v20, v0;
	_ =	sdelay $0x1  }
0x110: {  	[tilespmem:s10+$0xFFFFFFC0] =	vst v0  }
0x111: {  	v0 =	vld [tilespmem:s11+$0xFFFFFFA0]  }
0x112: {  	v21 =	vld [tilespmem:s12+$0x10];
	_ =	sdelay $0x1  }
0x113: {  	v22 =	vld [tilespmem:s23+$0x10];
	_ =	sdelay $0x1  }
0x114: {  	v23 =	vld [tilespmem:s26+$0x10]  }
0x115: {  	v0 =	vmul.f32 s28, v0;
	v1 =	vmul.f32 s13, v21  }
0x116: {  	v24 =	vld [tilespmem:s29+$0x10]  }
0x117: {  	v2 =	vmul.f32 s17, v22;
	v0 =	vadd.f32 v1, v0;
	_ =	sdelay $0x1  }
0x118: {  	v25 =	vmul.f32 s19, v23;
	v0 =	vadd.f32 v2, v0;
	_ =	sdelay $0x1  }
0x119: {  	v26 =	vmul.f32 s20, v24;
	v0 =	vadd.f32 v25, v0;
	_ =	sdelay $0x1  }
0x11a: {  	v0 =	vadd.f32 v26, v0;
	_ =	sdelay $0x1  }
0x11b: {  	[tilespmem:s10+$0xFFFFFFD0] =	vst v0  }
0x11c: {  	v0 =	vld [tilespmem:s11+$0xFFFFFFB0]  }
0x11d: {  	v27 =	vld [tilespmem:s12+$0x20];
	_ =	sdelay $0x1  }
0x11e: {  	v28 =	vld [tilespmem:s23+$0x20];
	_ =	sdelay $0x1  }
0x11f: {  	v29 =	vld [tilespmem:s26+$0x20]  }
0x120: {  	v0 =	vmul.f32 s28, v0;
	v1 =	vmul.f32 s13, v27  }
0x121: {  	v30 =	vld [tilespmem:s29+$0x20]  }
0x122: {  	v2 =	vmul.f32 s17, v28;
	v0 =	vadd.f32 v1, v0;
	_ =	sdelay $0x1  }
0x123: {  	v31 =	vmul.f32 s19, v29;
	v0 =	vadd.f32 v2, v0;
	_ =	sdelay $0x1  }
0x124: {  	v32 =	vmul.f32 s20, v30;
	v0 =	vadd.f32 v31, v0;
	_ =	sdelay $0x1  }
0x125: {  	v0 =	vadd.f32 v32, v0;
	_ =	sdelay $0x1  }
0x126: {  	[tilespmem:s10+$0xFFFFFFE0] =	vst v0  }
0x127: {  	v0 =	vld [tilespmem:s11+$0xFFFFFFC0]  }
0x128: {  	v33 =	vld [tilespmem:s12+$0x30];
	_ =	sdelay $0x1  }
0x129: {  	v34 =	vld [tilespmem:s23+$0x30];
	_ =	sdelay $0x1  }
0x12a: {  	v35 =	vld [tilespmem:s26+$0x30]  }
0x12b: {  	v0 =	vmul.f32 s28, v0;
	v1 =	vmul.f32 s13, v33  }
0x12c: {  	v36 =	vld [tilespmem:s29+$0x30]  }
0x12d: {  	v37 =	vmul.f32 s17, v34;
	v0 =	vadd.f32 v1, v0;
	_ =	sdelay $0x1  }
0x12e: {  	v38 =	vmul.f32 s19, v35;
	v0 =	vadd.f32 v37, v0;
	_ =	sdelay $0x1  }
0x12f: {  	v39 =	vmul.f32 s20, v36;
	v0 =	vadd.f32 v38, v0;
	_ =	sdelay $0x1  }
0x130: {  	v0 =	vadd.f32 v39, v0;
	_ =	sdelay $0x1  }
0x131: {  	[tilespmem:s10+$0xFFFFFFF0] =	vst v0  }
0x132: {  	v0 =	vld [tilespmem:s11+$0xFFFFFFD0]  }
0x133: {  	v40 =	vld [tilespmem:s12+$0x40];
	_ =	sdelay $0x1  }
0x134: {  	v41 =	vld [tilespmem:s23+$0x40];
	_ =	sdelay $0x1  }
0x135: {  	v42 =	vld [tilespmem:s26+$0x40]  }
0x136: {  	v0 =	vmul.f32 s28, v0;
	v1 =	vmul.f32 s13, v40  }
0x137: {  	v43 =	vld [tilespmem:s29+$0x40]  }
0x138: {  	v2 =	vmul.f32 s17, v41;
	v0 =	vadd.f32 v1, v0;
	_ =	sdelay $0x1  }
0x139: {  	v44 =	vmul.f32 s19, v42;
	v0 =	vadd.f32 v2, v0;
	_ =	sdelay $0x1  }
0x13a: {  	v45 =	vmul.f32 s20, v43;
	v0 =	vadd.f32 v44, v0;
	_ =	sdelay $0x1  }
0x13b: {  	v0 =	vadd.f32 v45, v0;
	_ =	sdelay $0x1  }
0x13c: {  	[tilespmem:s10+$0x0] =	vst v0  }
0x13d: {  	v0 =	vld [tilespmem:s11+$0xFFFFFFE0]  }
0x13e: {  	v46 =	vld [tilespmem:s12+$0x50];
	_ =	sdelay $0x1  }
0x13f: {  	v47 =	vld [tilespmem:s23+$0x50];
	_ =	sdelay $0x1  }
0x140: {  	v48 =	vld [tilespmem:s26+$0x50]  }
0x141: {  	v0 =	vmul.f32 s28, v0;
	v1 =	vmul.f32 s13, v46  }
0x142: {  	v49 =	vld [tilespmem:s29+$0x50]  }
0x143: {  	v2 =	vmul.f32 s17, v47;
	v0 =	vadd.f32 v1, v0;
	_ =	sdelay $0x1  }
0x144: {  	v50 =	vmul.f32 s19, v48;
	v0 =	vadd.f32 v2, v0;
	_ =	sdelay $0x1  }
0x145: {  	v51 =	vmul.f32 s20, v49;
	v0 =	vadd.f32 v50, v0;
	_ =	sdelay $0x1  }
0x146: {  	v0 =	vadd.f32 v51, v0;
	_ =	sdelay $0x1  }
0x147: {  	[tilespmem:s10+$0x10] =	vst v0  }
0x148: {  	v0 =	vld [tilespmem:s11+$0xFFFFFFF0]  }
0x149: {  	v52 =	vld [tilespmem:s12+$0x60];
	_ =	sdelay $0x1  }
0x14a: {  	v53 =	vld [tilespmem:s23+$0x60];
	_ =	sdelay $0x1  }
0x14b: {  	v54 =	vld [tilespmem:s26+$0x60]  }
0x14c: {  	v0 =	vmul.f32 s28, v0;
	v1 =	vmul.f32 s13, v52  }
0x14d: {  	v55 =	vld [tilespmem:s29+$0x60]  }
0x14e: {  	v2 =	vmul.f32 s17, v53;
	v0 =	vadd.f32 v1, v0;
	_ =	sdelay $0x1  }
0x14f: {  	v56 =	vmul.f32 s19, v54;
	v0 =	vadd.f32 v2, v0;
	_ =	sdelay $0x1  }
0x150: {  	v57 =	vmul.f32 s20, v55;
	v0 =	vadd.f32 v56, v0;
	_ =	sdelay $0x1  }
0x151: {  	v0 =	vadd.f32 v57, v0;
	_ =	sdelay $0x1  }
0x152: {  	[tilespmem:s10+$0x20] =	vst v0  }
0x153: {  	v0 =	vld [tilespmem:s11+$0x0]  }
0x154: {  	v58 =	vld [tilespmem:s12+$0x70];
	_ =	sdelay $0x1  }
0x155: {  	v59 =	vld [tilespmem:s23+$0x70];
	_ =	sdelay $0x1  }
0x156: {  	v60 =	vld [tilespmem:s26+$0x70]  }
0x157: {  	v0 =	vmul.f32 s28, v0;
	v1 =	vmul.f32 s13, v58  }
0x158: {  	v61 =	vld [tilespmem:s29+$0x70]  }
0x159: {  	v2 =	vmul.f32 s17, v59;
	v0 =	vadd.f32 v1, v0;
	_ =	sdelay $0x1  }
0x15a: {  	v62 =	vmul.f32 s19, v60;
	v0 =	vadd.f32 v2, v0;
	_ =	sdelay $0x1  }
0x15b: {  	v63 =	vmul.f32 s20, v61;
	v0 =	vadd.f32 v62, v0;
	_ =	sdelay $0x1  }
0x15c: {  	s9 =	sadd.s32 $0x1, s9;
	v0 =	vadd.f32 v63, v0  }
0x15d: {  	p0 =	sne.s32 s9, s5  }
.Ltmp1:
0x15e: {  	s30 =	rddreg [dreg:$0x8];
	s31 =	simm.s32 $0xC000;
	[tilespmem:s10+$0x30] =	vst v0;
	(pc) =	sbr.rel @p0 .LBB2_1-.Ltmp1, $4  }
0x15f: {  	[hbm4b:s30+s2] =	stream.linear.scatter [tilespmem:s31], [sflag:$0x1], $0x8000, $0x38;
	[tilespmem:$0x14000] =	vst v63  }
0x160: {  	_ =	swait.ge [sflag:s7], $0x8000  }
0x161: {  	[sflag:s7] =	ssyncset.done $0x0  }
0x162: {  	[sflag:s7] =	ssyncadd.s32 $0xFFFF8000  }
0x163: {  	_ =	sfence.sel $0x180000  }
0x164: {  	[bflag:$0x0] =	sbarrier.arrive $0xFFFF  }
0x165: {  	_ =	strace $0x90000047  }
0x166: {  	s0 =	stileid.u32;
	[bflag:$0x2] =	sbarrier.arrive $0xFFFF  }
0x167: {  	p0 =	sne.s32 s0, $0x0;
	s0 =	rddreg [dreg:$0x1]  }
0x168: {  	s0 =	sadd.s32 @!p0 $0x100000, s0  }
0x169: {  	[sflag:s0] =	ssyncadd.tile.s32 @!p0 $0x1;
	_ =	shalt  }
.Lfunc_end2:
_tile_overlayer_lowered:
.L_overlay_start_2:
0x16a: {  	(tag) =	ssettag $0x2  }
0x16b: {  	s0 =	rddreg [dreg:$0x0];
	s2 =	stileid.u32  }
0x16c: {  	s1 =	rddreg [dreg:$0x1];
	p0 =	sne.s32 s2, $0x0  }
0x16d: {  	s3 =	rddreg [dreg:$0x2];
	[bflag:$0x3] =	sbarrier.arrive $0xFFFF;
	s2 =	simm.s32 @!p0 $0x1C01  }
0x16e: {  	[timem:s3], [sflag:s2] =	dma.local @!p0 [hbm:s0], s1  }
0x16f: {  	s0 =	simm.s32 @!p0 $0x1  }
0x170: {  	_ =	swait.ge @!p0 [sflag:s0], s1  }
0x171: {  	s1 =	ssub.s32 @!p0 $0x0, s1;
	[sflag:s0] =	ssyncset.done @!p0 $0x0  }
0x172: {  	[sflag:s0] =	ssyncadd.s32 @!p0 s1  }
0x173: {  	[bflag:$0x3] =	sbarrier.arrive $0xFFFF  }
0x174: {  	_ =	shalt  }

// kernel: _run.16.cloned.1.call-start
scs
__scs_entry_jumppad:
0x0: {  	(pc) =	sbr.rel $0x88, $3  }
0x1: {  	(tag) =	ssettag $0x0;
	lr =	simm.s32 $0x1  }
0x2: {  	[smem:$0x3F94] =	sst lr;
	_ =	strace $0xD0000000  }
0x3: {  	_ = 	snop  }
0x4: {  	_ = 	snop  }
0x5: {  	_ = 	snop  }
0x6: {  	_ = 	snop  }
0x7: {  	_ = 	snop  }
__scs_overlays_trampoline_lowered:
0x8: {  	[smem:$0x3FA3] =	sst s0  }
0x9: {  	[smem:$0x3FA4] =	sst s1  }
0xa: {  	[smem:$0x3FA5] =	sst s2  }
0xb: {  	[smem:$0x3FA6] =	sst s3  }
0xc: {  	[smem:$0x3FA7] =	sst s4  }
0xd: {  	[smem:$0x3FA8] =	sst s5  }
0xe: {  	[smem:$0x3FA9] =	sst s6  }
0xf: {  	[smem:$0x3FAA] =	sst s7  }
0x10: {  	[smem:$0x3FAB] =	sst s8  }
0x11: {  	[smem:$0x3FAC] =	sst s9;
	s0 =	simm.s32 @!p0 $0x0  }
0x12: {  	s1 =	sld [smem:$0x3F92];
	s0 =	simm.s32 @p0 $0x1  }
0x13: {  	[smem:$0x3FAD] =	sst s0;
	s0 =	simm.s32 @!p1 $0x0  }
0x14: {  	s2 =	sld [smem:$0x3F91];
	s0 =	simm.s32 @p1 $0x1  }
0x15: {  	[smem:$0x3FAE] =	sst s0;
	s0 =	simm.s32 @!p2 $0x0  }
0x16: {  	s3 =	sld [smem:$0x3FDB];
	s0 =	simm.s32 @p2 $0x1  }
0x17: {  	s4 =	simm.s32 $0x1BF5;
	[smem:$0x3FB0] =	sst s0  }
0x18: {  	s0 =	sld [smem:$0x3F93];
	_ =	swait.ge [sflag:s4], $0x0  }
0x19: {  	s7 =	sld [smem:$0x3F94]  }
0x1a: {  	s8 =	sadd.s32 $0xFFFFE003, lr  }
0x1b: {  	s9 =	sadd.s32 $0xFFFFFEF7, lr;
	s5 =	simm.s32 $0xFFFFFFFF;
	p2 =	slt.u32 s8, $0xFFFFF086  }
0x1c: {  	p1 =	slt.u32 s9, $0xF7A;
	s5 =	simm.s32 @!p2 $0x0  }
0x1d: {  	s5 =	simm.s32 @p1 $0x1;
	p0 =	seq.s32 s7, s2  }
0x1e: {  	s7 =	smul.u32 @!p0 $0xF7A, s2;
	p2 =	seq.s32 @!p0 s5, $0x0  }
0x1f: {  	s9 =	smul.u32 $0xF7A, s1;
	s8 =	simm.s32 @!p0 $0x1BF5;
	p2 =	por !p2, p0  }
0x20: {  	[sflag:s8] =	ssyncset.s32 @!p0 $0xFFFFF086;
	s6 =	sadd.s32 @!p0 s3, s7;
	s7 =	simm.s32 @!p0 $0x108  }
0x21: {  	s3 =	sadd.s32 s3, s9;
	s6 =	sadd.s32 @!p0 $0x88, s6;
	s7 =	simm.s32 @p2 $0x1082  }
0x22: {  	[simem:s7], [sflag:s8] =	dma.local @!p0 [hbm:s6], $0xF7A  }
0x23: {  	s9 =	sor.u32 $0xD0000000, s2;
	s6 =	simm.s32 $0x108;
	_ =	swait.ge @!p0 [sflag:s8], $0x0  }
0x24: {  	s3 =	sadd.s32 $0x88, s3;
	s6 =	simm.s32 @!p1 $0x1082;
	[sflag:s4] =	ssyncset.s32 $0xFFFFF086  }
0x25: {  	[simem:s6], [sflag:s4] =	dma.local [hbm:s3], $0xF7A  }
0x26: {  	[smem:$0x3F94] =	sst s1;
	(tag) =	ssettag s2;
	_ =	strace s9  }
0x27: {  	s1 =	sld [smem:$0x3FA4]  }
0x28: {  	s2 =	sld [smem:$0x3FA5]  }
0x29: {  	s4 =	sld [smem:$0x3FA7]  }
0x2a: {  	p0 =	seq.s32 s5, $0x0;
	s5 =	sld [smem:$0x3FA8]  }
0x2b: {  	s6 =	sld [smem:$0x3FA9]  }
0x2c: {  	s7 =	sld [smem:$0x3FAA]  }
0x2d: {  	s3 =	simm.s32 $0x108;
	s8 =	sld [smem:$0x3FAB]  }
0x2e: {  	s3 =	simm.s32 @!p0 $0x1082;
	s9 =	sld [smem:$0x3FAC]  }
0x2f: {  	lr =	sadd.s32 s0, s3;
	s0 =	sld [smem:$0x3FA3]  }
0x30: {  	s3 =	sld [smem:$0x3FA6]  }
0x31: {  	[smem:$0x3FAF] =	sst s10  }
0x32: {  	s10 =	sld [smem:$0x3FAD];
	_ =	sdelay $0x3  }
0x33: {  	p0 =	seq.s32 s10, $0x1;
	s10 =	sld [smem:$0x3FAF];
	_ =	sdelay $0x3  }
0x34: {  	[smem:$0x3FAF] =	sst s10  }
0x35: {  	s10 =	sld [smem:$0x3FAE];
	_ =	sdelay $0x3  }
0x36: {  	p1 =	seq.s32 s10, $0x1;
	s10 =	sld [smem:$0x3FAF];
	_ =	sdelay $0x3  }
0x37: {  	[smem:$0x3FAF] =	sst s10  }
0x38: {  	s10 =	sld [smem:$0x3FB0]  }
0x39: {  	_ = 	snop;
	(pc) =	sbr.ind lr, $3  }
0x3a: {  	_ = 	snop  }
0x3b: {  	_ = 	snop  }
0x3c: {  	p2 =	seq.s32 s10, $0x1;
	s10 =	sld [smem:$0x3FAF]  }
0x3d: {  	_ =	shalt  }
0x3e: {  	_ =	shalt  }
0x3f: {  	_ =	shalt  }
0x40: {  	_ =	shalt  }
0x41: {  	_ =	shalt  }
0x42: {  	_ =	shalt  }
0x43: {  	_ =	shalt  }
0x44: {  	_ =	shalt  }
0x45: {  	_ =	shalt  }
0x46: {  	_ =	shalt  }
0x47: {  	_ =	shalt  }
0x48: {  	_ =	shalt  }
0x49: {  	_ =	shalt  }
0x4a: {  	_ =	shalt  }
0x4b: {  	_ =	shalt  }
0x4c: {  	_ =	shalt  }
0x4d: {  	_ =	shalt  }
0x4e: {  	_ =	shalt  }
0x4f: {  	_ =	shalt  }
0x50: {  	_ =	shalt  }
0x51: {  	_ =	shalt  }
0x52: {  	_ =	shalt  }
0x53: {  	_ =	shalt  }
0x54: {  	_ =	shalt  }
0x55: {  	_ =	shalt  }
0x56: {  	_ =	shalt  }
0x57: {  	_ =	shalt  }
0x58: {  	_ =	shalt  }
0x59: {  	_ =	shalt  }
0x5a: {  	_ =	shalt  }
0x5b: {  	_ =	shalt  }
0x5c: {  	_ =	shalt  }
0x5d: {  	_ =	shalt  }
0x5e: {  	_ =	shalt  }
0x5f: {  	_ =	shalt  }
0x60: {  	_ =	shalt  }
0x61: {  	_ =	shalt  }
0x62: {  	_ =	shalt  }
0x63: {  	_ =	shalt  }
0x64: {  	_ =	shalt  }
0x65: {  	_ =	shalt  }
0x66: {  	_ =	shalt  }
0x67: {  	_ =	shalt  }
0x68: {  	_ =	shalt  }
0x69: {  	_ =	shalt  }
0x6a: {  	_ =	shalt  }
0x6b: {  	_ =	shalt  }
0x6c: {  	_ =	shalt  }
0x6d: {  	_ =	shalt  }
0x6e: {  	_ =	shalt  }
0x6f: {  	_ =	shalt  }
0x70: {  	_ =	shalt  }
0x71: {  	_ =	shalt  }
0x72: {  	_ =	shalt  }
0x73: {  	_ =	shalt  }
0x74: {  	_ =	shalt  }
0x75: {  	_ =	shalt  }
0x76: {  	_ =	shalt  }
0x77: {  	_ =	shalt  }
0x78: {  	_ =	shalt  }
0x79: {  	_ =	shalt  }
0x7a: {  	_ =	shalt  }
0x7b: {  	_ =	shalt  }
0x7c: {  	_ =	shalt  }
0x7d: {  	_ =	shalt  }
0x7e: {  	_ =	shalt  }
0x7f: {  	_ =	shalt  }
0x80: {  	_ =	shalt  }
0x81: {  	_ =	shalt  }
0x82: {  	_ =	shalt  }
0x83: {  	_ =	shalt  }
0x84: {  	_ =	shalt  }
0x85: {  	_ =	shalt  }
0x86: {  	_ =	shalt  }
0x87: {  	_ =	shalt  }
.Lfunc_end0:
.L_simem_size_0:
called_computation.1_lowered:
.L_overlay_start_0:
0x88: {  	s2 =	sld [smem:$0x3FD9]  }
0x89: {  	s3 =	sld [smem:$0x3FFE];
	_ =	sdelay $0x1  }
0x8a: {  	s1 =	srdreg.scid  }
0x8b: {  	s0 =	sand.u32 $0x1, s1  }
0x8c: {  	s16 =	sshll.u32 s0, $0xA;
	s2 =	sadd.s32 s3, s2  }
0x8d: {  	s2 =	sadd.s32 s2, s16  }
0x8e: {  	[smem:$0x3FBB] =	sst s2  }
0x8f: {  	_ = 	snop  }
0x90: {  	(tm) =	ssettm $0x1  }
0x91: {  	s17 =	sld [smem:$0x3FFB];
	_ =	sdelay $0x3  }
0x92: {  	_ =	strace s17  }
0x93: {  	s2 =	sld [smem:$0x3FFC];
	_ =	sdelay $0x3  }
0x94: {  	_ =	strace s2  }
0x95: {  	s2 =	sld [smem:$0x3FFD];
	_ =	sdelay $0x3  }
0x96: {  	_ =	strace s2  }
0x97: {  	_ =	strace $0x8FFFFFFF  }
0x98: {  	s18 =	sld [smem:$0x3FDB];
	_ =	sdelay $0x1  }
0x99: {  	s19 =	simm.s32 $_scs_section_size  }
0x9a: {  	s4 =	simm.s32 $_size__tile_overlayer_lowered;
	s5 =	simm.s32 $_tile_overlayer_lowered  }
0x9b: {  	s22 =	simm.s32 $0x1BFF;
	s21 =	sshll.u32 s5, $0x1;
	s2 =	sadd.s32 s19, s18  }
0x9c: {  	s6 =	simm.s32 $0x0;
	s20 =	sshll.u32 s4, $0x1;
	s4 =	sadd.s32 s21, s2  }
0x9d: {  	[timem:s6], [sflag:s22] =	dma.local [hbm:s4], s20  }
0x9e: {  	_ =	swait.ge [sflag:s22], s20  }
0x9f: {  	s3 =	ssub.s32 $0x0, s20;
	[sflag:s22] =	ssyncset.done $0x0  }
0xa0: {  	[sflag:s22] =	ssyncadd.s32 s3;
	_ =	sdelay $0x1  }
0xa1: {  	s23 =	simm.s32 $0x1B8B  }
0xa2: {  	_ =	swait.ge [sflag:s23], $0x1  }
0xa3: {  	[sflag:s23] =	ssyncset.done $0x0  }
0xa4: {  	s25 =	simm.s32 $0x1B8E;
	s24 =	sld [smem:$0x3FFE];
	[sflag:s23] =	ssyncadd.s32 $0xFFFFFFFF  }
0xa5: {  	s26 =	simm.s32 $execute0_lowered;
	[smem:$0x3FD2] =	sst s25  }
0xa6: {  	s4 =	sshll.u32 s26, $0x1;
	_ =	strace $0x80000049;
	[dreg:$0x1] =	wrdreg $0xFFFFFFFF  }
0xa7: {  	s28 =	simm.s32 $_size_execute0_lowered;
	s2 =	sadd.s32 s2, s4;
	[dreg:$0x0] =	wrdreg $0x0  }
0xa8: {  	s4 =	sshll.u32 s28, $0x1;
	[dreg:$0x2] =	wrdreg s2  }
0xa9: {  	[dreg:$0x3] =	wrdreg s4  }
0xaa: {  	[dreg:$0x4] =	wrdreg $0xC0  }
0xab: {  	_ =	task [dreg:s6], $0x5FFFF  }
0xac: {  	[dreg:$0x1] =	wrdreg $0xFFFFFFFF  }
0xad: {  	[dreg:$0x0] =	wrdreg $0x60  }
0xae: {  	[dreg:$0x2] =	wrdreg s24  }
0xaf: {  	[dreg:$0x3] =	wrdreg $0x9  }
0xb0: {  	_ =	task.clear_ibuf [dreg:s6], $0x4FFFF;
	_ =	strace $0x90000049  }
0xb1: {  	s29 =	simm.s32 $0x9;
	_ =	strace $0x8000004B  }
0xb2: {  	_ =	swait.ge [sflag:s29], $0x1  }
0xb3: {  	[sflag:s29] =	ssyncadd.s32 $0xFFFFFFFF  }
0xb4: {  	_ =	strace $0x9000004B  }
0xb5: {  	_ =	sfence  }
0xb6: {  	s30 =	sld [smem:$0x0];
	_ =	sdelay $0x2  }
0xb7: {  	s31 =	sshll.u32 s1, $0xD;
	s1 =	sshrl.u32 s1, $0x2  }
0xb8: {  	s3 =	sand.u32 $0x4000, s31;
	s1 =	sadd.s32 s1, s30  }
0xb9: {  	s0 =	sor.u32 s3, s0;
	s1 =	sshll.u32 s1, $0x11  }
0xba: {  	s0 =	sor.u32 s1, s0  }
0xbb: {  	s0 =	sadd.s32 $0x8F2B, s0  }
0xbc: {  	[sflag:s0] =	ssyncadd.remote.s32 $0x1  }
0xbd: {  	_ =	sfence.sel $0xFFFF  }
0xbe: {  	[dreg:$0x0] =	wrdreg $0xFFFFFFFF;
	(pc) =	sbr.abs _section_cstart, $3  }
0xbf: {  	[dreg:$0x1] =	wrdreg $0xFFFFFFFF  }
0xc0: {  	_ =	task.clear_ibuf [dreg:s6], $0x2FFFF;
	_ =	strace $0x9FFFFFFF  }
0xc1: {  	(tm) =	ssettm $0x7FFFFFFF  }
tec
execute0_lowered:
.L_overlay_start_1:
0x0: {  	(tag) =	ssettag $0x1  }
0x1: {  	s1 =	srdreg.scid  }
0x2: {  	s0 =	stileid.u32;
	s3 =	rddreg [dreg:$0x0];
	s2 =	simm.s32 $0x0  }
0x3: {  	s29 =	simm.s32 $0x3;
	s30 =	simm.s32 $0x7FFFC0;
	s31 =	simm.s32 $0x40  }
0x4: {  	s5 =	sand.u32 $0x1, s1;
	s4 =	sshll.u32 s0, $0x1;
	[smem:$0x7FF] =	sst s2  }
0x5: {  	s20 =	sshll.u32 s0, $0x9;
	s9 =	sshll.u32 s0, $0x12;
	s4 =	sor.u32 s5, s4  }
0x6: {  	_ =	strace $0x8000004A;
	s7 =	ssub.s32 $0x2, s5;
	[dreg:$0x3] =	wrdreg s29  }
0x7: {  	s21 =	sshll.u32 s5, $0x8;
	[dreg:$0x4] =	wrdreg s30;
	s6 =	sshll.u32 s4, $0x8  }
0x8: {  	s10 =	sshll.u32 s5, $0x11;
	[dreg:$0x5] =	wrdreg s31;
	s6 =	smax.u32 s6, $0x40  }
0x9: {  	s4 =	sshll.u32 s4, $0xC;
	s8 =	sshrl.u32 s7, $0x1;
	s6 =	smin.u32 s6, $0x1EC0  }
0xa: {  	s25 =	sor.u32 s10, s9;
	s9 =	simm.s32 $0x0;
	s6 =	sshll.u32 s6, $0x4  }
0xb: {  	s4 =	sadd.s32 s4, s3;
	s3 =	sadd.s32 s3, s6;
	s6 =	sor.u32 s21, s20  }
0xc: {  	s7 =	ssub.s32 s7, s8;
	s23 =	sadd.s32 $0x25800, s4;
	s8 =	smax.u32 s6, $0x40  }
0xd: {  	s5 =	smax.u32 s7, $0x1;
	[dreg:$0x8] =	wrdreg s23;
	s24 =	smin.u32 s8, $0x1EC0  }
0xe: {  	s22 =	sadd.s32 $0x5400, s3;
	s26 =	sand.u32 $0xF00, s6;
	s7 =	sshll.u32 s24, $0x9  }
0xf: {  	[dreg:$0x7] =	wrdreg s22;
	s6 =	ssub.s32 s6, s24;
	s7 =	ssub.s32 s25, s7  }
0x10: {  	[dreg:$0x2] =	wrdreg s26;
	s6 =	sadd.s32 $0x40, s6;
	s28 =	sadd.s32 $0x81C0, s7  }
0x11: {  	[dreg:$0x6] =	wrdreg s6;
	s7 =	simm.s32 $0x1;
	s6 =	sshra.s32 s28, $0x2  }
.LBB2_1:
0x12: {  	s0 =	rddreg [dreg:$0x7];
	s15 =	sand.u32 $0x3F, s2;
	s16 =	simm.s32 $0x1  }
0x13: {  	s17 =	simm.s32 $0x1;
	s18 =	simm.s32 $0x2;
	s19 =	simm.s32 $0x1  }
0x14: {  	s21 =	simm.s32 $0x1;
	s23 =	simm.f32 $5.000000000e-01;
	s24 =	simm.f32 $5.000000000e-01  }
0x15: {  	[tilespmem:s2], [sflag:$0x1] =	stream.linear.gather [hbm4b:s0+s2], $0xC000, $0x38;
	[tilespmem:$0x14000] =	vst v63  }
0x16: {  	s25 =	simm.f32 $5.000000000e-01;
	p1 =	sne.s32 s15, $0x0;
	_ =	swait.ge [sflag:s7], $0xC000  }
0x17: {  	p0 =	sne.s32 s15, $0x3F;
	p3 =	slt.u32 s15, $0x3E;
	s10 =	rddreg [dreg:$0x2]  }
0x18: {  	s16 =	simm.s32 @!p0 $0x0;
	s17 =	simm.s32 @!p1 $0x0;
	s13 =	rddreg [dreg:$0x5]  }
0x19: {  	s18 =	simm.s32 @!p1 $0x1;
	[sflag:s7] =	ssyncset.done $0x0;
	s12 =	rddreg [dreg:$0x4]  }
0x1a: {  	s11 =	rddreg [dreg:$0x6];
	[sflag:s7] =	ssyncadd.s32 $0xFFFF4000;
	s14 =	sadd.s32 $0x0, s10  }
0x1b: {  	s10 =	rddreg [dreg:$0x3];
	s20 =	sadd.s32 $0x0, s11;
	p2 =	seq.s32 s14, $0x0  }
0x1c: {  	s14 =	sshrl.u32 s14, $0x6;
	s10 =	simm.s32 @!p3 $0x2;
	p2 =	por !p2, !p1  }
0x1d: {  	s11 =	sadd.s32 s16, s20;
	s16 =	sadd.s32 s16, s18;
	p2 =	por !p2, !p2  }
0x1e: {  	s18 =	simm.s32 $0x1;
	s17 =	ssub.s32 s20, s17;
	s19 =	simm.s32 @!p2 $0x0  }
0x1f: {  	s11 =	sshll.u32 s11, $0x9;
	s17 =	sshll.u32 s17, $0x9;
	s14 =	ssub.s32 s14, s19  }
0x20: {  	s19 =	simm.s32 $0x1;
	p3 =	sgt.s32 s14, $0x0;
	p2 =	slt.s32 s14, $0x3F  }
0x21: {  	p4 =	sgt.s32 s14, $0x1;
	s18 =	simm.s32 @!p3 $0x0;
	s19 =	simm.s32 @!p2 $0x0  }
0x22: {  	s21 =	simm.s32 @!p4 $0x0;
	p4 =	slt.u32 s15, $0x2;
	s15 =	simm.s32 $0x2  }
0x23: {  	s12 =	simm.s32 @!p3 $0x0;
	s13 =	simm.s32 @!p2 $0x0;
	s15 =	simm.s32 @!p4 $0x3  }
0x24: {  	p4 =	slt.s32 s14, $0x3E;
	s18 =	sadd.s32 s18, s19;
	s12 =	sadd.s32 s12, s20  }
0x25: {  	s30 =	sadd.s32 s21, s16;
	s14 =	sxor.u32 $0xFFFFFFFF, s14;
	s21 =	simm.s32 $0x1  }
0x26: {  	s13 =	sadd.s32 s13, s20;
	s12 =	sshll.u32 s12, $0x9;
	s14 =	sshrl.u32 s14, $0x1F  }
0x27: {  	s21 =	simm.s32 @!p4 $0x0;
	s22 =	sadd.s32 s16, s18;
	s15 =	sadd.s32 s15, s18  }
0x28: {  	s19 =	sadd.s32 $0x1, s30;
	s13 =	sshll.u32 s13, $0x9;
	s10 =	sadd.s32 s10, s18  }
0x29: {  	s18 =	sshra.s32 s17, $0x2;
	s12 =	sshra.s32 s12, $0x2;
	p4 =	seq.s32 s15, $0x4  }
0x2a: {  	s14 =	sadd.s32 s14, s16;
	s23 =	simm.s32 @!p4 $0x3F13CD3A;
	p4 =	seq.s32 s22, $0x4  }
0x2b: {  	s16 =	sshra.s32 s13, $0x2;
	s24 =	simm.s32 @!p4 $0x3F13CD3A;
	p4 =	seq.s32 s19, $0x4  }
0x2c: {  	v1 =	vld [tilespmem:s6+$0xFFFFFF90];
	s13 =	simm.f32 $5.000000000e-01;
	s25 =	simm.s32 @!p4 $0x3F13CD3A;
	p4 =	seq.s32 s22, $0x5  }
0x2d: {  	s14 =	sadd.s32 s21, s14;
	v0 =	vld [tilespmem:s12+$0x0];
	s24 =	simm.s32 @p4 $0x3EE4F92E;
	p4 =	seq.s32 s19, $0x5  }
0x2e: {  	s25 =	simm.s32 @p4 $0x3EE4F92E;
	p4 =	seq.s32 s14, $0x4;
	s19 =	smul.f32 s24, s24  }
0x2f: {  	v2 =	vld [tilespmem:s16+$0x0];
	s13 =	simm.s32 @!p4 $0x3F13CD3A;
	p4 =	seq.s32 s14, $0x5;
	s20 =	smul.f32 s24, s25  }
0x30: {  	s13 =	simm.s32 @p4 $0x3EE4F92E;
	p4 =	seq.s32 s15, $0x5;
	s15 =	simm.f32 $5.000000000e-01  }
0x31: {  	v3 =	vld [tilespmem:s18+$0x0];
	s20 =	simm.s32 @!p3 $0x0;
	p3 =	seq.s32 s10, $0x4;
	s17 =	smul.f32 s13, s24  }
0x32: {  	s21 =	sshra.s32 s11, $0x2;
	v1 =	vmul.f32 s19, v1;
	s23 =	simm.s32 @p4 $0x3EE4F92E;
	s15 =	simm.s32 @!p3 $0x3F13CD3A;
	v0 =	vmul.f32 s20, v0  }
0x33: {  	v4 =	vld [tilespmem:s21+$0x0];
	s14 =	smul.f32 s23, s24;
	s17 =	simm.s32 @!p2 $0x0;
	p2 =	seq.s32 s10, $0x5  }
0x34: {  	s15 =	simm.s32 @p2 $0x3EE4F92E;
	v0 =	vadd.f32 v0, v1;
	v1 =	vmul.f32 s17, v2  }
0x35: {  	s14 =	simm.s32 @!p1 $0x0;
	s15 =	smul.f32 s15, s24  }
0x36: {  	v2 =	vmul.f32 s14, v3;
	v0 =	vadd.f32 v1, v0  }
0x37: {  	s15 =	simm.s32 @!p0 $0x0  }
0x38: {  	v1 =	vmul.f32 s15, v4;
	v0 =	vadd.f32 v2, v0;
	_ =	sdelay $0x1  }
0x39: {  	v0 =	vadd.f32 v1, v0  }
0x3a: {  	s13 =	simm.s32 $0xC040  }
0x3b: {  	[tilespmem:s13+$0xFFFFFFC0] =	vst v0  }
0x3c: {  	v0 =	vld [tilespmem:s6+$0xFFFFFFA0]  }
0x3d: {  	v1 =	vld [tilespmem:s12+$0x10];
	_ =	sdelay $0x1  }
0x3e: {  	v2 =	vld [tilespmem:s16+$0x10];
	_ =	sdelay $0x1  }
0x3f: {  	v3 =	vld [tilespmem:s18+$0x10]  }
0x40: {  	v0 =	vmul.f32 s19, v0;
	v1 =	vmul.f32 s20, v1  }
0x41: {  	v58 =	vld [tilespmem:s21+$0x10]  }
0x42: {  	v2 =	vmul.f32 s17, v2;
	v0 =	vadd.f32 v1, v0;
	_ =	sdelay $0x1  }
0x43: {  	v1 =	vmul.f32 s14, v3;
	v0 =	vadd.f32 v2, v0;
	_ =	sdelay $0x1  }
0x44: {  	v0 =	vadd.f32 v1, v0;
	v1 =	vmul.f32 s15, v58;
	_ =	sdelay $0x1  }
0x45: {  	v0 =	vadd.f32 v1, v0;
	_ =	sdelay $0x1  }
0x46: {  	[tilespmem:s13+$0xFFFFFFD0] =	vst v0  }
0x47: {  	v0 =	vld [tilespmem:s6+$0xFFFFFFB0]  }
0x48: {  	v1 =	vld [tilespmem:s12+$0x20];
	_ =	sdelay $0x1  }
0x49: {  	v2 =	vld [tilespmem:s16+$0x20];
	_ =	sdelay $0x1  }
0x4a: {  	v3 =	vld [tilespmem:s18+$0x20]  }
0x4b: {  	v0 =	vmul.f32 s19, v0;
	v1 =	vmul.f32 s20, v1  }
0x4c: {  	v59 =	vld [tilespmem:s21+$0x20]  }
0x4d: {  	v2 =	vmul.f32 s17, v2;
	v0 =	vadd.f32 v1, v0;
	_ =	sdelay $0x1  }
0x4e: {  	v1 =	vmul.f32 s14, v3;
	v0 =	vadd.f32 v2, v0;
	_ =	sdelay $0x1  }
0x4f: {  	v0 =	vadd.f32 v1, v0;
	v1 =	vmul.f32 s15, v59;
	_ =	sdelay $0x1  }
0x50: {  	v0 =	vadd.f32 v1, v0;
	_ =	sdelay $0x1  }
0x51: {  	[tilespmem:s13+$0xFFFFFFE0] =	vst v0  }
0x52: {  	v0 =	vld [tilespmem:s6+$0xFFFFFFC0]  }
0x53: {  	v1 =	vld [tilespmem:s12+$0x30];
	_ =	sdelay $0x1  }
0x54: {  	v2 =	vld [tilespmem:s16+$0x30];
	_ =	sdelay $0x1  }
0x55: {  	v3 =	vld [tilespmem:s18+$0x30]  }
0x56: {  	v0 =	vmul.f32 s19, v0;
	v1 =	vmul.f32 s20, v1  }
0x57: {  	v60 =	vld [tilespmem:s21+$0x30]  }
0x58: {  	v0 =	vadd.f32 v1, v0;
	v1 =	vmul.f32 s17, v2;
	_ =	sdelay $0x1  }
0x59: {  	v0 =	vadd.f32 v1, v0;
	v1 =	vmul.f32 s14, v3;
	_ =	sdelay $0x1  }
0x5a: {  	v0 =	vadd.f32 v1, v0;
	v1 =	vmul.f32 s15, v60;
	_ =	sdelay $0x1  }
0x5b: {  	v0 =	vadd.f32 v1, v0;
	_ =	sdelay $0x1  }
0x5c: {  	[tilespmem:s13+$0xFFFFFFF0] =	vst v0  }
0x5d: {  	v0 =	vld [tilespmem:s6+$0xFFFFFFD0]  }
0x5e: {  	v1 =	vld [tilespmem:s12+$0x40];
	_ =	sdelay $0x1  }
0x5f: {  	v2 =	vld [tilespmem:s16+$0x40];
	_ =	sdelay $0x1  }
0x60: {  	v3 =	vld [tilespmem:s18+$0x40]  }
0x61: {  	v0 =	vmul.f32 s19, v0;
	v1 =	vmul.f32 s20, v1  }
0x62: {  	v61 =	vld [tilespmem:s21+$0x40]  }
0x63: {  	v2 =	vmul.f32 s17, v2;
	v0 =	vadd.f32 v1, v0;
	_ =	sdelay $0x1  }
0x64: {  	v1 =	vmul.f32 s14, v3;
	v0 =	vadd.f32 v2, v0;
	_ =	sdelay $0x1  }
0x65: {  	v0 =	vadd.f32 v1, v0;
	v1 =	vmul.f32 s15, v61;
	_ =	sdelay $0x1  }
0x66: {  	v0 =	vadd.f32 v1, v0;
	_ =	sdelay $0x1  }
0x67: {  	[tilespmem:s13+$0x0] =	vst v0  }
0x68: {  	v0 =	vld [tilespmem:s6+$0xFFFFFFE0]  }
0x69: {  	v1 =	vld [tilespmem:s12+$0x50];
	_ =	sdelay $0x1  }
0x6a: {  	v2 =	vld [tilespmem:s16+$0x50];
	_ =	sdelay $0x1  }
0x6b: {  	v3 =	vld [tilespmem:s18+$0x50]  }
0x6c: {  	v0 =	vmul.f32 s19, v0;
	v1 =	vmul.f32 s20, v1  }
0x6d: {  	v62 =	vld [tilespmem:s21+$0x50]  }
0x6e: {  	v2 =	vmul.f32 s17, v2;
	v0 =	vadd.f32 v1, v0;
	_ =	sdelay $0x1  }
0x6f: {  	v1 =	vmul.f32 s14, v3;
	v0 =	vadd.f32 v2, v0;
	_ =	sdelay $0x1  }
0x70: {  	v2 =	vmul.f32 s15, v62;
	v0 =	vadd.f32 v1, v0;
	_ =	sdelay $0x1  }
0x71: {  	v0 =	vadd.f32 v2, v0;
	_ =	sdelay $0x1  }
0x72: {  	[tilespmem:s13+$0x10] =	vst v0  }
0x73: {  	v0 =	vld [tilespmem:s6+$0xFFFFFFF0]  }
0x74: {  	v1 =	vld [tilespmem:s12+$0x60];
	_ =	sdelay $0x1  }
0x75: {  	v2 =	vld [tilespmem:s16+$0x60]  }
0x76: {  	v3 =	vld [tilespmem:s18+$0x60]  }
0x77: {  	v63 =	vld [tilespmem:s21+$0x60]  }
0x78: {  	v0 =	vmul.f32 s19, v0;
	v1 =	vmul.f32 s20, v1  }
0x79: {  	s28 =	rddreg [dreg:$0x2]  }
0x7a: {  	s26 =	simm.s32 $0x2;
	s29 =	rddreg [dreg:$0x4];
	v2 =	vmul.f32 s17, v2;
	v5 =	vadd.f32 v1, v0  }
0x7b: {  	s31 =	rddreg [dreg:$0x6];
	s11 =	sadd.s32 $0x80, s6;
	s22 =	smov.u32 s6  }
0x7c: {  	s25 =	rddreg [dreg:$0x5];
	s23 =	simm.s32 $0x1;
	s10 =	simm.s32 $0xC0C0;
	v1 =	vmul.f32 s14, v3;
	v0 =	vmul.f32 s15, v63;
	v2 =	vadd.f32 v2, v5  }
.LBB2_2:
0x7d: {  	s24 =	sadd.s32 s23, s28  }
0x7e: {  	s1 =	sand.u32 $0x3F, s23;
	s30 =	rddreg [dreg:$0x3];
	s28 =	smov.u32 s26  }
0x7f: {  	s8 =	simm.s32 $0x1;
	s3 =	simm.s32 $0x2;
	s4 =	simm.s32 $0x1  }
0x80: {  	s31 =	sadd.s32 s23, s31;
	p0 =	seq.s32 s24, $0x0;
	p1 =	sne.s32 s1, $0x0  }
0x81: {  	p2 =	sne.s32 s1, $0x3F;
	s24 =	sshrl.u32 s24, $0x6;
	p5 =	slt.u32 s1, $0x2  }
0x82: {  	v1 =	vadd.f32 v1, v2;
	s0 =	simm.s32 @!p1 $0x0;
	p0 =	por !p0, !p1;
	s8 =	simm.s32 @!p1 $0x0  }
0x83: {  	s3 =	simm.s32 @!p1 $0x1;
	s0 =	simm.s32 @p1 $0x1;
	p0 =	por !p0, !p0  }
0x84: {  	p1 =	slt.u32 s1, $0x3E;
	v0 =	vadd.f32 v0, v1;
	[smem:$0x7FD] =	sst s0;
	s0 =	simm.s32 @!p2 $0x0  }
0x85: {  	s8 =	ssub.s32 s31, s8;
	s4 =	simm.s32 @!p0 $0x0;
	s0 =	simm.s32 @p2 $0x1  }
0x86: {  	s30 =	simm.s32 @!p1 $0x2;
	s4 =	ssub.s32 s24, s4;
	[tilespmem:s13+$0x20] =	vst v0;
	[smem:$0x7FB] =	sst s0  }
0x87: {  	s0 =	simm.s32 $0x1;
	p4 =	slt.s32 s4, $0x3F;
	v1 =	vld [tilespmem:s12+$0x70];
	s12 =	simm.s32 $0x1  }
0x88: {  	p1 =	sgt.s32 s4, $0x1;
	v2 =	vld [tilespmem:s16+$0x70];
	p0 =	slt.s32 s4, $0x3E;
	s16 =	simm.s32 $0x2  }
0x89: {  	s0 =	simm.s32 @!p2 $0x0;
	p2 =	sgt.s32 s4, $0x0;
	s12 =	simm.s32 @!p4 $0x0  }
0x8a: {  	s16 =	simm.s32 @!p5 $0x3;
	s4 =	sxor.u32 $0xFFFFFFFF, s4;
	s25 =	simm.s32 @!p4 $0x0  }
0x8b: {  	v0 =	vld [tilespmem:s22+$0x0];
	s23 =	sadd.s32 s0, s31;
	s0 =	sadd.s32 s0, s3;
	s3 =	simm.s32 $0x1  }
0x8c: {  	s22 =	simm.s32 @!p2 $0x0;
	s29 =	simm.s32 @!p2 $0x0;
	s4 =	sshrl.u32 s4, $0x1F  }
0x8d: {  	s23 =	sshll.u32 s23, $0x9;
	s3 =	simm.s32 @!p2 $0x0;
	s22 =	simm.s32 @p2 $0x1  }
0x8e: {  	[smem:$0x7FC] =	sst s22;
	s1 =	sadd.s32 s3, s12;
	s3 =	simm.s32 $0x1  }
0x8f: {  	s22 =	sshll.u32 s8, $0x9;
	s12 =	sadd.s32 s29, s31;
	s3 =	simm.s32 @!p1 $0x0  }
0x90: {  	v4 =	vld [tilespmem:s18+$0x70];
	s8 =	sshll.u32 s12, $0x9;
	v0 =	vmul.f32 s19, v0;
	v1 =	vmul.f32 s20, v1;
	s19 =	sadd.s32 s25, s31;
	s20 =	sadd.s32 s0, s1  }
0x91: {  	v3 =	vld [tilespmem:s21+$0x70];
	s21 =	sadd.s32 s16, s1;
	s1 =	sadd.s32 s30, s1;
	s18 =	sshra.s32 s22, $0x2  }
0x92: {  	v2 =	vmul.f32 s17, v2;
	s17 =	simm.f32 $5.000000000e-01;
	s25 =	sld [smem:$0x7FB];
	s3 =	sadd.s32 s3, s0  }
0x93: {  	s12 =	sshra.s32 s8, $0x2;
	s8 =	simm.s32 $0x1;
	s0 =	sadd.s32 s4, s0;
	v0 =	vadd.f32 v1, v0  }
0x94: {  	p5 =	seq.s32 s20, $0x5;
	p2 =	seq.s32 s20, $0x4;
	p6 =	seq.s32 s21, $0x5  }
0x95: {  	s24 =	sshll.u32 s19, $0x9;
	s4 =	simm.f32 $5.000000000e-01;
	s20 =	simm.f32 $5.000000000e-01;
	v0 =	vadd.f32 v2, v0;
	v2 =	vmul.f32 s14, v4  }
0x96: {  	s8 =	simm.s32 @!p0 $0x0;
	s3 =	sadd.s32 $0x1, s3;
	p0 =	seq.s32 s21, $0x4  }
0x97: {  	v1 =	vmul.f32 s15, v3;
	s16 =	sshra.s32 s24, $0x2;
	s24 =	sadd.s32 $0x1, s26;
	s0 =	sadd.s32 s8, s0;
	v0 =	vadd.f32 v2, v0  }
0x98: {  	p1 =	seq.s32 s3, $0x4;
	s4 =	simm.s32 @!p0 $0x3F13CD3A;
	s8 =	simm.f32 $5.000000000e-01  }
0x99: {  	p0 =	seq.s32 s1, $0x4;
	p3 =	seq.s32 s0, $0x4;
	s8 =	simm.s32 @!p2 $0x3F13CD3A;
	v0 =	vadd.f32 v1, v0  }
0x9a: {  	s20 =	simm.s32 @!p1 $0x3F13CD3A;
	s4 =	simm.s32 @p6 $0x3EE4F92E;
	s8 =	simm.s32 @p5 $0x3EE4F92E  }
0x9b: {  	p1 =	seq.s32 s0, $0x5;
	s14 =	smul.f32 s4, s8;
	s4 =	simm.f32 $5.000000000e-01;
	[tilespmem:s13+$0x30] =	vst v0  }
0x9c: {  	p2 =	seq.s32 s3, $0x5;
	s4 =	simm.s32 @!p0 $0x3F13CD3A;
	p0 =	seq.s32 s1, $0x5;
	v0 =	vld [tilespmem:s12+$0x0]  }
0x9d: {  	s4 =	simm.s32 @p0 $0x3EE4F92E;
	p0 =	sne.s32 s26, $0xFF;
	s26 =	sld [smem:$0x7FC];
	v2 =	vld [tilespmem:s11+$0xFFFFFF90]  }
0x9e: {  	s17 =	simm.s32 @!p3 $0x3F13CD3A;
	s20 =	simm.s32 @p2 $0x3EE4F92E;
	s15 =	smul.f32 s4, s8  }
0x9f: {  	s17 =	simm.s32 @p1 $0x3EE4F92E;
	s20 =	smul.f32 s8, s20;
	p1 =	seq.s32 s25, $0x1;
	v3 =	vld [tilespmem:s16+$0x0]  }
0xa0: {  	s19 =	smul.f32 s8, s8;
	s15 =	simm.s32 @!p1 $0x0;
	p1 =	seq.s32 s26, $0x1  }
0xa1: {  	s30 =	sld [smem:$0x7FD];
	s17 =	smul.f32 s17, s8;
	v57 =	vld [tilespmem:s18+$0x0];
	s20 =	simm.s32 @!p1 $0x0  }
0xa2: {  	s21 =	sshra.s32 s23, $0x2;
	v0 =	vmul.f32 s20, v0;
	v2 =	vmul.f32 s19, v2  }
0xa3: {  	s17 =	simm.s32 @!p4 $0x0;
	v1 =	vld [tilespmem:s21+$0x0]  }
0xa4: {  	p1 =	seq.s32 s30, $0x1;
	v0 =	vadd.f32 v0, v2;
	v2 =	vmul.f32 s17, v3  }
0xa5: {  	s14 =	simm.s32 @!p1 $0x0  }
0xa6: {  	v3 =	vmul.f32 s14, v57;
	v0 =	vadd.f32 v2, v0;
	_ =	sdelay $0x1  }
0xa7: {  	v1 =	vmul.f32 s15, v1;
	v0 =	vadd.f32 v3, v0;
	_ =	sdelay $0x1  }
0xa8: {  	v0 =	vadd.f32 v1, v0;
	_ =	sdelay $0x1  }
0xa9: {  	[tilespmem:s10+$0xFFFFFFC0] =	vst v0  }
0xaa: {  	v0 =	vld [tilespmem:s11+$0xFFFFFFA0]  }
0xab: {  	v1 =	vld [tilespmem:s12+$0x10];
	_ =	sdelay $0x1  }
0xac: {  	v2 =	vld [tilespmem:s16+$0x10];
	_ =	sdelay $0x1  }
0xad: {  	v3 =	vld [tilespmem:s18+$0x10]  }
0xae: {  	v0 =	vmul.f32 s19, v0;
	v1 =	vmul.f32 s20, v1  }
0xaf: {  	v58 =	vld [tilespmem:s21+$0x10]  }
0xb0: {  	v2 =	vmul.f32 s17, v2;
	v0 =	vadd.f32 v1, v0;
	_ =	sdelay $0x1  }
0xb1: {  	v1 =	vmul.f32 s14, v3;
	v0 =	vadd.f32 v2, v0;
	_ =	sdelay $0x1  }
0xb2: {  	v0 =	vadd.f32 v1, v0;
	v1 =	vmul.f32 s15, v58;
	_ =	sdelay $0x1  }
0xb3: {  	v0 =	vadd.f32 v1, v0;
	_ =	sdelay $0x1  }
0xb4: {  	[tilespmem:s10+$0xFFFFFFD0] =	vst v0  }
0xb5: {  	v1 =	vld [tilespmem:s11+$0xFFFFFFB0]  }
0xb6: {  	v2 =	vld [tilespmem:s12+$0x20];
	_ =	sdelay $0x1  }
0xb7: {  	v0 =	vld [tilespmem:s16+$0x20];
	_ =	sdelay $0x1  }
0xb8: {  	v3 =	vld [tilespmem:s18+$0x20]  }
0xb9: {  	v1 =	vmul.f32 s19, v1;
	v2 =	vmul.f32 s20, v2  }
0xba: {  	v59 =	vld [tilespmem:s21+$0x20]  }
0xbb: {  	v0 =	vmul.f32 s17, v0;
	v1 =	vadd.f32 v2, v1;
	_ =	sdelay $0x1  }
0xbc: {  	v2 =	vmul.f32 s14, v3;
	v0 =	vadd.f32 v0, v1;
	_ =	sdelay $0x1  }
0xbd: {  	v1 =	vmul.f32 s15, v59;
	v0 =	vadd.f32 v2, v0;
	_ =	sdelay $0x1  }
0xbe: {  	v0 =	vadd.f32 v1, v0;
	_ =	sdelay $0x1  }
0xbf: {  	[tilespmem:s10+$0xFFFFFFE0] =	vst v0  }
0xc0: {  	v0 =	vld [tilespmem:s11+$0xFFFFFFC0]  }
0xc1: {  	v1 =	vld [tilespmem:s12+$0x30];
	_ =	sdelay $0x1  }
0xc2: {  	v2 =	vld [tilespmem:s16+$0x30];
	_ =	sdelay $0x1  }
0xc3: {  	v3 =	vld [tilespmem:s18+$0x30]  }
0xc4: {  	v0 =	vmul.f32 s19, v0;
	v1 =	vmul.f32 s20, v1  }
0xc5: {  	v60 =	vld [tilespmem:s21+$0x30]  }
0xc6: {  	v0 =	vadd.f32 v1, v0;
	v1 =	vmul.f32 s17, v2;
	_ =	sdelay $0x1  }
0xc7: {  	v0 =	vadd.f32 v1, v0;
	v1 =	vmul.f32 s14, v3;
	_ =	sdelay $0x1  }
0xc8: {  	v0 =	vadd.f32 v1, v0;
	v1 =	vmul.f32 s15, v60;
	_ =	sdelay $0x1  }
0xc9: {  	v0 =	vadd.f32 v1, v0;
	_ =	sdelay $0x1  }
0xca: {  	[tilespmem:s10+$0xFFFFFFF0] =	vst v0  }
0xcb: {  	v0 =	vld [tilespmem:s11+$0xFFFFFFD0]  }
0xcc: {  	v1 =	vld [tilespmem:s12+$0x40];
	_ =	sdelay $0x1  }
0xcd: {  	v2 =	vld [tilespmem:s16+$0x40];
	_ =	sdelay $0x1  }
0xce: {  	v3 =	vld [tilespmem:s18+$0x40]  }
0xcf: {  	v0 =	vmul.f32 s19, v0;
	v1 =	vmul.f32 s20, v1  }
0xd0: {  	v61 =	vld [tilespmem:s21+$0x40]  }
0xd1: {  	v2 =	vmul.f32 s17, v2;
	v0 =	vadd.f32 v1, v0;
	_ =	sdelay $0x1  }
0xd2: {  	v1 =	vmul.f32 s14, v3;
	v0 =	vadd.f32 v2, v0;
	_ =	sdelay $0x1  }
0xd3: {  	v0 =	vadd.f32 v1, v0;
	v1 =	vmul.f32 s15, v61;
	_ =	sdelay $0x1  }
0xd4: {  	v0 =	vadd.f32 v1, v0;
	_ =	sdelay $0x1  }
0xd5: {  	[tilespmem:s10+$0x0] =	vst v0  }
0xd6: {  	v0 =	vld [tilespmem:s11+$0xFFFFFFE0]  }
0xd7: {  	v1 =	vld [tilespmem:s12+$0x50];
	_ =	sdelay $0x1  }
0xd8: {  	v2 =	vld [tilespmem:s16+$0x50];
	_ =	sdelay $0x1  }
0xd9: {  	v3 =	vld [tilespmem:s18+$0x50]  }
0xda: {  	v0 =	vmul.f32 s19, v0;
	v1 =	vmul.f32 s20, v1  }
0xdb: {  	v62 =	vld [tilespmem:s21+$0x50]  }
0xdc: {  	v2 =	vmul.f32 s17, v2;
	v0 =	vadd.f32 v1, v0;
	_ =	sdelay $0x1  }
0xdd: {  	v1 =	vmul.f32 s14, v3;
	v0 =	vadd.f32 v2, v0;
	_ =	sdelay $0x1  }
0xde: {  	v3 =	vmul.f32 s15, v62;
	v0 =	vadd.f32 v1, v0;
	_ =	sdelay $0x1  }
0xdf: {  	v0 =	vadd.f32 v3, v0;
	_ =	sdelay $0x1  }
0xe0: {  	[tilespmem:s10+$0x10] =	vst v0  }
0xe1: {  	v0 =	vld [tilespmem:s11+$0xFFFFFFF0]  }
0xe2: {  	v1 =	vld [tilespmem:s12+$0x60];
	_ =	sdelay $0x1  }
0xe3: {  	v2 =	vld [tilespmem:s16+$0x60]  }
0xe4: {  	v3 =	vld [tilespmem:s18+$0x60]  }
0xe5: {  	v63 =	vld [tilespmem:s21+$0x60]  }
.Ltmp0:
0xe6: {  	s29 =	rddreg [dreg:$0x4];
	v0 =	vmul.f32 s19, v0;
	v1 =	vmul.f32 s20, v1;
	(pc) =	sbr.rel @p0 .LBB2_2-.Ltmp0, $4  }
0xe7: {  	s31 =	rddreg [dreg:$0x6]  }
0xe8: {  	s23 =	smov.u32 s28;
	s28 =	rddreg [dreg:$0x2];
	v2 =	vmul.f32 s17, v2;
	v5 =	vadd.f32 v1, v0  }
0xe9: {  	s22 =	smov.u32 s11;
	s25 =	rddreg [dreg:$0x5];
	s13 =	smov.u32 s10  }
0xea: {  	s26 =	smov.u32 s24;
	s10 =	sadd.s32 $0x80, s10;
	s11 =	sadd.s32 $0x80, s11;
	v1 =	vmul.f32 s14, v3;
	v0 =	vmul.f32 s15, v63;
	v2 =	vadd.f32 v2, v5  }
0xeb: {  	s0 =	sadd.s32 s23, s28  }
0xec: {  	s1 =	sand.u32 $0x3F, s23;
	s24 =	rddreg [dreg:$0x3];
	s3 =	simm.s32 $0x1;
	v1 =	vadd.f32 v1, v2  }
0xed: {  	s4 =	sadd.s32 s23, s31;
	s8 =	simm.s32 $0x1;
	p2 =	seq.s32 s0, $0x0  }
0xee: {  	p0 =	sne.s32 s1, $0x0;
	p1 =	sne.s32 s1, $0x3F;
	s0 =	sshrl.u32 s0, $0x6;
	v0 =	vadd.f32 v0, v1  }
0xef: {  	p5 =	slt.u32 s1, $0x3E;
	p4 =	slt.u32 s1, $0x2;
	p2 =	por !p2, !p0  }
0xf0: {  	s1 =	simm.s32 $0x2;
	s8 =	simm.s32 @!p1 $0x0;
	p2 =	por !p2, !p2;
	[tilespmem:s13+$0x20] =	vst v0  }
0xf1: {  	s1 =	simm.s32 @!p0 $0x1;
	s24 =	simm.s32 @!p5 $0x2;
	s3 =	simm.s32 @!p2 $0x0;
	v0 =	vld [tilespmem:s22+$0x0]  }
0xf2: {  	s1 =	sadd.s32 s8, s1;
	s8 =	sadd.s32 s8, s4;
	s0 =	ssub.s32 s0, s3;
	v10 =	vld [tilespmem:s12+$0x70]  }
0xf3: {  	s8 =	sshll.u32 s8, $0x9;
	s3 =	simm.s32 $0x1;
	p3 =	sgt.s32 s0, $0x0  }
0xf4: {  	p2 =	slt.s32 s0, $0x3F;
	s22 =	simm.s32 $0x1;
	s12 =	simm.s32 $0x1;
	v11 =	vld [tilespmem:s16+$0x70]  }
0xf5: {  	s3 =	simm.s32 @!p0 $0x0;
	p6 =	sgt.s32 s0, $0x1;
	p5 =	slt.s32 s0, $0x3E  }
0xf6: {  	v3 =	vld [tilespmem:s18+$0x70];
	s0 =	sxor.u32 $0xFFFFFFFF, s0;
	s22 =	simm.s32 @!p3 $0x0;
	s12 =	simm.s32 @!p2 $0x0  }
0xf7: {  	s3 =	ssub.s32 s4, s3;
	s29 =	simm.s32 @!p3 $0x0;
	s25 =	simm.s32 @!p2 $0x0;
	v0 =	vmul.f32 s19, v0;
	v1 =	vmul.f32 s20, v10  }
0xf8: {  	v4 =	vld [tilespmem:s21+$0x70];
	s0 =	sshrl.u32 s0, $0x1F;
	s28 =	sadd.s32 s22, s12;
	s12 =	simm.s32 $0x1  }
0xf9: {  	s30 =	sadd.s32 s29, s4;
	s4 =	sadd.s32 s25, s4;
	s0 =	sadd.s32 s0, s1;
	v2 =	vmul.f32 s17, v11;
	v0 =	vadd.f32 v1, v0  }
0xfa: {  	s3 =	sshll.u32 s3, $0x9;
	s29 =	sshra.s32 s8, $0x2;
	s12 =	simm.s32 @!p6 $0x0  }
0xfb: {  	s18 =	sshll.u32 s30, $0x9;
	s4 =	sshll.u32 s4, $0x9;
	s25 =	sadd.s32 s24, s28;
	v12 =	vmul.f32 s14, v3;
	v0 =	vadd.f32 v2, v0  }
0xfc: {  	s31 =	sadd.s32 s12, s1;
	s12 =	sshra.s32 s18, $0x2;
	s1 =	sadd.s32 s1, s28  }
0xfd: {  	s23 =	sshra.s32 s4, $0x2;
	s20 =	simm.s32 $0x2;
	s17 =	simm.s32 $0x1;
	v13 =	vmul.f32 s15, v4;
	v0 =	vadd.f32 v12, v0  }
0xfe: {  	s21 =	sadd.s32 $0x1, s31;
	s20 =	simm.s32 @!p4 $0x3;
	s17 =	simm.s32 @!p5 $0x0  }
0xff: {  	p4 =	seq.s32 s1, $0x5;
	p5 =	seq.s32 s1, $0x4;
	s1 =	simm.f32 $5.000000000e-01;
	v0 =	vadd.f32 v13, v0  }
0x100: {  	s0 =	sadd.s32 s17, s0;
	s22 =	sadd.s32 s20, s28;
	s20 =	simm.f32 $5.000000000e-01  }
0x101: {  	s17 =	simm.f32 $5.000000000e-01;
	p6 =	seq.s32 s22, $0x4;
	s20 =	simm.s32 @!p5 $0x3F13CD3A;
	[tilespmem:s13+$0x30] =	vst v0  }
0x102: {  	p5 =	seq.s32 s21, $0x4;
	s1 =	simm.s32 @!p6 $0x3F13CD3A;
	p6 =	seq.s32 s0, $0x4;
	v0 =	vld [tilespmem:s12+$0x0]  }
0x103: {  	s17 =	simm.s32 @!p5 $0x3F13CD3A;
	s20 =	simm.s32 @p4 $0x3EE4F92E;
	p4 =	seq.s32 s21, $0x5;
	v14 =	vld [tilespmem:s11+$0xFFFFFF90]  }
0x104: {  	p5 =	seq.s32 s0, $0x5;
	s0 =	simm.f32 $5.000000000e-01;
	s17 =	simm.s32 @p4 $0x3EE4F92E  }
0x105: {  	s26 =	sshra.s32 s3, $0x2;
	s0 =	simm.s32 @!p6 $0x3F13CD3A;
	s13 =	smul.f32 s20, s17;
	v15 =	vld [tilespmem:s23+$0x0]  }
0x106: {  	p4 =	seq.s32 s22, $0x5;
	s28 =	smul.f32 s20, s20;
	s0 =	simm.s32 @p5 $0x3EE4F92E  }
0x107: {  	s1 =	simm.s32 @p4 $0x3EE4F92E;
	s17 =	smul.f32 s0, s20;
	v16 =	vld [tilespmem:s26+$0x0];
	s13 =	simm.s32 @!p3 $0x0  }
0x108: {  	s3 =	simm.f32 $5.000000000e-01;
	s19 =	smul.f32 s1, s20;
	p3 =	seq.s32 s25, $0x4;
	v0 =	vmul.f32 s13, v0;
	v1 =	vmul.f32 s28, v14  }
0x109: {  	v17 =	vld [tilespmem:s29+$0x0];
	s17 =	simm.s32 @!p2 $0x0;
	s3 =	simm.s32 @!p3 $0x3F13CD3A;
	p3 =	seq.s32 s25, $0x5  }
0x10a: {  	s3 =	simm.s32 @p3 $0x3EE4F92E;
	v18 =	vmul.f32 s17, v15;
	v0 =	vadd.f32 v0, v1  }
0x10b: {  	s19 =	simm.s32 @!p0 $0x0;
	s20 =	smul.f32 s3, s20  }
0x10c: {  	v19 =	vmul.f32 s19, v16;
	v0 =	vadd.f32 v18, v0  }
0x10d: {  	s20 =	simm.s32 @!p1 $0x0  }
0x10e: {  	v20 =	vmul.f32 s20, v17;
	v0 =	vadd.f32 v19, v0;
	_ =	sdelay $0x1  }
0x10f: {  	v0 =	vadd.f32 v20, v0;
	_ =	sdelay $0x1  }
0x110: {  	[tilespmem:s10+$0xFFFFFFC0] =	vst v0  }
0x111: {  	v0 =	vld [tilespmem:s11+$0xFFFFFFA0]  }
0x112: {  	v21 =	vld [tilespmem:s12+$0x10];
	_ =	sdelay $0x1  }
0x113: {  	v22 =	vld [tilespmem:s23+$0x10];
	_ =	sdelay $0x1  }
0x114: {  	v23 =	vld [tilespmem:s26+$0x10]  }
0x115: {  	v0 =	vmul.f32 s28, v0;
	v1 =	vmul.f32 s13, v21  }
0x116: {  	v24 =	vld [tilespmem:s29+$0x10]  }
0x117: {  	v2 =	vmul.f32 s17, v22;
	v0 =	vadd.f32 v1, v0;
	_ =	sdelay $0x1  }
0x118: {  	v25 =	vmul.f32 s19, v23;
	v0 =	vadd.f32 v2, v0;
	_ =	sdelay $0x1  }
0x119: {  	v26 =	vmul.f32 s20, v24;
	v0 =	vadd.f32 v25, v0;
	_ =	sdelay $0x1  }
0x11a: {  	v0 =	vadd.f32 v26, v0;
	_ =	sdelay $0x1  }
0x11b: {  	[tilespmem:s10+$0xFFFFFFD0] =	vst v0  }
0x11c: {  	v0 =	vld [tilespmem:s11+$0xFFFFFFB0]  }
0x11d: {  	v27 =	vld [tilespmem:s12+$0x20];
	_ =	sdelay $0x1  }
0x11e: {  	v28 =	vld [tilespmem:s23+$0x20];
	_ =	sdelay $0x1  }
0x11f: {  	v29 =	vld [tilespmem:s26+$0x20]  }
0x120: {  	v0 =	vmul.f32 s28, v0;
	v1 =	vmul.f32 s13, v27  }
0x121: {  	v30 =	vld [tilespmem:s29+$0x20]  }
0x122: {  	v2 =	vmul.f32 s17, v28;
	v0 =	vadd.f32 v1, v0;
	_ =	sdelay $0x1  }
0x123: {  	v31 =	vmul.f32 s19, v29;
	v0 =	vadd.f32 v2, v0;
	_ =	sdelay $0x1  }
0x124: {  	v32 =	vmul.f32 s20, v30;
	v0 =	vadd.f32 v31, v0;
	_ =	sdelay $0x1  }
0x125: {  	v0 =	vadd.f32 v32, v0;
	_ =	sdelay $0x1  }
0x126: {  	[tilespmem:s10+$0xFFFFFFE0] =	vst v0  }
0x127: {  	v0 =	vld [tilespmem:s11+$0xFFFFFFC0]  }
0x128: {  	v33 =	vld [tilespmem:s12+$0x30];
	_ =	sdelay $0x1  }
0x129: {  	v34 =	vld [tilespmem:s23+$0x30];
	_ =	sdelay $0x1  }
0x12a: {  	v35 =	vld [tilespmem:s26+$0x30]  }
0x12b: {  	v0 =	vmul.f32 s28, v0;
	v1 =	vmul.f32 s13, v33  }
0x12c: {  	v36 =	vld [tilespmem:s29+$0x30]  }
0x12d: {  	v37 =	vmul.f32 s17, v34;
	v0 =	vadd.f32 v1, v0;
	_ =	sdelay $0x1  }
0x12e: {  	v38 =	vmul.f32 s19, v35;
	v0 =	vadd.f32 v37, v0;
	_ =	sdelay $0x1  }
0x12f: {  	v39 =	vmul.f32 s20, v36;
	v0 =	vadd.f32 v38, v0;
	_ =	sdelay $0x1  }
0x130: {  	v0 =	vadd.f32 v39, v0;
	_ =	sdelay $0x1  }
0x131: {  	[tilespmem:s10+$0xFFFFFFF0] =	vst v0  }
0x132: {  	v0 =	vld [tilespmem:s11+$0xFFFFFFD0]  }
0x133: {  	v40 =	vld [tilespmem:s12+$0x40];
	_ =	sdelay $0x1  }
0x134: {  	v41 =	vld [tilespmem:s23+$0x40];
	_ =	sdelay $0x1  }
0x135: {  	v42 =	vld [tilespmem:s26+$0x40]  }
0x136: {  	v0 =	vmul.f32 s28, v0;
	v1 =	vmul.f32 s13, v40  }
0x137: {  	v43 =	vld [tilespmem:s29+$0x40]  }
0x138: {  	v2 =	vmul.f32 s17, v41;
	v0 =	vadd.f32 v1, v0;
	_ =	sdelay $0x1  }
0x139: {  	v44 =	vmul.f32 s19, v42;
	v0 =	vadd.f32 v2, v0;
	_ =	sdelay $0x1  }
0x13a: {  	v45 =	vmul.f32 s20, v43;
	v0 =	vadd.f32 v44, v0;
	_ =	sdelay $0x1  }
0x13b: {  	v0 =	vadd.f32 v45, v0;
	_ =	sdelay $0x1  }
0x13c: {  	[tilespmem:s10+$0x0] =	vst v0  }
0x13d: {  	v0 =	vld [tilespmem:s11+$0xFFFFFFE0]  }
0x13e: {  	v46 =	vld [tilespmem:s12+$0x50];
	_ =	sdelay $0x1  }
0x13f: {  	v47 =	vld [tilespmem:s23+$0x50];
	_ =	sdelay $0x1  }
0x140: {  	v48 =	vld [tilespmem:s26+$0x50]  }
0x141: {  	v0 =	vmul.f32 s28, v0;
	v1 =	vmul.f32 s13, v46  }
0x142: {  	v49 =	vld [tilespmem:s29+$0x50]  }
0x143: {  	v2 =	vmul.f32 s17, v47;
	v0 =	vadd.f32 v1, v0;
	_ =	sdelay $0x1  }
0x144: {  	v50 =	vmul.f32 s19, v48;
	v0 =	vadd.f32 v2, v0;
	_ =	sdelay $0x1  }
0x145: {  	v51 =	vmul.f32 s20, v49;
	v0 =	vadd.f32 v50, v0;
	_ =	sdelay $0x1  }
0x146: {  	v0 =	vadd.f32 v51, v0;
	_ =	sdelay $0x1  }
0x147: {  	[tilespmem:s10+$0x10] =	vst v0  }
0x148: {  	v0 =	vld [tilespmem:s11+$0xFFFFFFF0]  }
0x149: {  	v52 =	vld [tilespmem:s12+$0x60];
	_ =	sdelay $0x1  }
0x14a: {  	v53 =	vld [tilespmem:s23+$0x60];
	_ =	sdelay $0x1  }
0x14b: {  	v54 =	vld [tilespmem:s26+$0x60]  }
0x14c: {  	v0 =	vmul.f32 s28, v0;
	v1 =	vmul.f32 s13, v52  }
0x14d: {  	v55 =	vld [tilespmem:s29+$0x60]  }
0x14e: {  	v2 =	vmul.f32 s17, v53;
	v0 =	vadd.f32 v1, v0;
	_ =	sdelay $0x1  }
0x14f: {  	v56 =	vmul.f32 s19, v54;
	v0 =	vadd.f32 v2, v0;
	_ =	sdelay $0x1  }
0x150: {  	v57 =	vmul.f32 s20, v55;
	v0 =	vadd.f32 v56, v0;
	_ =	sdelay $0x1  }
0x151: {  	v0 =	vadd.f32 v57, v0;
	_ =	sdelay $0x1  }
0x152: {  	[tilespmem:s10+$0x20] =	vst v0  }
0x153: {  	v0 =	vld [tilespmem:s11+$0x0]  }
0x154: {  	v58 =	vld [tilespmem:s12+$0x70];
	_ =	sdelay $0x1  }
0x155: {  	v59 =	vld [tilespmem:s23+$0x70];
	_ =	sdelay $0x1  }
0x156: {  	v60 =	vld [tilespmem:s26+$0x70]  }
0x157: {  	v0 =	vmul.f32 s28, v0;
	v1 =	vmul.f32 s13, v58  }
0x158: {  	v61 =	vld [tilespmem:s29+$0x70]  }
0x159: {  	v2 =	vmul.f32 s17, v59;
	v0 =	vadd.f32 v1, v0;
	_ =	sdelay $0x1  }
0x15a: {  	v62 =	vmul.f32 s19, v60;
	v0 =	vadd.f32 v2, v0;
	_ =	sdelay $0x1  }
0x15b: {  	v63 =	vmul.f32 s20, v61;
	v0 =	vadd.f32 v62, v0;
	_ =	sdelay $0x1  }
0x15c: {  	s9 =	sadd.s32 $0x1, s9;
	v0 =	vadd.f32 v63, v0  }
0x15d: {  	p0 =	sne.s32 s9, s5  }
.Ltmp1:
0x15e: {  	s30 =	rddreg [dreg:$0x8];
	s31 =	simm.s32 $0xC000;
	[tilespmem:s10+$0x30] =	vst v0;
	(pc) =	sbr.rel @p0 .LBB2_1-.Ltmp1, $4  }
0x15f: {  	[hbm4b:s30+s2] =	stream.linear.scatter [tilespmem:s31], [sflag:$0x1], $0x8000, $0x38;
	[tilespmem:$0x14000] =	vst v63  }
0x160: {  	_ =	swait.ge [sflag:s7], $0x8000  }
0x161: {  	[sflag:s7] =	ssyncset.done $0x0  }
0x162: {  	[sflag:s7] =	ssyncadd.s32 $0xFFFF8000  }
0x163: {  	_ =	sfence.sel $0x180000  }
0x164: {  	[bflag:$0x0] =	sbarrier.arrive $0xFFFF  }
0x165: {  	_ =	strace $0x9000004A  }
0x166: {  	s0 =	stileid.u32;
	[bflag:$0x2] =	sbarrier.arrive $0xFFFF  }
0x167: {  	p0 =	sne.s32 s0, $0x0;
	s0 =	rddreg [dreg:$0x1]  }
0x168: {  	s0 =	sadd.s32 @!p0 $0x100000, s0  }
0x169: {  	[sflag:s0] =	ssyncadd.tile.s32 @!p0 $0x1;
	_ =	shalt  }
.Lfunc_end2:
_tile_overlayer_lowered:
.L_overlay_start_2:
0x16a: {  	(tag) =	ssettag $0x2  }
0x16b: {  	s0 =	rddreg [dreg:$0x0];
	s2 =	stileid.u32  }
0x16c: {  	s1 =	rddreg [dreg:$0x1];
	p0 =	sne.s32 s2, $0x0  }
0x16d: {  	s3 =	rddreg [dreg:$0x2];
	[bflag:$0x3] =	sbarrier.arrive $0xFFFF;
	s2 =	simm.s32 @!p0 $0x1C01  }
0x16e: {  	[timem:s3], [sflag:s2] =	dma.local @!p0 [hbm:s0], s1  }
0x16f: {  	s0 =	simm.s32 @!p0 $0x1  }
0x170: {  	_ =	swait.ge @!p0 [sflag:s0], s1  }
0x171: {  	s1 =	ssub.s32 @!p0 $0x0, s1;
	[sflag:s0] =	ssyncset.done @!p0 $0x0  }
0x172: {  	[sflag:s0] =	ssyncadd.s32 @!p0 s1  }
0x173: {  	[bflag:$0x3] =	sbarrier.arrive $0xFFFF  }
0x174: {  	_ =	shalt  }

// kernel: _run.19.cloned.1.call-start
scs
__scs_entry_jumppad:
0x0: {  	(pc) =	sbr.rel $0x88, $3  }
0x1: {  	(tag) =	ssettag $0x0;
	lr =	simm.s32 $0x1  }
0x2: {  	[smem:$0x3F94] =	sst lr;
	_ =	strace $0xD0000000  }
0x3: {  	_ = 	snop  }
0x4: {  	_ = 	snop  }
0x5: {  	_ = 	snop  }
0x6: {  	_ = 	snop  }
0x7: {  	_ = 	snop  }
__scs_overlays_trampoline_lowered:
0x8: {  	[smem:$0x3FA3] =	sst s0  }
0x9: {  	[smem:$0x3FA4] =	sst s1  }
0xa: {  	[smem:$0x3FA5] =	sst s2  }
0xb: {  	[smem:$0x3FA6] =	sst s3  }
0xc: {  	[smem:$0x3FA7] =	sst s4  }
0xd: {  	[smem:$0x3FA8] =	sst s5  }
0xe: {  	[smem:$0x3FA9] =	sst s6  }
0xf: {  	[smem:$0x3FAA] =	sst s7  }
0x10: {  	[smem:$0x3FAB] =	sst s8  }
0x11: {  	[smem:$0x3FAC] =	sst s9;
	s0 =	simm.s32 @!p0 $0x0  }
0x12: {  	s1 =	sld [smem:$0x3F92];
	s0 =	simm.s32 @p0 $0x1  }
0x13: {  	[smem:$0x3FAD] =	sst s0;
	s0 =	simm.s32 @!p1 $0x0  }
0x14: {  	s2 =	sld [smem:$0x3F91];
	s0 =	simm.s32 @p1 $0x1  }
0x15: {  	[smem:$0x3FAE] =	sst s0;
	s0 =	simm.s32 @!p2 $0x0  }
0x16: {  	s3 =	sld [smem:$0x3FDB];
	s0 =	simm.s32 @p2 $0x1  }
0x17: {  	s4 =	simm.s32 $0x1BF5;
	[smem:$0x3FB0] =	sst s0  }
0x18: {  	s0 =	sld [smem:$0x3F93];
	_ =	swait.ge [sflag:s4], $0x0  }
0x19: {  	s7 =	sld [smem:$0x3F94]  }
0x1a: {  	s8 =	sadd.s32 $0xFFFFE003, lr  }
0x1b: {  	s9 =	sadd.s32 $0xFFFFFEF7, lr;
	s5 =	simm.s32 $0xFFFFFFFF;
	p2 =	slt.u32 s8, $0xFFFFF086  }
0x1c: {  	p1 =	slt.u32 s9, $0xF7A;
	s5 =	simm.s32 @!p2 $0x0  }
0x1d: {  	s5 =	simm.s32 @p1 $0x1;
	p0 =	seq.s32 s7, s2  }
0x1e: {  	s7 =	smul.u32 @!p0 $0xF7A, s2;
	p2 =	seq.s32 @!p0 s5, $0x0  }
0x1f: {  	s9 =	smul.u32 $0xF7A, s1;
	s8 =	simm.s32 @!p0 $0x1BF5;
	p2 =	por !p2, p0  }
0x20: {  	[sflag:s8] =	ssyncset.s32 @!p0 $0xFFFFF086;
	s6 =	sadd.s32 @!p0 s3, s7;
	s7 =	simm.s32 @!p0 $0x108  }
0x21: {  	s3 =	sadd.s32 s3, s9;
	s6 =	sadd.s32 @!p0 $0x88, s6;
	s7 =	simm.s32 @p2 $0x1082  }
0x22: {  	[simem:s7], [sflag:s8] =	dma.local @!p0 [hbm:s6], $0xF7A  }
0x23: {  	s9 =	sor.u32 $0xD0000000, s2;
	s6 =	simm.s32 $0x108;
	_ =	swait.ge @!p0 [sflag:s8], $0x0  }
0x24: {  	s3 =	sadd.s32 $0x88, s3;
	s6 =	simm.s32 @!p1 $0x1082;
	[sflag:s4] =	ssyncset.s32 $0xFFFFF086  }
0x25: {  	[simem:s6], [sflag:s4] =	dma.local [hbm:s3], $0xF7A  }
0x26: {  	[smem:$0x3F94] =	sst s1;
	(tag) =	ssettag s2;
	_ =	strace s9  }
0x27: {  	s1 =	sld [smem:$0x3FA4]  }
0x28: {  	s2 =	sld [smem:$0x3FA5]  }
0x29: {  	s4 =	sld [smem:$0x3FA7]  }
0x2a: {  	p0 =	seq.s32 s5, $0x0;
	s5 =	sld [smem:$0x3FA8]  }
0x2b: {  	s6 =	sld [smem:$0x3FA9]  }
0x2c: {  	s7 =	sld [smem:$0x3FAA]  }
0x2d: {  	s3 =	simm.s32 $0x108;
	s8 =	sld [smem:$0x3FAB]  }
0x2e: {  	s3 =	simm.s32 @!p0 $0x1082;
	s9 =	sld [smem:$0x3FAC]  }
0x2f: {  	lr =	sadd.s32 s0, s3;
	s0 =	sld [smem:$0x3FA3]  }
0x30: {  	s3 =	sld [smem:$0x3FA6]  }
0x31: {  	[smem:$0x3FAF] =	sst s10  }
0x32: {  	s10 =	sld [smem:$0x3FAD];
	_ =	sdelay $0x3  }
0x33: {  	p0 =	seq.s32 s10, $0x1;
	s10 =	sld [smem:$0x3FAF];
	_ =	sdelay $0x3  }
0x34: {  	[smem:$0x3FAF] =	sst s10  }
0x35: {  	s10 =	sld [smem:$0x3FAE];
	_ =	sdelay $0x3  }
0x36: {  	p1 =	seq.s32 s10, $0x1;
	s10 =	sld [smem:$0x3FAF];
	_ =	sdelay $0x3  }
0x37: {  	[smem:$0x3FAF] =	sst s10  }
0x38: {  	s10 =	sld [smem:$0x3FB0]  }
0x39: {  	_ = 	snop;
	(pc) =	sbr.ind lr, $3  }
0x3a: {  	_ = 	snop  }
0x3b: {  	_ = 	snop  }
0x3c: {  	p2 =	seq.s32 s10, $0x1;
	s10 =	sld [smem:$0x3FAF]  }
0x3d: {  	_ =	shalt  }
0x3e: {  	_ =	shalt  }
0x3f: {  	_ =	shalt  }
0x40: {  	_ =	shalt  }
0x41: {  	_ =	shalt  }
0x42: {  	_ =	shalt  }
0x43: {  	_ =	shalt  }
0x44: {  	_ =	shalt  }
0x45: {  	_ =	shalt  }
0x46: {  	_ =	shalt  }
0x47: {  	_ =	shalt  }
0x48: {  	_ =	shalt  }
0x49: {  	_ =	shalt  }
0x4a: {  	_ =	shalt  }
0x4b: {  	_ =	shalt  }
0x4c: {  	_ =	shalt  }
0x4d: {  	_ =	shalt  }
0x4e: {  	_ =	shalt  }
0x4f: {  	_ =	shalt  }
0x50: {  	_ =	shalt  }
0x51: {  	_ =	shalt  }
0x52: {  	_ =	shalt  }
0x53: {  	_ =	shalt  }
0x54: {  	_ =	shalt  }
0x55: {  	_ =	shalt  }
0x56: {  	_ =	shalt  }
0x57: {  	_ =	shalt  }
0x58: {  	_ =	shalt  }
0x59: {  	_ =	shalt  }
0x5a: {  	_ =	shalt  }
0x5b: {  	_ =	shalt  }
0x5c: {  	_ =	shalt  }
0x5d: {  	_ =	shalt  }
0x5e: {  	_ =	shalt  }
0x5f: {  	_ =	shalt  }
0x60: {  	_ =	shalt  }
0x61: {  	_ =	shalt  }
0x62: {  	_ =	shalt  }
0x63: {  	_ =	shalt  }
0x64: {  	_ =	shalt  }
0x65: {  	_ =	shalt  }
0x66: {  	_ =	shalt  }
0x67: {  	_ =	shalt  }
0x68: {  	_ =	shalt  }
0x69: {  	_ =	shalt  }
0x6a: {  	_ =	shalt  }
0x6b: {  	_ =	shalt  }
0x6c: {  	_ =	shalt  }
0x6d: {  	_ =	shalt  }
0x6e: {  	_ =	shalt  }
0x6f: {  	_ =	shalt  }
0x70: {  	_ =	shalt  }
0x71: {  	_ =	shalt  }
0x72: {  	_ =	shalt  }
0x73: {  	_ =	shalt  }
0x74: {  	_ =	shalt  }
0x75: {  	_ =	shalt  }
0x76: {  	_ =	shalt  }
0x77: {  	_ =	shalt  }
0x78: {  	_ =	shalt  }
0x79: {  	_ =	shalt  }
0x7a: {  	_ =	shalt  }
0x7b: {  	_ =	shalt  }
0x7c: {  	_ =	shalt  }
0x7d: {  	_ =	shalt  }
0x7e: {  	_ =	shalt  }
0x7f: {  	_ =	shalt  }
0x80: {  	_ =	shalt  }
0x81: {  	_ =	shalt  }
0x82: {  	_ =	shalt  }
0x83: {  	_ =	shalt  }
0x84: {  	_ =	shalt  }
0x85: {  	_ =	shalt  }
0x86: {  	_ =	shalt  }
0x87: {  	_ =	shalt  }
.Lfunc_end0:
.L_simem_size_0:
called_computation.2_lowered:
.L_overlay_start_0:
0x88: {  	s2 =	sld [smem:$0x3FD9]  }
0x89: {  	s3 =	sld [smem:$0x3FFE];
	_ =	sdelay $0x1  }
0x8a: {  	s1 =	srdreg.scid  }
0x8b: {  	s0 =	sand.u32 $0x1, s1  }
0x8c: {  	s16 =	sshll.u32 s0, $0xA;
	s2 =	sadd.s32 s3, s2  }
0x8d: {  	s2 =	sadd.s32 s2, s16  }
0x8e: {  	[smem:$0x3FBB] =	sst s2  }
0x8f: {  	_ = 	snop  }
0x90: {  	(tm) =	ssettm $0x1  }
0x91: {  	s17 =	sld [smem:$0x3FFB];
	_ =	sdelay $0x3  }
0x92: {  	_ =	strace s17  }
0x93: {  	s2 =	sld [smem:$0x3FFC];
	_ =	sdelay $0x3  }
0x94: {  	_ =	strace s2  }
0x95: {  	s2 =	sld [smem:$0x3FFD];
	_ =	sdelay $0x3  }
0x96: {  	_ =	strace s2  }
0x97: {  	_ =	strace $0x8FFFFFFF  }
0x98: {  	s18 =	sld [smem:$0x3FDB];
	_ =	sdelay $0x1  }
0x99: {  	s19 =	simm.s32 $_scs_section_size  }
0x9a: {  	s4 =	simm.s32 $_size__tile_overlayer_lowered;
	s5 =	simm.s32 $_tile_overlayer_lowered  }
0x9b: {  	s22 =	simm.s32 $0x1BFF;
	s21 =	sshll.u32 s5, $0x1;
	s2 =	sadd.s32 s19, s18  }
0x9c: {  	s6 =	simm.s32 $0x0;
	s20 =	sshll.u32 s4, $0x1;
	s4 =	sadd.s32 s21, s2  }
0x9d: {  	[timem:s6], [sflag:s22] =	dma.local [hbm:s4], s20  }
0x9e: {  	_ =	swait.ge [sflag:s22], s20  }
0x9f: {  	s3 =	ssub.s32 $0x0, s20;
	[sflag:s22] =	ssyncset.done $0x0  }
0xa0: {  	[sflag:s22] =	ssyncadd.s32 s3;
	_ =	sdelay $0x1  }
0xa1: {  	s23 =	simm.s32 $0x1B8B  }
0xa2: {  	_ =	swait.ge [sflag:s23], $0x1  }
0xa3: {  	[sflag:s23] =	ssyncset.done $0x0  }
0xa4: {  	s25 =	simm.s32 $0x1B8E;
	s24 =	sld [smem:$0x3FFE];
	[sflag:s23] =	ssyncadd.s32 $0xFFFFFFFF  }
0xa5: {  	s26 =	simm.s32 $execute0_lowered;
	[smem:$0x3FD2] =	sst s25  }
0xa6: {  	s4 =	sshll.u32 s26, $0x1;
	_ =	strace $0x8000004C;
	[dreg:$0x1] =	wrdreg $0xFFFFFFFF  }
0xa7: {  	s28 =	simm.s32 $_size_execute0_lowered;
	s2 =	sadd.s32 s2, s4;
	[dreg:$0x0] =	wrdreg $0x0  }
0xa8: {  	s4 =	sshll.u32 s28, $0x1;
	[dreg:$0x2] =	wrdreg s2  }
0xa9: {  	[dreg:$0x3] =	wrdreg s4  }
0xaa: {  	[dreg:$0x4] =	wrdreg $0xC0  }
0xab: {  	_ =	task [dreg:s6], $0x5FFFF  }
0xac: {  	[dreg:$0x1] =	wrdreg $0xFFFFFFFF  }
0xad: {  	[dreg:$0x0] =	wrdreg $0x60  }
0xae: {  	[dreg:$0x2] =	wrdreg s24  }
0xaf: {  	[dreg:$0x3] =	wrdreg $0x9  }
0xb0: {  	_ =	task.clear_ibuf [dreg:s6], $0x4FFFF;
	_ =	strace $0x9000004C  }
0xb1: {  	s29 =	simm.s32 $0x9;
	_ =	strace $0x8000004E  }
0xb2: {  	_ =	swait.ge [sflag:s29], $0x1  }
0xb3: {  	[sflag:s29] =	ssyncadd.s32 $0xFFFFFFFF  }
0xb4: {  	_ =	strace $0x9000004E  }
0xb5: {  	_ =	sfence  }
0xb6: {  	s30 =	sld [smem:$0x0];
	_ =	sdelay $0x2  }
0xb7: {  	s31 =	sshll.u32 s1, $0xD;
	s1 =	sshrl.u32 s1, $0x2  }
0xb8: {  	s3 =	sand.u32 $0x4000, s31;
	s1 =	sadd.s32 s1, s30  }
0xb9: {  	s0 =	sor.u32 s3, s0;
	s1 =	sshll.u32 s1, $0x11  }
0xba: {  	s0 =	sor.u32 s1, s0  }
0xbb: {  	s0 =	sadd.s32 $0x8F2B, s0  }
0xbc: {  	[sflag:s0] =	ssyncadd.remote.s32 $0x1  }
0xbd: {  	_ =	sfence.sel $0xFFFF  }
0xbe: {  	[dreg:$0x0] =	wrdreg $0xFFFFFFFF;
	(pc) =	sbr.abs _section_cstart, $3  }
0xbf: {  	[dreg:$0x1] =	wrdreg $0xFFFFFFFF  }
0xc0: {  	_ =	task.clear_ibuf [dreg:s6], $0x2FFFF;
	_ =	strace $0x9FFFFFFF  }
0xc1: {  	(tm) =	ssettm $0x7FFFFFFF  }
tec
execute0_lowered:
.L_overlay_start_1:
0x0: {  	(tag) =	ssettag $0x1  }
0x1: {  	s1 =	srdreg.scid  }
0x2: {  	s0 =	stileid.u32;
	s3 =	rddreg [dreg:$0x0];
	s2 =	simm.s32 $0x0  }
0x3: {  	s29 =	simm.s32 $0x3;
	s30 =	simm.s32 $0x7FFFC0;
	s31 =	simm.s32 $0x40  }
0x4: {  	s5 =	sand.u32 $0x1, s1;
	s4 =	sshll.u32 s0, $0x1;
	[smem:$0x7FF] =	sst s2  }
0x5: {  	s20 =	sshll.u32 s0, $0x9;
	s9 =	sshll.u32 s0, $0x12;
	s4 =	sor.u32 s5, s4  }
0x6: {  	_ =	strace $0x8000004D;
	s7 =	ssub.s32 $0x2, s5;
	[dreg:$0x3] =	wrdreg s29  }
0x7: {  	s21 =	sshll.u32 s5, $0x8;
	[dreg:$0x4] =	wrdreg s30;
	s6 =	sshll.u32 s4, $0x8  }
0x8: {  	s10 =	sshll.u32 s5, $0x11;
	[dreg:$0x5] =	wrdreg s31;
	s6 =	smax.u32 s6, $0x40  }
0x9: {  	s4 =	sshll.u32 s4, $0xC;
	s8 =	sshrl.u32 s7, $0x1;
	s6 =	smin.u32 s6, $0x1EC0  }
0xa: {  	s25 =	sor.u32 s10, s9;
	s9 =	simm.s32 $0x0;
	s6 =	sshll.u32 s6, $0x4  }
0xb: {  	s4 =	sadd.s32 s4, s3;
	s3 =	sadd.s32 s3, s6;
	s6 =	sor.u32 s21, s20  }
0xc: {  	s7 =	ssub.s32 s7, s8;
	s23 =	sadd.s32 $0x25800, s4;
	s8 =	smax.u32 s6, $0x40  }
0xd: {  	s5 =	smax.u32 s7, $0x1;
	[dreg:$0x8] =	wrdreg s23;
	s24 =	smin.u32 s8, $0x1EC0  }
0xe: {  	s22 =	sadd.s32 $0x5400, s3;
	s26 =	sand.u32 $0xF00, s6;
	s7 =	sshll.u32 s24, $0x9  }
0xf: {  	[dreg:$0x7] =	wrdreg s22;
	s6 =	ssub.s32 s6, s24;
	s7 =	ssub.s32 s25, s7  }
0x10: {  	[dreg:$0x2] =	wrdreg s26;
	s6 =	sadd.s32 $0x40, s6;
	s28 =	sadd.s32 $0x81C0, s7  }
0x11: {  	[dreg:$0x6] =	wrdreg s6;
	s7 =	simm.s32 $0x1;
	s6 =	sshra.s32 s28, $0x2  }
.LBB2_1:
0x12: {  	s0 =	rddreg [dreg:$0x7];
	s15 =	sand.u32 $0x3F, s2;
	s16 =	simm.s32 $0x1  }
0x13: {  	s17 =	simm.s32 $0x1;
	s18 =	simm.s32 $0x2;
	s19 =	simm.s32 $0x1  }
0x14: {  	s21 =	simm.s32 $0x1;
	s23 =	simm.f32 $5.000000000e-01;
	s24 =	simm.f32 $5.000000000e-01  }
0x15: {  	[tilespmem:s2], [sflag:$0x1] =	stream.linear.gather [hbm4b:s0+s2], $0xC000, $0x38;
	[tilespmem:$0x14000] =	vst v63  }
0x16: {  	s25 =	simm.f32 $5.000000000e-01;
	p1 =	sne.s32 s15, $0x0;
	_ =	swait.ge [sflag:s7], $0xC000  }
0x17: {  	p0 =	sne.s32 s15, $0x3F;
	p3 =	slt.u32 s15, $0x3E;
	s10 =	rddreg [dreg:$0x2]  }
0x18: {  	s16 =	simm.s32 @!p0 $0x0;
	s17 =	simm.s32 @!p1 $0x0;
	s13 =	rddreg [dreg:$0x5]  }
0x19: {  	s18 =	simm.s32 @!p1 $0x1;
	[sflag:s7] =	ssyncset.done $0x0;
	s12 =	rddreg [dreg:$0x4]  }
0x1a: {  	s11 =	rddreg [dreg:$0x6];
	[sflag:s7] =	ssyncadd.s32 $0xFFFF4000;
	s14 =	sadd.s32 $0x0, s10  }
0x1b: {  	s10 =	rddreg [dreg:$0x3];
	s20 =	sadd.s32 $0x0, s11;
	p2 =	seq.s32 s14, $0x0  }
0x1c: {  	s14 =	sshrl.u32 s14, $0x6;
	s10 =	simm.s32 @!p3 $0x2;
	p2 =	por !p2, !p1  }
0x1d: {  	s11 =	sadd.s32 s16, s20;
	s16 =	sadd.s32 s16, s18;
	p2 =	por !p2, !p2  }
0x1e: {  	s18 =	simm.s32 $0x1;
	s17 =	ssub.s32 s20, s17;
	s19 =	simm.s32 @!p2 $0x0  }
0x1f: {  	s11 =	sshll.u32 s11, $0x9;
	s17 =	sshll.u32 s17, $0x9;
	s14 =	ssub.s32 s14, s19  }
0x20: {  	s19 =	simm.s32 $0x1;
	p3 =	sgt.s32 s14, $0x0;
	p2 =	slt.s32 s14, $0x3F  }
0x21: {  	p4 =	sgt.s32 s14, $0x1;
	s18 =	simm.s32 @!p3 $0x0;
	s19 =	simm.s32 @!p2 $0x0  }
0x22: {  	s21 =	simm.s32 @!p4 $0x0;
	p4 =	slt.u32 s15, $0x2;
	s15 =	simm.s32 $0x2  }
0x23: {  	s12 =	simm.s32 @!p3 $0x0;
	s13 =	simm.s32 @!p2 $0x0;
	s15 =	simm.s32 @!p4 $0x3  }
0x24: {  	p4 =	slt.s32 s14, $0x3E;
	s18 =	sadd.s32 s18, s19;
	s12 =	sadd.s32 s12, s20  }
0x25: {  	s30 =	sadd.s32 s21, s16;
	s14 =	sxor.u32 $0xFFFFFFFF, s14;
	s21 =	simm.s32 $0x1  }
0x26: {  	s13 =	sadd.s32 s13, s20;
	s12 =	sshll.u32 s12, $0x9;
	s14 =	sshrl.u32 s14, $0x1F  }
0x27: {  	s21 =	simm.s32 @!p4 $0x0;
	s22 =	sadd.s32 s16, s18;
	s15 =	sadd.s32 s15, s18  }
0x28: {  	s19 =	sadd.s32 $0x1, s30;
	s13 =	sshll.u32 s13, $0x9;
	s10 =	sadd.s32 s10, s18  }
0x29: {  	s18 =	sshra.s32 s17, $0x2;
	s12 =	sshra.s32 s12, $0x2;
	p4 =	seq.s32 s15, $0x4  }
0x2a: {  	s14 =	sadd.s32 s14, s16;
	s23 =	simm.s32 @!p4 $0x3F13CD3A;
	p4 =	seq.s32 s22, $0x4  }
0x2b: {  	s16 =	sshra.s32 s13, $0x2;
	s24 =	simm.s32 @!p4 $0x3F13CD3A;
	p4 =	seq.s32 s19, $0x4  }
0x2c: {  	v1 =	vld [tilespmem:s6+$0xFFFFFF90];
	s13 =	simm.f32 $5.000000000e-01;
	s25 =	simm.s32 @!p4 $0x3F13CD3A;
	p4 =	seq.s32 s22, $0x5  }
0x2d: {  	s14 =	sadd.s32 s21, s14;
	v0 =	vld [tilespmem:s12+$0x0];
	s24 =	simm.s32 @p4 $0x3EE4F92E;
	p4 =	seq.s32 s19, $0x5  }
0x2e: {  	s25 =	simm.s32 @p4 $0x3EE4F92E;
	p4 =	seq.s32 s14, $0x4;
	s19 =	smul.f32 s24, s24  }
0x2f: {  	v2 =	vld [tilespmem:s16+$0x0];
	s13 =	simm.s32 @!p4 $0x3F13CD3A;
	p4 =	seq.s32 s14, $0x5;
	s20 =	smul.f32 s24, s25  }
0x30: {  	s13 =	simm.s32 @p4 $0x3EE4F92E;
	p4 =	seq.s32 s15, $0x5;
	s15 =	simm.f32 $5.000000000e-01  }
0x31: {  	v3 =	vld [tilespmem:s18+$0x0];
	s20 =	simm.s32 @!p3 $0x0;
	p3 =	seq.s32 s10, $0x4;
	s17 =	smul.f32 s13, s24  }
0x32: {  	s21 =	sshra.s32 s11, $0x2;
	v1 =	vmul.f32 s19, v1;
	s23 =	simm.s32 @p4 $0x3EE4F92E;
	s15 =	simm.s32 @!p3 $0x3F13CD3A;
	v0 =	vmul.f32 s20, v0  }
0x33: {  	v4 =	vld [tilespmem:s21+$0x0];
	s14 =	smul.f32 s23, s24;
	s17 =	simm.s32 @!p2 $0x0;
	p2 =	seq.s32 s10, $0x5  }
0x34: {  	s15 =	simm.s32 @p2 $0x3EE4F92E;
	v0 =	vadd.f32 v0, v1;
	v1 =	vmul.f32 s17, v2  }
0x35: {  	s14 =	simm.s32 @!p1 $0x0;
	s15 =	smul.f32 s15, s24  }
0x36: {  	v2 =	vmul.f32 s14, v3;
	v0 =	vadd.f32 v1, v0  }
0x37: {  	s15 =	simm.s32 @!p0 $0x0  }
0x38: {  	v1 =	vmul.f32 s15, v4;
	v0 =	vadd.f32 v2, v0;
	_ =	sdelay $0x1  }
0x39: {  	v0 =	vadd.f32 v1, v0  }
0x3a: {  	s13 =	simm.s32 $0xC040  }
0x3b: {  	[tilespmem:s13+$0xFFFFFFC0] =	vst v0  }
0x3c: {  	v0 =	vld [tilespmem:s6+$0xFFFFFFA0]  }
0x3d: {  	v1 =	vld [tilespmem:s12+$0x10];
	_ =	sdelay $0x1  }
0x3e: {  	v2 =	vld [tilespmem:s16+$0x10];
	_ =	sdelay $0x1  }
0x3f: {  	v3 =	vld [tilespmem:s18+$0x10]  }
0x40: {  	v0 =	vmul.f32 s19, v0;
	v1 =	vmul.f32 s20, v1  }
0x41: {  	v58 =	vld [tilespmem:s21+$0x10]  }
0x42: {  	v2 =	vmul.f32 s17, v2;
	v0 =	vadd.f32 v1, v0;
	_ =	sdelay $0x1  }
0x43: {  	v1 =	vmul.f32 s14, v3;
	v0 =	vadd.f32 v2, v0;
	_ =	sdelay $0x1  }
0x44: {  	v0 =	vadd.f32 v1, v0;
	v1 =	vmul.f32 s15, v58;
	_ =	sdelay $0x1  }
0x45: {  	v0 =	vadd.f32 v1, v0;
	_ =	sdelay $0x1  }
0x46: {  	[tilespmem:s13+$0xFFFFFFD0] =	vst v0  }
0x47: {  	v0 =	vld [tilespmem:s6+$0xFFFFFFB0]  }
0x48: {  	v1 =	vld [tilespmem:s12+$0x20];
	_ =	sdelay $0x1  }
0x49: {  	v2 =	vld [tilespmem:s16+$0x20];
	_ =	sdelay $0x1  }
0x4a: {  	v3 =	vld [tilespmem:s18+$0x20]  }
0x4b: {  	v0 =	vmul.f32 s19, v0;
	v1 =	vmul.f32 s20, v1  }
0x4c: {  	v59 =	vld [tilespmem:s21+$0x20]  }
0x4d: {  	v2 =	vmul.f32 s17, v2;
	v0 =	vadd.f32 v1, v0;
	_ =	sdelay $0x1  }
0x4e: {  	v1 =	vmul.f32 s14, v3;
	v0 =	vadd.f32 v2, v0;
	_ =	sdelay $0x1  }
0x4f: {  	v0 =	vadd.f32 v1, v0;
	v1 =	vmul.f32 s15, v59;
	_ =	sdelay $0x1  }
0x50: {  	v0 =	vadd.f32 v1, v0;
	_ =	sdelay $0x1  }
0x51: {  	[tilespmem:s13+$0xFFFFFFE0] =	vst v0  }
0x52: {  	v0 =	vld [tilespmem:s6+$0xFFFFFFC0]  }
0x53: {  	v1 =	vld [tilespmem:s12+$0x30];
	_ =	sdelay $0x1  }
0x54: {  	v2 =	vld [tilespmem:s16+$0x30];
	_ =	sdelay $0x1  }
0x55: {  	v3 =	vld [tilespmem:s18+$0x30]  }
0x56: {  	v0 =	vmul.f32 s19, v0;
	v1 =	vmul.f32 s20, v1  }
0x57: {  	v60 =	vld [tilespmem:s21+$0x30]  }
0x58: {  	v0 =	vadd.f32 v1, v0;
	v1 =	vmul.f32 s17, v2;
	_ =	sdelay $0x1  }
0x59: {  	v0 =	vadd.f32 v1, v0;
	v1 =	vmul.f32 s14, v3;
	_ =	sdelay $0x1  }
0x5a: {  	v0 =	vadd.f32 v1, v0;
	v1 =	vmul.f32 s15, v60;
	_ =	sdelay $0x1  }
0x5b: {  	v0 =	vadd.f32 v1, v0;
	_ =	sdelay $0x1  }
0x5c: {  	[tilespmem:s13+$0xFFFFFFF0] =	vst v0  }
0x5d: {  	v0 =	vld [tilespmem:s6+$0xFFFFFFD0]  }
0x5e: {  	v1 =	vld [tilespmem:s12+$0x40];
	_ =	sdelay $0x1  }
0x5f: {  	v2 =	vld [tilespmem:s16+$0x40];
	_ =	sdelay $0x1  }
0x60: {  	v3 =	vld [tilespmem:s18+$0x40]  }
0x61: {  	v0 =	vmul.f32 s19, v0;
	v1 =	vmul.f32 s20, v1  }
0x62: {  	v61 =	vld [tilespmem:s21+$0x40]  }
0x63: {  	v2 =	vmul.f32 s17, v2;
	v0 =	vadd.f32 v1, v0;
	_ =	sdelay $0x1  }
0x64: {  	v1 =	vmul.f32 s14, v3;
	v0 =	vadd.f32 v2, v0;
	_ =	sdelay $0x1  }
0x65: {  	v0 =	vadd.f32 v1, v0;
	v1 =	vmul.f32 s15, v61;
	_ =	sdelay $0x1  }
0x66: {  	v0 =	vadd.f32 v1, v0;
	_ =	sdelay $0x1  }
0x67: {  	[tilespmem:s13+$0x0] =	vst v0  }
0x68: {  	v0 =	vld [tilespmem:s6+$0xFFFFFFE0]  }
0x69: {  	v1 =	vld [tilespmem:s12+$0x50];
	_ =	sdelay $0x1  }
0x6a: {  	v2 =	vld [tilespmem:s16+$0x50];
	_ =	sdelay $0x1  }
0x6b: {  	v3 =	vld [tilespmem:s18+$0x50]  }
0x6c: {  	v0 =	vmul.f32 s19, v0;
	v1 =	vmul.f32 s20, v1  }
0x6d: {  	v62 =	vld [tilespmem:s21+$0x50]  }
0x6e: {  	v2 =	vmul.f32 s17, v2;
	v0 =	vadd.f32 v1, v0;
	_ =	sdelay $0x1  }
0x6f: {  	v1 =	vmul.f32 s14, v3;
	v0 =	vadd.f32 v2, v0;
	_ =	sdelay $0x1  }
0x70: {  	v2 =	vmul.f32 s15, v62;
	v0 =	vadd.f32 v1, v0;
	_ =	sdelay $0x1  }
0x71: {  	v0 =	vadd.f32 v2, v0;
	_ =	sdelay $0x1  }
0x72: {  	[tilespmem:s13+$0x10] =	vst v0  }
0x73: {  	v0 =	vld [tilespmem:s6+$0xFFFFFFF0]  }
0x74: {  	v1 =	vld [tilespmem:s12+$0x60];
	_ =	sdelay $0x1  }
0x75: {  	v2 =	vld [tilespmem:s16+$0x60]  }
0x76: {  	v3 =	vld [tilespmem:s18+$0x60]  }
0x77: {  	v63 =	vld [tilespmem:s21+$0x60]  }
0x78: {  	v0 =	vmul.f32 s19, v0;
	v1 =	vmul.f32 s20, v1  }
0x79: {  	s28 =	rddreg [dreg:$0x2]  }
0x7a: {  	s26 =	simm.s32 $0x2;
	s29 =	rddreg [dreg:$0x4];
	v2 =	vmul.f32 s17, v2;
	v5 =	vadd.f32 v1, v0  }
0x7b: {  	s31 =	rddreg [dreg:$0x6];
	s11 =	sadd.s32 $0x80, s6;
	s22 =	smov.u32 s6  }
0x7c: {  	s25 =	rddreg [dreg:$0x5];
	s23 =	simm.s32 $0x1;
	s10 =	simm.s32 $0xC0C0;
	v1 =	vmul.f32 s14, v3;
	v0 =	vmul.f32 s15, v63;
	v2 =	vadd.f32 v2, v5  }
.LBB2_2:
0x7d: {  	s24 =	sadd.s32 s23, s28  }
0x7e: {  	s1 =	sand.u32 $0x3F, s23;
	s30 =	rddreg [dreg:$0x3];
	s28 =	smov.u32 s26  }
0x7f: {  	s8 =	simm.s32 $0x1;
	s3 =	simm.s32 $0x2;
	s4 =	simm.s32 $0x1  }
0x80: {  	s31 =	sadd.s32 s23, s31;
	p0 =	seq.s32 s24, $0x0;
	p1 =	sne.s32 s1, $0x0  }
0x81: {  	p2 =	sne.s32 s1, $0x3F;
	s24 =	sshrl.u32 s24, $0x6;
	p5 =	slt.u32 s1, $0x2  }
0x82: {  	v1 =	vadd.f32 v1, v2;
	s0 =	simm.s32 @!p1 $0x0;
	p0 =	por !p0, !p1;
	s8 =	simm.s32 @!p1 $0x0  }
0x83: {  	s3 =	simm.s32 @!p1 $0x1;
	s0 =	simm.s32 @p1 $0x1;
	p0 =	por !p0, !p0  }
0x84: {  	p1 =	slt.u32 s1, $0x3E;
	v0 =	vadd.f32 v0, v1;
	[smem:$0x7FD] =	sst s0;
	s0 =	simm.s32 @!p2 $0x0  }
0x85: {  	s8 =	ssub.s32 s31, s8;
	s4 =	simm.s32 @!p0 $0x0;
	s0 =	simm.s32 @p2 $0x1  }
0x86: {  	s30 =	simm.s32 @!p1 $0x2;
	s4 =	ssub.s32 s24, s4;
	[tilespmem:s13+$0x20] =	vst v0;
	[smem:$0x7FB] =	sst s0  }
0x87: {  	s0 =	simm.s32 $0x1;
	p4 =	slt.s32 s4, $0x3F;
	v1 =	vld [tilespmem:s12+$0x70];
	s12 =	simm.s32 $0x1  }
0x88: {  	p1 =	sgt.s32 s4, $0x1;
	v2 =	vld [tilespmem:s16+$0x70];
	p0 =	slt.s32 s4, $0x3E;
	s16 =	simm.s32 $0x2  }
0x89: {  	s0 =	simm.s32 @!p2 $0x0;
	p2 =	sgt.s32 s4, $0x0;
	s12 =	simm.s32 @!p4 $0x0  }
0x8a: {  	s16 =	simm.s32 @!p5 $0x3;
	s4 =	sxor.u32 $0xFFFFFFFF, s4;
	s25 =	simm.s32 @!p4 $0x0  }
0x8b: {  	v0 =	vld [tilespmem:s22+$0x0];
	s23 =	sadd.s32 s0, s31;
	s0 =	sadd.s32 s0, s3;
	s3 =	simm.s32 $0x1  }
0x8c: {  	s22 =	simm.s32 @!p2 $0x0;
	s29 =	simm.s32 @!p2 $0x0;
	s4 =	sshrl.u32 s4, $0x1F  }
0x8d: {  	s23 =	sshll.u32 s23, $0x9;
	s3 =	simm.s32 @!p2 $0x0;
	s22 =	simm.s32 @p2 $0x1  }
0x8e: {  	[smem:$0x7FC] =	sst s22;
	s1 =	sadd.s32 s3, s12;
	s3 =	simm.s32 $0x1  }
0x8f: {  	s22 =	sshll.u32 s8, $0x9;
	s12 =	sadd.s32 s29, s31;
	s3 =	simm.s32 @!p1 $0x0  }
0x90: {  	v4 =	vld [tilespmem:s18+$0x70];
	s8 =	sshll.u32 s12, $0x9;
	v0 =	vmul.f32 s19, v0;
	v1 =	vmul.f32 s20, v1;
	s19 =	sadd.s32 s25, s31;
	s20 =	sadd.s32 s0, s1  }
0x91: {  	v3 =	vld [tilespmem:s21+$0x70];
	s21 =	sadd.s32 s16, s1;
	s1 =	sadd.s32 s30, s1;
	s18 =	sshra.s32 s22, $0x2  }
0x92: {  	v2 =	vmul.f32 s17, v2;
	s17 =	simm.f32 $5.000000000e-01;
	s25 =	sld [smem:$0x7FB];
	s3 =	sadd.s32 s3, s0  }
0x93: {  	s12 =	sshra.s32 s8, $0x2;
	s8 =	simm.s32 $0x1;
	s0 =	sadd.s32 s4, s0;
	v0 =	vadd.f32 v1, v0  }
0x94: {  	p5 =	seq.s32 s20, $0x5;
	p2 =	seq.s32 s20, $0x4;
	p6 =	seq.s32 s21, $0x5  }
0x95: {  	s24 =	sshll.u32 s19, $0x9;
	s4 =	simm.f32 $5.000000000e-01;
	s20 =	simm.f32 $5.000000000e-01;
	v0 =	vadd.f32 v2, v0;
	v2 =	vmul.f32 s14, v4  }
0x96: {  	s8 =	simm.s32 @!p0 $0x0;
	s3 =	sadd.s32 $0x1, s3;
	p0 =	seq.s32 s21, $0x4  }
0x97: {  	v1 =	vmul.f32 s15, v3;
	s16 =	sshra.s32 s24, $0x2;
	s24 =	sadd.s32 $0x1, s26;
	s0 =	sadd.s32 s8, s0;
	v0 =	vadd.f32 v2, v0  }
0x98: {  	p1 =	seq.s32 s3, $0x4;
	s4 =	simm.s32 @!p0 $0x3F13CD3A;
	s8 =	simm.f32 $5.000000000e-01  }
0x99: {  	p0 =	seq.s32 s1, $0x4;
	p3 =	seq.s32 s0, $0x4;
	s8 =	simm.s32 @!p2 $0x3F13CD3A;
	v0 =	vadd.f32 v1, v0  }
0x9a: {  	s20 =	simm.s32 @!p1 $0x3F13CD3A;
	s4 =	simm.s32 @p6 $0x3EE4F92E;
	s8 =	simm.s32 @p5 $0x3EE4F92E  }
0x9b: {  	p1 =	seq.s32 s0, $0x5;
	s14 =	smul.f32 s4, s8;
	s4 =	simm.f32 $5.000000000e-01;
	[tilespmem:s13+$0x30] =	vst v0  }
0x9c: {  	p2 =	seq.s32 s3, $0x5;
	s4 =	simm.s32 @!p0 $0x3F13CD3A;
	p0 =	seq.s32 s1, $0x5;
	v0 =	vld [tilespmem:s12+$0x0]  }
0x9d: {  	s4 =	simm.s32 @p0 $0x3EE4F92E;
	p0 =	sne.s32 s26, $0xFF;
	s26 =	sld [smem:$0x7FC];
	v2 =	vld [tilespmem:s11+$0xFFFFFF90]  }
0x9e: {  	s17 =	simm.s32 @!p3 $0x3F13CD3A;
	s20 =	simm.s32 @p2 $0x3EE4F92E;
	s15 =	smul.f32 s4, s8  }
0x9f: {  	s17 =	simm.s32 @p1 $0x3EE4F92E;
	s20 =	smul.f32 s8, s20;
	p1 =	seq.s32 s25, $0x1;
	v3 =	vld [tilespmem:s16+$0x0]  }
0xa0: {  	s19 =	smul.f32 s8, s8;
	s15 =	simm.s32 @!p1 $0x0;
	p1 =	seq.s32 s26, $0x1  }
0xa1: {  	s30 =	sld [smem:$0x7FD];
	s17 =	smul.f32 s17, s8;
	v57 =	vld [tilespmem:s18+$0x0];
	s20 =	simm.s32 @!p1 $0x0  }
0xa2: {  	s21 =	sshra.s32 s23, $0x2;
	v0 =	vmul.f32 s20, v0;
	v2 =	vmul.f32 s19, v2  }
0xa3: {  	s17 =	simm.s32 @!p4 $0x0;
	v1 =	vld [tilespmem:s21+$0x0]  }
0xa4: {  	p1 =	seq.s32 s30, $0x1;
	v0 =	vadd.f32 v0, v2;
	v2 =	vmul.f32 s17, v3  }
0xa5: {  	s14 =	simm.s32 @!p1 $0x0  }
0xa6: {  	v3 =	vmul.f32 s14, v57;
	v0 =	vadd.f32 v2, v0;
	_ =	sdelay $0x1  }
0xa7: {  	v1 =	vmul.f32 s15, v1;
	v0 =	vadd.f32 v3, v0;
	_ =	sdelay $0x1  }
0xa8: {  	v0 =	vadd.f32 v1, v0;
	_ =	sdelay $0x1  }
0xa9: {  	[tilespmem:s10+$0xFFFFFFC0] =	vst v0  }
0xaa: {  	v0 =	vld [tilespmem:s11+$0xFFFFFFA0]  }
0xab: {  	v1 =	vld [tilespmem:s12+$0x10];
	_ =	sdelay $0x1  }
0xac: {  	v2 =	vld [tilespmem:s16+$0x10];
	_ =	sdelay $0x1  }
0xad: {  	v3 =	vld [tilespmem:s18+$0x10]  }
0xae: {  	v0 =	vmul.f32 s19, v0;
	v1 =	vmul.f32 s20, v1  }
0xaf: {  	v58 =	vld [tilespmem:s21+$0x10]  }
0xb0: {  	v2 =	vmul.f32 s17, v2;
	v0 =	vadd.f32 v1, v0;
	_ =	sdelay $0x1  }
0xb1: {  	v1 =	vmul.f32 s14, v3;
	v0 =	vadd.f32 v2, v0;
	_ =	sdelay $0x1  }
0xb2: {  	v0 =	vadd.f32 v1, v0;
	v1 =	vmul.f32 s15, v58;
	_ =	sdelay $0x1  }
0xb3: {  	v0 =	vadd.f32 v1, v0;
	_ =	sdelay $0x1  }
0xb4: {  	[tilespmem:s10+$0xFFFFFFD0] =	vst v0  }
0xb5: {  	v1 =	vld [tilespmem:s11+$0xFFFFFFB0]  }
0xb6: {  	v2 =	vld [tilespmem:s12+$0x20];
	_ =	sdelay $0x1  }
0xb7: {  	v0 =	vld [tilespmem:s16+$0x20];
	_ =	sdelay $0x1  }
0xb8: {  	v3 =	vld [tilespmem:s18+$0x20]  }
0xb9: {  	v1 =	vmul.f32 s19, v1;
	v2 =	vmul.f32 s20, v2  }
0xba: {  	v59 =	vld [tilespmem:s21+$0x20]  }
0xbb: {  	v0 =	vmul.f32 s17, v0;
	v1 =	vadd.f32 v2, v1;
	_ =	sdelay $0x1  }
0xbc: {  	v2 =	vmul.f32 s14, v3;
	v0 =	vadd.f32 v0, v1;
	_ =	sdelay $0x1  }
0xbd: {  	v1 =	vmul.f32 s15, v59;
	v0 =	vadd.f32 v2, v0;
	_ =	sdelay $0x1  }
0xbe: {  	v0 =	vadd.f32 v1, v0;
	_ =	sdelay $0x1  }
0xbf: {  	[tilespmem:s10+$0xFFFFFFE0] =	vst v0  }
0xc0: {  	v0 =	vld [tilespmem:s11+$0xFFFFFFC0]  }
0xc1: {  	v1 =	vld [tilespmem:s12+$0x30];
	_ =	sdelay $0x1  }
0xc2: {  	v2 =	vld [tilespmem:s16+$0x30];
	_ =	sdelay $0x1  }
0xc3: {  	v3 =	vld [tilespmem:s18+$0x30]  }
0xc4: {  	v0 =	vmul.f32 s19, v0;
	v1 =	vmul.f32 s20, v1  }
0xc5: {  	v60 =	vld [tilespmem:s21+$0x30]  }
0xc6: {  	v0 =	vadd.f32 v1, v0;
	v1 =	vmul.f32 s17, v2;
	_ =	sdelay $0x1  }
0xc7: {  	v0 =	vadd.f32 v1, v0;
	v1 =	vmul.f32 s14, v3;
	_ =	sdelay $0x1  }
0xc8: {  	v0 =	vadd.f32 v1, v0;
	v1 =	vmul.f32 s15, v60;
	_ =	sdelay $0x1  }
0xc9: {  	v0 =	vadd.f32 v1, v0;
	_ =	sdelay $0x1  }
0xca: {  	[tilespmem:s10+$0xFFFFFFF0] =	vst v0  }
0xcb: {  	v0 =	vld [tilespmem:s11+$0xFFFFFFD0]  }
0xcc: {  	v1 =	vld [tilespmem:s12+$0x40];
	_ =	sdelay $0x1  }
0xcd: {  	v2 =	vld [tilespmem:s16+$0x40];
	_ =	sdelay $0x1  }
0xce: {  	v3 =	vld [tilespmem:s18+$0x40]  }
0xcf: {  	v0 =	vmul.f32 s19, v0;
	v1 =	vmul.f32 s20, v1  }
0xd0: {  	v61 =	vld [tilespmem:s21+$0x40]  }
0xd1: {  	v2 =	vmul.f32 s17, v2;
	v0 =	vadd.f32 v1, v0;
	_ =	sdelay $0x1  }
0xd2: {  	v1 =	vmul.f32 s14, v3;
	v0 =	vadd.f32 v2, v0;
	_ =	sdelay $0x1  }
0xd3: {  	v0 =	vadd.f32 v1, v0;
	v1 =	vmul.f32 s15, v61;
	_ =	sdelay $0x1  }
0xd4: {  	v0 =	vadd.f32 v1, v0;
	_ =	sdelay $0x1  }
0xd5: {  	[tilespmem:s10+$0x0] =	vst v0  }
0xd6: {  	v0 =	vld [tilespmem:s11+$0xFFFFFFE0]  }
0xd7: {  	v1 =	vld [tilespmem:s12+$0x50];
	_ =	sdelay $0x1  }
0xd8: {  	v2 =	vld [tilespmem:s16+$0x50];
	_ =	sdelay $0x1  }
0xd9: {  	v3 =	vld [tilespmem:s18+$0x50]  }
0xda: {  	v0 =	vmul.f32 s19, v0;
	v1 =	vmul.f32 s20, v1  }
0xdb: {  	v62 =	vld [tilespmem:s21+$0x50]  }
0xdc: {  	v2 =	vmul.f32 s17, v2;
	v0 =	vadd.f32 v1, v0;
	_ =	sdelay $0x1  }
0xdd: {  	v1 =	vmul.f32 s14, v3;
	v0 =	vadd.f32 v2, v0;
	_ =	sdelay $0x1  }
0xde: {  	v3 =	vmul.f32 s15, v62;
	v0 =	vadd.f32 v1, v0;
	_ =	sdelay $0x1  }
0xdf: {  	v0 =	vadd.f32 v3, v0;
	_ =	sdelay $0x1  }
0xe0: {  	[tilespmem:s10+$0x10] =	vst v0  }
0xe1: {  	v0 =	vld [tilespmem:s11+$0xFFFFFFF0]  }
0xe2: {  	v1 =	vld [tilespmem:s12+$0x60];
	_ =	sdelay $0x1  }
0xe3: {  	v2 =	vld [tilespmem:s16+$0x60]  }
0xe4: {  	v3 =	vld [tilespmem:s18+$0x60]  }
0xe5: {  	v63 =	vld [tilespmem:s21+$0x60]  }
.Ltmp0:
0xe6: {  	s29 =	rddreg [dreg:$0x4];
	v0 =	vmul.f32 s19, v0;
	v1 =	vmul.f32 s20, v1;
	(pc) =	sbr.rel @p0 .LBB2_2-.Ltmp0, $4  }
0xe7: {  	s31 =	rddreg [dreg:$0x6]  }
0xe8: {  	s23 =	smov.u32 s28;
	s28 =	rddreg [dreg:$0x2];
	v2 =	vmul.f32 s17, v2;
	v5 =	vadd.f32 v1, v0  }
0xe9: {  	s22 =	smov.u32 s11;
	s25 =	rddreg [dreg:$0x5];
	s13 =	smov.u32 s10  }
0xea: {  	s26 =	smov.u32 s24;
	s10 =	sadd.s32 $0x80, s10;
	s11 =	sadd.s32 $0x80, s11;
	v1 =	vmul.f32 s14, v3;
	v0 =	vmul.f32 s15, v63;
	v2 =	vadd.f32 v2, v5  }
0xeb: {  	s0 =	sadd.s32 s23, s28  }
0xec: {  	s1 =	sand.u32 $0x3F, s23;
	s24 =	rddreg [dreg:$0x3];
	s3 =	simm.s32 $0x1;
	v1 =	vadd.f32 v1, v2  }
0xed: {  	s4 =	sadd.s32 s23, s31;
	s8 =	simm.s32 $0x1;
	p2 =	seq.s32 s0, $0x0  }
0xee: {  	p0 =	sne.s32 s1, $0x0;
	p1 =	sne.s32 s1, $0x3F;
	s0 =	sshrl.u32 s0, $0x6;
	v0 =	vadd.f32 v0, v1  }
0xef: {  	p5 =	slt.u32 s1, $0x3E;
	p4 =	slt.u32 s1, $0x2;
	p2 =	por !p2, !p0  }
0xf0: {  	s1 =	simm.s32 $0x2;
	s8 =	simm.s32 @!p1 $0x0;
	p2 =	por !p2, !p2;
	[tilespmem:s13+$0x20] =	vst v0  }
0xf1: {  	s1 =	simm.s32 @!p0 $0x1;
	s24 =	simm.s32 @!p5 $0x2;
	s3 =	simm.s32 @!p2 $0x0;
	v0 =	vld [tilespmem:s22+$0x0]  }
0xf2: {  	s1 =	sadd.s32 s8, s1;
	s8 =	sadd.s32 s8, s4;
	s0 =	ssub.s32 s0, s3;
	v10 =	vld [tilespmem:s12+$0x70]  }
0xf3: {  	s8 =	sshll.u32 s8, $0x9;
	s3 =	simm.s32 $0x1;
	p3 =	sgt.s32 s0, $0x0  }
0xf4: {  	p2 =	slt.s32 s0, $0x3F;
	s22 =	simm.s32 $0x1;
	s12 =	simm.s32 $0x1;
	v11 =	vld [tilespmem:s16+$0x70]  }
0xf5: {  	s3 =	simm.s32 @!p0 $0x0;
	p6 =	sgt.s32 s0, $0x1;
	p5 =	slt.s32 s0, $0x3E  }
0xf6: {  	v3 =	vld [tilespmem:s18+$0x70];
	s0 =	sxor.u32 $0xFFFFFFFF, s0;
	s22 =	simm.s32 @!p3 $0x0;
	s12 =	simm.s32 @!p2 $0x0  }
0xf7: {  	s3 =	ssub.s32 s4, s3;
	s29 =	simm.s32 @!p3 $0x0;
	s25 =	simm.s32 @!p2 $0x0;
	v0 =	vmul.f32 s19, v0;
	v1 =	vmul.f32 s20, v10  }
0xf8: {  	v4 =	vld [tilespmem:s21+$0x70];
	s0 =	sshrl.u32 s0, $0x1F;
	s28 =	sadd.s32 s22, s12;
	s12 =	simm.s32 $0x1  }
0xf9: {  	s30 =	sadd.s32 s29, s4;
	s4 =	sadd.s32 s25, s4;
	s0 =	sadd.s32 s0, s1;
	v2 =	vmul.f32 s17, v11;
	v0 =	vadd.f32 v1, v0  }
0xfa: {  	s3 =	sshll.u32 s3, $0x9;
	s29 =	sshra.s32 s8, $0x2;
	s12 =	simm.s32 @!p6 $0x0  }
0xfb: {  	s18 =	sshll.u32 s30, $0x9;
	s4 =	sshll.u32 s4, $0x9;
	s25 =	sadd.s32 s24, s28;
	v12 =	vmul.f32 s14, v3;
	v0 =	vadd.f32 v2, v0  }
0xfc: {  	s31 =	sadd.s32 s12, s1;
	s12 =	sshra.s32 s18, $0x2;
	s1 =	sadd.s32 s1, s28  }
0xfd: {  	s23 =	sshra.s32 s4, $0x2;
	s20 =	simm.s32 $0x2;
	s17 =	simm.s32 $0x1;
	v13 =	vmul.f32 s15, v4;
	v0 =	vadd.f32 v12, v0  }
0xfe: {  	s21 =	sadd.s32 $0x1, s31;
	s20 =	simm.s32 @!p4 $0x3;
	s17 =	simm.s32 @!p5 $0x0  }
0xff: {  	p4 =	seq.s32 s1, $0x5;
	p5 =	seq.s32 s1, $0x4;
	s1 =	simm.f32 $5.000000000e-01;
	v0 =	vadd.f32 v13, v0  }
0x100: {  	s0 =	sadd.s32 s17, s0;
	s22 =	sadd.s32 s20, s28;
	s20 =	simm.f32 $5.000000000e-01  }
0x101: {  	s17 =	simm.f32 $5.000000000e-01;
	p6 =	seq.s32 s22, $0x4;
	s20 =	simm.s32 @!p5 $0x3F13CD3A;
	[tilespmem:s13+$0x30] =	vst v0  }
0x102: {  	p5 =	seq.s32 s21, $0x4;
	s1 =	simm.s32 @!p6 $0x3F13CD3A;
	p6 =	seq.s32 s0, $0x4;
	v0 =	vld [tilespmem:s12+$0x0]  }
0x103: {  	s17 =	simm.s32 @!p5 $0x3F13CD3A;
	s20 =	simm.s32 @p4 $0x3EE4F92E;
	p4 =	seq.s32 s21, $0x5;
	v14 =	vld [tilespmem:s11+$0xFFFFFF90]  }
0x104: {  	p5 =	seq.s32 s0, $0x5;
	s0 =	simm.f32 $5.000000000e-01;
	s17 =	simm.s32 @p4 $0x3EE4F92E  }
0x105: {  	s26 =	sshra.s32 s3, $0x2;
	s0 =	simm.s32 @!p6 $0x3F13CD3A;
	s13 =	smul.f32 s20, s17;
	v15 =	vld [tilespmem:s23+$0x0]  }
0x106: {  	p4 =	seq.s32 s22, $0x5;
	s28 =	smul.f32 s20, s20;
	s0 =	simm.s32 @p5 $0x3EE4F92E  }
0x107: {  	s1 =	simm.s32 @p4 $0x3EE4F92E;
	s17 =	smul.f32 s0, s20;
	v16 =	vld [tilespmem:s26+$0x0];
	s13 =	simm.s32 @!p3 $0x0  }
0x108: {  	s3 =	simm.f32 $5.000000000e-01;
	s19 =	smul.f32 s1, s20;
	p3 =	seq.s32 s25, $0x4;
	v0 =	vmul.f32 s13, v0;
	v1 =	vmul.f32 s28, v14  }
0x109: {  	v17 =	vld [tilespmem:s29+$0x0];
	s17 =	simm.s32 @!p2 $0x0;
	s3 =	simm.s32 @!p3 $0x3F13CD3A;
	p3 =	seq.s32 s25, $0x5  }
0x10a: {  	s3 =	simm.s32 @p3 $0x3EE4F92E;
	v18 =	vmul.f32 s17, v15;
	v0 =	vadd.f32 v0, v1  }
0x10b: {  	s19 =	simm.s32 @!p0 $0x0;
	s20 =	smul.f32 s3, s20  }
0x10c: {  	v19 =	vmul.f32 s19, v16;
	v0 =	vadd.f32 v18, v0  }
0x10d: {  	s20 =	simm.s32 @!p1 $0x0  }
0x10e: {  	v20 =	vmul.f32 s20, v17;
	v0 =	vadd.f32 v19, v0;
	_ =	sdelay $0x1  }
0x10f: {  	v0 =	vadd.f32 v20, v0;
	_ =	sdelay $0x1  }
0x110: {  	[tilespmem:s10+$0xFFFFFFC0] =	vst v0  }
0x111: {  	v0 =	vld [tilespmem:s11+$0xFFFFFFA0]  }
0x112: {  	v21 =	vld [tilespmem:s12+$0x10];
	_ =	sdelay $0x1  }
0x113: {  	v22 =	vld [tilespmem:s23+$0x10];
	_ =	sdelay $0x1  }
0x114: {  	v23 =	vld [tilespmem:s26+$0x10]  }
0x115: {  	v0 =	vmul.f32 s28, v0;
	v1 =	vmul.f32 s13, v21  }
0x116: {  	v24 =	vld [tilespmem:s29+$0x10]  }
0x117: {  	v2 =	vmul.f32 s17, v22;
	v0 =	vadd.f32 v1, v0;
	_ =	sdelay $0x1  }
0x118: {  	v25 =	vmul.f32 s19, v23;
	v0 =	vadd.f32 v2, v0;
	_ =	sdelay $0x1  }
0x119: {  	v26 =	vmul.f32 s20, v24;
	v0 =	vadd.f32 v25, v0;
	_ =	sdelay $0x1  }
0x11a: {  	v0 =	vadd.f32 v26, v0;
	_ =	sdelay $0x1  }
0x11b: {  	[tilespmem:s10+$0xFFFFFFD0] =	vst v0  }
0x11c: {  	v0 =	vld [tilespmem:s11+$0xFFFFFFB0]  }
0x11d: {  	v27 =	vld [tilespmem:s12+$0x20];
	_ =	sdelay $0x1  }
0x11e: {  	v28 =	vld [tilespmem:s23+$0x20];
	_ =	sdelay $0x1  }
0x11f: {  	v29 =	vld [tilespmem:s26+$0x20]  }
0x120: {  	v0 =	vmul.f32 s28, v0;
	v1 =	vmul.f32 s13, v27  }
0x121: {  	v30 =	vld [tilespmem:s29+$0x20]  }
0x122: {  	v2 =	vmul.f32 s17, v28;
	v0 =	vadd.f32 v1, v0;
	_ =	sdelay $0x1  }
0x123: {  	v31 =	vmul.f32 s19, v29;
	v0 =	vadd.f32 v2, v0;
	_ =	sdelay $0x1  }
0x124: {  	v32 =	vmul.f32 s20, v30;
	v0 =	vadd.f32 v31, v0;
	_ =	sdelay $0x1  }
0x125: {  	v0 =	vadd.f32 v32, v0;
	_ =	sdelay $0x1  }
0x126: {  	[tilespmem:s10+$0xFFFFFFE0] =	vst v0  }
0x127: {  	v0 =	vld [tilespmem:s11+$0xFFFFFFC0]  }
0x128: {  	v33 =	vld [tilespmem:s12+$0x30];
	_ =	sdelay $0x1  }
0x129: {  	v34 =	vld [tilespmem:s23+$0x30];
	_ =	sdelay $0x1  }
0x12a: {  	v35 =	vld [tilespmem:s26+$0x30]  }
0x12b: {  	v0 =	vmul.f32 s28, v0;
	v1 =	vmul.f32 s13, v33  }
0x12c: {  	v36 =	vld [tilespmem:s29+$0x30]  }
0x12d: {  	v37 =	vmul.f32 s17, v34;
	v0 =	vadd.f32 v1, v0;
	_ =	sdelay $0x1  }
0x12e: {  	v38 =	vmul.f32 s19, v35;
	v0 =	vadd.f32 v37, v0;
	_ =	sdelay $0x1  }
0x12f: {  	v39 =	vmul.f32 s20, v36;
	v0 =	vadd.f32 v38, v0;
	_ =	sdelay $0x1  }
0x130: {  	v0 =	vadd.f32 v39, v0;
	_ =	sdelay $0x1  }
0x131: {  	[tilespmem:s10+$0xFFFFFFF0] =	vst v0  }
0x132: {  	v0 =	vld [tilespmem:s11+$0xFFFFFFD0]  }
0x133: {  	v40 =	vld [tilespmem:s12+$0x40];
	_ =	sdelay $0x1  }
0x134: {  	v41 =	vld [tilespmem:s23+$0x40];
	_ =	sdelay $0x1  }
0x135: {  	v42 =	vld [tilespmem:s26+$0x40]  }
0x136: {  	v0 =	vmul.f32 s28, v0;
	v1 =	vmul.f32 s13, v40  }
0x137: {  	v43 =	vld [tilespmem:s29+$0x40]  }
0x138: {  	v2 =	vmul.f32 s17, v41;
	v0 =	vadd.f32 v1, v0;
	_ =	sdelay $0x1  }
0x139: {  	v44 =	vmul.f32 s19, v42;
	v0 =	vadd.f32 v2, v0;
	_ =	sdelay $0x1  }
0x13a: {  	v45 =	vmul.f32 s20, v43;
	v0 =	vadd.f32 v44, v0;
	_ =	sdelay $0x1  }
0x13b: {  	v0 =	vadd.f32 v45, v0;
	_ =	sdelay $0x1  }
0x13c: {  	[tilespmem:s10+$0x0] =	vst v0  }
0x13d: {  	v0 =	vld [tilespmem:s11+$0xFFFFFFE0]  }
0x13e: {  	v46 =	vld [tilespmem:s12+$0x50];
	_ =	sdelay $0x1  }
0x13f: {  	v47 =	vld [tilespmem:s23+$0x50];
	_ =	sdelay $0x1  }
0x140: {  	v48 =	vld [tilespmem:s26+$0x50]  }
0x141: {  	v0 =	vmul.f32 s28, v0;
	v1 =	vmul.f32 s13, v46  }
0x142: {  	v49 =	vld [tilespmem:s29+$0x50]  }
0x143: {  	v2 =	vmul.f32 s17, v47;
	v0 =	vadd.f32 v1, v0;
	_ =	sdelay $0x1  }
0x144: {  	v50 =	vmul.f32 s19, v48;
	v0 =	vadd.f32 v2, v0;
	_ =	sdelay $0x1  }
0x145: {  	v51 =	vmul.f32 s20, v49;
	v0 =	vadd.f32 v50, v0;
	_ =	sdelay $0x1  }
0x146: {  	v0 =	vadd.f32 v51, v0;
	_ =	sdelay $0x1  }
0x147: {  	[tilespmem:s10+$0x10] =	vst v0  }
0x148: {  	v0 =	vld [tilespmem:s11+$0xFFFFFFF0]  }
0x149: {  	v52 =	vld [tilespmem:s12+$0x60];
	_ =	sdelay $0x1  }
0x14a: {  	v53 =	vld [tilespmem:s23+$0x60];
	_ =	sdelay $0x1  }
0x14b: {  	v54 =	vld [tilespmem:s26+$0x60]  }
0x14c: {  	v0 =	vmul.f32 s28, v0;
	v1 =	vmul.f32 s13, v52  }
0x14d: {  	v55 =	vld [tilespmem:s29+$0x60]  }
0x14e: {  	v2 =	vmul.f32 s17, v53;
	v0 =	vadd.f32 v1, v0;
	_ =	sdelay $0x1  }
0x14f: {  	v56 =	vmul.f32 s19, v54;
	v0 =	vadd.f32 v2, v0;
	_ =	sdelay $0x1  }
0x150: {  	v57 =	vmul.f32 s20, v55;
	v0 =	vadd.f32 v56, v0;
	_ =	sdelay $0x1  }
0x151: {  	v0 =	vadd.f32 v57, v0;
	_ =	sdelay $0x1  }
0x152: {  	[tilespmem:s10+$0x20] =	vst v0  }
0x153: {  	v0 =	vld [tilespmem:s11+$0x0]  }
0x154: {  	v58 =	vld [tilespmem:s12+$0x70];
	_ =	sdelay $0x1  }
0x155: {  	v59 =	vld [tilespmem:s23+$0x70];
	_ =	sdelay $0x1  }
0x156: {  	v60 =	vld [tilespmem:s26+$0x70]  }
0x157: {  	v0 =	vmul.f32 s28, v0;
	v1 =	vmul.f32 s13, v58  }
0x158: {  	v61 =	vld [tilespmem:s29+$0x70]  }
0x159: {  	v2 =	vmul.f32 s17, v59;
	v0 =	vadd.f32 v1, v0;
	_ =	sdelay $0x1  }
0x15a: {  	v62 =	vmul.f32 s19, v60;
	v0 =	vadd.f32 v2, v0;
	_ =	sdelay $0x1  }
0x15b: {  	v63 =	vmul.f32 s20, v61;
	v0 =	vadd.f32 v62, v0;
	_ =	sdelay $0x1  }
0x15c: {  	s9 =	sadd.s32 $0x1, s9;
	v0 =	vadd.f32 v63, v0  }
0x15d: {  	p0 =	sne.s32 s9, s5  }
.Ltmp1:
0x15e: {  	s30 =	rddreg [dreg:$0x8];
	s31 =	simm.s32 $0xC000;
	[tilespmem:s10+$0x30] =	vst v0;
	(pc) =	sbr.rel @p0 .LBB2_1-.Ltmp1, $4  }
0x15f: {  	[hbm4b:s30+s2] =	stream.linear.scatter [tilespmem:s31], [sflag:$0x1], $0x8000, $0x38;
	[tilespmem:$0x14000] =	vst v63  }
0x160: {  	_ =	swait.ge [sflag:s7], $0x8000  }
0x161: {  	[sflag:s7] =	ssyncset.done $0x0  }
0x162: {  	[sflag:s7] =	ssyncadd.s32 $0xFFFF8000  }
0x163: {  	_ =	sfence.sel $0x180000  }
0x164: {  	[bflag:$0x0] =	sbarrier.arrive $0xFFFF  }
0x165: {  	_ =	strace $0x9000004D  }
0x166: {  	s0 =	stileid.u32;
	[bflag:$0x2] =	sbarrier.arrive $0xFFFF  }
0x167: {  	p0 =	sne.s32 s0, $0x0;
	s0 =	rddreg [dreg:$0x1]  }
0x168: {  	s0 =	sadd.s32 @!p0 $0x100000, s0  }
0x169: {  	[sflag:s0] =	ssyncadd.tile.s32 @!p0 $0x1;
	_ =	shalt  }
.Lfunc_end2:
_tile_overlayer_lowered:
.L_overlay_start_2:
0x16a: {  	(tag) =	ssettag $0x2  }
0x16b: {  	s0 =	rddreg [dreg:$0x0];
	s2 =	stileid.u32  }
0x16c: {  	s1 =	rddreg [dreg:$0x1];
	p0 =	sne.s32 s2, $0x0  }
0x16d: {  	s3 =	rddreg [dreg:$0x2];
	[bflag:$0x3] =	sbarrier.arrive $0xFFFF;
	s2 =	simm.s32 @!p0 $0x1C01  }
0x16e: {  	[timem:s3], [sflag:s2] =	dma.local @!p0 [hbm:s0], s1  }
0x16f: {  	s0 =	simm.s32 @!p0 $0x1  }
0x170: {  	_ =	swait.ge @!p0 [sflag:s0], s1  }
0x171: {  	s1 =	ssub.s32 @!p0 $0x0, s1;
	[sflag:s0] =	ssyncset.done @!p0 $0x0  }
0x172: {  	[sflag:s0] =	ssyncadd.s32 @!p0 s1  }
0x173: {  	[bflag:$0x3] =	sbarrier.arrive $0xFFFF  }
0x174: {  	_ =	shalt  }

// kernel: _run.22.cloned.1.call-start
scs
__scs_entry_jumppad:
0x0: {  	(pc) =	sbr.rel $0x88, $3  }
0x1: {  	(tag) =	ssettag $0x0;
	lr =	simm.s32 $0x1  }
0x2: {  	[smem:$0x3F94] =	sst lr;
	_ =	strace $0xD0000000  }
0x3: {  	_ = 	snop  }
0x4: {  	_ = 	snop  }
0x5: {  	_ = 	snop  }
0x6: {  	_ = 	snop  }
0x7: {  	_ = 	snop  }
__scs_overlays_trampoline_lowered:
0x8: {  	[smem:$0x3FA3] =	sst s0  }
0x9: {  	[smem:$0x3FA4] =	sst s1  }
0xa: {  	[smem:$0x3FA5] =	sst s2  }
0xb: {  	[smem:$0x3FA6] =	sst s3  }
0xc: {  	[smem:$0x3FA7] =	sst s4  }
0xd: {  	[smem:$0x3FA8] =	sst s5  }
0xe: {  	[smem:$0x3FA9] =	sst s6  }
0xf: {  	[smem:$0x3FAA] =	sst s7  }
0x10: {  	[smem:$0x3FAB] =	sst s8  }
0x11: {  	[smem:$0x3FAC] =	sst s9;
	s0 =	simm.s32 @!p0 $0x0  }
0x12: {  	s1 =	sld [smem:$0x3F92];
	s0 =	simm.s32 @p0 $0x1  }
0x13: {  	[smem:$0x3FAD] =	sst s0;
	s0 =	simm.s32 @!p1 $0x0  }
0x14: {  	s2 =	sld [smem:$0x3F91];
	s0 =	simm.s32 @p1 $0x1  }
0x15: {  	[smem:$0x3FAE] =	sst s0;
	s0 =	simm.s32 @!p2 $0x0  }
0x16: {  	s3 =	sld [smem:$0x3FDB];
	s0 =	simm.s32 @p2 $0x1  }
0x17: {  	s4 =	simm.s32 $0x1BF5;
	[smem:$0x3FB0] =	sst s0  }
0x18: {  	s0 =	sld [smem:$0x3F93];
	_ =	swait.ge [sflag:s4], $0x0  }
0x19: {  	s7 =	sld [smem:$0x3F94]  }
0x1a: {  	s8 =	sadd.s32 $0xFFFFE003, lr  }
0x1b: {  	s9 =	sadd.s32 $0xFFFFFEF7, lr;
	s5 =	simm.s32 $0xFFFFFFFF;
	p2 =	slt.u32 s8, $0xFFFFF086  }
0x1c: {  	p1 =	slt.u32 s9, $0xF7A;
	s5 =	simm.s32 @!p2 $0x0  }
0x1d: {  	s5 =	simm.s32 @p1 $0x1;
	p0 =	seq.s32 s7, s2  }
0x1e: {  	s7 =	smul.u32 @!p0 $0xF7A, s2;
	p2 =	seq.s32 @!p0 s5, $0x0  }
0x1f: {  	s9 =	smul.u32 $0xF7A, s1;
	s8 =	simm.s32 @!p0 $0x1BF5;
	p2 =	por !p2, p0  }
0x20: {  	[sflag:s8] =	ssyncset.s32 @!p0 $0xFFFFF086;
	s6 =	sadd.s32 @!p0 s3, s7;
	s7 =	simm.s32 @!p0 $0x108  }
0x21: {  	s3 =	sadd.s32 s3, s9;
	s6 =	sadd.s32 @!p0 $0x88, s6;
	s7 =	simm.s32 @p2 $0x1082  }
0x22: {  	[simem:s7], [sflag:s8] =	dma.local @!p0 [hbm:s6], $0xF7A  }
0x23: {  	s9 =	sor.u32 $0xD0000000, s2;
	s6 =	simm.s32 $0x108;
	_ =	swait.ge @!p0 [sflag:s8], $0x0  }
0x24: {  	s3 =	sadd.s32 $0x88, s3;
	s6 =	simm.s32 @!p1 $0x1082;
	[sflag:s4] =	ssyncset.s32 $0xFFFFF086  }
0x25: {  	[simem:s6], [sflag:s4] =	dma.local [hbm:s3], $0xF7A  }
0x26: {  	[smem:$0x3F94] =	sst s1;
	(tag) =	ssettag s2;
	_ =	strace s9  }
0x27: {  	s1 =	sld [smem:$0x3FA4]  }
0x28: {  	s2 =	sld [smem:$0x3FA5]  }
0x29: {  	s4 =	sld [smem:$0x3FA7]  }
0x2a: {  	p0 =	seq.s32 s5, $0x0;
	s5 =	sld [smem:$0x3FA8]  }
0x2b: {  	s6 =	sld [smem:$0x3FA9]  }
0x2c: {  	s7 =	sld [smem:$0x3FAA]  }
0x2d: {  	s3 =	simm.s32 $0x108;
	s8 =	sld [smem:$0x3FAB]  }
0x2e: {  	s3 =	simm.s32 @!p0 $0x1082;
	s9 =	sld [smem:$0x3FAC]  }
0x2f: {  	lr =	sadd.s32 s0, s3;
	s0 =	sld [smem:$0x3FA3]  }
0x30: {  	s3 =	sld [smem:$0x3FA6]  }
0x31: {  	[smem:$0x3FAF] =	sst s10  }
0x32: {  	s10 =	sld [smem:$0x3FAD];
	_ =	sdelay $0x3  }
0x33: {  	p0 =	seq.s32 s10, $0x1;
	s10 =	sld [smem:$0x3FAF];
	_ =	sdelay $0x3  }
0x34: {  	[smem:$0x3FAF] =	sst s10  }
0x35: {  	s10 =	sld [smem:$0x3FAE];
	_ =	sdelay $0x3  }
0x36: {  	p1 =	seq.s32 s10, $0x1;
	s10 =	sld [smem:$0x3FAF];
	_ =	sdelay $0x3  }
0x37: {  	[smem:$0x3FAF] =	sst s10  }
0x38: {  	s10 =	sld [smem:$0x3FB0]  }
0x39: {  	_ = 	snop;
	(pc) =	sbr.ind lr, $3  }
0x3a: {  	_ = 	snop  }
0x3b: {  	_ = 	snop  }
0x3c: {  	p2 =	seq.s32 s10, $0x1;
	s10 =	sld [smem:$0x3FAF]  }
0x3d: {  	_ =	shalt  }
0x3e: {  	_ =	shalt  }
0x3f: {  	_ =	shalt  }
0x40: {  	_ =	shalt  }
0x41: {  	_ =	shalt  }
0x42: {  	_ =	shalt  }
0x43: {  	_ =	shalt  }
0x44: {  	_ =	shalt  }
0x45: {  	_ =	shalt  }
0x46: {  	_ =	shalt  }
0x47: {  	_ =	shalt  }
0x48: {  	_ =	shalt  }
0x49: {  	_ =	shalt  }
0x4a: {  	_ =	shalt  }
0x4b: {  	_ =	shalt  }
0x4c: {  	_ =	shalt  }
0x4d: {  	_ =	shalt  }
0x4e: {  	_ =	shalt  }
0x4f: {  	_ =	shalt  }
0x50: {  	_ =	shalt  }
0x51: {  	_ =	shalt  }
0x52: {  	_ =	shalt  }
0x53: {  	_ =	shalt  }
0x54: {  	_ =	shalt  }
0x55: {  	_ =	shalt  }
0x56: {  	_ =	shalt  }
0x57: {  	_ =	shalt  }
0x58: {  	_ =	shalt  }
0x59: {  	_ =	shalt  }
0x5a: {  	_ =	shalt  }
0x5b: {  	_ =	shalt  }
0x5c: {  	_ =	shalt  }
0x5d: {  	_ =	shalt  }
0x5e: {  	_ =	shalt  }
0x5f: {  	_ =	shalt  }
0x60: {  	_ =	shalt  }
0x61: {  	_ =	shalt  }
0x62: {  	_ =	shalt  }
0x63: {  	_ =	shalt  }
0x64: {  	_ =	shalt  }
0x65: {  	_ =	shalt  }
0x66: {  	_ =	shalt  }
0x67: {  	_ =	shalt  }
0x68: {  	_ =	shalt  }
0x69: {  	_ =	shalt  }
0x6a: {  	_ =	shalt  }
0x6b: {  	_ =	shalt  }
0x6c: {  	_ =	shalt  }
0x6d: {  	_ =	shalt  }
0x6e: {  	_ =	shalt  }
0x6f: {  	_ =	shalt  }
0x70: {  	_ =	shalt  }
0x71: {  	_ =	shalt  }
0x72: {  	_ =	shalt  }
0x73: {  	_ =	shalt  }
0x74: {  	_ =	shalt  }
0x75: {  	_ =	shalt  }
0x76: {  	_ =	shalt  }
0x77: {  	_ =	shalt  }
0x78: {  	_ =	shalt  }
0x79: {  	_ =	shalt  }
0x7a: {  	_ =	shalt  }
0x7b: {  	_ =	shalt  }
0x7c: {  	_ =	shalt  }
0x7d: {  	_ =	shalt  }
0x7e: {  	_ =	shalt  }
0x7f: {  	_ =	shalt  }
0x80: {  	_ =	shalt  }
0x81: {  	_ =	shalt  }
0x82: {  	_ =	shalt  }
0x83: {  	_ =	shalt  }
0x84: {  	_ =	shalt  }
0x85: {  	_ =	shalt  }
0x86: {  	_ =	shalt  }
0x87: {  	_ =	shalt  }
.Lfunc_end0:
.L_simem_size_0:
called_computation.3_lowered:
.L_overlay_start_0:
0x88: {  	s2 =	sld [smem:$0x3FD9]  }
0x89: {  	s3 =	sld [smem:$0x3FFE];
	_ =	sdelay $0x1  }
0x8a: {  	s1 =	srdreg.scid  }
0x8b: {  	s0 =	sand.u32 $0x1, s1  }
0x8c: {  	s16 =	sshll.u32 s0, $0xA;
	s2 =	sadd.s32 s3, s2  }
0x8d: {  	s2 =	sadd.s32 s2, s16  }
0x8e: {  	[smem:$0x3FBB] =	sst s2  }
0x8f: {  	_ = 	snop  }
0x90: {  	(tm) =	ssettm $0x1  }
0x91: {  	s17 =	sld [smem:$0x3FFB];
	_ =	sdelay $0x3  }
0x92: {  	_ =	strace s17  }
0x93: {  	s2 =	sld [smem:$0x3FFC];
	_ =	sdelay $0x3  }
0x94: {  	_ =	strace s2  }
0x95: {  	s2 =	sld [smem:$0x3FFD];
	_ =	sdelay $0x3  }
0x96: {  	_ =	strace s2  }
0x97: {  	_ =	strace $0x8FFFFFFF  }
0x98: {  	s18 =	sld [smem:$0x3FDB];
	_ =	sdelay $0x1  }
0x99: {  	s19 =	simm.s32 $_scs_section_size  }
0x9a: {  	s4 =	simm.s32 $_size__tile_overlayer_lowered;
	s5 =	simm.s32 $_tile_overlayer_lowered  }
0x9b: {  	s22 =	simm.s32 $0x1BFF;
	s21 =	sshll.u32 s5, $0x1;
	s2 =	sadd.s32 s19, s18  }
0x9c: {  	s6 =	simm.s32 $0x0;
	s20 =	sshll.u32 s4, $0x1;
	s4 =	sadd.s32 s21, s2  }
0x9d: {  	[timem:s6], [sflag:s22] =	dma.local [hbm:s4], s20  }
0x9e: {  	_ =	swait.ge [sflag:s22], s20  }
0x9f: {  	s3 =	ssub.s32 $0x0, s20;
	[sflag:s22] =	ssyncset.done $0x0  }
0xa0: {  	[sflag:s22] =	ssyncadd.s32 s3;
	_ =	sdelay $0x1  }
0xa1: {  	s23 =	simm.s32 $0x1B8B  }
0xa2: {  	_ =	swait.ge [sflag:s23], $0x1  }
0xa3: {  	[sflag:s23] =	ssyncset.done $0x0  }
0xa4: {  	s25 =	simm.s32 $0x1B8E;
	s24 =	sld [smem:$0x3FFE];
	[sflag:s23] =	ssyncadd.s32 $0xFFFFFFFF  }
0xa5: {  	s26 =	simm.s32 $execute0_lowered;
	[smem:$0x3FD2] =	sst s25  }
0xa6: {  	s4 =	sshll.u32 s26, $0x1;
	_ =	strace $0x8000004F;
	[dreg:$0x1] =	wrdreg $0xFFFFFFFF  }
0xa7: {  	s28 =	simm.s32 $_size_execute0_lowered;
	s2 =	sadd.s32 s2, s4;
	[dreg:$0x0] =	wrdreg $0x0  }
0xa8: {  	s4 =	sshll.u32 s28, $0x1;
	[dreg:$0x2] =	wrdreg s2  }
0xa9: {  	[dreg:$0x3] =	wrdreg s4  }
0xaa: {  	[dreg:$0x4] =	wrdreg $0xC0  }
0xab: {  	_ =	task [dreg:s6], $0x5FFFF  }
0xac: {  	[dreg:$0x1] =	wrdreg $0xFFFFFFFF  }
0xad: {  	[dreg:$0x0] =	wrdreg $0x60  }
0xae: {  	[dreg:$0x2] =	wrdreg s24  }
0xaf: {  	[dreg:$0x3] =	wrdreg $0x9  }
0xb0: {  	_ =	task.clear_ibuf [dreg:s6], $0x4FFFF;
	_ =	strace $0x9000004F  }
0xb1: {  	s29 =	simm.s32 $0x9;
	_ =	strace $0x80000051  }
0xb2: {  	_ =	swait.ge [sflag:s29], $0x1  }
0xb3: {  	[sflag:s29] =	ssyncadd.s32 $0xFFFFFFFF  }
0xb4: {  	_ =	strace $0x90000051  }
0xb5: {  	_ =	sfence  }
0xb6: {  	s30 =	sld [smem:$0x0];
	_ =	sdelay $0x2  }
0xb7: {  	s31 =	sshll.u32 s1, $0xD;
	s1 =	sshrl.u32 s1, $0x2  }
0xb8: {  	s3 =	sand.u32 $0x4000, s31;
	s1 =	sadd.s32 s1, s30  }
0xb9: {  	s0 =	sor.u32 s3, s0;
	s1 =	sshll.u32 s1, $0x11  }
0xba: {  	s0 =	sor.u32 s1, s0  }
0xbb: {  	s0 =	sadd.s32 $0x8F2B, s0  }
0xbc: {  	[sflag:s0] =	ssyncadd.remote.s32 $0x1  }
0xbd: {  	_ =	sfence.sel $0xFFFF  }
0xbe: {  	[dreg:$0x0] =	wrdreg $0xFFFFFFFF;
	(pc) =	sbr.abs _section_cstart, $3  }
0xbf: {  	[dreg:$0x1] =	wrdreg $0xFFFFFFFF  }
0xc0: {  	_ =	task.clear_ibuf [dreg:s6], $0x2FFFF;
	_ =	strace $0x9FFFFFFF  }
0xc1: {  	(tm) =	ssettm $0x7FFFFFFF  }
tec
execute0_lowered:
.L_overlay_start_1:
0x0: {  	(tag) =	ssettag $0x1  }
0x1: {  	s4 =	rddreg [dreg:$0x0]  }
0x2: {  	s0 =	rddreg [dreg:$0x1];
	s3 =	srdreg.scid  }
0x3: {  	s1 =	stileid.u32;
	s2 =	simm.s32 $0x0;
	s29 =	simm.s32 $0x3  }
0x4: {  	s30 =	simm.s32 $0x7FFFC0;
	s31 =	simm.s32 $0x40;
	s6 =	sand.u32 $0x1, s3  }
0x5: {  	s21 =	sshll.u32 s1, $0x1;
	[smem:$0x7FF] =	sst s2;
	s3 =	sadd.s32 $0x45800, s4  }
0x6: {  	s10 =	sshll.u32 s1, $0x9;
	s24 =	sshll.u32 s1, $0x12;
	s5 =	sor.u32 s6, s21  }
0x7: {  	_ =	strace $0x80000050;
	s8 =	ssub.s32 $0x2, s6;
	[dreg:$0x3] =	wrdreg s29  }
0x8: {  	s11 =	sshll.u32 s6, $0x8;
	s6 =	sshll.u32 s6, $0x11;
	[dreg:$0x4] =	wrdreg s30  }
0x9: {  	[dreg:$0x5] =	wrdreg s31;
	s7 =	sshll.u32 s5, $0x8;
	s5 =	sshll.u32 s5, $0xC  }
0xa: {  	s9 =	sshrl.u32 s8, $0x1;
	s22 =	sor.u32 s11, s10;
	s10 =	sor.u32 s6, s24  }
0xb: {  	s11 =	simm.s32 $0x0;
	s7 =	smax.u32 s7, $0x40;
	s5 =	sadd.s32 s5, s4  }
0xc: {  	s8 =	ssub.s32 s8, s9;
	s23 =	smax.u32 s22, $0x40;
	s28 =	sand.u32 $0xF00, s22  }
0xd: {  	s7 =	smin.u32 s7, $0x1EC0;
	s5 =	sadd.s32 $0x25800, s5;
	s9 =	smin.u32 s23, $0x1EC0  }
0xe: {  	s6 =	smax.u32 s8, $0x1;
	[dreg:$0x2] =	wrdreg s28;
	s7 =	sshll.u32 s7, $0x4  }
0xf: {  	s25 =	sshll.u32 s9, $0x9;
	s9 =	ssub.s32 s22, s9;
	s4 =	sadd.s32 s4, s7  }
0x10: {  	s26 =	ssub.s32 s10, s25;
	s9 =	sadd.s32 $0x40, s9;
	s10 =	simm.s32 $0xC000  }
0x11: {  	s4 =	sadd.s32 $0x5400, s4;
	s8 =	sadd.s32 $0x8000, s26;
	[dreg:$0x6] =	wrdreg s9  }
0x12: {  	s9 =	simm.s32 $0x1;
	s7 =	sshra.s32 s8, $0x2;
	s8 =	simm.s32 $0x14000  }
.LBB2_1:
0x13: {  	[tilespmem:s8], [sflag:$0x1] =	stream.linear.gather [hbm4b:s3+s2], $0x80, $0x38;
	[tilespmem:$0x14080] =	vst v63  }
0x14: {  	s16 =	sand.u32 $0x3F, s2;
	s18 =	simm.s32 $0x2;
	_ =	swait.ge [sflag:s9], $0x80  }
0x15: {  	s19 =	simm.s32 $0x1;
	s20 =	simm.s32 $0x1;
	[sflag:s9] =	ssyncset.done $0x0  }
0x16: {  	s21 =	simm.s32 $0x1;
	s23 =	simm.s32 $0x1;
	[sflag:s9] =	ssyncadd.s32 $0xFFFFFF80  }
0x17: {  	[tilespmem:s2], [sflag:$0x1] =	stream.linear.gather [hbm4b:s4+s2], $0xC000, $0x38;
	[tilespmem:$0x14080] =	vst v63  }
0x18: {  	s24 =	simm.s32 $0x1;
	p2 =	slt.u32 s16, $0x2;
	_ =	swait.ge [sflag:s9], $0xC000  }
0x19: {  	p3 =	slt.u32 s16, $0x3E;
	p1 =	sne.s32 s16, $0x0;
	s12 =	rddreg [dreg:$0x3]  }
0x1a: {  	p0 =	sne.s32 s16, $0x3F;
	s16 =	simm.s32 $0x2;
	s13 =	rddreg [dreg:$0x5]  }
0x1b: {  	s16 =	simm.s32 @!p2 $0x3;
	s18 =	simm.s32 @!p1 $0x1;
	s14 =	rddreg [dreg:$0x4]  }
0x1c: {  	s19 =	simm.s32 @!p1 $0x0;
	s20 =	simm.s32 @!p0 $0x0;
	s15 =	rddreg [dreg:$0x2]  }
0x1d: {  	s18 =	sadd.s32 s20, s18;
	s17 =	rddreg [dreg:$0x6];
	s15 =	sadd.s32 $0x0, s15  }
0x1e: {  	[sflag:s9] =	ssyncset.done $0x0;
	s29 =	rddreg [dreg:$0x2];
	p5 =	seq.s32 s15, $0x0  }
0x1f: {  	[sflag:s9] =	ssyncadd.s32 $0xFFFF4000;
	s17 =	sadd.s32 $0x0, s17;
	p2 =	por !p5, !p1  }
0x20: {  	s12 =	simm.s32 @!p3 $0x2;
	s19 =	ssub.s32 s17, s19;
	p2 =	por !p2, !p2  }
0x21: {  	s15 =	sshrl.u32 s15, $0x6;
	s20 =	sadd.s32 s20, s17;
	s21 =	simm.s32 @!p2 $0x0  }
0x22: {  	s19 =	sshll.u32 s19, $0x9;
	s20 =	sshll.u32 s20, $0x9;
	s15 =	ssub.s32 s15, s21  }
0x23: {  	s21 =	simm.s32 $0x1;
	p4 =	slt.s32 s15, $0x3E;
	p3 =	sgt.s32 s15, $0x0  }
0x24: {  	p2 =	slt.s32 s15, $0x3F;
	s22 =	sxor.u32 $0xFFFFFFFF, s15;
	s21 =	simm.s32 @!p4 $0x0  }
0x25: {  	p4 =	sgt.s32 s15, $0x1;
	s13 =	simm.s32 @!p2 $0x0;
	s23 =	simm.s32 @!p3 $0x0  }
0x26: {  	s15 =	simm.s32 $0x1;
	s22 =	sshrl.u32 s22, $0x1F;
	s14 =	simm.s32 @!p3 $0x0  }
0x27: {  	s15 =	simm.s32 @!p2 $0x0;
	s24 =	simm.s32 @!p4 $0x0;
	s22 =	sadd.s32 s22, s18  }
0x28: {  	s13 =	sadd.s32 s13, s17;
	s14 =	sadd.s32 s14, s17;
	s15 =	sadd.s32 s23, s15  }
0x29: {  	s30 =	sadd.s32 s24, s18;
	s31 =	sadd.s32 s21, s22;
	s21 =	simm.f32 $5.000000000e-01  }
0x2a: {  	s22 =	simm.f32 $5.000000000e-01;
	s23 =	simm.f32 $5.000000000e-01;
	s16 =	sadd.s32 s16, s15  }
0x2b: {  	s12 =	sadd.s32 s12, s15;
	s15 =	sadd.s32 s18, s15;
	p4 =	seq.s32 s16, $0x4  }
0x2c: {  	s24 =	sadd.s32 $0x1, s30;
	s21 =	simm.s32 @!p4 $0x3F13CD3A;
	p4 =	seq.s32 s15, $0x4  }
0x2d: {  	s13 =	sshll.u32 s13, $0x9;
	s22 =	simm.s32 @!p4 $0x3F13CD3A;
	p4 =	seq.s32 s24, $0x4  }
0x2e: {  	s14 =	sshll.u32 s14, $0x9;
	s23 =	simm.s32 @!p4 $0x3F13CD3A;
	p4 =	seq.s32 s15, $0x5  }
0x2f: {  	v0 =	vld [tilespmem:s7+$0x0];
	s14 =	sshra.s32 s14, $0x2;
	s22 =	simm.s32 @p4 $0x3EE4F92E;
	p4 =	seq.s32 s24, $0x5  }
0x30: {  	s19 =	sshra.s32 s19, $0x2;
	s13 =	sshra.s32 s13, $0x2;
	v1 =	vld [tilespmem:s14+$0x0];
	s23 =	simm.s32 @p4 $0x3EE4F92E  }
0x31: {  	s15 =	simm.f32 $5.000000000e-01;
	p4 =	seq.s32 s31, $0x4;
	s14 =	smul.f32 s22, s23  }
0x32: {  	v2 =	vld [tilespmem:s13+$0x0];
	s25 =	smul.f32 s22, s22;
	s15 =	simm.s32 @!p4 $0x3F13CD3A;
	p4 =	seq.s32 s31, $0x5  }
0x33: {  	s15 =	simm.s32 @p4 $0x3EE4F92E;
	p4 =	seq.s32 s12, $0x4;
	s14 =	simm.s32 @!p3 $0x0  }
0x34: {  	v3 =	vld [tilespmem:s19+$0x0];
	s13 =	smul.f32 s15, s22;
	p3 =	seq.s32 s16, $0x5;
	s15 =	simm.f32 $5.000000000e-01  }
0x35: {  	s26 =	sshra.s32 s20, $0x2;
	v0 =	vmul.f32 s25, v0;
	s21 =	simm.s32 @p3 $0x3EE4F92E;
	s15 =	simm.s32 @!p4 $0x3F13CD3A;
	v1 =	vmul.f32 s14, v1  }
0x36: {  	v4 =	vld [tilespmem:s26+$0x0];
	s13 =	simm.s32 @!p2 $0x0;
	s18 =	smul.f32 s21, s22;
	p2 =	seq.s32 s12, $0x5  }
0x37: {  	s28 =	simm.s32 $0x1;
	s17 =	rddreg [dreg:$0x4];
	s15 =	simm.s32 @p2 $0x3EE4F92E;
	v0 =	vadd.f32 v1, v0;
	v60 =	vmul.f32 s13, v2  }
0x38: {  	s30 =	sand.u32 $0x3F, s28;
	s12 =	smul.f32 s15, s22;
	s18 =	simm.s32 @!p1 $0x0  }
0x39: {  	s19 =	simm.s32 $0x2;
	p5 =	sne.s32 s30, $0x0;
	s31 =	rddreg [dreg:$0x6];
	v0 =	vadd.f32 v60, v0;
	v61 =	vmul.f32 s18, v3  }
0x3a: {  	v62 =	vld [tilespmem:$0x14000];
	s19 =	simm.s32 @!p5 $0x1;
	s16 =	rddreg [dreg:$0x5];
	s12 =	simm.s32 @!p0 $0x0  }
0x3b: {  	s20 =	sadd.s32 $0x1, s31;
	s14 =	rddreg [dreg:$0x3];
	p3 =	slt.u32 s30, $0x3E;
	v0 =	vadd.f32 v61, v0;
	v63 =	vmul.f32 s12, v4  }
0x3c: {  	p4 =	sne.s32 s30, $0x3F;
	s21 =	sadd.s32 $0x1, s29;
	s14 =	simm.s32 @!p3 $0x2  }
0x3d: {  	s13 =	sadd.s32 $0x80, s7;
	p6 =	seq.s32 s21, $0x0;
	s22 =	simm.s32 $0x1;
	v0 =	vadd.f32 v63, v0  }
0x3e: {  	s15 =	simm.s32 $0x1;
	s18 =	simm.s32 $0x2;
	s22 =	simm.s32 @!p4 $0x0  }
0x3f: {  	s15 =	simm.s32 @!p5 $0x0;
	p0 =	slt.u32 s30, $0x2;
	s19 =	sadd.s32 s22, s19;
	v0 =	vadd.f32 v0, v62  }
0x40: {  	s23 =	ssub.s32 s20, s15;
	s18 =	simm.s32 @!p0 $0x3;
	p0 =	por !p6, !p5  }
0x41: {  	s15 =	simm.s32 $0x2;
	s12 =	simm.s32 $0xC000;
	p3 =	por !p0, !p0;
	[tilespmem:s10+$0x0] =	vst v0  }
.LBB2_2:
0x42: {  	s24 =	simm.s32 @!p5 $0x0  }
0x43: {  	s24 =	simm.s32 @p5 $0x1  }
0x44: {  	p0 =	sne.s32 s15, $0xFF;
	[smem:$0x7FB] =	sst s24;
	s24 =	simm.s32 @!p4 $0x0  }
0x45: {  	s21 =	sshrl.u32 s21, $0x6;
	s28 =	sshll.u32 s23, $0x9;
	s24 =	simm.s32 @p4 $0x1  }
0x46: {  	s29 =	sadd.s32 s22, s20;
	[smem:$0x7FC] =	sst s24;
	s24 =	simm.s32 @!p0 $0x0  }
0x47: {  	s25 =	simm.s32 $0x1;
	s26 =	simm.s32 $0x1;
	s24 =	simm.s32 @p0 $0x1  }
0x48: {  	s12 =	sadd.s32 $0x80, s12;
	[smem:$0x7FD] =	sst s24;
	s24 =	simm.s32 $0x1  }
0x49: {  	v0 =	vld [tilespmem:s13+$0x0];
	s13 =	sadd.s32 $0x80, s13;
	s22 =	sshra.s32 s28, $0x2;
	s24 =	simm.s32 @!p3 $0x0  }
0x4a: {  	s28 =	simm.s32 $0x1;
	s24 =	ssub.s32 s21, s24;
	s21 =	sshll.u32 s29, $0x9  }
0x4b: {  	p5 =	slt.s32 s24, $0x3E;
	p4 =	sgt.s32 s24, $0x0;
	p3 =	slt.s32 s24, $0x3F  }
0x4c: {  	s30 =	sxor.u32 $0xFFFFFFFF, s24;
	p6 =	sgt.s32 s24, $0x1;
	s24 =	simm.s32 $0x1  }
0x4d: {  	s24 =	simm.s32 @!p5 $0x0;
	s16 =	simm.s32 @!p3 $0x0;
	s25 =	simm.s32 @!p4 $0x0  }
0x4e: {  	s26 =	simm.s32 @!p3 $0x0;
	s23 =	sshrl.u32 s30, $0x1F;
	s28 =	simm.s32 @!p6 $0x0  }
0x4f: {  	s17 =	simm.s32 @!p4 $0x0;
	s23 =	sadd.s32 s23, s19;
	s25 =	sadd.s32 s25, s26  }
0x50: {  	s31 =	sadd.s32 s28, s19;
	s16 =	sadd.s32 s16, s20;
	s17 =	sadd.s32 s17, s20  }
0x51: {  	s20 =	simm.f32 $5.000000000e-01;
	s26 =	sld [smem:$0x7FC];
	s18 =	sadd.s32 s18, s25  }
0x52: {  	s14 =	sadd.s32 s14, s25;
	s28 =	sadd.s32 s19, s25;
	s29 =	sadd.s32 s24, s23  }
0x53: {  	s16 =	sshll.u32 s16, $0x9;
	s30 =	sadd.s32 $0x1, s31;
	s17 =	sshll.u32 s17, $0x9  }
0x54: {  	s19 =	simm.f32 $5.000000000e-01;
	s24 =	simm.f32 $5.000000000e-01;
	s23 =	simm.f32 $5.000000000e-01  }
0x55: {  	s25 =	sld [smem:$0x7FB];
	p0 =	seq.s32 s18, $0x4;
	p6 =	seq.s32 s28, $0x5  }
0x56: {  	p2 =	seq.s32 s28, $0x4;
	p5 =	seq.s32 s29, $0x4;
	p1 =	seq.s32 s30, $0x4  }
0x57: {  	s17 =	sshra.s32 s17, $0x2;
	s16 =	sshra.s32 s16, $0x2;
	s28 =	rddreg [dreg:$0x2]  }
0x58: {  	s19 =	simm.s32 @!p0 $0x3F13CD3A;
	s24 =	simm.s32 @!p2 $0x3F13CD3A;
	p0 =	seq.s32 s30, $0x5  }
0x59: {  	s23 =	simm.s32 @!p1 $0x3F13CD3A;
	v1 =	vld [tilespmem:s17+$0x0];
	s20 =	simm.s32 @!p5 $0x3F13CD3A;
	p1 =	seq.s32 s18, $0x5  }
0x5a: {  	s18 =	simm.f32 $5.000000000e-01;
	s24 =	simm.s32 @p6 $0x3EE4F92E;
	s23 =	simm.s32 @p0 $0x3EE4F92E  }
0x5b: {  	v2 =	vld [tilespmem:s16+$0x0];
	p0 =	seq.s32 s29, $0x5;
	s19 =	simm.s32 @p1 $0x3EE4F92E;
	s17 =	smul.f32 s24, s23  }
0x5c: {  	s31 =	smul.f32 s24, s24;
	s20 =	simm.s32 @p0 $0x3EE4F92E;
	p0 =	seq.s32 s14, $0x4  }
0x5d: {  	v3 =	vld [tilespmem:s22+$0x0];
	s23 =	sshra.s32 s21, $0x2;
	s20 =	smul.f32 s20, s24;
	s17 =	simm.s32 @!p4 $0x0  }
0x5e: {  	s29 =	sand.u32 $0x3F, s15;
	s18 =	simm.s32 @!p0 $0x3F13CD3A;
	p0 =	seq.s32 s14, $0x5;
	v4 =	vld [tilespmem:s23+$0x0];
	v0 =	vmul.f32 s31, v0;
	v1 =	vmul.f32 s17, v1  }
0x5f: {  	s18 =	simm.s32 @p0 $0x3EE4F92E;
	s20 =	simm.s32 @!p3 $0x0;
	s17 =	smul.f32 s19, s24  }
0x60: {  	p5 =	sne.s32 s29, $0x0;
	p0 =	seq.s32 s25, $0x1;
	s18 =	smul.f32 s18, s24;
	v60 =	vmul.f32 s20, v2;
	v0 =	vadd.f32 v1, v0  }
0x61: {  	s14 =	rddreg [dreg:$0x3];
	s17 =	simm.s32 @!p0 $0x0;
	p0 =	seq.s32 s26, $0x1  }
0x62: {  	s21 =	sadd.s32 s15, s28;
	s31 =	sld [smem:$0x7FD];
	v61 =	vmul.f32 s17, v3;
	s18 =	simm.s32 @!p0 $0x0;
	v0 =	vadd.f32 v60, v0  }
0x63: {  	v62 =	vld [tilespmem:$0x14000];
	p6 =	seq.s32 s21, $0x0;
	p0 =	slt.u32 s29, $0x2;
	v63 =	vmul.f32 s18, v4;
	s18 =	simm.s32 $0x2  }
0x64: {  	p3 =	slt.u32 s29, $0x3E;
	s18 =	simm.s32 @!p0 $0x3;
	p0 =	por !p6, !p5;
	v0 =	vadd.f32 v61, v0  }
0x65: {  	s14 =	simm.s32 @!p3 $0x2;
	p3 =	por !p0, !p0;
	p0 =	seq.s32 s31, $0x1  }
.Ltmp0:
0x66: {  	s22 =	simm.s32 $0x1;
	s16 =	rddreg [dreg:$0x5];
	v0 =	vadd.f32 v63, v0;
	(pc) =	sbr.rel @p0 .LBB2_2-.Ltmp0, $4  }
0x67: {  	s30 =	rddreg [dreg:$0x6];
	p4 =	sne.s32 s29, $0x3F;
	s19 =	simm.s32 $0x2  }
0x68: {  	s24 =	simm.s32 $0x1;
	s22 =	simm.s32 @!p4 $0x0;
	s19 =	simm.s32 @!p5 $0x1;
	v0 =	vadd.f32 v0, v62  }
0x69: {  	s24 =	simm.s32 @!p5 $0x0;
	s20 =	sadd.s32 s15, s30;
	s15 =	sadd.s32 $0x1, s15  }
0x6a: {  	s19 =	sadd.s32 s22, s19;
	s23 =	ssub.s32 s20, s24;
	s17 =	rddreg [dreg:$0x4];
	[tilespmem:s12+$0x0] =	vst v0  }
0x6b: {  	s15 =	simm.s32 $0x1;
	s21 =	sshrl.u32 s21, $0x6;
	s28 =	sshll.u32 s23, $0x9  }
0x6c: {  	s22 =	sadd.s32 s22, s20;
	s25 =	simm.s32 $0x1;
	s15 =	simm.s32 @!p3 $0x0  }
0x6d: {  	s26 =	simm.s32 $0x1;
	s23 =	sshra.s32 s28, $0x2;
	s21 =	ssub.s32 s21, s15  }
0x6e: {  	s15 =	sshll.u32 s22, $0x9;
	s22 =	simm.s32 $0x1;
	p1 =	slt.s32 s21, $0x3E  }
0x6f: {  	p3 =	sgt.s32 s21, $0x0;
	p0 =	slt.s32 s21, $0x3F;
	s24 =	sxor.u32 $0xFFFFFFFF, s21  }
0x70: {  	s22 =	simm.s32 @!p1 $0x0;
	p1 =	sgt.s32 s21, $0x1;
	s16 =	simm.s32 @!p0 $0x0  }
0x71: {  	s25 =	simm.s32 @!p3 $0x0;
	s21 =	simm.s32 $0x1;
	s24 =	sshrl.u32 s24, $0x1F  }
0x72: {  	s17 =	simm.s32 @!p3 $0x0;
	s21 =	simm.s32 @!p0 $0x0;
	s26 =	simm.s32 @!p1 $0x0  }
0x73: {  	s24 =	sadd.s32 s24, s19;
	s16 =	sadd.s32 s16, s20;
	s17 =	sadd.s32 s17, s20  }
0x74: {  	s21 =	sadd.s32 s25, s21;
	s29 =	sadd.s32 s26, s19;
	s31 =	sadd.s32 s22, s24  }
0x75: {  	s22 =	simm.f32 $5.000000000e-01;
	s24 =	simm.f32 $5.000000000e-01;
	s25 =	simm.f32 $5.000000000e-01  }
0x76: {  	s17 =	sshll.u32 s17, $0x9;
	s16 =	sshll.u32 s16, $0x9;
	s18 =	sadd.s32 s18, s21  }
0x77: {  	s14 =	sadd.s32 s14, s21;
	s30 =	sadd.s32 s19, s21;
	p1 =	seq.s32 s18, $0x4  }
0x78: {  	s26 =	sadd.s32 $0x1, s29;
	s22 =	simm.s32 @!p1 $0x3F13CD3A;
	p1 =	seq.s32 s30, $0x4  }
0x79: {  	s28 =	sshra.s32 s17, $0x2;
	s24 =	simm.s32 @!p1 $0x3F13CD3A;
	p1 =	seq.s32 s26, $0x4  }
0x7a: {  	v0 =	vld [tilespmem:s13+$0x0];
	s29 =	sshra.s32 s16, $0x2;
	s25 =	simm.s32 @!p1 $0x3F13CD3A;
	p1 =	seq.s32 s30, $0x5  }
0x7b: {  	s17 =	simm.f32 $5.000000000e-01;
	v1 =	vld [tilespmem:s28+$0x0];
	s24 =	simm.s32 @p1 $0x3EE4F92E;
	p1 =	seq.s32 s26, $0x5  }
0x7c: {  	p2 =	seq.s32 s18, $0x5;
	s25 =	simm.s32 @p1 $0x3EE4F92E;
	p1 =	seq.s32 s31, $0x4  }
0x7d: {  	v2 =	vld [tilespmem:s29+$0x0];
	s16 =	smul.f32 s24, s25;
	s17 =	simm.s32 @!p1 $0x3F13CD3A;
	p1 =	seq.s32 s31, $0x5  }
0x7e: {  	s18 =	simm.f32 $5.000000000e-01;
	s30 =	smul.f32 s24, s24;
	s17 =	simm.s32 @p1 $0x3EE4F92E  }
0x7f: {  	v3 =	vld [tilespmem:s23+$0x0];
	s22 =	simm.s32 @p2 $0x3EE4F92E;
	s16 =	simm.s32 @!p3 $0x0;
	s17 =	smul.f32 s17, s24  }
0x80: {  	s31 =	sshra.s32 s15, $0x2;
	s15 =	smul.f32 s22, s24;
	p1 =	seq.s32 s14, $0x4;
	v0 =	vmul.f32 s30, v0;
	v1 =	vmul.f32 s16, v1  }
0x81: {  	v4 =	vld [tilespmem:s31+$0x0];
	s18 =	simm.s32 @!p1 $0x3F13CD3A;
	s17 =	simm.s32 @!p0 $0x0;
	p0 =	seq.s32 s14, $0x5  }
0x82: {  	s18 =	simm.s32 @p0 $0x3EE4F92E;
	v0 =	vadd.f32 v1, v0;
	v60 =	vmul.f32 s17, v2  }
0x83: {  	s15 =	simm.s32 @!p5 $0x0;
	s13 =	smul.f32 s18, s24  }
0x84: {  	v61 =	vmul.f32 s15, v3;
	v0 =	vadd.f32 v60, v0  }
0x85: {  	v62 =	vld [tilespmem:$0x14000];
	s13 =	simm.s32 @!p4 $0x0  }
0x86: {  	v0 =	vadd.f32 v61, v0;
	v63 =	vmul.f32 s13, v4;
	_ =	sdelay $0x1  }
0x87: {  	v0 =	vadd.f32 v63, v0;
	_ =	sdelay $0x1  }
0x88: {  	s11 =	sadd.s32 $0x1, s11;
	v0 =	vadd.f32 v0, v62  }
0x89: {  	s12 =	sadd.s32 $0x80, s12;
	p0 =	sne.s32 s11, s6  }
.Ltmp1:
0x8a: {  	[tilespmem:s12+$0x0] =	vst v0;
	(pc) =	sbr.rel @p0 .LBB2_1-.Ltmp1, $4  }
0x8b: {  	[hbm4b:s5+s2] =	stream.linear.scatter [tilespmem:s10], [sflag:$0x1], $0x8000, $0x38;
	[tilespmem:$0x14080] =	vst v63  }
0x8c: {  	_ =	swait.ge [sflag:s9], $0x8000  }
0x8d: {  	[sflag:s9] =	ssyncset.done $0x0  }
0x8e: {  	[sflag:s9] =	ssyncadd.s32 $0xFFFF8000  }
0x8f: {  	_ =	sfence.sel $0x180000  }
0x90: {  	[bflag:$0x0] =	sbarrier.arrive $0xFFFF  }
0x91: {  	p0 =	sne.s32 s1, $0x0;
	_ =	strace $0x90000050  }
0x92: {  	s0 =	sadd.s32 @!p0 $0x100000, s0;
	[bflag:$0x2] =	sbarrier.arrive $0xFFFF  }
0x93: {  	[sflag:s0] =	ssyncadd.tile.s32 @!p0 $0x1;
	_ =	shalt  }
.Lfunc_end2:
_tile_overlayer_lowered:
.L_overlay_start_2:
0x94: {  	(tag) =	ssettag $0x2  }
0x95: {  	s0 =	rddreg [dreg:$0x0];
	s2 =	stileid.u32  }
0x96: {  	s1 =	rddreg [dreg:$0x1];
	p0 =	sne.s32 s2, $0x0  }
0x97: {  	s3 =	rddreg [dreg:$0x2];
	[bflag:$0x3] =	sbarrier.arrive $0xFFFF;
	s2 =	simm.s32 @!p0 $0x1C01  }
0x98: {  	[timem:s3], [sflag:s2] =	dma.local @!p0 [hbm:s0], s1  }
0x99: {  	s0 =	simm.s32 @!p0 $0x1  }
0x9a: {  	_ =	swait.ge @!p0 [sflag:s0], s1  }
0x9b: {  	s1 =	ssub.s32 @!p0 $0x0, s1;
	[sflag:s0] =	ssyncset.done @!p0 $0x0  }
0x9c: {  	[sflag:s0] =	ssyncadd.s32 @!p0 s1  }
0x9d: {  	[bflag:$0x3] =	sbarrier.arrive $0xFFFF  }
0x9e: {  	_ =	shalt  }

</sc_bundles>
